<compile_context>
chip_gen: v7x
topology: tpu7x:2x2x1
jax: 0.10.2.dev20260603
libtpu: 0.0.44.dev20260713+nightly
codegen_flags: <defaults>
</compile_context>

<pallas_src>
import functools

import jax
import jax.numpy as jnp
from jax import lax
from jax.experimental import pallas as pl
from jax.experimental.pallas import tpu as pltpu
from jax.experimental.pallas import tpu_sc as plsc

N = 10000
W = 12
OUT = 128
HALF = OUT // 2
NCAT = 3
NNUM = 16
CAT_DIM = 1000
E = 160000

NPAD = 10240
NC, NS = 2, 16
NWK = NC * NS
STRIPE = NPAD // NS

CH = 64
KC = 80
ETC = KC * CH
KG = 16
NB = 4
KE = 90
EROWS = NCAT * W * NPAD

BN = 2000
BG = 400
NBLK = N // BN

_mesh = plsc.VectorSubcoreMesh(core_axis_name="c", subcore_axis_name="s")



@functools.partial(
    pl.kernel,
    out_type=jax.ShapeDtypeStruct((EROWS, OUT), jnp.float32),
    mesh=_mesh,
    scratch_types=[
        pltpu.VMEM((KE, 128), jnp.int32),
        pltpu.VMEM((NB, 128, OUT), jnp.float32),
        pltpu.SemaphoreType.DMA((NB,)),
    ],
)
def _emb_gather(emb_hbm, eidx_hbm, out_hbm, idx_v, rows_v, gsem):
    c = lax.axis_index("c")
    s = lax.axis_index("s")
    base = (c * NS + s) * (KE * 128)
    pltpu.sync_copy(eidx_hbm.at[c, s], idx_v)
    for t in range(3):
        pltpu.async_copy(emb_hbm.at[idx_v.at[t]], rows_v.at[t], gsem.at[t])

    def body(j, carry):
        b = lax.rem(j, NB)

        @pl.when(j < KE - 3)
        def _():
            nb3 = lax.rem(j + 3, NB)
            pltpu.async_copy(emb_hbm.at[idx_v.at[j + 3]], rows_v.at[nb3],
                             gsem.at[nb3])

        pltpu.make_async_copy(emb_hbm.at[idx_v.at[j]], rows_v.at[b],
                              gsem.at[b]).wait()
        pltpu.sync_copy(rows_v.at[b], out_hbm.at[pl.ds(base + j * 128, 128)])
        return carry

    lax.fori_loop(0, KE, body, 0)


@functools.partial(
    pl.kernel,
    out_type=jax.ShapeDtypeStruct((W, NC, NPAD), jnp.float32),
    mesh=_mesh,
    scratch_types=[
        pltpu.VMEM((ETC // 128, 128), jnp.int32),
        pltpu.VMEM((128,), jnp.float32),
        pltpu.VMEM((STRIPE,), jnp.float32),
        pltpu.VMEM_SHARED((NPAD,), jnp.float32),
    ],
)
def _degree(didx_hbm, out_hbm, idx_v, ones_v, zeros_v, deg_sp):
    c = lax.axis_index("c")
    s = lax.axis_index("s")

    def fill(i, carry):
        ones_v[pl.ds(i * 16, 16)] = jnp.full((16,), 1.0, jnp.float32)
        return carry

    lax.fori_loop(0, 8, fill, 0)

    def zfill(i, carry):
        zeros_v[pl.ds(i * 16, 16)] = jnp.zeros((16,), jnp.float32)
        return carry

    lax.fori_loop(0, STRIPE // 16, zfill, 0)

    def win(w, carry):
        pltpu.sync_copy(zeros_v, deg_sp.at[pl.ds(s * STRIPE, STRIPE)])
        plsc.subcore_barrier()
        pltpu.sync_copy(didx_hbm.at[w, c, s], idx_v)

        def body(j, carry2):
            pltpu.sync_copy(ones_v, deg_sp.at[idx_v.at[j]], add=True)
            return carry2

        lax.fori_loop(0, ETC // 128, body, 0)
        plsc.subcore_barrier()
        pltpu.sync_copy(deg_sp.at[pl.ds(s * STRIPE, STRIPE)],
                        out_hbm.at[w, c, pl.ds(s * STRIPE, STRIPE)])
        plsc.subcore_barrier()
        return carry

    lax.fori_loop(0, W, win, 0)


def _make_conv(k_chunks, dt):
    @functools.partial(
        pl.kernel,
        out_type=jax.ShapeDtypeStruct((W, NC, NPAD, OUT), dt),
        mesh=_mesh,
        scratch_types=[
            pltpu.VMEM((2, KG, CH), jnp.int32),
            pltpu.VMEM((2, KG, CH), jnp.int32),
            pltpu.VMEM((NB, CH, OUT), dt),
            pltpu.VMEM_SHARED((NPAD, OUT), dt),
            pltpu.SemaphoreType.DMA((NB,)),
            pltpu.SemaphoreType.DMA((NB,)),
            pltpu.SemaphoreType.DMA((2,)),
        ],
    )
    def conv(table_hbm, sidx_hbm, didx_hbm, zeros_hbm, out_hbm,
             sidx_v, didx_v, rows_v, acc_sp, gsem, ssem, isem):
        c = lax.axis_index("c")
        s = lax.axis_index("s")
        n_grp = k_chunks // KG

        def _wait_scatter(b):
            pltpu.make_async_copy(rows_v.at[b], acc_sp.at[didx_v.at[0, 0]],
                                  ssem.at[b]).wait()

        pltpu.sync_copy(zeros_hbm.at[pl.ds(s * STRIPE, STRIPE)],
                        acc_sp.at[pl.ds(s * STRIPE, STRIPE)])
        plsc.subcore_barrier()

        def win(w, carry):
            pltpu.sync_copy(sidx_hbm.at[w, c, s, pl.ds(0, KG)], sidx_v.at[0])
            pltpu.sync_copy(didx_hbm.at[w, c, s, pl.ds(0, KG)], didx_v.at[0])
            for t in range(3):
                pltpu.async_copy(table_hbm.at[sidx_v.at[0, t]], rows_v.at[t],
                                 gsem.at[t])

            def grp(g, carry1):
                gb = lax.rem(g, 2)
                gn = lax.rem(g + 1, 2)

                def body(jj, carry2):
                    j = g * KG + jj
                    b = lax.rem(j, NB)
                    pltpu.make_async_copy(table_hbm.at[sidx_v.at[gb, jj]],
                                          rows_v.at[b], gsem.at[b]).wait()
                    pltpu.async_copy(rows_v.at[b], acc_sp.at[didx_v.at[gb, jj]],
                                     ssem.at[b], add=True)

                    @pl.when(jnp.logical_and(jj == 1, g < n_grp - 1))
                    def _():
                        pltpu.async_copy(
                            sidx_hbm.at[w, c, s, pl.ds((g + 1) * KG, KG)],
                            sidx_v.at[gn], isem.at[0])
                        pltpu.async_copy(
                            didx_hbm.at[w, c, s, pl.ds((g + 1) * KG, KG)],
                            didx_v.at[gn], isem.at[1])

                    @pl.when(jj < KG - 3)
                    def _():
                        nb4 = lax.rem(j + 3, NB)

                        @pl.when(j + 3 >= NB)
                        def _():
                            _wait_scatter(nb4)

                        pltpu.async_copy(table_hbm.at[sidx_v.at[gb, jj + 3]],
                                         rows_v.at[nb4], gsem.at[nb4])
                    return carry2

                lax.fori_loop(0, KG, body, 0)

                @pl.when(g < n_grp - 1)
                def _():
                    pltpu.make_async_copy(
                        sidx_hbm.at[w, c, s, pl.ds((g + 1) * KG, KG)],
                        sidx_v.at[gn], isem.at[0]).wait()
                    pltpu.make_async_copy(
                        didx_hbm.at[w, c, s, pl.ds((g + 1) * KG, KG)],
                        didx_v.at[gn], isem.at[1]).wait()
                    for t in range(3):
                        j0 = (g + 1) * KG + t
                        b0 = lax.rem(j0, NB)
                        _wait_scatter(b0)
                        pltpu.async_copy(table_hbm.at[sidx_v.at[gn, t]],
                                         rows_v.at[b0], gsem.at[b0])
                return carry1

            lax.fori_loop(0, n_grp, grp, 0)
            for b in range(NB):
                _wait_scatter(b)
            plsc.subcore_barrier()
            pltpu.sync_copy(acc_sp.at[pl.ds(s * STRIPE, STRIPE)],
                            out_hbm.at[w, c, pl.ds(s * STRIPE, STRIPE)])
            pltpu.sync_copy(zeros_hbm.at[pl.ds(s * STRIPE, STRIPE)],
                            acc_sp.at[pl.ds(s * STRIPE, STRIPE)])
            plsc.subcore_barrier()
            return carry

        lax.fori_loop(0, W, win, 0)

    return conv


_conv1 = _make_conv(KC, jnp.int32)
_conv2 = _make_conv(KC, jnp.float32)



def _dense1_body(cat_ref, xnum_ref, deg_ref, w1c_ref, w1n_ref, h1s_ref, cmax_ref):
    deg = jnp.sum(deg_ref[0, :, :, 0], axis=0) + 1.0
    dinv = lax.rsqrt(deg)
    acc = jnp.dot(cat_ref[0, 0], w1c_ref[0, 0], preferred_element_type=jnp.float32)
    acc = acc + jnp.dot(cat_ref[1, 0], w1c_ref[0, 1], preferred_element_type=jnp.float32)
    acc = acc + jnp.dot(cat_ref[2, 0], w1c_ref[0, 2], preferred_element_type=jnp.float32)
    acc = acc + jnp.dot(xnum_ref[0], w1n_ref[0], preferred_element_type=jnp.float32)
    h1s = acc * dinv[:, None]
    h1s_ref[0, 0] = h1s[:, :OUT]
    h1s_ref[1, 0] = h1s[:, OUT:]
    cmax_ref[0, 0, 0] = jnp.max(jnp.abs(h1s), axis=0)


def _quant_body(h_ref, scale_ref, q_ref):
    q0 = jnp.round(h_ref[0, 0] * scale_ref[0]).astype(jnp.int32) + 32768
    q1 = jnp.round(h_ref[1, 0] * scale_ref[1]).astype(jnp.int32) + 32768
    q_ref[0] = q0 + (q1 << 16)


def _unpack2(acc_i32, kint, inv_lo, inv_hi):
    u = lax.bitcast_convert_type(acc_i32, jnp.uint32)
    low = (u & jnp.uint32(0xFFFF)).astype(jnp.int32)
    high = (u >> jnp.uint32(16)).astype(jnp.int32)
    kk = (kint * 32768)[:, None]
    slo = ((low - kk + 32768) & 0xFFFF) - 32768
    carry = (kk + slo - low) >> 16
    shi = ((high - carry - kk + 32768) & 0xFFFF) - 32768
    return (slo.astype(jnp.float32) * inv_lo,
            shi.astype(jnp.float32) * inv_hi)


def _dense2_body(acc1_ref, h1s_ref, deg_ref, inv1_ref, b1_ref, w2_ref, h2_ref):
    hist = jnp.sum(deg_ref[0, :, :, 0], axis=0)
    kint = hist.astype(jnp.int32)
    dinv = lax.rsqrt(hist + 1.0)
    acc = acc1_ref[0, 0] + acc1_ref[0, 1]
    vals0, vals1 = _unpack2(acc, kint, inv1_ref[0][None], inv1_ref[1][None])
    res = None
    for half, vals in ((0, vals0), (1, vals1)):
        pre = vals + h1s_ref[half, 0]
        h1h = jnp.maximum(dinv[:, None] * pre + b1_ref[0, half], 0.0)
        d = jnp.dot(h1h, w2_ref[0, half], preferred_element_type=jnp.float32)
        res = d if res is None else res + d
    h2_ref[0] = res * dinv[:, None]


def _gru_body(acc2_ref, h2_ref, deg_ref, b2_ref, wih_ref, whh_ref,
              bih_ref, bhh_ref, out_ref):
    wih = wih_ref[...]
    whh = whh_ref[...]
    bih = bih_ref[...]
    bhh = bhh_ref[...]
    h = jnp.zeros((BG, OUT), jnp.float32)
    for t in range(W):
        hist = deg_ref[t, 0, :, 0] + deg_ref[t, 1, :, 0]
        dinv = lax.rsqrt(hist + 1.0)
        xt = dinv[:, None] * (acc2_ref[t, 0] + acc2_ref[t, 1] + h2_ref[t]) + b2_ref[t]
        gi = jnp.dot(xt, wih, preferred_element_type=jnp.float32) + bih
        gh = jnp.dot(h, whh, preferred_element_type=jnp.float32) + bhh
        r = jax.nn.sigmoid(gi[:, :OUT] + gh[:, :OUT])
        z = jax.nn.sigmoid(gi[:, OUT:2 * OUT] + gh[:, OUT:2 * OUT])
        n = jnp.tanh(gi[:, 2 * OUT:] + r * gh[:, 2 * OUT:])
        h = (1.0 - z) * n + z * h
    out_ref[...] = h



def _prep_edges(src, dst):
    woff = (jnp.arange(W, dtype=jnp.int32) * N)[:, None, None]
    per = E // NWK
    pad = ETC - per
    psrc = (jnp.arange(pad, dtype=jnp.int32) * 11) % N
    pdst = N + (jnp.arange(pad, dtype=jnp.int32) % (NPAD - N))
    s2 = jnp.concatenate(
        [src.reshape(W, NWK, per), jnp.broadcast_to(psrc, (W, NWK, pad))], -1) + woff
    s2 = s2.reshape(W, NC, NS, KC, CH)
    d2 = jnp.concatenate(
        [dst.reshape(W, NWK, per), jnp.broadcast_to(pdst, (W, NWK, pad))], -1)
    d2 = d2.reshape(W, NC, NS, KC, CH)
    return s2, d2


def _prep_emb_idx(ids):
    idsp = jnp.transpose(ids, (2, 0, 1))
    padn = (jnp.arange(NPAD - N, dtype=jnp.int32) * 13) % CAT_DIM
    idsp = jnp.concatenate(
        [idsp, jnp.broadcast_to(padn, (NCAT, W, NPAD - N))], -1)
    eidx = idsp + (jnp.arange(NCAT, dtype=jnp.int32) * CAT_DIM)[:, None, None]
    return eidx.reshape(NC, NS, KE, 128)



def kernel(x, edge_index, emb_c0, emb_c1, emb_c2, gcn1_w, gcn1_b, gcn2_w, gcn2_b,
           w_ih, w_hh, b_ih, b_hh):
    ids = x[:, :, :NCAT].astype(jnp.int32)
    xnum = x[:, :, NCAT:]
    src = edge_index[:, 0, :]
    dst = edge_index[:, 1, :]

    s2, d2 = _prep_edges(src, dst)
    eidx = _prep_emb_idx(ids)
    emb_all = jnp.concatenate([emb_c0, emb_c1, emb_c2], axis=0)
    zeros_i = jnp.zeros((NPAD, OUT), jnp.int32)
    zeros_f = jnp.zeros((NPAD, OUT), jnp.float32)

    cat = _emb_gather(emb_all, eidx).reshape(NCAT, W, NPAD, OUT)
    degp = _degree(d2.reshape(W, NC, NS, ETC // 128, 128))
    degp4 = degp.reshape(W, NC, NPAD, 1)
    kmax = jnp.maximum(jnp.max(degp[:, :, :N].sum(axis=1)), 1.0)

    w1c = gcn1_w[:, :NCAT * OUT].reshape(W, NCAT, OUT, 2 * OUT)
    w1n = gcn1_w[:, NCAT * OUT:]
    h1s, cmax1 = pl.pallas_call(
        _dense1_body,
        grid=(W, NBLK),
        in_specs=[
            pl.BlockSpec((NCAT, 1, BN, OUT), lambda w, i: (0, w, i, 0)),
            pl.BlockSpec((1, BN, NNUM), lambda w, i: (w, i, 0)),
            pl.BlockSpec((1, NC, BN, 1), lambda w, i: (w, 0, i, 0)),
            pl.BlockSpec((1, NCAT, OUT, 2 * OUT), lambda w, i: (w, 0, 0, 0)),
            pl.BlockSpec((1, NNUM, 2 * OUT), lambda w, i: (w, 0, 0)),
        ],
        out_specs=[
            pl.BlockSpec((NC, 1, BN, OUT), lambda w, i: (0, w, i, 0)),
            pl.BlockSpec((1, 1, 1, 2 * OUT), lambda w, i: (w, i, 0, 0)),
        ],
        out_shape=[
            jax.ShapeDtypeStruct((NC, W, N, OUT), jnp.float32),
            jax.ShapeDtypeStruct((W, NBLK, 1, 2 * OUT), jnp.float32),
        ],
    )(cat, xnum, degp4, w1c, w1n)

    qcap = jnp.maximum(32700.0 - 0.5 * kmax, 1024.0)
    m1 = jnp.maximum(jnp.max(cmax1, axis=(0, 1, 2)), 1e-20)
    s1f = qcap / (kmax * m1)
    inv1 = 1.0 / s1f

    h1q = pl.pallas_call(
        _quant_body,
        grid=(W, NBLK),
        in_specs=[
            pl.BlockSpec((NC, 1, BN, OUT), lambda w, i: (0, w, i, 0)),
            pl.BlockSpec((NC, OUT), lambda w, i: (0, 0)),
        ],
        out_specs=pl.BlockSpec((1, BN, OUT), lambda w, i: (w, i, 0)),
        out_shape=jax.ShapeDtypeStruct((W, N, OUT), jnp.int32),
    )(h1s, s1f.reshape(NC, OUT))

    acc1 = _conv1(h1q.reshape(W * N, OUT), s2, d2, zeros_i)

    b1 = gcn1_b.reshape(W, NC, OUT)
    w2 = gcn2_w.reshape(W, NC, OUT, OUT)
    h2 = pl.pallas_call(
        _dense2_body,
        grid=(W, NBLK),
        in_specs=[
            pl.BlockSpec((1, NC, BN, OUT), lambda w, i: (w, 0, i, 0)),
            pl.BlockSpec((NC, 1, BN, OUT), lambda w, i: (0, w, i, 0)),
            pl.BlockSpec((1, NC, BN, 1), lambda w, i: (w, 0, i, 0)),
            pl.BlockSpec((NC, OUT), lambda w, i: (0, 0)),
            pl.BlockSpec((1, NC, OUT), lambda w, i: (w, 0, 0)),
            pl.BlockSpec((1, NC, OUT, OUT), lambda w, i: (w, 0, 0, 0)),
        ],
        out_specs=pl.BlockSpec((1, BN, OUT), lambda w, i: (w, i, 0)),
        out_shape=jax.ShapeDtypeStruct((W, N, OUT), jnp.float32),
    )(acc1, h1s, degp4, inv1.reshape(NC, OUT), b1, w2)

    acc2 = _conv2(h2.reshape(W * N, OUT), s2, d2, zeros_f)

    nblk_g = N // BG
    out = pl.pallas_call(
        _gru_body,
        grid=(nblk_g,),
        in_specs=[
            pl.BlockSpec((W, NC, BG, OUT), lambda i: (0, 0, i, 0)),
            pl.BlockSpec((W, BG, OUT), lambda i: (0, i, 0)),
            pl.BlockSpec((W, NC, BG, 1), lambda i: (0, 0, i, 0)),
            pl.BlockSpec((W, OUT), lambda i: (0, 0)),
            pl.BlockSpec((OUT, 3 * OUT), lambda i: (0, 0)),
            pl.BlockSpec((OUT, 3 * OUT), lambda i: (0, 0)),
            pl.BlockSpec((1, 3 * OUT), lambda i: (0, 0)),
            pl.BlockSpec((1, 3 * OUT), lambda i: (0, 0)),
        ],
        out_specs=pl.BlockSpec((BG, OUT), lambda i: (i, 0)),
        out_shape=jax.ShapeDtypeStruct((N, OUT), jnp.float32),
    )(acc2, h2, degp4, gcn2_b, w_ih.T, w_hh.T,
      b_ih.reshape(1, -1), b_hh.reshape(1, -1))
    return out

# --- scband reference (transcript-rebuilt; emitter-appended) ---
"""Pipeline reference for scband-encoder-81707457839460 (READ-ONLY COPY).

The authoritative reference and input builder live on the scoring server;
editing this copy changes nothing except your own understanding.
"""

import jax, jax.numpy as jnp
import numpy as np

N = 10000
W = 12
OUT = 128
NCAT = 3
CAT_DIM = 1000
NNUM = 16
IN_CH = NCAT * OUT + NNUM  # 400
HID1 = 2 * OUT  # 256
E = 160000


def glorot(key, shape):
    lim = np.sqrt(6.0 / (shape[0] + shape[1]))
    return jax.random.uniform(key, shape, minval=-lim, maxval=lim, dtype=jnp.float32)


def setup_inputs(seed: int = 0):
    key = jax.random.key(seed)
    ks = jax.random.split(key, 40)
    # x: first NCAT columns hold categorical ids (as floats, cast with .long() in torch),
    # remaining NNUM columns are numeric features.
    cat = jnp.floor(jax.random.uniform(ks[0], (W, N, NCAT)) * CAT_DIM)
    num = jax.random.normal(ks[1], (W, N, NNUM), dtype=jnp.float32)
    x = jnp.concatenate([cat, num], axis=-1)
    edge_index = jax.random.randint(ks[2], (W, 2, E), 0, N, dtype=jnp.int32)
    emb_c0 = jax.random.normal(ks[3], (CAT_DIM, OUT), dtype=jnp.float32)
    emb_c1 = jax.random.normal(ks[4], (CAT_DIM, OUT), dtype=jnp.float32)
    emb_c2 = jax.random.normal(ks[5], (CAT_DIM, OUT), dtype=jnp.float32)
    gcn1_w = jnp.stack([glorot(ks[6 + i], (IN_CH, HID1)) for i in range(W)])
    gcn1_b = jnp.zeros((W, HID1), dtype=jnp.float32)
    gcn2_w = jnp.stack([glorot(ks[18 + i], (HID1, OUT)) for i in range(W)])
    gcn2_b = jnp.zeros((W, OUT), dtype=jnp.float32)
    s = 1.0 / np.sqrt(OUT)
    w_ih = jax.random.uniform(ks[30], (3 * OUT, OUT), minval=-s, maxval=s, dtype=jnp.float32)
    w_hh = jax.random.uniform(ks[31], (3 * OUT, OUT), minval=-s, maxval=s, dtype=jnp.float32)
    b_ih = jax.random.uniform(ks[32], (3 * OUT,), minval=-s, maxval=s, dtype=jnp.float32)
    b_hh = jax.random.uniform(ks[33], (3 * OUT,), minval=-s, maxval=s, dtype=jnp.float32)
    return {"x": x, "edge_index": edge_index,
            "emb_c0": emb_c0, "emb_c1": emb_c1, "emb_c2": emb_c2,
            "gcn1_w": gcn1_w, "gcn1_b": gcn1_b, "gcn2_w": gcn2_w, "gcn2_b": gcn2_b,
            "w_ih": w_ih, "w_hh": w_hh, "b_ih": b_ih, "b_hh": b_hh}


def gcn_conv(h_in, ei, w, b):
    # GCNConv: linear transform, add self loops, symmetric normalization, scatter-add
    h = h_in @ w
    src = ei[0]
    dst = ei[1]
    loop = jnp.arange(N, dtype=src.dtype)
    src = jnp.concatenate([src, loop])
    dst = jnp.concatenate([dst, loop])
    deg = jnp.zeros((N,), dtype=jnp.float32).at[dst].add(1.0)
    dinv = jnp.where(deg > 0, 1.0 / jnp.sqrt(deg), 0.0)
    norm = dinv[src] * dinv[dst]
    msg = h[src] * norm[:, None]
    out = jax.ops.segment_sum(msg, dst, num_segments=N)
    return out + b


def gru_last_hidden(seq, w_ih, w_hh, b_ih, b_hh):
    # seq: [N, W, OUT], batch_first single-layer GRU; return final hidden [N, OUT]
    def step(h, xt):
        gi = xt @ w_ih.T + b_ih
        gh = h @ w_hh.T + b_hh
        i_r, i_z, i_n = jnp.split(gi, 3, axis=-1)
        h_r, h_z, h_n = jnp.split(gh, 3, axis=-1)
        r = jax.nn.sigmoid(i_r + h_r)
        z = jax.nn.sigmoid(i_z + h_z)
        n = jnp.tanh(i_n + r * h_n)
        h_new = (1.0 - z) * n + z * h
        return h_new, None
    h0 = jnp.zeros((seq.shape[0], OUT), dtype=jnp.float32)
    hT, _ = jax.lax.scan(step, h0, jnp.swapaxes(seq, 0, 1))
    return hT


def reference(x, edge_index, emb_c0, emb_c1, emb_c2, gcn1_w, gcn1_b, gcn2_w, gcn2_b, w_ih, w_hh, b_ih, b_hh):
    embs = [emb_c0, emb_c1, emb_c2]
    outs = []
    for i in range(W):
        feat = x[i]
        cat_emb = jnp.concatenate(
            [embs[j][feat[:, j].astype(jnp.int32)] for j in range(NCAT)], axis=-1)
        new_x = jnp.concatenate([cat_emb, feat[:, NCAT:]], axis=-1)
        h = jax.nn.relu(gcn_conv(new_x, edge_index[i], gcn1_w[i], gcn1_b[i]))
        h = gcn_conv(h, edge_index[i], gcn2_w[i], gcn2_b[i])
        outs.append(h[:, None, :])
    seq = jnp.concatenate(outs, axis=1)
    return gru_last_hidden(seq, w_ih, w_hh, b_ih, b_hh)

if __name__ == "__main__":
    import jax
    _d = setup_inputs()
    print(jax.jit(kernel)(*tuple(_d.values())))

</pallas_src>

<mosaic_0001>
#map = affine_map<(d0, d1) -> (0, 0)>
#map1 = affine_map<(d0, d1) -> (0, 0, 0, 0, 0)>
#map2 = affine_map<(d0, d1) -> (0, 0, 0, 0)>
module attributes {stable_mosaic.version = 14 : i64} {
  func.func @conv(%arg0: i32, %arg1: i32, %arg2: memref<120000x128xi32, #tpu.memory_space<hbm>>, %arg3: memref<12x2x16x80x64xi32, #tpu.memory_space<hbm>>, %arg4: memref<12x2x16x80x64xi32, #tpu.memory_space<hbm>>, %arg5: memref<10240x128xi32, #tpu.memory_space<hbm>>, %arg6: memref<12x2x10240x128xi32, #tpu.memory_space<hbm>>, %arg7: memref<2x16x64xi32, #tpu.memory_space<vmem>>, %arg8: memref<2x16x64xi32, #tpu.memory_space<vmem>>, %arg9: memref<4x64x128xi32, #tpu.memory_space<vmem>>, %arg10: memref<10240x128xi32, #tpu.memory_space<vmem_shared>>, %arg11: memref<4x!tpu.dma_semaphore, #tpu.memory_space<semaphore_mem>>, %arg12: memref<4x!tpu.dma_semaphore, #tpu.memory_space<semaphore_mem>>, %arg13: memref<2x!tpu.dma_semaphore, #tpu.memory_space<semaphore_mem>>) attributes {dimension_semantics = [#tpu.dimension_semantics<core_parallel>, #tpu.dimension_semantics<subcore_parallel>], iteration_bounds = array<i64: 2, 16>, scalar_prefetch = 0 : i64, scratch_operands = 7 : i64, tpu.core_type = #tpu.core_type<sc_vector_subcore>, window_params = [{transform_indices = #map}, {transform_indices = #map1}, {transform_indices = #map1}, {transform_indices = #map}, {transform_indices = #map2}]} {
    %mul3A = arith.constant 640 : i32
    %mul3A_0 = arith.muli %arg1, %mul3A : i32
    %mul3A_1 = arith.constant 640 : i32
    %mul3A_2 = arith.muli %arg1, %mul3A_1 : i32
    "tpu.region"() ({
      %run_scoped3A = tpu.sem_alloc : memref<!tpu.dma_semaphore, #tpu.memory_space<semaphore_mem>>
      %dma_start3A = arith.constant 0 : i32
      %dma_start3A_8 = tpu.memref_slice %arg10[%mul3A_2, %dma_start3A] : memref<10240x128xi32, #tpu.memory_space<vmem_shared>> -> memref<640x128xi32, #tpu.memory_space<vmem_shared>>
      %dma_start3A_9 = arith.constant 0 : i32
      %dma_start3A_10 = tpu.memref_slice %arg5[%mul3A_0, %dma_start3A_9] : memref<10240x128xi32, #tpu.memory_space<hbm>> -> memref<640x128xi32, #tpu.memory_space<hbm>>
      tpu.enqueue_dma source(%dma_start3A_10 : memref<640x128xi32, #tpu.memory_space<hbm>>) target(%dma_start3A_8 : memref<640x128xi32, #tpu.memory_space<vmem_shared>>) target_semaphore(%run_scoped3A : memref<!tpu.dma_semaphore, #tpu.memory_space<semaphore_mem>>)
      %dma_wait3A = arith.constant 0 : i32
      %dma_wait3A_11 = tpu.memref_slice %arg10[%mul3A_2, %dma_wait3A] : memref<10240x128xi32, #tpu.memory_space<vmem_shared>> -> memref<640x128xi32, #tpu.memory_space<vmem_shared>>
      %dma_wait3A_12 = arith.constant 0 : i32
      %dma_wait3A_13 = tpu.memref_slice %arg5[%mul3A_0, %dma_wait3A_12] : memref<10240x128xi32, #tpu.memory_space<hbm>> -> memref<640x128xi32, #tpu.memory_space<hbm>>
      tpu.wait_dma2 semaphore(%run_scoped3A : memref<!tpu.dma_semaphore, #tpu.memory_space<semaphore_mem>>) src(%dma_wait3A_13 : memref<640x128xi32, #tpu.memory_space<hbm>>) dst(%dma_wait3A_11 : memref<640x128xi32, #tpu.memory_space<vmem_shared>>)
      tpu.yield
    }) : () -> ()
    %barrier3A = arith.constant 0 : index
    tpu.barrier barrier_id(%barrier3A)
    %scan3A = arith.constant 0 : i32
    %scan3A_3 = arith.constant 0 : i32
    %scan3A_4 = arith.constant 12 : i32
    %scan3A_5 = arith.addi %scan3A_3, %scan3A_4 : i32
    %scan3A_6 = arith.constant 1 : i32
    scf.for %scan3A_8 = %scan3A_3 to %scan3A_5 step %scan3A_6  : i32 {
      %run_scoped3A = arith.constant 0 : i32
      "tpu.region"() ({
        %run_scoped3A_136 = tpu.sem_alloc : memref<!tpu.dma_semaphore, #tpu.memory_space<semaphore_mem>>
        %dma_start3A_137 = arith.constant 0 : i32
        %dma_start3A_138 = arith.constant 0 : i32
        %dma_start3A_139 = tpu.memref_slice %arg7[%run_scoped3A, %dma_start3A_137, %dma_start3A_138] : memref<2x16x64xi32, #tpu.memory_space<vmem>> -> memref<1x16x64xi32, #tpu.memory_space<vmem>>
        %dma_start3A_140 = tpu.memref_squeeze %dma_start3A_139 : memref<1x16x64xi32, #tpu.memory_space<vmem>> -> memref<16x64xi32, #tpu.memory_space<vmem>>
        %dma_start3A_141 = arith.constant 0 : i32
        %dma_start3A_142 = arith.constant 0 : i32
        %dma_start3A_143 = tpu.memref_slice %arg3[%scan3A_8, %arg0, %arg1, %dma_start3A_141, %dma_start3A_142] : memref<12x2x16x80x64xi32, #tpu.memory_space<hbm>> -> memref<1x1x1x16x64xi32, #tpu.memory_space<hbm>>
        %dma_start3A_144 = tpu.memref_squeeze %dma_start3A_143 : memref<1x1x1x16x64xi32, #tpu.memory_space<hbm>> -> memref<16x64xi32, #tpu.memory_space<hbm>>
        %dma_start3A_145 = arith.constant 0 : i32
        %dma_start3A_146 = arith.constant 0 : i32
        %dma_start3A_147 = tpu.memref_slice %arg7[%run_scoped3A, %dma_start3A_145, %dma_start3A_146] : memref<2x16x64xi32, #tpu.memory_space<vmem>> -> memref<1x16x64xi32, #tpu.memory_space<vmem>>
        %dma_start3A_148 = tpu.memref_squeeze %dma_start3A_147 : memref<1x16x64xi32, #tpu.memory_space<vmem>> -> memref<16x64xi32, #tpu.memory_space<vmem>>
        %dma_start3A_149 = arith.constant 0 : i32
        %dma_start3A_150 = arith.constant 0 : i32
        %dma_start3A_151 = tpu.memref_slice %arg3[%scan3A_8, %arg0, %arg1, %dma_start3A_149, %dma_start3A_150] : memref<12x2x16x80x64xi32, #tpu.memory_space<hbm>> -> memref<1x1x1x16x64xi32, #tpu.memory_space<hbm>>
        %dma_start3A_152 = tpu.memref_squeeze %dma_start3A_151 : memref<1x1x1x16x64xi32, #tpu.memory_space<hbm>> -> memref<16x64xi32, #tpu.memory_space<hbm>>
        tpu.enqueue_dma source(%dma_start3A_152 : memref<16x64xi32, #tpu.memory_space<hbm>>) target(%dma_start3A_148 : memref<16x64xi32, #tpu.memory_space<vmem>>) target_semaphore(%run_scoped3A_136 : memref<!tpu.dma_semaphore, #tpu.memory_space<semaphore_mem>>)
        %dma_wait3A_153 = arith.constant 0 : i32
        %dma_wait3A_154 = arith.constant 0 : i32
        %dma_wait3A_155 = tpu.memref_slice %arg7[%run_scoped3A, %dma_wait3A_153, %dma_wait3A_154] : memref<2x16x64xi32, #tpu.memory_space<vmem>> -> memref<1x16x64xi32, #tpu.memory_space<vmem>>
        %dma_wait3A_156 = tpu.memref_squeeze %dma_wait3A_155 : memref<1x16x64xi32, #tpu.memory_space<vmem>> -> memref<16x64xi32, #tpu.memory_space<vmem>>
        %dma_wait3A_157 = arith.constant 0 : i32
        %dma_wait3A_158 = arith.constant 0 : i32
        %dma_wait3A_159 = tpu.memref_slice %arg3[%scan3A_8, %arg0, %arg1, %dma_wait3A_157, %dma_wait3A_158] : memref<12x2x16x80x64xi32, #tpu.memory_space<hbm>> -> memref<1x1x1x16x64xi32, #tpu.memory_space<hbm>>
        %dma_wait3A_160 = tpu.memref_squeeze %dma_wait3A_159 : memref<1x1x1x16x64xi32, #tpu.memory_space<hbm>> -> memref<16x64xi32, #tpu.memory_space<hbm>>
        %dma_wait3A_161 = arith.constant 0 : i32
        %dma_wait3A_162 = arith.constant 0 : i32
        %dma_wait3A_163 = tpu.memref_slice %arg7[%run_scoped3A, %dma_wait3A_161, %dma_wait3A_162] : memref<2x16x64xi32, #tpu.memory_space<vmem>> -> memref<1x16x64xi32, #tpu.memory_space<vmem>>
        %dma_wait3A_164 = tpu.memref_squeeze %dma_wait3A_163 : memref<1x16x64xi32, #tpu.memory_space<vmem>> -> memref<16x64xi32, #tpu.memory_space<vmem>>
        %dma_wait3A_165 = arith.constant 0 : i32
        %dma_wait3A_166 = arith.constant 0 : i32
        %dma_wait3A_167 = tpu.memref_slice %arg3[%scan3A_8, %arg0, %arg1, %dma_wait3A_165, %dma_wait3A_166] : memref<12x2x16x80x64xi32, #tpu.memory_space<hbm>> -> memref<1x1x1x16x64xi32, #tpu.memory_space<hbm>>
        %dma_wait3A_168 = tpu.memref_squeeze %dma_wait3A_167 : memref<1x1x1x16x64xi32, #tpu.memory_space<hbm>> -> memref<16x64xi32, #tpu.memory_space<hbm>>
        tpu.wait_dma2 semaphore(%run_scoped3A_136 : memref<!tpu.dma_semaphore, #tpu.memory_space<semaphore_mem>>) src(%dma_wait3A_168 : memref<16x64xi32, #tpu.memory_space<hbm>>) dst(%dma_wait3A_164 : memref<16x64xi32, #tpu.memory_space<vmem>>)
        tpu.yield
      }) : () -> ()
      %run_scoped3A_9 = arith.constant 0 : i32
      "tpu.region"() ({
        %run_scoped3A_136 = tpu.sem_alloc : memref<!tpu.dma_semaphore, #tpu.memory_space<semaphore_mem>>
        %dma_start3A_137 = arith.constant 0 : i32
        %dma_start3A_138 = arith.constant 0 : i32
        %dma_start3A_139 = tpu.memref_slice %arg8[%run_scoped3A_9, %dma_start3A_137, %dma_start3A_138] : memref<2x16x64xi32, #tpu.memory_space<vmem>> -> memref<1x16x64xi32, #tpu.memory_space<vmem>>
        %dma_start3A_140 = tpu.memref_squeeze %dma_start3A_139 : memref<1x16x64xi32, #tpu.memory_space<vmem>> -> memref<16x64xi32, #tpu.memory_space<vmem>>
        %dma_start3A_141 = arith.constant 0 : i32
        %dma_start3A_142 = arith.constant 0 : i32
        %dma_start3A_143 = tpu.memref_slice %arg4[%scan3A_8, %arg0, %arg1, %dma_start3A_141, %dma_start3A_142] : memref<12x2x16x80x64xi32, #tpu.memory_space<hbm>> -> memref<1x1x1x16x64xi32, #tpu.memory_space<hbm>>
        %dma_start3A_144 = tpu.memref_squeeze %dma_start3A_143 : memref<1x1x1x16x64xi32, #tpu.memory_space<hbm>> -> memref<16x64xi32, #tpu.memory_space<hbm>>
        %dma_start3A_145 = arith.constant 0 : i32
        %dma_start3A_146 = arith.constant 0 : i32
        %dma_start3A_147 = tpu.memref_slice %arg8[%run_scoped3A_9, %dma_start3A_145, %dma_start3A_146] : memref<2x16x64xi32, #tpu.memory_space<vmem>> -> memref<1x16x64xi32, #tpu.memory_space<vmem>>
        %dma_start3A_148 = tpu.memref_squeeze %dma_start3A_147 : memref<1x16x64xi32, #tpu.memory_space<vmem>> -> memref<16x64xi32, #tpu.memory_space<vmem>>
        %dma_start3A_149 = arith.constant 0 : i32
        %dma_start3A_150 = arith.constant 0 : i32
        %dma_start3A_151 = tpu.memref_slice %arg4[%scan3A_8, %arg0, %arg1, %dma_start3A_149, %dma_start3A_150] : memref<12x2x16x80x64xi32, #tpu.memory_space<hbm>> -> memref<1x1x1x16x64xi32, #tpu.memory_space<hbm>>
        %dma_start3A_152 = tpu.memref_squeeze %dma_start3A_151 : memref<1x1x1x16x64xi32, #tpu.memory_space<hbm>> -> memref<16x64xi32, #tpu.memory_space<hbm>>
        tpu.enqueue_dma source(%dma_start3A_152 : memref<16x64xi32, #tpu.memory_space<hbm>>) target(%dma_start3A_148 : memref<16x64xi32, #tpu.memory_space<vmem>>) target_semaphore(%run_scoped3A_136 : memref<!tpu.dma_semaphore, #tpu.memory_space<semaphore_mem>>)
        %dma_wait3A_153 = arith.constant 0 : i32
        %dma_wait3A_154 = arith.constant 0 : i32
        %dma_wait3A_155 = tpu.memref_slice %arg8[%run_scoped3A_9, %dma_wait3A_153, %dma_wait3A_154] : memref<2x16x64xi32, #tpu.memory_space<vmem>> -> memref<1x16x64xi32, #tpu.memory_space<vmem>>
        %dma_wait3A_156 = tpu.memref_squeeze %dma_wait3A_155 : memref<1x16x64xi32, #tpu.memory_space<vmem>> -> memref<16x64xi32, #tpu.memory_space<vmem>>
        %dma_wait3A_157 = arith.constant 0 : i32
        %dma_wait3A_158 = arith.constant 0 : i32
        %dma_wait3A_159 = tpu.memref_slice %arg4[%scan3A_8, %arg0, %arg1, %dma_wait3A_157, %dma_wait3A_158] : memref<12x2x16x80x64xi32, #tpu.memory_space<hbm>> -> memref<1x1x1x16x64xi32, #tpu.memory_space<hbm>>
        %dma_wait3A_160 = tpu.memref_squeeze %dma_wait3A_159 : memref<1x1x1x16x64xi32, #tpu.memory_space<hbm>> -> memref<16x64xi32, #tpu.memory_space<hbm>>
        %dma_wait3A_161 = arith.constant 0 : i32
        %dma_wait3A_162 = arith.constant 0 : i32
        %dma_wait3A_163 = tpu.memref_slice %arg8[%run_scoped3A_9, %dma_wait3A_161, %dma_wait3A_162] : memref<2x16x64xi32, #tpu.memory_space<vmem>> -> memref<1x16x64xi32, #tpu.memory_space<vmem>>
        %dma_wait3A_164 = tpu.memref_squeeze %dma_wait3A_163 : memref<1x16x64xi32, #tpu.memory_space<vmem>> -> memref<16x64xi32, #tpu.memory_space<vmem>>
        %dma_wait3A_165 = arith.constant 0 : i32
        %dma_wait3A_166 = arith.constant 0 : i32
        %dma_wait3A_167 = tpu.memref_slice %arg4[%scan3A_8, %arg0, %arg1, %dma_wait3A_165, %dma_wait3A_166] : memref<12x2x16x80x64xi32, #tpu.memory_space<hbm>> -> memref<1x1x1x16x64xi32, #tpu.memory_space<hbm>>
        %dma_wait3A_168 = tpu.memref_squeeze %dma_wait3A_167 : memref<1x1x1x16x64xi32, #tpu.memory_space<hbm>> -> memref<16x64xi32, #tpu.memory_space<hbm>>
        tpu.wait_dma2 semaphore(%run_scoped3A_136 : memref<!tpu.dma_semaphore, #tpu.memory_space<semaphore_mem>>) src(%dma_wait3A_168 : memref<16x64xi32, #tpu.memory_space<hbm>>) dst(%dma_wait3A_164 : memref<16x64xi32, #tpu.memory_space<vmem>>)
        tpu.yield
      }) : () -> ()
      %dma_start3A = arith.constant 0 : i32
      %dma_start3A_10 = arith.constant 0 : i32
      %dma_start3A_11 = arith.constant 0 : i32
      %dma_start3A_12 = arith.constant 0 : i32
      %dma_start3A_13 = arith.constant 0 : i32
      %dma_start3A_14 = arith.constant 0 : i32
      %dma_start3A_15 = tpu.memref_slice %arg9[%dma_start3A_11, %dma_start3A_13, %dma_start3A_14] : memref<4x64x128xi32, #tpu.memory_space<vmem>> -> memref<1x64x128xi32, #tpu.memory_space<vmem>>
      %dma_start3A_16 = tpu.memref_squeeze %dma_start3A_15 : memref<1x64x128xi32, #tpu.memory_space<vmem>> -> memref<64x128xi32, #tpu.memory_space<vmem>>
      %dma_start3A_17 = arith.constant 0 : i32
      %dma_start3A_18 = tpu.memref_slice %arg7[%dma_start3A, %dma_start3A_10, %dma_start3A_17] : memref<2x16x64xi32, #tpu.memory_space<vmem>> -> memref<1x1x64xi32, #tpu.memory_space<vmem>>
      %dma_start3A_19 = tpu.memref_squeeze %dma_start3A_18 : memref<1x1x64xi32, #tpu.memory_space<vmem>> -> memref<64xi32, #tpu.memory_space<vmem>>
      %dma_start3A_20 = arith.constant 0 : i32
      %dma_start3A_21 = arith.constant 0 : i32
      %dma_start3A_22 = tpu.memref_slice %arg2[%dma_start3A_20, %dma_start3A_21] : memref<120000x128xi32, #tpu.memory_space<hbm>> -> memref<120000x128xi32, #tpu.memory_space<hbm>>
      %dma_start3A_23 = tpu.memref_slice %arg11[%dma_start3A_12] : memref<4x!tpu.dma_semaphore, #tpu.memory_space<semaphore_mem>> -> memref<1x!tpu.dma_semaphore, #tpu.memory_space<semaphore_mem>>
      %dma_start3A_24 = tpu.memref_squeeze %dma_start3A_23 : memref<1x!tpu.dma_semaphore, #tpu.memory_space<semaphore_mem>> -> memref<!tpu.dma_semaphore, #tpu.memory_space<semaphore_mem>>
      tpu.enqueue_indirect_dma source(%dma_start3A_22 : memref<120000x128xi32, #tpu.memory_space<hbm>>) target(%dma_start3A_16 : memref<64x128xi32, #tpu.memory_space<vmem>>) offsets(%dma_start3A_19 : memref<64xi32, #tpu.memory_space<vmem>>) semaphore(%dma_start3A_24 : memref<!tpu.dma_semaphore, #tpu.memory_space<semaphore_mem>>)
      %dma_start3A_25 = arith.constant 0 : i32
      %dma_start3A_26 = arith.constant 1 : i32
      %dma_start3A_27 = arith.constant 1 : i32
      %dma_start3A_28 = arith.constant 1 : i32
      %dma_start3A_29 = arith.constant 0 : i32
      %dma_start3A_30 = arith.constant 0 : i32
      %dma_start3A_31 = tpu.memref_slice %arg9[%dma_start3A_27, %dma_start3A_29, %dma_start3A_30] : memref<4x64x128xi32, #tpu.memory_space<vmem>> -> memref<1x64x128xi32, #tpu.memory_space<vmem>>
      %dma_start3A_32 = tpu.memref_squeeze %dma_start3A_31 : memref<1x64x128xi32, #tpu.memory_space<vmem>> -> memref<64x128xi32, #tpu.memory_space<vmem>>
      %dma_start3A_33 = arith.constant 0 : i32
      %dma_start3A_34 = tpu.memref_slice %arg7[%dma_start3A_25, %dma_start3A_26, %dma_start3A_33] : memref<2x16x64xi32, #tpu.memory_space<vmem>> -> memref<1x1x64xi32, #tpu.memory_space<vmem>>
      %dma_start3A_35 = tpu.memref_squeeze %dma_start3A_34 : memref<1x1x64xi32, #tpu.memory_space<vmem>> -> memref<64xi32, #tpu.memory_space<vmem>>
      %dma_start3A_36 = arith.constant 0 : i32
      %dma_start3A_37 = arith.constant 0 : i32
      %dma_start3A_38 = tpu.memref_slice %arg2[%dma_start3A_36, %dma_start3A_37] : memref<120000x128xi32, #tpu.memory_space<hbm>> -> memref<120000x128xi32, #tpu.memory_space<hbm>>
      %dma_start3A_39 = tpu.memref_slice %arg11[%dma_start3A_28] : memref<4x!tpu.dma_semaphore, #tpu.memory_space<semaphore_mem>> -> memref<1x!tpu.dma_semaphore, #tpu.memory_space<semaphore_mem>>
      %dma_start3A_40 = tpu.memref_squeeze %dma_start3A_39 : memref<1x!tpu.dma_semaphore, #tpu.memory_space<semaphore_mem>> -> memref<!tpu.dma_semaphore, #tpu.memory_space<semaphore_mem>>
      tpu.enqueue_indirect_dma source(%dma_start3A_38 : memref<120000x128xi32, #tpu.memory_space<hbm>>) target(%dma_start3A_32 : memref<64x128xi32, #tpu.memory_space<vmem>>) offsets(%dma_start3A_35 : memref<64xi32, #tpu.memory_space<vmem>>) semaphore(%dma_start3A_40 : memref<!tpu.dma_semaphore, #tpu.memory_space<semaphore_mem>>)
      %dma_start3A_41 = arith.constant 0 : i32
      %dma_start3A_42 = arith.constant 2 : i32
      %dma_start3A_43 = arith.constant 2 : i32
      %dma_start3A_44 = arith.constant 2 : i32
      %dma_start3A_45 = arith.constant 0 : i32
      %dma_start3A_46 = arith.constant 0 : i32
      %dma_start3A_47 = tpu.memref_slice %arg9[%dma_start3A_43, %dma_start3A_45, %dma_start3A_46] : memref<4x64x128xi32, #tpu.memory_space<vmem>> -> memref<1x64x128xi32, #tpu.memory_space<vmem>>
      %dma_start3A_48 = tpu.memref_squeeze %dma_start3A_47 : memref<1x64x128xi32, #tpu.memory_space<vmem>> -> memref<64x128xi32, #tpu.memory_space<vmem>>
      %dma_start3A_49 = arith.constant 0 : i32
      %dma_start3A_50 = tpu.memref_slice %arg7[%dma_start3A_41, %dma_start3A_42, %dma_start3A_49] : memref<2x16x64xi32, #tpu.memory_space<vmem>> -> memref<1x1x64xi32, #tpu.memory_space<vmem>>
      %dma_start3A_51 = tpu.memref_squeeze %dma_start3A_50 : memref<1x1x64xi32, #tpu.memory_space<vmem>> -> memref<64xi32, #tpu.memory_space<vmem>>
      %dma_start3A_52 = arith.constant 0 : i32
      %dma_start3A_53 = arith.constant 0 : i32
      %dma_start3A_54 = tpu.memref_slice %arg2[%dma_start3A_52, %dma_start3A_53] : memref<120000x128xi32, #tpu.memory_space<hbm>> -> memref<120000x128xi32, #tpu.memory_space<hbm>>
      %dma_start3A_55 = tpu.memref_slice %arg11[%dma_start3A_44] : memref<4x!tpu.dma_semaphore, #tpu.memory_space<semaphore_mem>> -> memref<1x!tpu.dma_semaphore, #tpu.memory_space<semaphore_mem>>
      %dma_start3A_56 = tpu.memref_squeeze %dma_start3A_55 : memref<1x!tpu.dma_semaphore, #tpu.memory_space<semaphore_mem>> -> memref<!tpu.dma_semaphore, #tpu.memory_space<semaphore_mem>>
      tpu.enqueue_indirect_dma source(%dma_start3A_54 : memref<120000x128xi32, #tpu.memory_space<hbm>>) target(%dma_start3A_48 : memref<64x128xi32, #tpu.memory_space<vmem>>) offsets(%dma_start3A_51 : memref<64xi32, #tpu.memory_space<vmem>>) semaphore(%dma_start3A_56 : memref<!tpu.dma_semaphore, #tpu.memory_space<semaphore_mem>>)
      %scan3A_57 = arith.constant 0 : i32
      %scan3A_58 = arith.constant 0 : i32
      %scan3A_59 = arith.constant 5 : i32
      %scan3A_60 = arith.addi %scan3A_58, %scan3A_59 : i32
      %scan3A_61 = arith.constant 1 : i32
      scf.for %scan3A_136 = %scan3A_58 to %scan3A_60 step %scan3A_61  : i32 {
        %rem3A = arith.constant 2 : i32
        %rem3A_137 = arith.remsi %scan3A_136, %rem3A : i32
        %add3A = arith.constant 1 : i32
        %add3A_138 = arith.addi %scan3A_136, %add3A : i32
        %rem3A_139 = arith.constant 2 : i32
        %rem3A_140 = arith.remsi %add3A_138, %rem3A_139 : i32
        %scan3A_141 = arith.constant 0 : i32
        %scan3A_142 = arith.constant 0 : i32
        %scan3A_143 = arith.constant 16 : i32
        %scan3A_144 = arith.addi %scan3A_142, %scan3A_143 : i32
        %scan3A_145 = arith.constant 1 : i32
        scf.for %scan3A_149 = %scan3A_142 to %scan3A_144 step %scan3A_145  : i32 {
          %mul3A_150 = arith.constant 16 : i32
          %mul3A_151 = arith.muli %scan3A_136, %mul3A_150 : i32
          %add3A_152 = arith.addi %mul3A_151, %scan3A_149 : i32
          %rem3A_153 = arith.constant 4 : i32
          %rem3A_154 = arith.remsi %add3A_152, %rem3A_153 : i32
          %dma_wait3A_155 = arith.constant 0 : i32
          %dma_wait3A_156 = arith.constant 0 : i32
          %dma_wait3A_157 = tpu.memref_slice %arg9[%rem3A_154, %dma_wait3A_155, %dma_wait3A_156] : memref<4x64x128xi32, #tpu.memory_space<vmem>> -> memref<1x64x128xi32, #tpu.memory_space<vmem>>
          %dma_wait3A_158 = tpu.memref_squeeze %dma_wait3A_157 : memref<1x64x128xi32, #tpu.memory_space<vmem>> -> memref<64x128xi32, #tpu.memory_space<vmem>>
          %dma_wait3A_159 = arith.constant 0 : i32
          %dma_wait3A_160 = tpu.memref_slice %arg7[%rem3A_137, %scan3A_149, %dma_wait3A_159] : memref<2x16x64xi32, #tpu.memory_space<vmem>> -> memref<1x1x64xi32, #tpu.memory_space<vmem>>
          %dma_wait3A_161 = tpu.memref_squeeze %dma_wait3A_160 : memref<1x1x64xi32, #tpu.memory_space<vmem>> -> memref<64xi32, #tpu.memory_space<vmem>>
          %dma_wait3A_162 = arith.constant 0 : i32
          %dma_wait3A_163 = arith.constant 0 : i32
          %dma_wait3A_164 = tpu.memref_slice %arg2[%dma_wait3A_162, %dma_wait3A_163] : memref<120000x128xi32, #tpu.memory_space<hbm>> -> memref<120000x128xi32, #tpu.memory_space<hbm>>
          %dma_wait3A_165 = tpu.memref_slice %arg11[%rem3A_154] : memref<4x!tpu.dma_semaphore, #tpu.memory_space<semaphore_mem>> -> memref<1x!tpu.dma_semaphore, #tpu.memory_space<semaphore_mem>>
          %dma_wait3A_166 = tpu.memref_squeeze %dma_wait3A_165 : memref<1x!tpu.dma_semaphore, #tpu.memory_space<semaphore_mem>> -> memref<!tpu.dma_semaphore, #tpu.memory_space<semaphore_mem>>
          tpu.wait_indirect_dma semaphore(%dma_wait3A_166 : memref<!tpu.dma_semaphore, #tpu.memory_space<semaphore_mem>>) src(%dma_wait3A_164 : memref<120000x128xi32, #tpu.memory_space<hbm>>) dst(%dma_wait3A_158 : memref<64x128xi32, #tpu.memory_space<vmem>>)
          %dma_start3A_167 = arith.constant 0 : i32
          %dma_start3A_168 = arith.constant 0 : i32
          %dma_start3A_169 = tpu.memref_slice %arg9[%rem3A_154, %dma_start3A_167, %dma_start3A_168] : memref<4x64x128xi32, #tpu.memory_space<vmem>> -> memref<1x64x128xi32, #tpu.memory_space<vmem>>
          %dma_start3A_170 = tpu.memref_squeeze %dma_start3A_169 : memref<1x64x128xi32, #tpu.memory_space<vmem>> -> memref<64x128xi32, #tpu.memory_space<vmem>>
          %dma_start3A_171 = arith.constant 0 : i32
          %dma_start3A_172 = tpu.memref_slice %arg8[%rem3A_137, %scan3A_149, %dma_start3A_171] : memref<2x16x64xi32, #tpu.memory_space<vmem>> -> memref<1x1x64xi32, #tpu.memory_space<vmem>>
          %dma_start3A_173 = tpu.memref_squeeze %dma_start3A_172 : memref<1x1x64xi32, #tpu.memory_space<vmem>> -> memref<64xi32, #tpu.memory_space<vmem>>
          %dma_start3A_174 = arith.constant 0 : i32
          %dma_start3A_175 = arith.constant 0 : i32
          %dma_start3A_176 = tpu.memref_slice %arg10[%dma_start3A_174, %dma_start3A_175] : memref<10240x128xi32, #tpu.memory_space<vmem_shared>> -> memref<10240x128xi32, #tpu.memory_space<vmem_shared>>
          %dma_start3A_177 = tpu.memref_slice %arg12[%rem3A_154] : memref<4x!tpu.dma_semaphore, #tpu.memory_space<semaphore_mem>> -> memref<1x!tpu.dma_semaphore, #tpu.memory_space<semaphore_mem>>
          %dma_start3A_178 = tpu.memref_squeeze %dma_start3A_177 : memref<1x!tpu.dma_semaphore, #tpu.memory_space<semaphore_mem>> -> memref<!tpu.dma_semaphore, #tpu.memory_space<semaphore_mem>>
          tpu.enqueue_indirect_dma source(%dma_start3A_170 : memref<64x128xi32, #tpu.memory_space<vmem>>) target(%dma_start3A_176 : memref<10240x128xi32, #tpu.memory_space<vmem_shared>>) offsets(%dma_start3A_173 : memref<64xi32, #tpu.memory_space<vmem>>) semaphore(%dma_start3A_178 : memref<!tpu.dma_semaphore, #tpu.memory_space<semaphore_mem>>) {add = true}
          %eq3A = arith.constant 1 : i32
          %eq3A_179 = arith.cmpi eq, %scan3A_149, %eq3A : i32
          %lt3A_180 = arith.constant 4 : i32
          %lt3A_181 = arith.cmpi slt, %scan3A_136, %lt3A_180 : i32
          %and3A = arith.andi %eq3A_179, %lt3A_181 : i1
          %convert_element_type3A_182 = arith.extui %and3A : i1 to i32
          %cond3A_183 = arith.constant 0 : i32
          %cond3A_184 = arith.cmpi ne, %convert_element_type3A_182, %cond3A_183 : i32
          scf.if %cond3A_184 {
            %add3A_190 = arith.constant 1 : i32
            %add3A_191 = arith.addi %scan3A_136, %add3A_190 : i32
            %mul3A_192 = arith.constant 16 : i32
            %mul3A_193 = arith.muli %add3A_191, %mul3A_192 : i32
            %dma_start3A_194 = arith.constant 0 : i32
            %dma_start3A_195 = arith.constant 0 : i32
            %dma_start3A_196 = arith.constant 0 : i32
            %dma_start3A_197 = tpu.memref_slice %arg7[%rem3A_140, %dma_start3A_195, %dma_start3A_196] : memref<2x16x64xi32, #tpu.memory_space<vmem>> -> memref<1x16x64xi32, #tpu.memory_space<vmem>>
            %dma_start3A_198 = tpu.memref_squeeze %dma_start3A_197 : memref<1x16x64xi32, #tpu.memory_space<vmem>> -> memref<16x64xi32, #tpu.memory_space<vmem>>
            %dma_start3A_199 = arith.constant 0 : i32
            %dma_start3A_200 = tpu.memref_slice %arg3[%scan3A_8, %arg0, %arg1, %mul3A_193, %dma_start3A_199] : memref<12x2x16x80x64xi32, #tpu.memory_space<hbm>> -> memref<1x1x1x16x64xi32, #tpu.memory_space<hbm>>
            %dma_start3A_201 = tpu.memref_squeeze %dma_start3A_200 : memref<1x1x1x16x64xi32, #tpu.memory_space<hbm>> -> memref<16x64xi32, #tpu.memory_space<hbm>>
            %dma_start3A_202 = tpu.memref_slice %arg13[%dma_start3A_194] : memref<2x!tpu.dma_semaphore, #tpu.memory_space<semaphore_mem>> -> memref<1x!tpu.dma_semaphore, #tpu.memory_space<semaphore_mem>>
            %dma_start3A_203 = tpu.memref_squeeze %dma_start3A_202 : memref<1x!tpu.dma_semaphore, #tpu.memory_space<semaphore_mem>> -> memref<!tpu.dma_semaphore, #tpu.memory_space<semaphore_mem>>
            %dma_start3A_204 = arith.constant 0 : i32
            %dma_start3A_205 = arith.constant 0 : i32
            %dma_start3A_206 = tpu.memref_slice %arg7[%rem3A_140, %dma_start3A_204, %dma_start3A_205] : memref<2x16x64xi32, #tpu.memory_space<vmem>> -> memref<1x16x64xi32, #tpu.memory_space<vmem>>
            %dma_start3A_207 = tpu.memref_squeeze %dma_start3A_206 : memref<1x16x64xi32, #tpu.memory_space<vmem>> -> memref<16x64xi32, #tpu.memory_space<vmem>>
            %dma_start3A_208 = arith.constant 0 : i32
            %dma_start3A_209 = tpu.memref_slice %arg3[%scan3A_8, %arg0, %arg1, %mul3A_193, %dma_start3A_208] : memref<12x2x16x80x64xi32, #tpu.memory_space<hbm>> -> memref<1x1x1x16x64xi32, #tpu.memory_space<hbm>>
            %dma_start3A_210 = tpu.memref_squeeze %dma_start3A_209 : memref<1x1x1x16x64xi32, #tpu.memory_space<hbm>> -> memref<16x64xi32, #tpu.memory_space<hbm>>
            tpu.enqueue_dma source(%dma_start3A_210 : memref<16x64xi32, #tpu.memory_space<hbm>>) target(%dma_start3A_207 : memref<16x64xi32, #tpu.memory_space<vmem>>) target_semaphore(%dma_start3A_203 : memref<!tpu.dma_semaphore, #tpu.memory_space<semaphore_mem>>)
            %add3A_211 = arith.constant 1 : i32
            %add3A_212 = arith.addi %scan3A_136, %add3A_211 : i32
            %mul3A_213 = arith.constant 16 : i32
            %mul3A_214 = arith.muli %add3A_212, %mul3A_213 : i32
            %dma_start3A_215 = arith.constant 1 : i32
            %dma_start3A_216 = arith.constant 0 : i32
            %dma_start3A_217 = arith.constant 0 : i32
            %dma_start3A_218 = tpu.memref_slice %arg8[%rem3A_140, %dma_start3A_216, %dma_start3A_217] : memref<2x16x64xi32, #tpu.memory_space<vmem>> -> memref<1x16x64xi32, #tpu.memory_space<vmem>>
            %dma_start3A_219 = tpu.memref_squeeze %dma_start3A_218 : memref<1x16x64xi32, #tpu.memory_space<vmem>> -> memref<16x64xi32, #tpu.memory_space<vmem>>
            %dma_start3A_220 = arith.constant 0 : i32
            %dma_start3A_221 = tpu.memref_slice %arg4[%scan3A_8, %arg0, %arg1, %mul3A_214, %dma_start3A_220] : memref<12x2x16x80x64xi32, #tpu.memory_space<hbm>> -> memref<1x1x1x16x64xi32, #tpu.memory_space<hbm>>
            %dma_start3A_222 = tpu.memref_squeeze %dma_start3A_221 : memref<1x1x1x16x64xi32, #tpu.memory_space<hbm>> -> memref<16x64xi32, #tpu.memory_space<hbm>>
            %dma_start3A_223 = tpu.memref_slice %arg13[%dma_start3A_215] : memref<2x!tpu.dma_semaphore, #tpu.memory_space<semaphore_mem>> -> memref<1x!tpu.dma_semaphore, #tpu.memory_space<semaphore_mem>>
            %dma_start3A_224 = tpu.memref_squeeze %dma_start3A_223 : memref<1x!tpu.dma_semaphore, #tpu.memory_space<semaphore_mem>> -> memref<!tpu.dma_semaphore, #tpu.memory_space<semaphore_mem>>
            %dma_start3A_225 = arith.constant 0 : i32
            %dma_start3A_226 = arith.constant 0 : i32
            %dma_start3A_227 = tpu.memref_slice %arg8[%rem3A_140, %dma_start3A_225, %dma_start3A_226] : memref<2x16x64xi32, #tpu.memory_space<vmem>> -> memref<1x16x64xi32, #tpu.memory_space<vmem>>
            %dma_start3A_228 = tpu.memref_squeeze %dma_start3A_227 : memref<1x16x64xi32, #tpu.memory_space<vmem>> -> memref<16x64xi32, #tpu.memory_space<vmem>>
            %dma_start3A_229 = arith.constant 0 : i32
            %dma_start3A_230 = tpu.memref_slice %arg4[%scan3A_8, %arg0, %arg1, %mul3A_214, %dma_start3A_229] : memref<12x2x16x80x64xi32, #tpu.memory_space<hbm>> -> memref<1x1x1x16x64xi32, #tpu.memory_space<hbm>>
            %dma_start3A_231 = tpu.memref_squeeze %dma_start3A_230 : memref<1x1x1x16x64xi32, #tpu.memory_space<hbm>> -> memref<16x64xi32, #tpu.memory_space<hbm>>
            tpu.enqueue_dma source(%dma_start3A_231 : memref<16x64xi32, #tpu.memory_space<hbm>>) target(%dma_start3A_228 : memref<16x64xi32, #tpu.memory_space<vmem>>) target_semaphore(%dma_start3A_224 : memref<!tpu.dma_semaphore, #tpu.memory_space<semaphore_mem>>)
          } else {
          }
          %lt3A_185 = arith.constant 13 : i32
          %lt3A_186 = arith.cmpi slt, %scan3A_149, %lt3A_185 : i32
          %convert_element_type3A_187 = arith.extui %lt3A_186 : i1 to i32
          %cond3A_188 = arith.constant 0 : i32
          %cond3A_189 = arith.cmpi ne, %convert_element_type3A_187, %cond3A_188 : i32
          scf.if %cond3A_189 {
            %add3A_190 = arith.constant 3 : i32
            %add3A_191 = arith.addi %add3A_152, %add3A_190 : i32
            %rem3A_192 = arith.constant 4 : i32
            %rem3A_193 = arith.remsi %add3A_191, %rem3A_192 : i32
            %add3A_194 = arith.constant 3 : i32
            %add3A_195 = arith.addi %add3A_152, %add3A_194 : i32
            %ge3A = arith.constant 4 : i32
            %ge3A_196 = arith.cmpi sge, %add3A_195, %ge3A : i32
            %convert_element_type3A_197 = arith.extui %ge3A_196 : i1 to i32
            %cond3A_198 = arith.constant 0 : i32
            %cond3A_199 = arith.cmpi ne, %convert_element_type3A_197, %cond3A_198 : i32
            scf.if %cond3A_199 {
              %dma_wait3A_214 = arith.constant 0 : i32
              %dma_wait3A_215 = arith.constant 0 : i32
              %dma_wait3A_216 = arith.constant 0 : i32
              %dma_wait3A_217 = arith.constant 0 : i32
              %dma_wait3A_218 = tpu.memref_slice %arg9[%rem3A_193, %dma_wait3A_216, %dma_wait3A_217] : memref<4x64x128xi32, #tpu.memory_space<vmem>> -> memref<1x64x128xi32, #tpu.memory_space<vmem>>
              %dma_wait3A_219 = tpu.memref_squeeze %dma_wait3A_218 : memref<1x64x128xi32, #tpu.memory_space<vmem>> -> memref<64x128xi32, #tpu.memory_space<vmem>>
              %dma_wait3A_220 = arith.constant 0 : i32
              %dma_wait3A_221 = tpu.memref_slice %arg8[%dma_wait3A_214, %dma_wait3A_215, %dma_wait3A_220] : memref<2x16x64xi32, #tpu.memory_space<vmem>> -> memref<1x1x64xi32, #tpu.memory_space<vmem>>
              %dma_wait3A_222 = tpu.memref_squeeze %dma_wait3A_221 : memref<1x1x64xi32, #tpu.memory_space<vmem>> -> memref<64xi32, #tpu.memory_space<vmem>>
              %dma_wait3A_223 = arith.constant 0 : i32
              %dma_wait3A_224 = arith.constant 0 : i32
              %dma_wait3A_225 = tpu.memref_slice %arg10[%dma_wait3A_223, %dma_wait3A_224] : memref<10240x128xi32, #tpu.memory_space<vmem_shared>> -> memref<10240x128xi32, #tpu.memory_space<vmem_shared>>
              %dma_wait3A_226 = tpu.memref_slice %arg12[%rem3A_193] : memref<4x!tpu.dma_semaphore, #tpu.memory_space<semaphore_mem>> -> memref<1x!tpu.dma_semaphore, #tpu.memory_space<semaphore_mem>>
              %dma_wait3A_227 = tpu.memref_squeeze %dma_wait3A_226 : memref<1x!tpu.dma_semaphore, #tpu.memory_space<semaphore_mem>> -> memref<!tpu.dma_semaphore, #tpu.memory_space<semaphore_mem>>
              tpu.wait_indirect_dma semaphore(%dma_wait3A_227 : memref<!tpu.dma_semaphore, #tpu.memory_space<semaphore_mem>>) src(%dma_wait3A_219 : memref<64x128xi32, #tpu.memory_space<vmem>>) dst(%dma_wait3A_225 : memref<10240x128xi32, #tpu.memory_space<vmem_shared>>)
            } else {
            }
            %add3A_200 = arith.constant 3 : i32
            %add3A_201 = arith.addi %scan3A_149, %add3A_200 : i32
            %dma_start3A_202 = arith.constant 0 : i32
            %dma_start3A_203 = arith.constant 0 : i32
            %dma_start3A_204 = tpu.memref_slice %arg9[%rem3A_193, %dma_start3A_202, %dma_start3A_203] : memref<4x64x128xi32, #tpu.memory_space<vmem>> -> memref<1x64x128xi32, #tpu.memory_space<vmem>>
            %dma_start3A_205 = tpu.memref_squeeze %dma_start3A_204 : memref<1x64x128xi32, #tpu.memory_space<vmem>> -> memref<64x128xi32, #tpu.memory_space<vmem>>
            %dma_start3A_206 = arith.constant 0 : i32
            %dma_start3A_207 = tpu.memref_slice %arg7[%rem3A_137, %add3A_201, %dma_start3A_206] : memref<2x16x64xi32, #tpu.memory_space<vmem>> -> memref<1x1x64xi32, #tpu.memory_space<vmem>>
            %dma_start3A_208 = tpu.memref_squeeze %dma_start3A_207 : memref<1x1x64xi32, #tpu.memory_space<vmem>> -> memref<64xi32, #tpu.memory_space<vmem>>
            %dma_start3A_209 = arith.constant 0 : i32
            %dma_start3A_210 = arith.constant 0 : i32
            %dma_start3A_211 = tpu.memref_slice %arg2[%dma_start3A_209, %dma_start3A_210] : memref<120000x128xi32, #tpu.memory_space<hbm>> -> memref<120000x128xi32, #tpu.memory_space<hbm>>
            %dma_start3A_212 = tpu.memref_slice %arg11[%rem3A_193] : memref<4x!tpu.dma_semaphore, #tpu.memory_space<semaphore_mem>> -> memref<1x!tpu.dma_semaphore, #tpu.memory_space<semaphore_mem>>
            %dma_start3A_213 = tpu.memref_squeeze %dma_start3A_212 : memref<1x!tpu.dma_semaphore, #tpu.memory_space<semaphore_mem>> -> memref<!tpu.dma_semaphore, #tpu.memory_space<semaphore_mem>>
            tpu.enqueue_indirect_dma source(%dma_start3A_211 : memref<120000x128xi32, #tpu.memory_space<hbm>>) target(%dma_start3A_205 : memref<64x128xi32, #tpu.memory_space<vmem>>) offsets(%dma_start3A_208 : memref<64xi32, #tpu.memory_space<vmem>>) semaphore(%dma_start3A_213 : memref<!tpu.dma_semaphore, #tpu.memory_space<semaphore_mem>>)
          } else {
          }
        }
        %scan3A_146 = arith.constant 16 : i32
        %lt3A = arith.constant 4 : i32
        %lt3A_147 = arith.cmpi slt, %scan3A_136, %lt3A : i32
        %convert_element_type3A = arith.extui %lt3A_147 : i1 to i32
        %cond3A = arith.constant 0 : i32
        %cond3A_148 = arith.cmpi ne, %convert_element_type3A, %cond3A : i32
        scf.if %cond3A_148 {
          %add3A_149 = arith.constant 1 : i32
          %add3A_150 = arith.addi %scan3A_136, %add3A_149 : i32
          %mul3A_151 = arith.constant 16 : i32
          %mul3A_152 = arith.muli %add3A_150, %mul3A_151 : i32
          %dma_wait3A_153 = arith.constant 0 : i32
          %dma_wait3A_154 = arith.constant 0 : i32
          %dma_wait3A_155 = arith.constant 0 : i32
          %dma_wait3A_156 = tpu.memref_slice %arg7[%rem3A_140, %dma_wait3A_154, %dma_wait3A_155] : memref<2x16x64xi32, #tpu.memory_space<vmem>> -> memref<1x16x64xi32, #tpu.memory_space<vmem>>
          %dma_wait3A_157 = tpu.memref_squeeze %dma_wait3A_156 : memref<1x16x64xi32, #tpu.memory_space<vmem>> -> memref<16x64xi32, #tpu.memory_space<vmem>>
          %dma_wait3A_158 = arith.constant 0 : i32
          %dma_wait3A_159 = tpu.memref_slice %arg3[%scan3A_8, %arg0, %arg1, %mul3A_152, %dma_wait3A_158] : memref<12x2x16x80x64xi32, #tpu.memory_space<hbm>> -> memref<1x1x1x16x64xi32, #tpu.memory_space<hbm>>
          %dma_wait3A_160 = tpu.memref_squeeze %dma_wait3A_159 : memref<1x1x1x16x64xi32, #tpu.memory_space<hbm>> -> memref<16x64xi32, #tpu.memory_space<hbm>>
          %dma_wait3A_161 = tpu.memref_slice %arg13[%dma_wait3A_153] : memref<2x!tpu.dma_semaphore, #tpu.memory_space<semaphore_mem>> -> memref<1x!tpu.dma_semaphore, #tpu.memory_space<semaphore_mem>>
          %dma_wait3A_162 = tpu.memref_squeeze %dma_wait3A_161 : memref<1x!tpu.dma_semaphore, #tpu.memory_space<semaphore_mem>> -> memref<!tpu.dma_semaphore, #tpu.memory_space<semaphore_mem>>
          %dma_wait3A_163 = arith.constant 0 : i32
          %dma_wait3A_164 = arith.constant 0 : i32
          %dma_wait3A_165 = tpu.memref_slice %arg7[%rem3A_140, %dma_wait3A_163, %dma_wait3A_164] : memref<2x16x64xi32, #tpu.memory_space<vmem>> -> memref<1x16x64xi32, #tpu.memory_space<vmem>>
          %dma_wait3A_166 = tpu.memref_squeeze %dma_wait3A_165 : memref<1x16x64xi32, #tpu.memory_space<vmem>> -> memref<16x64xi32, #tpu.memory_space<vmem>>
          %dma_wait3A_167 = arith.constant 0 : i32
          %dma_wait3A_168 = tpu.memref_slice %arg3[%scan3A_8, %arg0, %arg1, %mul3A_152, %dma_wait3A_167] : memref<12x2x16x80x64xi32, #tpu.memory_space<hbm>> -> memref<1x1x1x16x64xi32, #tpu.memory_space<hbm>>
          %dma_wait3A_169 = tpu.memref_squeeze %dma_wait3A_168 : memref<1x1x1x16x64xi32, #tpu.memory_space<hbm>> -> memref<16x64xi32, #tpu.memory_space<hbm>>
          tpu.wait_dma2 semaphore(%dma_wait3A_162 : memref<!tpu.dma_semaphore, #tpu.memory_space<semaphore_mem>>) src(%dma_wait3A_169 : memref<16x64xi32, #tpu.memory_space<hbm>>) dst(%dma_wait3A_166 : memref<16x64xi32, #tpu.memory_space<vmem>>)
          %add3A_170 = arith.constant 1 : i32
          %add3A_171 = arith.addi %scan3A_136, %add3A_170 : i32
          %mul3A_172 = arith.constant 16 : i32
          %mul3A_173 = arith.muli %add3A_171, %mul3A_172 : i32
          %dma_wait3A_174 = arith.constant 1 : i32
          %dma_wait3A_175 = arith.constant 0 : i32
          %dma_wait3A_176 = arith.constant 0 : i32
          %dma_wait3A_177 = tpu.memref_slice %arg8[%rem3A_140, %dma_wait3A_175, %dma_wait3A_176] : memref<2x16x64xi32, #tpu.memory_space<vmem>> -> memref<1x16x64xi32, #tpu.memory_space<vmem>>
          %dma_wait3A_178 = tpu.memref_squeeze %dma_wait3A_177 : memref<1x16x64xi32, #tpu.memory_space<vmem>> -> memref<16x64xi32, #tpu.memory_space<vmem>>
          %dma_wait3A_179 = arith.constant 0 : i32
          %dma_wait3A_180 = tpu.memref_slice %arg4[%scan3A_8, %arg0, %arg1, %mul3A_173, %dma_wait3A_179] : memref<12x2x16x80x64xi32, #tpu.memory_space<hbm>> -> memref<1x1x1x16x64xi32, #tpu.memory_space<hbm>>
          %dma_wait3A_181 = tpu.memref_squeeze %dma_wait3A_180 : memref<1x1x1x16x64xi32, #tpu.memory_space<hbm>> -> memref<16x64xi32, #tpu.memory_space<hbm>>
          %dma_wait3A_182 = tpu.memref_slice %arg13[%dma_wait3A_174] : memref<2x!tpu.dma_semaphore, #tpu.memory_space<semaphore_mem>> -> memref<1x!tpu.dma_semaphore, #tpu.memory_space<semaphore_mem>>
          %dma_wait3A_183 = tpu.memref_squeeze %dma_wait3A_182 : memref<1x!tpu.dma_semaphore, #tpu.memory_space<semaphore_mem>> -> memref<!tpu.dma_semaphore, #tpu.memory_space<semaphore_mem>>
          %dma_wait3A_184 = arith.constant 0 : i32
          %dma_wait3A_185 = arith.constant 0 : i32
          %dma_wait3A_186 = tpu.memref_slice %arg8[%rem3A_140, %dma_wait3A_184, %dma_wait3A_185] : memref<2x16x64xi32, #tpu.memory_space<vmem>> -> memref<1x16x64xi32, #tpu.memory_space<vmem>>
          %dma_wait3A_187 = tpu.memref_squeeze %dma_wait3A_186 : memref<1x16x64xi32, #tpu.memory_space<vmem>> -> memref<16x64xi32, #tpu.memory_space<vmem>>
          %dma_wait3A_188 = arith.constant 0 : i32
          %dma_wait3A_189 = tpu.memref_slice %arg4[%scan3A_8, %arg0, %arg1, %mul3A_173, %dma_wait3A_188] : memref<12x2x16x80x64xi32, #tpu.memory_space<hbm>> -> memref<1x1x1x16x64xi32, #tpu.memory_space<hbm>>
          %dma_wait3A_190 = tpu.memref_squeeze %dma_wait3A_189 : memref<1x1x1x16x64xi32, #tpu.memory_space<hbm>> -> memref<16x64xi32, #tpu.memory_space<hbm>>
          tpu.wait_dma2 semaphore(%dma_wait3A_183 : memref<!tpu.dma_semaphore, #tpu.memory_space<semaphore_mem>>) src(%dma_wait3A_190 : memref<16x64xi32, #tpu.memory_space<hbm>>) dst(%dma_wait3A_187 : memref<16x64xi32, #tpu.memory_space<vmem>>)
          %add3A_191 = arith.constant 1 : i32
          %add3A_192 = arith.addi %scan3A_136, %add3A_191 : i32
          %mul3A_193 = arith.constant 16 : i32
          %mul3A_194 = arith.muli %add3A_192, %mul3A_193 : i32
          %add3A_195 = arith.constant 0 : i32
          %add3A_196 = arith.addi %mul3A_194, %add3A_195 : i32
          %rem3A_197 = arith.constant 4 : i32
          %rem3A_198 = arith.remsi %add3A_196, %rem3A_197 : i32
          %dma_wait3A_199 = arith.constant 0 : i32
          %dma_wait3A_200 = arith.constant 0 : i32
          %dma_wait3A_201 = arith.constant 0 : i32
          %dma_wait3A_202 = arith.constant 0 : i32
          %dma_wait3A_203 = tpu.memref_slice %arg9[%rem3A_198, %dma_wait3A_201, %dma_wait3A_202] : memref<4x64x128xi32, #tpu.memory_space<vmem>> -> memref<1x64x128xi32, #tpu.memory_space<vmem>>
          %dma_wait3A_204 = tpu.memref_squeeze %dma_wait3A_203 : memref<1x64x128xi32, #tpu.memory_space<vmem>> -> memref<64x128xi32, #tpu.memory_space<vmem>>
          %dma_wait3A_205 = arith.constant 0 : i32
          %dma_wait3A_206 = tpu.memref_slice %arg8[%dma_wait3A_199, %dma_wait3A_200, %dma_wait3A_205] : memref<2x16x64xi32, #tpu.memory_space<vmem>> -> memref<1x1x64xi32, #tpu.memory_space<vmem>>
          %dma_wait3A_207 = tpu.memref_squeeze %dma_wait3A_206 : memref<1x1x64xi32, #tpu.memory_space<vmem>> -> memref<64xi32, #tpu.memory_space<vmem>>
          %dma_wait3A_208 = arith.constant 0 : i32
          %dma_wait3A_209 = arith.constant 0 : i32
          %dma_wait3A_210 = tpu.memref_slice %arg10[%dma_wait3A_208, %dma_wait3A_209] : memref<10240x128xi32, #tpu.memory_space<vmem_shared>> -> memref<10240x128xi32, #tpu.memory_space<vmem_shared>>
          %dma_wait3A_211 = tpu.memref_slice %arg12[%rem3A_198] : memref<4x!tpu.dma_semaphore, #tpu.memory_space<semaphore_mem>> -> memref<1x!tpu.dma_semaphore, #tpu.memory_space<semaphore_mem>>
          %dma_wait3A_212 = tpu.memref_squeeze %dma_wait3A_211 : memref<1x!tpu.dma_semaphore, #tpu.memory_space<semaphore_mem>> -> memref<!tpu.dma_semaphore, #tpu.memory_space<semaphore_mem>>
          tpu.wait_indirect_dma semaphore(%dma_wait3A_212 : memref<!tpu.dma_semaphore, #tpu.memory_space<semaphore_mem>>) src(%dma_wait3A_204 : memref<64x128xi32, #tpu.memory_space<vmem>>) dst(%dma_wait3A_210 : memref<10240x128xi32, #tpu.memory_space<vmem_shared>>)
          %dma_start3A_213 = arith.constant 0 : i32
          %dma_start3A_214 = arith.constant 0 : i32
          %dma_start3A_215 = arith.constant 0 : i32
          %dma_start3A_216 = tpu.memref_slice %arg9[%rem3A_198, %dma_start3A_214, %dma_start3A_215] : memref<4x64x128xi32, #tpu.memory_space<vmem>> -> memref<1x64x128xi32, #tpu.memory_space<vmem>>
          %dma_start3A_217 = tpu.memref_squeeze %dma_start3A_216 : memref<1x64x128xi32, #tpu.memory_space<vmem>> -> memref<64x128xi32, #tpu.memory_space<vmem>>
          %dma_start3A_218 = arith.constant 0 : i32
          %dma_start3A_219 = tpu.memref_slice %arg7[%rem3A_140, %dma_start3A_213, %dma_start3A_218] : memref<2x16x64xi32, #tpu.memory_space<vmem>> -> memref<1x1x64xi32, #tpu.memory_space<vmem>>
          %dma_start3A_220 = tpu.memref_squeeze %dma_start3A_219 : memref<1x1x64xi32, #tpu.memory_space<vmem>> -> memref<64xi32, #tpu.memory_space<vmem>>
          %dma_start3A_221 = arith.constant 0 : i32
          %dma_start3A_222 = arith.constant 0 : i32
          %dma_start3A_223 = tpu.memref_slice %arg2[%dma_start3A_221, %dma_start3A_222] : memref<120000x128xi32, #tpu.memory_space<hbm>> -> memref<120000x128xi32, #tpu.memory_space<hbm>>
          %dma_start3A_224 = tpu.memref_slice %arg11[%rem3A_198] : memref<4x!tpu.dma_semaphore, #tpu.memory_space<semaphore_mem>> -> memref<1x!tpu.dma_semaphore, #tpu.memory_space<semaphore_mem>>
          %dma_start3A_225 = tpu.memref_squeeze %dma_start3A_224 : memref<1x!tpu.dma_semaphore, #tpu.memory_space<semaphore_mem>> -> memref<!tpu.dma_semaphore, #tpu.memory_space<semaphore_mem>>
          tpu.enqueue_indirect_dma source(%dma_start3A_223 : memref<120000x128xi32, #tpu.memory_space<hbm>>) target(%dma_start3A_217 : memref<64x128xi32, #tpu.memory_space<vmem>>) offsets(%dma_start3A_220 : memref<64xi32, #tpu.memory_space<vmem>>) semaphore(%dma_start3A_225 : memref<!tpu.dma_semaphore, #tpu.memory_space<semaphore_mem>>)
          %add3A_226 = arith.constant 1 : i32
          %add3A_227 = arith.addi %scan3A_136, %add3A_226 : i32
          %mul3A_228 = arith.constant 16 : i32
          %mul3A_229 = arith.muli %add3A_227, %mul3A_228 : i32
          %add3A_230 = arith.constant 1 : i32
          %add3A_231 = arith.addi %mul3A_229, %add3A_230 : i32
          %rem3A_232 = arith.constant 4 : i32
          %rem3A_233 = arith.remsi %add3A_231, %rem3A_232 : i32
          %dma_wait3A_234 = arith.constant 0 : i32
          %dma_wait3A_235 = arith.constant 0 : i32
          %dma_wait3A_236 = arith.constant 0 : i32
          %dma_wait3A_237 = arith.constant 0 : i32
          %dma_wait3A_238 = tpu.memref_slice %arg9[%rem3A_233, %dma_wait3A_236, %dma_wait3A_237] : memref<4x64x128xi32, #tpu.memory_space<vmem>> -> memref<1x64x128xi32, #tpu.memory_space<vmem>>
          %dma_wait3A_239 = tpu.memref_squeeze %dma_wait3A_238 : memref<1x64x128xi32, #tpu.memory_space<vmem>> -> memref<64x128xi32, #tpu.memory_space<vmem>>
          %dma_wait3A_240 = arith.constant 0 : i32
          %dma_wait3A_241 = tpu.memref_slice %arg8[%dma_wait3A_234, %dma_wait3A_235, %dma_wait3A_240] : memref<2x16x64xi32, #tpu.memory_space<vmem>> -> memref<1x1x64xi32, #tpu.memory_space<vmem>>
          %dma_wait3A_242 = tpu.memref_squeeze %dma_wait3A_241 : memref<1x1x64xi32, #tpu.memory_space<vmem>> -> memref<64xi32, #tpu.memory_space<vmem>>
          %dma_wait3A_243 = arith.constant 0 : i32
          %dma_wait3A_244 = arith.constant 0 : i32
          %dma_wait3A_245 = tpu.memref_slice %arg10[%dma_wait3A_243, %dma_wait3A_244] : memref<10240x128xi32, #tpu.memory_space<vmem_shared>> -> memref<10240x128xi32, #tpu.memory_space<vmem_shared>>
          %dma_wait3A_246 = tpu.memref_slice %arg12[%rem3A_233] : memref<4x!tpu.dma_semaphore, #tpu.memory_space<semaphore_mem>> -> memref<1x!tpu.dma_semaphore, #tpu.memory_space<semaphore_mem>>
          %dma_wait3A_247 = tpu.memref_squeeze %dma_wait3A_246 : memref<1x!tpu.dma_semaphore, #tpu.memory_space<semaphore_mem>> -> memref<!tpu.dma_semaphore, #tpu.memory_space<semaphore_mem>>
          tpu.wait_indirect_dma semaphore(%dma_wait3A_247 : memref<!tpu.dma_semaphore, #tpu.memory_space<semaphore_mem>>) src(%dma_wait3A_239 : memref<64x128xi32, #tpu.memory_space<vmem>>) dst(%dma_wait3A_245 : memref<10240x128xi32, #tpu.memory_space<vmem_shared>>)
          %dma_start3A_248 = arith.constant 1 : i32
          %dma_start3A_249 = arith.constant 0 : i32
          %dma_start3A_250 = arith.constant 0 : i32
          %dma_start3A_251 = tpu.memref_slice %arg9[%rem3A_233, %dma_start3A_249, %dma_start3A_250] : memref<4x64x128xi32, #tpu.memory_space<vmem>> -> memref<1x64x128xi32, #tpu.memory_space<vmem>>
          %dma_start3A_252 = tpu.memref_squeeze %dma_start3A_251 : memref<1x64x128xi32, #tpu.memory_space<vmem>> -> memref<64x128xi32, #tpu.memory_space<vmem>>
          %dma_start3A_253 = arith.constant 0 : i32
          %dma_start3A_254 = tpu.memref_slice %arg7[%rem3A_140, %dma_start3A_248, %dma_start3A_253] : memref<2x16x64xi32, #tpu.memory_space<vmem>> -> memref<1x1x64xi32, #tpu.memory_space<vmem>>
          %dma_start3A_255 = tpu.memref_squeeze %dma_start3A_254 : memref<1x1x64xi32, #tpu.memory_space<vmem>> -> memref<64xi32, #tpu.memory_space<vmem>>
          %dma_start3A_256 = arith.constant 0 : i32
          %dma_start3A_257 = arith.constant 0 : i32
          %dma_start3A_258 = tpu.memref_slice %arg2[%dma_start3A_256, %dma_start3A_257] : memref<120000x128xi32, #tpu.memory_space<hbm>> -> memref<120000x128xi32, #tpu.memory_space<hbm>>
          %dma_start3A_259 = tpu.memref_slice %arg11[%rem3A_233] : memref<4x!tpu.dma_semaphore, #tpu.memory_space<semaphore_mem>> -> memref<1x!tpu.dma_semaphore, #tpu.memory_space<semaphore_mem>>
          %dma_start3A_260 = tpu.memref_squeeze %dma_start3A_259 : memref<1x!tpu.dma_semaphore, #tpu.memory_space<semaphore_mem>> -> memref<!tpu.dma_semaphore, #tpu.memory_space<semaphore_mem>>
          tpu.enqueue_indirect_dma source(%dma_start3A_258 : memref<120000x128xi32, #tpu.memory_space<hbm>>) target(%dma_start3A_252 : memref<64x128xi32, #tpu.memory_space<vmem>>) offsets(%dma_start3A_255 : memref<64xi32, #tpu.memory_space<vmem>>) semaphore(%dma_start3A_260 : memref<!tpu.dma_semaphore, #tpu.memory_space<semaphore_mem>>)
          %add3A_261 = arith.constant 1 : i32
          %add3A_262 = arith.addi %scan3A_136, %add3A_261 : i32
          %mul3A_263 = arith.constant 16 : i32
          %mul3A_264 = arith.muli %add3A_262, %mul3A_263 : i32
          %add3A_265 = arith.constant 2 : i32
          %add3A_266 = arith.addi %mul3A_264, %add3A_265 : i32
          %rem3A_267 = arith.constant 4 : i32
          %rem3A_268 = arith.remsi %add3A_266, %rem3A_267 : i32
          %dma_wait3A_269 = arith.constant 0 : i32
          %dma_wait3A_270 = arith.constant 0 : i32
          %dma_wait3A_271 = arith.constant 0 : i32
          %dma_wait3A_272 = arith.constant 0 : i32
          %dma_wait3A_273 = tpu.memref_slice %arg9[%rem3A_268, %dma_wait3A_271, %dma_wait3A_272] : memref<4x64x128xi32, #tpu.memory_space<vmem>> -> memref<1x64x128xi32, #tpu.memory_space<vmem>>
          %dma_wait3A_274 = tpu.memref_squeeze %dma_wait3A_273 : memref<1x64x128xi32, #tpu.memory_space<vmem>> -> memref<64x128xi32, #tpu.memory_space<vmem>>
          %dma_wait3A_275 = arith.constant 0 : i32
          %dma_wait3A_276 = tpu.memref_slice %arg8[%dma_wait3A_269, %dma_wait3A_270, %dma_wait3A_275] : memref<2x16x64xi32, #tpu.memory_space<vmem>> -> memref<1x1x64xi32, #tpu.memory_space<vmem>>
          %dma_wait3A_277 = tpu.memref_squeeze %dma_wait3A_276 : memref<1x1x64xi32, #tpu.memory_space<vmem>> -> memref<64xi32, #tpu.memory_space<vmem>>
          %dma_wait3A_278 = arith.constant 0 : i32
          %dma_wait3A_279 = arith.constant 0 : i32
          %dma_wait3A_280 = tpu.memref_slice %arg10[%dma_wait3A_278, %dma_wait3A_279] : memref<10240x128xi32, #tpu.memory_space<vmem_shared>> -> memref<10240x128xi32, #tpu.memory_space<vmem_shared>>
          %dma_wait3A_281 = tpu.memref_slice %arg12[%rem3A_268] : memref<4x!tpu.dma_semaphore, #tpu.memory_space<semaphore_mem>> -> memref<1x!tpu.dma_semaphore, #tpu.memory_space<semaphore_mem>>
          %dma_wait3A_282 = tpu.memref_squeeze %dma_wait3A_281 : memref<1x!tpu.dma_semaphore, #tpu.memory_space<semaphore_mem>> -> memref<!tpu.dma_semaphore, #tpu.memory_space<semaphore_mem>>
          tpu.wait_indirect_dma semaphore(%dma_wait3A_282 : memref<!tpu.dma_semaphore, #tpu.memory_space<semaphore_mem>>) src(%dma_wait3A_274 : memref<64x128xi32, #tpu.memory_space<vmem>>) dst(%dma_wait3A_280 : memref<10240x128xi32, #tpu.memory_space<vmem_shared>>)
          %dma_start3A_283 = arith.constant 2 : i32
          %dma_start3A_284 = arith.constant 0 : i32
          %dma_start3A_285 = arith.constant 0 : i32
          %dma_start3A_286 = tpu.memref_slice %arg9[%rem3A_268, %dma_start3A_284, %dma_start3A_285] : memref<4x64x128xi32, #tpu.memory_space<vmem>> -> memref<1x64x128xi32, #tpu.memory_space<vmem>>
          %dma_start3A_287 = tpu.memref_squeeze %dma_start3A_286 : memref<1x64x128xi32, #tpu.memory_space<vmem>> -> memref<64x128xi32, #tpu.memory_space<vmem>>
          %dma_start3A_288 = arith.constant 0 : i32
          %dma_start3A_289 = tpu.memref_slice %arg7[%rem3A_140, %dma_start3A_283, %dma_start3A_288] : memref<2x16x64xi32, #tpu.memory_space<vmem>> -> memref<1x1x64xi32, #tpu.memory_space<vmem>>
          %dma_start3A_290 = tpu.memref_squeeze %dma_start3A_289 : memref<1x1x64xi32, #tpu.memory_space<vmem>> -> memref<64xi32, #tpu.memory_space<vmem>>
          %dma_start3A_291 = arith.constant 0 : i32
          %dma_start3A_292 = arith.constant 0 : i32
          %dma_start3A_293 = tpu.memref_slice %arg2[%dma_start3A_291, %dma_start3A_292] : memref<120000x128xi32, #tpu.memory_space<hbm>> -> memref<120000x128xi32, #tpu.memory_space<hbm>>
          %dma_start3A_294 = tpu.memref_slice %arg11[%rem3A_268] : memref<4x!tpu.dma_semaphore, #tpu.memory_space<semaphore_mem>> -> memref<1x!tpu.dma_semaphore, #tpu.memory_space<semaphore_mem>>
          %dma_start3A_295 = tpu.memref_squeeze %dma_start3A_294 : memref<1x!tpu.dma_semaphore, #tpu.memory_space<semaphore_mem>> -> memref<!tpu.dma_semaphore, #tpu.memory_space<semaphore_mem>>
          tpu.enqueue_indirect_dma source(%dma_start3A_293 : memref<120000x128xi32, #tpu.memory_space<hbm>>) target(%dma_start3A_287 : memref<64x128xi32, #tpu.memory_space<vmem>>) offsets(%dma_start3A_290 : memref<64xi32, #tpu.memory_space<vmem>>) semaphore(%dma_start3A_295 : memref<!tpu.dma_semaphore, #tpu.memory_space<semaphore_mem>>)
        } else {
        }
      }
      %scan3A_62 = arith.constant 5 : i32
      %dma_wait3A = arith.constant 0 : i32
      %dma_wait3A_63 = arith.constant 0 : i32
      %dma_wait3A_64 = arith.constant 0 : i32
      %dma_wait3A_65 = arith.constant 0 : i32
      %dma_wait3A_66 = arith.constant 0 : i32
      %dma_wait3A_67 = arith.constant 0 : i32
      %dma_wait3A_68 = tpu.memref_slice %arg9[%dma_wait3A, %dma_wait3A_66, %dma_wait3A_67] : memref<4x64x128xi32, #tpu.memory_space<vmem>> -> memref<1x64x128xi32, #tpu.memory_space<vmem>>
      %dma_wait3A_69 = tpu.memref_squeeze %dma_wait3A_68 : memref<1x64x128xi32, #tpu.memory_space<vmem>> -> memref<64x128xi32, #tpu.memory_space<vmem>>
      %dma_wait3A_70 = arith.constant 0 : i32
      %dma_wait3A_71 = tpu.memref_slice %arg8[%dma_wait3A_63, %dma_wait3A_64, %dma_wait3A_70] : memref<2x16x64xi32, #tpu.memory_space<vmem>> -> memref<1x1x64xi32, #tpu.memory_space<vmem>>
      %dma_wait3A_72 = tpu.memref_squeeze %dma_wait3A_71 : memref<1x1x64xi32, #tpu.memory_space<vmem>> -> memref<64xi32, #tpu.memory_space<vmem>>
      %dma_wait3A_73 = arith.constant 0 : i32
      %dma_wait3A_74 = arith.constant 0 : i32
      %dma_wait3A_75 = tpu.memref_slice %arg10[%dma_wait3A_73, %dma_wait3A_74] : memref<10240x128xi32, #tpu.memory_space<vmem_shared>> -> memref<10240x128xi32, #tpu.memory_space<vmem_shared>>
      %dma_wait3A_76 = tpu.memref_slice %arg12[%dma_wait3A_65] : memref<4x!tpu.dma_semaphore, #tpu.memory_space<semaphore_mem>> -> memref<1x!tpu.dma_semaphore, #tpu.memory_space<semaphore_mem>>
      %dma_wait3A_77 = tpu.memref_squeeze %dma_wait3A_76 : memref<1x!tpu.dma_semaphore, #tpu.memory_space<semaphore_mem>> -> memref<!tpu.dma_semaphore, #tpu.memory_space<semaphore_mem>>
      tpu.wait_indirect_dma semaphore(%dma_wait3A_77 : memref<!tpu.dma_semaphore, #tpu.memory_space<semaphore_mem>>) src(%dma_wait3A_69 : memref<64x128xi32, #tpu.memory_space<vmem>>) dst(%dma_wait3A_75 : memref<10240x128xi32, #tpu.memory_space<vmem_shared>>)
      %dma_wait3A_78 = arith.constant 1 : i32
      %dma_wait3A_79 = arith.constant 0 : i32
      %dma_wait3A_80 = arith.constant 0 : i32
      %dma_wait3A_81 = arith.constant 1 : i32
      %dma_wait3A_82 = arith.constant 0 : i32
      %dma_wait3A_83 = arith.constant 0 : i32
      %dma_wait3A_84 = tpu.memref_slice %arg9[%dma_wait3A_78, %dma_wait3A_82, %dma_wait3A_83] : memref<4x64x128xi32, #tpu.memory_space<vmem>> -> memref<1x64x128xi32, #tpu.memory_space<vmem>>
      %dma_wait3A_85 = tpu.memref_squeeze %dma_wait3A_84 : memref<1x64x128xi32, #tpu.memory_space<vmem>> -> memref<64x128xi32, #tpu.memory_space<vmem>>
      %dma_wait3A_86 = arith.constant 0 : i32
      %dma_wait3A_87 = tpu.memref_slice %arg8[%dma_wait3A_79, %dma_wait3A_80, %dma_wait3A_86] : memref<2x16x64xi32, #tpu.memory_space<vmem>> -> memref<1x1x64xi32, #tpu.memory_space<vmem>>
      %dma_wait3A_88 = tpu.memref_squeeze %dma_wait3A_87 : memref<1x1x64xi32, #tpu.memory_space<vmem>> -> memref<64xi32, #tpu.memory_space<vmem>>
      %dma_wait3A_89 = arith.constant 0 : i32
      %dma_wait3A_90 = arith.constant 0 : i32
      %dma_wait3A_91 = tpu.memref_slice %arg10[%dma_wait3A_89, %dma_wait3A_90] : memref<10240x128xi32, #tpu.memory_space<vmem_shared>> -> memref<10240x128xi32, #tpu.memory_space<vmem_shared>>
      %dma_wait3A_92 = tpu.memref_slice %arg12[%dma_wait3A_81] : memref<4x!tpu.dma_semaphore, #tpu.memory_space<semaphore_mem>> -> memref<1x!tpu.dma_semaphore, #tpu.memory_space<semaphore_mem>>
      %dma_wait3A_93 = tpu.memref_squeeze %dma_wait3A_92 : memref<1x!tpu.dma_semaphore, #tpu.memory_space<semaphore_mem>> -> memref<!tpu.dma_semaphore, #tpu.memory_space<semaphore_mem>>
      tpu.wait_indirect_dma semaphore(%dma_wait3A_93 : memref<!tpu.dma_semaphore, #tpu.memory_space<semaphore_mem>>) src(%dma_wait3A_85 : memref<64x128xi32, #tpu.memory_space<vmem>>) dst(%dma_wait3A_91 : memref<10240x128xi32, #tpu.memory_space<vmem_shared>>)
      %dma_wait3A_94 = arith.constant 2 : i32
      %dma_wait3A_95 = arith.constant 0 : i32
      %dma_wait3A_96 = arith.constant 0 : i32
      %dma_wait3A_97 = arith.constant 2 : i32
      %dma_wait3A_98 = arith.constant 0 : i32
      %dma_wait3A_99 = arith.constant 0 : i32
      %dma_wait3A_100 = tpu.memref_slice %arg9[%dma_wait3A_94, %dma_wait3A_98, %dma_wait3A_99] : memref<4x64x128xi32, #tpu.memory_space<vmem>> -> memref<1x64x128xi32, #tpu.memory_space<vmem>>
      %dma_wait3A_101 = tpu.memref_squeeze %dma_wait3A_100 : memref<1x64x128xi32, #tpu.memory_space<vmem>> -> memref<64x128xi32, #tpu.memory_space<vmem>>
      %dma_wait3A_102 = arith.constant 0 : i32
      %dma_wait3A_103 = tpu.memref_slice %arg8[%dma_wait3A_95, %dma_wait3A_96, %dma_wait3A_102] : memref<2x16x64xi32, #tpu.memory_space<vmem>> -> memref<1x1x64xi32, #tpu.memory_space<vmem>>
      %dma_wait3A_104 = tpu.memref_squeeze %dma_wait3A_103 : memref<1x1x64xi32, #tpu.memory_space<vmem>> -> memref<64xi32, #tpu.memory_space<vmem>>
      %dma_wait3A_105 = arith.constant 0 : i32
      %dma_wait3A_106 = arith.constant 0 : i32
      %dma_wait3A_107 = tpu.memref_slice %arg10[%dma_wait3A_105, %dma_wait3A_106] : memref<10240x128xi32, #tpu.memory_space<vmem_shared>> -> memref<10240x128xi32, #tpu.memory_space<vmem_shared>>
      %dma_wait3A_108 = tpu.memref_slice %arg12[%dma_wait3A_97] : memref<4x!tpu.dma_semaphore, #tpu.memory_space<semaphore_mem>> -> memref<1x!tpu.dma_semaphore, #tpu.memory_space<semaphore_mem>>
      %dma_wait3A_109 = tpu.memref_squeeze %dma_wait3A_108 : memref<1x!tpu.dma_semaphore, #tpu.memory_space<semaphore_mem>> -> memref<!tpu.dma_semaphore, #tpu.memory_space<semaphore_mem>>
      tpu.wait_indirect_dma semaphore(%dma_wait3A_109 : memref<!tpu.dma_semaphore, #tpu.memory_space<semaphore_mem>>) src(%dma_wait3A_101 : memref<64x128xi32, #tpu.memory_space<vmem>>) dst(%dma_wait3A_107 : memref<10240x128xi32, #tpu.memory_space<vmem_shared>>)
      %dma_wait3A_110 = arith.constant 3 : i32
      %dma_wait3A_111 = arith.constant 0 : i32
      %dma_wait3A_112 = arith.constant 0 : i32
      %dma_wait3A_113 = arith.constant 3 : i32
      %dma_wait3A_114 = arith.constant 0 : i32
      %dma_wait3A_115 = arith.constant 0 : i32
      %dma_wait3A_116 = tpu.memref_slice %arg9[%dma_wait3A_110, %dma_wait3A_114, %dma_wait3A_115] : memref<4x64x128xi32, #tpu.memory_space<vmem>> -> memref<1x64x128xi32, #tpu.memory_space<vmem>>
      %dma_wait3A_117 = tpu.memref_squeeze %dma_wait3A_116 : memref<1x64x128xi32, #tpu.memory_space<vmem>> -> memref<64x128xi32, #tpu.memory_space<vmem>>
      %dma_wait3A_118 = arith.constant 0 : i32
      %dma_wait3A_119 = tpu.memref_slice %arg8[%dma_wait3A_111, %dma_wait3A_112, %dma_wait3A_118] : memref<2x16x64xi32, #tpu.memory_space<vmem>> -> memref<1x1x64xi32, #tpu.memory_space<vmem>>
      %dma_wait3A_120 = tpu.memref_squeeze %dma_wait3A_119 : memref<1x1x64xi32, #tpu.memory_space<vmem>> -> memref<64xi32, #tpu.memory_space<vmem>>
      %dma_wait3A_121 = arith.constant 0 : i32
      %dma_wait3A_122 = arith.constant 0 : i32
      %dma_wait3A_123 = tpu.memref_slice %arg10[%dma_wait3A_121, %dma_wait3A_122] : memref<10240x128xi32, #tpu.memory_space<vmem_shared>> -> memref<10240x128xi32, #tpu.memory_space<vmem_shared>>
      %dma_wait3A_124 = tpu.memref_slice %arg12[%dma_wait3A_113] : memref<4x!tpu.dma_semaphore, #tpu.memory_space<semaphore_mem>> -> memref<1x!tpu.dma_semaphore, #tpu.memory_space<semaphore_mem>>
      %dma_wait3A_125 = tpu.memref_squeeze %dma_wait3A_124 : memref<1x!tpu.dma_semaphore, #tpu.memory_space<semaphore_mem>> -> memref<!tpu.dma_semaphore, #tpu.memory_space<semaphore_mem>>
      tpu.wait_indirect_dma semaphore(%dma_wait3A_125 : memref<!tpu.dma_semaphore, #tpu.memory_space<semaphore_mem>>) src(%dma_wait3A_117 : memref<64x128xi32, #tpu.memory_space<vmem>>) dst(%dma_wait3A_123 : memref<10240x128xi32, #tpu.memory_space<vmem_shared>>)
      %barrier3A_126 = arith.constant 0 : index
      tpu.barrier barrier_id(%barrier3A_126)
      %mul3A_127 = arith.constant 640 : i32
      %mul3A_128 = arith.muli %arg1, %mul3A_127 : i32
      %mul3A_129 = arith.constant 640 : i32
      %mul3A_130 = arith.muli %arg1, %mul3A_129 : i32
      "tpu.region"() ({
        %run_scoped3A_136 = tpu.sem_alloc : memref<!tpu.dma_semaphore, #tpu.memory_space<semaphore_mem>>
        %dma_start3A_137 = arith.constant 0 : i32
        %dma_start3A_138 = tpu.memref_slice %arg6[%scan3A_8, %arg0, %mul3A_130, %dma_start3A_137] : memref<12x2x10240x128xi32, #tpu.memory_space<hbm>> -> memref<1x1x640x128xi32, #tpu.memory_space<hbm>>
        %dma_start3A_139 = tpu.memref_squeeze %dma_start3A_138 : memref<1x1x640x128xi32, #tpu.memory_space<hbm>> -> memref<640x128xi32, #tpu.memory_space<hbm>>
        %dma_start3A_140 = arith.constant 0 : i32
        %dma_start3A_141 = tpu.memref_slice %arg10[%mul3A_128, %dma_start3A_140] : memref<10240x128xi32, #tpu.memory_space<vmem_shared>> -> memref<640x128xi32, #tpu.memory_space<vmem_shared>>
        tpu.enqueue_dma source(%dma_start3A_141 : memref<640x128xi32, #tpu.memory_space<vmem_shared>>) target(%dma_start3A_139 : memref<640x128xi32, #tpu.memory_space<hbm>>) target_semaphore(%run_scoped3A_136 : memref<!tpu.dma_semaphore, #tpu.memory_space<semaphore_mem>>)
        %dma_wait3A_142 = arith.constant 0 : i32
        %dma_wait3A_143 = tpu.memref_slice %arg6[%scan3A_8, %arg0, %mul3A_130, %dma_wait3A_142] : memref<12x2x10240x128xi32, #tpu.memory_space<hbm>> -> memref<1x1x640x128xi32, #tpu.memory_space<hbm>>
        %dma_wait3A_144 = tpu.memref_squeeze %dma_wait3A_143 : memref<1x1x640x128xi32, #tpu.memory_space<hbm>> -> memref<640x128xi32, #tpu.memory_space<hbm>>
        %dma_wait3A_145 = arith.constant 0 : i32
        %dma_wait3A_146 = tpu.memref_slice %arg10[%mul3A_128, %dma_wait3A_145] : memref<10240x128xi32, #tpu.memory_space<vmem_shared>> -> memref<640x128xi32, #tpu.memory_space<vmem_shared>>
        tpu.wait_dma2 semaphore(%run_scoped3A_136 : memref<!tpu.dma_semaphore, #tpu.memory_space<semaphore_mem>>) src(%dma_wait3A_146 : memref<640x128xi32, #tpu.memory_space<vmem_shared>>) dst(%dma_wait3A_144 : memref<640x128xi32, #tpu.memory_space<hbm>>)
        tpu.yield
      }) : () -> ()
      %mul3A_131 = arith.constant 640 : i32
      %mul3A_132 = arith.muli %arg1, %mul3A_131 : i32
      %mul3A_133 = arith.constant 640 : i32
      %mul3A_134 = arith.muli %arg1, %mul3A_133 : i32
      "tpu.region"() ({
        %run_scoped3A_136 = tpu.sem_alloc : memref<!tpu.dma_semaphore, #tpu.memory_space<semaphore_mem>>
        %dma_start3A_137 = arith.constant 0 : i32
        %dma_start3A_138 = tpu.memref_slice %arg10[%mul3A_134, %dma_start3A_137] : memref<10240x128xi32, #tpu.memory_space<vmem_shared>> -> memref<640x128xi32, #tpu.memory_space<vmem_shared>>
        %dma_start3A_139 = arith.constant 0 : i32
        %dma_start3A_140 = tpu.memref_slice %arg5[%mul3A_132, %dma_start3A_139] : memref<10240x128xi32, #tpu.memory_space<hbm>> -> memref<640x128xi32, #tpu.memory_space<hbm>>
        tpu.enqueue_dma source(%dma_start3A_140 : memref<640x128xi32, #tpu.memory_space<hbm>>) target(%dma_start3A_138 : memref<640x128xi32, #tpu.memory_space<vmem_shared>>) target_semaphore(%run_scoped3A_136 : memref<!tpu.dma_semaphore, #tpu.memory_space<semaphore_mem>>)
        %dma_wait3A_141 = arith.constant 0 : i32
        %dma_wait3A_142 = tpu.memref_slice %arg10[%mul3A_134, %dma_wait3A_141] : memref<10240x128xi32, #tpu.memory_space<vmem_shared>> -> memref<640x128xi32, #tpu.memory_space<vmem_shared>>
        %dma_wait3A_143 = arith.constant 0 : i32
        %dma_wait3A_144 = tpu.memref_slice %arg5[%mul3A_132, %dma_wait3A_143] : memref<10240x128xi32, #tpu.memory_space<hbm>> -> memref<640x128xi32, #tpu.memory_space<hbm>>
        tpu.wait_dma2 semaphore(%run_scoped3A_136 : memref<!tpu.dma_semaphore, #tpu.memory_space<semaphore_mem>>) src(%dma_wait3A_144 : memref<640x128xi32, #tpu.memory_space<hbm>>) dst(%dma_wait3A_142 : memref<640x128xi32, #tpu.memory_space<vmem_shared>>)
        tpu.yield
      }) : () -> ()
      %barrier3A_135 = arith.constant 0 : index
      tpu.barrier barrier_id(%barrier3A_135)
    }
    %scan3A_7 = arith.constant 12 : i32
    return
  }
}

#map = affine_map<(d0, d1) -> (0, 0)>
#map1 = affine_map<(d0, d1) -> (0, 0, 0, 0)>
module attributes {stable_mosaic.version = 14 : i64} {
  func.func @_emb_gather(%arg0: i32, %arg1: i32, %arg2: memref<3000x128xf32, #tpu.memory_space<hbm>>, %arg3: memref<2x16x90x128xi32, #tpu.memory_space<hbm>>, %arg4: memref<368640x128xf32, #tpu.memory_space<hbm>>, %arg5: memref<90x128xi32, #tpu.memory_space<vmem>>, %arg6: memref<4x128x128xf32, #tpu.memory_space<vmem>>, %arg7: memref<4x!tpu.dma_semaphore, #tpu.memory_space<semaphore_mem>>) attributes {dimension_semantics = [#tpu.dimension_semantics<core_parallel>, #tpu.dimension_semantics<subcore_parallel>], iteration_bounds = array<i64: 2, 16>, scalar_prefetch = 0 : i64, scratch_operands = 3 : i64, tpu.core_type = #tpu.core_type<sc_vector_subcore>, window_params = [{transform_indices = #map}, {transform_indices = #map1}, {transform_indices = #map}]} {
    %mul3A = arith.constant 16 : i32
    %mul3A_0 = arith.muli %arg0, %mul3A : i32
    %add3A = arith.addi %mul3A_0, %arg1 : i32
    %mul3A_1 = arith.constant 11520 : i32
    %mul3A_2 = arith.muli %add3A, %mul3A_1 : i32
    "tpu.region"() ({
      %run_scoped3A = tpu.sem_alloc : memref<!tpu.dma_semaphore, #tpu.memory_space<semaphore_mem>>
      %dma_start3A_52 = arith.constant 0 : i32
      %dma_start3A_53 = arith.constant 0 : i32
      %dma_start3A_54 = tpu.memref_slice %arg3[%arg0, %arg1, %dma_start3A_52, %dma_start3A_53] : memref<2x16x90x128xi32, #tpu.memory_space<hbm>> -> memref<1x1x90x128xi32, #tpu.memory_space<hbm>>
      %dma_start3A_55 = tpu.memref_squeeze %dma_start3A_54 : memref<1x1x90x128xi32, #tpu.memory_space<hbm>> -> memref<90x128xi32, #tpu.memory_space<hbm>>
      %dma_start3A_56 = arith.constant 0 : i32
      %dma_start3A_57 = arith.constant 0 : i32
      %dma_start3A_58 = tpu.memref_slice %arg3[%arg0, %arg1, %dma_start3A_56, %dma_start3A_57] : memref<2x16x90x128xi32, #tpu.memory_space<hbm>> -> memref<1x1x90x128xi32, #tpu.memory_space<hbm>>
      %dma_start3A_59 = tpu.memref_squeeze %dma_start3A_58 : memref<1x1x90x128xi32, #tpu.memory_space<hbm>> -> memref<90x128xi32, #tpu.memory_space<hbm>>
      tpu.enqueue_dma source(%dma_start3A_59 : memref<90x128xi32, #tpu.memory_space<hbm>>) target(%arg5 : memref<90x128xi32, #tpu.memory_space<vmem>>) target_semaphore(%run_scoped3A : memref<!tpu.dma_semaphore, #tpu.memory_space<semaphore_mem>>)
      %dma_wait3A = arith.constant 0 : i32
      %dma_wait3A_60 = arith.constant 0 : i32
      %dma_wait3A_61 = tpu.memref_slice %arg3[%arg0, %arg1, %dma_wait3A, %dma_wait3A_60] : memref<2x16x90x128xi32, #tpu.memory_space<hbm>> -> memref<1x1x90x128xi32, #tpu.memory_space<hbm>>
      %dma_wait3A_62 = tpu.memref_squeeze %dma_wait3A_61 : memref<1x1x90x128xi32, #tpu.memory_space<hbm>> -> memref<90x128xi32, #tpu.memory_space<hbm>>
      %dma_wait3A_63 = arith.constant 0 : i32
      %dma_wait3A_64 = arith.constant 0 : i32
      %dma_wait3A_65 = tpu.memref_slice %arg3[%arg0, %arg1, %dma_wait3A_63, %dma_wait3A_64] : memref<2x16x90x128xi32, #tpu.memory_space<hbm>> -> memref<1x1x90x128xi32, #tpu.memory_space<hbm>>
      %dma_wait3A_66 = tpu.memref_squeeze %dma_wait3A_65 : memref<1x1x90x128xi32, #tpu.memory_space<hbm>> -> memref<90x128xi32, #tpu.memory_space<hbm>>
      tpu.wait_dma2 semaphore(%run_scoped3A : memref<!tpu.dma_semaphore, #tpu.memory_space<semaphore_mem>>) src(%dma_wait3A_66 : memref<90x128xi32, #tpu.memory_space<hbm>>) dst(%arg5 : memref<90x128xi32, #tpu.memory_space<vmem>>)
      tpu.yield
    }) : () -> ()
    %dma_start3A = arith.constant 0 : i32
    %dma_start3A_3 = arith.constant 0 : i32
    %dma_start3A_4 = arith.constant 0 : i32
    %dma_start3A_5 = arith.constant 0 : i32
    %dma_start3A_6 = arith.constant 0 : i32
    %dma_start3A_7 = tpu.memref_slice %arg6[%dma_start3A_3, %dma_start3A_5, %dma_start3A_6] : memref<4x128x128xf32, #tpu.memory_space<vmem>> -> memref<1x128x128xf32, #tpu.memory_space<vmem>>
    %dma_start3A_8 = tpu.memref_squeeze %dma_start3A_7 : memref<1x128x128xf32, #tpu.memory_space<vmem>> -> memref<128x128xf32, #tpu.memory_space<vmem>>
    %dma_start3A_9 = arith.constant 0 : i32
    %dma_start3A_10 = tpu.memref_slice %arg5[%dma_start3A, %dma_start3A_9] : memref<90x128xi32, #tpu.memory_space<vmem>> -> memref<1x128xi32, #tpu.memory_space<vmem>>
    %dma_start3A_11 = tpu.memref_squeeze %dma_start3A_10 : memref<1x128xi32, #tpu.memory_space<vmem>> -> memref<128xi32, #tpu.memory_space<vmem>>
    %dma_start3A_12 = arith.constant 0 : i32
    %dma_start3A_13 = arith.constant 0 : i32
    %dma_start3A_14 = tpu.memref_slice %arg2[%dma_start3A_12, %dma_start3A_13] : memref<3000x128xf32, #tpu.memory_space<hbm>> -> memref<3000x128xf32, #tpu.memory_space<hbm>>
    %dma_start3A_15 = tpu.memref_slice %arg7[%dma_start3A_4] : memref<4x!tpu.dma_semaphore, #tpu.memory_space<semaphore_mem>> -> memref<1x!tpu.dma_semaphore, #tpu.memory_space<semaphore_mem>>
    %dma_start3A_16 = tpu.memref_squeeze %dma_start3A_15 : memref<1x!tpu.dma_semaphore, #tpu.memory_space<semaphore_mem>> -> memref<!tpu.dma_semaphore, #tpu.memory_space<semaphore_mem>>
    tpu.enqueue_indirect_dma source(%dma_start3A_14 : memref<3000x128xf32, #tpu.memory_space<hbm>>) target(%dma_start3A_8 : memref<128x128xf32, #tpu.memory_space<vmem>>) offsets(%dma_start3A_11 : memref<128xi32, #tpu.memory_space<vmem>>) semaphore(%dma_start3A_16 : memref<!tpu.dma_semaphore, #tpu.memory_space<semaphore_mem>>)
    %dma_start3A_17 = arith.constant 1 : i32
    %dma_start3A_18 = arith.constant 1 : i32
    %dma_start3A_19 = arith.constant 1 : i32
    %dma_start3A_20 = arith.constant 0 : i32
    %dma_start3A_21 = arith.constant 0 : i32
    %dma_start3A_22 = tpu.memref_slice %arg6[%dma_start3A_18, %dma_start3A_20, %dma_start3A_21] : memref<4x128x128xf32, #tpu.memory_space<vmem>> -> memref<1x128x128xf32, #tpu.memory_space<vmem>>
    %dma_start3A_23 = tpu.memref_squeeze %dma_start3A_22 : memref<1x128x128xf32, #tpu.memory_space<vmem>> -> memref<128x128xf32, #tpu.memory_space<vmem>>
    %dma_start3A_24 = arith.constant 0 : i32
    %dma_start3A_25 = tpu.memref_slice %arg5[%dma_start3A_17, %dma_start3A_24] : memref<90x128xi32, #tpu.memory_space<vmem>> -> memref<1x128xi32, #tpu.memory_space<vmem>>
    %dma_start3A_26 = tpu.memref_squeeze %dma_start3A_25 : memref<1x128xi32, #tpu.memory_space<vmem>> -> memref<128xi32, #tpu.memory_space<vmem>>
    %dma_start3A_27 = arith.constant 0 : i32
    %dma_start3A_28 = arith.constant 0 : i32
    %dma_start3A_29 = tpu.memref_slice %arg2[%dma_start3A_27, %dma_start3A_28] : memref<3000x128xf32, #tpu.memory_space<hbm>> -> memref<3000x128xf32, #tpu.memory_space<hbm>>
    %dma_start3A_30 = tpu.memref_slice %arg7[%dma_start3A_19] : memref<4x!tpu.dma_semaphore, #tpu.memory_space<semaphore_mem>> -> memref<1x!tpu.dma_semaphore, #tpu.memory_space<semaphore_mem>>
    %dma_start3A_31 = tpu.memref_squeeze %dma_start3A_30 : memref<1x!tpu.dma_semaphore, #tpu.memory_space<semaphore_mem>> -> memref<!tpu.dma_semaphore, #tpu.memory_space<semaphore_mem>>
    tpu.enqueue_indirect_dma source(%dma_start3A_29 : memref<3000x128xf32, #tpu.memory_space<hbm>>) target(%dma_start3A_23 : memref<128x128xf32, #tpu.memory_space<vmem>>) offsets(%dma_start3A_26 : memref<128xi32, #tpu.memory_space<vmem>>) semaphore(%dma_start3A_31 : memref<!tpu.dma_semaphore, #tpu.memory_space<semaphore_mem>>)
    %dma_start3A_32 = arith.constant 2 : i32
    %dma_start3A_33 = arith.constant 2 : i32
    %dma_start3A_34 = arith.constant 2 : i32
    %dma_start3A_35 = arith.constant 0 : i32
    %dma_start3A_36 = arith.constant 0 : i32
    %dma_start3A_37 = tpu.memref_slice %arg6[%dma_start3A_33, %dma_start3A_35, %dma_start3A_36] : memref<4x128x128xf32, #tpu.memory_space<vmem>> -> memref<1x128x128xf32, #tpu.memory_space<vmem>>
    %dma_start3A_38 = tpu.memref_squeeze %dma_start3A_37 : memref<1x128x128xf32, #tpu.memory_space<vmem>> -> memref<128x128xf32, #tpu.memory_space<vmem>>
    %dma_start3A_39 = arith.constant 0 : i32
    %dma_start3A_40 = tpu.memref_slice %arg5[%dma_start3A_32, %dma_start3A_39] : memref<90x128xi32, #tpu.memory_space<vmem>> -> memref<1x128xi32, #tpu.memory_space<vmem>>
    %dma_start3A_41 = tpu.memref_squeeze %dma_start3A_40 : memref<1x128xi32, #tpu.memory_space<vmem>> -> memref<128xi32, #tpu.memory_space<vmem>>
    %dma_start3A_42 = arith.constant 0 : i32
    %dma_start3A_43 = arith.constant 0 : i32
    %dma_start3A_44 = tpu.memref_slice %arg2[%dma_start3A_42, %dma_start3A_43] : memref<3000x128xf32, #tpu.memory_space<hbm>> -> memref<3000x128xf32, #tpu.memory_space<hbm>>
    %dma_start3A_45 = tpu.memref_slice %arg7[%dma_start3A_34] : memref<4x!tpu.dma_semaphore, #tpu.memory_space<semaphore_mem>> -> memref<1x!tpu.dma_semaphore, #tpu.memory_space<semaphore_mem>>
    %dma_start3A_46 = tpu.memref_squeeze %dma_start3A_45 : memref<1x!tpu.dma_semaphore, #tpu.memory_space<semaphore_mem>> -> memref<!tpu.dma_semaphore, #tpu.memory_space<semaphore_mem>>
    tpu.enqueue_indirect_dma source(%dma_start3A_44 : memref<3000x128xf32, #tpu.memory_space<hbm>>) target(%dma_start3A_38 : memref<128x128xf32, #tpu.memory_space<vmem>>) offsets(%dma_start3A_41 : memref<128xi32, #tpu.memory_space<vmem>>) semaphore(%dma_start3A_46 : memref<!tpu.dma_semaphore, #tpu.memory_space<semaphore_mem>>)
    %scan3A = arith.constant 0 : i32
    %scan3A_47 = arith.constant 0 : i32
    %scan3A_48 = arith.constant 90 : i32
    %scan3A_49 = arith.addi %scan3A_47, %scan3A_48 : i32
    %scan3A_50 = arith.constant 1 : i32
    scf.for %scan3A_52 = %scan3A_47 to %scan3A_49 step %scan3A_50  : i32 {
      %rem3A = arith.constant 4 : i32
      %rem3A_53 = arith.remsi %scan3A_52, %rem3A : i32
      %lt3A = arith.constant 87 : i32
      %lt3A_54 = arith.cmpi slt, %scan3A_52, %lt3A : i32
      %convert_element_type3A = arith.extui %lt3A_54 : i1 to i32
      %cond3A = arith.constant 0 : i32
      %cond3A_55 = arith.cmpi ne, %convert_element_type3A, %cond3A : i32
      scf.if %cond3A_55 {
        %add3A_70 = arith.constant 3 : i32
        %add3A_71 = arith.addi %scan3A_52, %add3A_70 : i32
        %rem3A_72 = arith.constant 4 : i32
        %rem3A_73 = arith.remsi %add3A_71, %rem3A_72 : i32
        %add3A_74 = arith.constant 3 : i32
        %add3A_75 = arith.addi %scan3A_52, %add3A_74 : i32
        %dma_start3A_76 = arith.constant 0 : i32
        %dma_start3A_77 = arith.constant 0 : i32
        %dma_start3A_78 = tpu.memref_slice %arg6[%rem3A_73, %dma_start3A_76, %dma_start3A_77] : memref<4x128x128xf32, #tpu.memory_space<vmem>> -> memref<1x128x128xf32, #tpu.memory_space<vmem>>
        %dma_start3A_79 = tpu.memref_squeeze %dma_start3A_78 : memref<1x128x128xf32, #tpu.memory_space<vmem>> -> memref<128x128xf32, #tpu.memory_space<vmem>>
        %dma_start3A_80 = arith.constant 0 : i32
        %dma_start3A_81 = tpu.memref_slice %arg5[%add3A_75, %dma_start3A_80] : memref<90x128xi32, #tpu.memory_space<vmem>> -> memref<1x128xi32, #tpu.memory_space<vmem>>
        %dma_start3A_82 = tpu.memref_squeeze %dma_start3A_81 : memref<1x128xi32, #tpu.memory_space<vmem>> -> memref<128xi32, #tpu.memory_space<vmem>>
        %dma_start3A_83 = arith.constant 0 : i32
        %dma_start3A_84 = arith.constant 0 : i32
        %dma_start3A_85 = tpu.memref_slice %arg2[%dma_start3A_83, %dma_start3A_84] : memref<3000x128xf32, #tpu.memory_space<hbm>> -> memref<3000x128xf32, #tpu.memory_space<hbm>>
        %dma_start3A_86 = tpu.memref_slice %arg7[%rem3A_73] : memref<4x!tpu.dma_semaphore, #tpu.memory_space<semaphore_mem>> -> memref<1x!tpu.dma_semaphore, #tpu.memory_space<semaphore_mem>>
        %dma_start3A_87 = tpu.memref_squeeze %dma_start3A_86 : memref<1x!tpu.dma_semaphore, #tpu.memory_space<semaphore_mem>> -> memref<!tpu.dma_semaphore, #tpu.memory_space<semaphore_mem>>
        tpu.enqueue_indirect_dma source(%dma_start3A_85 : memref<3000x128xf32, #tpu.memory_space<hbm>>) target(%dma_start3A_79 : memref<128x128xf32, #tpu.memory_space<vmem>>) offsets(%dma_start3A_82 : memref<128xi32, #tpu.memory_space<vmem>>) semaphore(%dma_start3A_87 : memref<!tpu.dma_semaphore, #tpu.memory_space<semaphore_mem>>)
      } else {
      }
      %dma_wait3A = arith.constant 0 : i32
      %dma_wait3A_56 = arith.constant 0 : i32
      %dma_wait3A_57 = tpu.memref_slice %arg6[%rem3A_53, %dma_wait3A, %dma_wait3A_56] : memref<4x128x128xf32, #tpu.memory_space<vmem>> -> memref<1x128x128xf32, #tpu.memory_space<vmem>>
      %dma_wait3A_58 = tpu.memref_squeeze %dma_wait3A_57 : memref<1x128x128xf32, #tpu.memory_space<vmem>> -> memref<128x128xf32, #tpu.memory_space<vmem>>
      %dma_wait3A_59 = arith.constant 0 : i32
      %dma_wait3A_60 = tpu.memref_slice %arg5[%scan3A_52, %dma_wait3A_59] : memref<90x128xi32, #tpu.memory_space<vmem>> -> memref<1x128xi32, #tpu.memory_space<vmem>>
      %dma_wait3A_61 = tpu.memref_squeeze %dma_wait3A_60 : memref<1x128xi32, #tpu.memory_space<vmem>> -> memref<128xi32, #tpu.memory_space<vmem>>
      %dma_wait3A_62 = arith.constant 0 : i32
      %dma_wait3A_63 = arith.constant 0 : i32
      %dma_wait3A_64 = tpu.memref_slice %arg2[%dma_wait3A_62, %dma_wait3A_63] : memref<3000x128xf32, #tpu.memory_space<hbm>> -> memref<3000x128xf32, #tpu.memory_space<hbm>>
      %dma_wait3A_65 = tpu.memref_slice %arg7[%rem3A_53] : memref<4x!tpu.dma_semaphore, #tpu.memory_space<semaphore_mem>> -> memref<1x!tpu.dma_semaphore, #tpu.memory_space<semaphore_mem>>
      %dma_wait3A_66 = tpu.memref_squeeze %dma_wait3A_65 : memref<1x!tpu.dma_semaphore, #tpu.memory_space<semaphore_mem>> -> memref<!tpu.dma_semaphore, #tpu.memory_space<semaphore_mem>>
      tpu.wait_indirect_dma semaphore(%dma_wait3A_66 : memref<!tpu.dma_semaphore, #tpu.memory_space<semaphore_mem>>) src(%dma_wait3A_64 : memref<3000x128xf32, #tpu.memory_space<hbm>>) dst(%dma_wait3A_58 : memref<128x128xf32, #tpu.memory_space<vmem>>)
      %mul3A_67 = arith.constant 128 : i32
      %mul3A_68 = arith.muli %scan3A_52, %mul3A_67 : i32
      %add3A_69 = arith.addi %mul3A_2, %mul3A_68 : i32
      "tpu.region"() ({
        %run_scoped3A = tpu.sem_alloc : memref<!tpu.dma_semaphore, #tpu.memory_space<semaphore_mem>>
        %dma_start3A_70 = arith.constant 0 : i32
        %dma_start3A_71 = arith.constant 0 : i32
        %dma_start3A_72 = tpu.memref_slice %arg6[%rem3A_53, %dma_start3A_70, %dma_start3A_71] : memref<4x128x128xf32, #tpu.memory_space<vmem>> -> memref<1x128x128xf32, #tpu.memory_space<vmem>>
        %dma_start3A_73 = tpu.memref_squeeze %dma_start3A_72 : memref<1x128x128xf32, #tpu.memory_space<vmem>> -> memref<128x128xf32, #tpu.memory_space<vmem>>
        %dma_start3A_74 = arith.constant 0 : i32
        %dma_start3A_75 = tpu.memref_slice %arg4[%add3A_69, %dma_start3A_74] : memref<368640x128xf32, #tpu.memory_space<hbm>> -> memref<128x128xf32, #tpu.memory_space<hbm>>
        %dma_start3A_76 = arith.constant 0 : i32
        %dma_start3A_77 = tpu.memref_slice %arg4[%add3A_69, %dma_start3A_76] : memref<368640x128xf32, #tpu.memory_space<hbm>> -> memref<128x128xf32, #tpu.memory_space<hbm>>
        %dma_start3A_78 = arith.constant 0 : i32
        %dma_start3A_79 = arith.constant 0 : i32
        %dma_start3A_80 = tpu.memref_slice %arg6[%rem3A_53, %dma_start3A_78, %dma_start3A_79] : memref<4x128x128xf32, #tpu.memory_space<vmem>> -> memref<1x128x128xf32, #tpu.memory_space<vmem>>
        %dma_start3A_81 = tpu.memref_squeeze %dma_start3A_80 : memref<1x128x128xf32, #tpu.memory_space<vmem>> -> memref<128x128xf32, #tpu.memory_space<vmem>>
        tpu.enqueue_dma source(%dma_start3A_81 : memref<128x128xf32, #tpu.memory_space<vmem>>) target(%dma_start3A_77 : memref<128x128xf32, #tpu.memory_space<hbm>>) target_semaphore(%run_scoped3A : memref<!tpu.dma_semaphore, #tpu.memory_space<semaphore_mem>>)
        %dma_wait3A_82 = arith.constant 0 : i32
        %dma_wait3A_83 = arith.constant 0 : i32
        %dma_wait3A_84 = tpu.memref_slice %arg6[%rem3A_53, %dma_wait3A_82, %dma_wait3A_83] : memref<4x128x128xf32, #tpu.memory_space<vmem>> -> memref<1x128x128xf32, #tpu.memory_space<vmem>>
        %dma_wait3A_85 = tpu.memref_squeeze %dma_wait3A_84 : memref<1x128x128xf32, #tpu.memory_space<vmem>> -> memref<128x128xf32, #tpu.memory_space<vmem>>
        %dma_wait3A_86 = arith.constant 0 : i32
        %dma_wait3A_87 = tpu.memref_slice %arg4[%add3A_69, %dma_wait3A_86] : memref<368640x128xf32, #tpu.memory_space<hbm>> -> memref<128x128xf32, #tpu.memory_space<hbm>>
        %dma_wait3A_88 = arith.constant 0 : i32
        %dma_wait3A_89 = tpu.memref_slice %arg4[%add3A_69, %dma_wait3A_88] : memref<368640x128xf32, #tpu.memory_space<hbm>> -> memref<128x128xf32, #tpu.memory_space<hbm>>
        %dma_wait3A_90 = arith.constant 0 : i32
        %dma_wait3A_91 = arith.constant 0 : i32
        %dma_wait3A_92 = tpu.memref_slice %arg6[%rem3A_53, %dma_wait3A_90, %dma_wait3A_91] : memref<4x128x128xf32, #tpu.memory_space<vmem>> -> memref<1x128x128xf32, #tpu.memory_space<vmem>>
        %dma_wait3A_93 = tpu.memref_squeeze %dma_wait3A_92 : memref<1x128x128xf32, #tpu.memory_space<vmem>> -> memref<128x128xf32, #tpu.memory_space<vmem>>
        tpu.wait_dma2 semaphore(%run_scoped3A : memref<!tpu.dma_semaphore, #tpu.memory_space<semaphore_mem>>) src(%dma_wait3A_93 : memref<128x128xf32, #tpu.memory_space<vmem>>) dst(%dma_wait3A_89 : memref<128x128xf32, #tpu.memory_space<hbm>>)
        tpu.yield
      }) : () -> ()
    }
    %scan3A_51 = arith.constant 90 : i32
    return
  }
}

#map = affine_map<(d0, d1) -> (0, 0, 0, 0, 0)>
#map1 = affine_map<(d0, d1) -> (0, 0, 0)>
module attributes {stable_mosaic.version = 14 : i64} {
  func.func @_degree(%arg0: i32, %arg1: i32, %arg2: memref<12x2x16x40x128xi32, #tpu.memory_space<hbm>>, %arg3: memref<12x2x10240xf32, #tpu.memory_space<hbm>>, %arg4: memref<40x128xi32, #tpu.memory_space<vmem>>, %arg5: memref<128xf32, #tpu.memory_space<vmem>>, %arg6: memref<640xf32, #tpu.memory_space<vmem>>, %arg7: memref<10240xf32, #tpu.memory_space<vmem_shared>>) attributes {dimension_semantics = [#tpu.dimension_semantics<core_parallel>, #tpu.dimension_semantics<subcore_parallel>], iteration_bounds = array<i64: 2, 16>, scalar_prefetch = 0 : i64, scratch_operands = 4 : i64, tpu.core_type = #tpu.core_type<sc_vector_subcore>, window_params = [{transform_indices = #map}, {transform_indices = #map1}]} {
    %scan3A = arith.constant 0 : i32
    %scan3A_0 = arith.constant 0 : i32
    %scan3A_1 = arith.constant 8 : i32
    %scan3A_2 = arith.addi %scan3A_0, %scan3A_1 : i32
    %scan3A_3 = arith.constant 1 : i32
    scf.for %scan3A_17 = %scan3A_0 to %scan3A_2 step %scan3A_3  : i32 {
      %broadcast_in_dim3A = arith.constant 1.000000e+00 : f32
      %broadcast_in_dim3A_18 = vector.broadcast %broadcast_in_dim3A : f32 to vector<16xf32>
      %mul3A = arith.constant 16 : i32
      %mul3A_19 = arith.muli %scan3A_17, %mul3A : i32
      %swap3A = arith.index_cast %mul3A_19 : i32 to index
      %swap3A_20 = tpu.vector_load %arg5[%swap3A] {strides = array<i32>} : memref<128xf32, #tpu.memory_space<vmem>>, vector<16xf32>,
      %swap3A_21 = vector.shape_cast %swap3A_20 : vector<16xf32> to vector<16xf32>
      %swap3A_22 = vector.shape_cast %broadcast_in_dim3A_18 : vector<16xf32> to vector<16xf32>
      tpu.vector_store %arg5[%swap3A], %swap3A_22 {strides = array<i32>} : memref<128xf32, #tpu.memory_space<vmem>>, vector<16xf32>,
    }
    %scan3A_4 = arith.constant 8 : i32
    %scan3A_5 = arith.constant 0 : i32
    %scan3A_6 = arith.constant 0 : i32
    %scan3A_7 = arith.constant 40 : i32
    %scan3A_8 = arith.addi %scan3A_6, %scan3A_7 : i32
    %scan3A_9 = arith.constant 1 : i32
    scf.for %scan3A_17 = %scan3A_6 to %scan3A_8 step %scan3A_9  : i32 {
      %broadcast_in_dim3A = arith.constant 0.000000e+00 : f32
      %broadcast_in_dim3A_18 = vector.broadcast %broadcast_in_dim3A : f32 to vector<16xf32>
      %mul3A = arith.constant 16 : i32
      %mul3A_19 = arith.muli %scan3A_17, %mul3A : i32
      %swap3A = arith.index_cast %mul3A_19 : i32 to index
      %swap3A_20 = tpu.vector_load %arg6[%swap3A] {strides = array<i32>} : memref<640xf32, #tpu.memory_space<vmem>>, vector<16xf32>,
      %swap3A_21 = vector.shape_cast %swap3A_20 : vector<16xf32> to vector<16xf32>
      %swap3A_22 = vector.shape_cast %broadcast_in_dim3A_18 : vector<16xf32> to vector<16xf32>
      tpu.vector_store %arg6[%swap3A], %swap3A_22 {strides = array<i32>} : memref<640xf32, #tpu.memory_space<vmem>>, vector<16xf32>,
    }
    %scan3A_10 = arith.constant 40 : i32
    %scan3A_11 = arith.constant 0 : i32
    %scan3A_12 = arith.constant 0 : i32
    %scan3A_13 = arith.constant 12 : i32
    %scan3A_14 = arith.addi %scan3A_12, %scan3A_13 : i32
    %scan3A_15 = arith.constant 1 : i32
    scf.for %scan3A_17 = %scan3A_12 to %scan3A_14 step %scan3A_15  : i32 {
      %mul3A = arith.constant 640 : i32
      %mul3A_18 = arith.muli %arg1, %mul3A : i32
      "tpu.region"() ({
        %run_scoped3A = tpu.sem_alloc : memref<!tpu.dma_semaphore, #tpu.memory_space<semaphore_mem>>
        %dma_start3A = tpu.memref_slice %arg7[%mul3A_18] : memref<10240xf32, #tpu.memory_space<vmem_shared>> -> memref<640xf32, #tpu.memory_space<vmem_shared>>
        %dma_start3A_31 = tpu.memref_slice %arg7[%mul3A_18] : memref<10240xf32, #tpu.memory_space<vmem_shared>> -> memref<640xf32, #tpu.memory_space<vmem_shared>>
        tpu.enqueue_dma source(%arg6 : memref<640xf32, #tpu.memory_space<vmem>>) target(%dma_start3A_31 : memref<640xf32, #tpu.memory_space<vmem_shared>>) target_semaphore(%run_scoped3A : memref<!tpu.dma_semaphore, #tpu.memory_space<semaphore_mem>>)
        %dma_wait3A = tpu.memref_slice %arg7[%mul3A_18] : memref<10240xf32, #tpu.memory_space<vmem_shared>> -> memref<640xf32, #tpu.memory_space<vmem_shared>>
        %dma_wait3A_32 = tpu.memref_slice %arg7[%mul3A_18] : memref<10240xf32, #tpu.memory_space<vmem_shared>> -> memref<640xf32, #tpu.memory_space<vmem_shared>>
        tpu.wait_dma2 semaphore(%run_scoped3A : memref<!tpu.dma_semaphore, #tpu.memory_space<semaphore_mem>>) src(%arg6 : memref<640xf32, #tpu.memory_space<vmem>>) dst(%dma_wait3A_32 : memref<640xf32, #tpu.memory_space<vmem_shared>>)
        tpu.yield
      }) : () -> ()
      %barrier3A = arith.constant 0 : index
      tpu.barrier barrier_id(%barrier3A)
      "tpu.region"() ({
        %run_scoped3A = tpu.sem_alloc : memref<!tpu.dma_semaphore, #tpu.memory_space<semaphore_mem>>
        %dma_start3A = arith.constant 0 : i32
        %dma_start3A_31 = arith.constant 0 : i32
        %dma_start3A_32 = tpu.memref_slice %arg2[%scan3A_17, %arg0, %arg1, %dma_start3A, %dma_start3A_31] : memref<12x2x16x40x128xi32, #tpu.memory_space<hbm>> -> memref<1x1x1x40x128xi32, #tpu.memory_space<hbm>>
        %dma_start3A_33 = tpu.memref_squeeze %dma_start3A_32 : memref<1x1x1x40x128xi32, #tpu.memory_space<hbm>> -> memref<40x128xi32, #tpu.memory_space<hbm>>
        %dma_start3A_34 = arith.constant 0 : i32
        %dma_start3A_35 = arith.constant 0 : i32
        %dma_start3A_36 = tpu.memref_slice %arg2[%scan3A_17, %arg0, %arg1, %dma_start3A_34, %dma_start3A_35] : memref<12x2x16x40x128xi32, #tpu.memory_space<hbm>> -> memref<1x1x1x40x128xi32, #tpu.memory_space<hbm>>
        %dma_start3A_37 = tpu.memref_squeeze %dma_start3A_36 : memref<1x1x1x40x128xi32, #tpu.memory_space<hbm>> -> memref<40x128xi32, #tpu.memory_space<hbm>>
        tpu.enqueue_dma source(%dma_start3A_37 : memref<40x128xi32, #tpu.memory_space<hbm>>) target(%arg4 : memref<40x128xi32, #tpu.memory_space<vmem>>) target_semaphore(%run_scoped3A : memref<!tpu.dma_semaphore, #tpu.memory_space<semaphore_mem>>)
        %dma_wait3A = arith.constant 0 : i32
        %dma_wait3A_38 = arith.constant 0 : i32
        %dma_wait3A_39 = tpu.memref_slice %arg2[%scan3A_17, %arg0, %arg1, %dma_wait3A, %dma_wait3A_38] : memref<12x2x16x40x128xi32, #tpu.memory_space<hbm>> -> memref<1x1x1x40x128xi32, #tpu.memory_space<hbm>>
        %dma_wait3A_40 = tpu.memref_squeeze %dma_wait3A_39 : memref<1x1x1x40x128xi32, #tpu.memory_space<hbm>> -> memref<40x128xi32, #tpu.memory_space<hbm>>
        %dma_wait3A_41 = arith.constant 0 : i32
        %dma_wait3A_42 = arith.constant 0 : i32
        %dma_wait3A_43 = tpu.memref_slice %arg2[%scan3A_17, %arg0, %arg1, %dma_wait3A_41, %dma_wait3A_42] : memref<12x2x16x40x128xi32, #tpu.memory_space<hbm>> -> memref<1x1x1x40x128xi32, #tpu.memory_space<hbm>>
        %dma_wait3A_44 = tpu.memref_squeeze %dma_wait3A_43 : memref<1x1x1x40x128xi32, #tpu.memory_space<hbm>> -> memref<40x128xi32, #tpu.memory_space<hbm>>
        tpu.wait_dma2 semaphore(%run_scoped3A : memref<!tpu.dma_semaphore, #tpu.memory_space<semaphore_mem>>) src(%dma_wait3A_44 : memref<40x128xi32, #tpu.memory_space<hbm>>) dst(%arg4 : memref<40x128xi32, #tpu.memory_space<vmem>>)
        tpu.yield
      }) : () -> ()
      %scan3A_19 = arith.constant 0 : i32
      %scan3A_20 = arith.constant 0 : i32
      %scan3A_21 = arith.constant 40 : i32
      %scan3A_22 = arith.addi %scan3A_20, %scan3A_21 : i32
      %scan3A_23 = arith.constant 1 : i32
      scf.for %scan3A_31 = %scan3A_20 to %scan3A_22 step %scan3A_23  : i32 {
        "tpu.region"() ({
          %run_scoped3A = tpu.sem_alloc : memref<!tpu.dma_semaphore, #tpu.memory_space<semaphore_mem>>
          %dma_start3A = arith.constant 0 : i32
          %dma_start3A_32 = tpu.memref_slice %arg4[%scan3A_31, %dma_start3A] : memref<40x128xi32, #tpu.memory_space<vmem>> -> memref<1x128xi32, #tpu.memory_space<vmem>>
          %dma_start3A_33 = tpu.memref_squeeze %dma_start3A_32 : memref<1x128xi32, #tpu.memory_space<vmem>> -> memref<128xi32, #tpu.memory_space<vmem>>
          %dma_start3A_34 = arith.constant 0 : i32
          %dma_start3A_35 = tpu.memref_slice %arg7[%dma_start3A_34] : memref<10240xf32, #tpu.memory_space<vmem_shared>> -> memref<10240xf32, #tpu.memory_space<vmem_shared>>
          tpu.enqueue_indirect_dma source(%arg5 : memref<128xf32, #tpu.memory_space<vmem>>) target(%dma_start3A_35 : memref<10240xf32, #tpu.memory_space<vmem_shared>>) offsets(%dma_start3A_33 : memref<128xi32, #tpu.memory_space<vmem>>) semaphore(%run_scoped3A : memref<!tpu.dma_semaphore, #tpu.memory_space<semaphore_mem>>) {add = true}
          %dma_wait3A = arith.constant 0 : i32
          %dma_wait3A_36 = tpu.memref_slice %arg4[%scan3A_31, %dma_wait3A] : memref<40x128xi32, #tpu.memory_space<vmem>> -> memref<1x128xi32, #tpu.memory_space<vmem>>
          %dma_wait3A_37 = tpu.memref_squeeze %dma_wait3A_36 : memref<1x128xi32, #tpu.memory_space<vmem>> -> memref<128xi32, #tpu.memory_space<vmem>>
          %dma_wait3A_38 = arith.constant 0 : i32
          %dma_wait3A_39 = tpu.memref_slice %arg7[%dma_wait3A_38] : memref<10240xf32, #tpu.memory_space<vmem_shared>> -> memref<10240xf32, #tpu.memory_space<vmem_shared>>
          tpu.wait_indirect_dma semaphore(%run_scoped3A : memref<!tpu.dma_semaphore, #tpu.memory_space<semaphore_mem>>) src(%arg5 : memref<128xf32, #tpu.memory_space<vmem>>) dst(%dma_wait3A_39 : memref<10240xf32, #tpu.memory_space<vmem_shared>>)
          tpu.yield
        }) : () -> ()
      }
      %scan3A_24 = arith.constant 40 : i32
      %barrier3A_25 = arith.constant 0 : index
      tpu.barrier barrier_id(%barrier3A_25)
      %mul3A_26 = arith.constant 640 : i32
      %mul3A_27 = arith.muli %arg1, %mul3A_26 : i32
      %mul3A_28 = arith.constant 640 : i32
      %mul3A_29 = arith.muli %arg1, %mul3A_28 : i32
      "tpu.region"() ({
        %run_scoped3A = tpu.sem_alloc : memref<!tpu.dma_semaphore, #tpu.memory_space<semaphore_mem>>
        %dma_start3A = tpu.memref_slice %arg3[%scan3A_17, %arg0, %mul3A_29] : memref<12x2x10240xf32, #tpu.memory_space<hbm>> -> memref<1x1x640xf32, #tpu.memory_space<hbm>>
        %dma_start3A_31 = tpu.memref_squeeze %dma_start3A : memref<1x1x640xf32, #tpu.memory_space<hbm>> -> memref<640xf32, #tpu.memory_space<hbm>>
        %dma_start3A_32 = tpu.memref_slice %arg7[%mul3A_27] : memref<10240xf32, #tpu.memory_space<vmem_shared>> -> memref<640xf32, #tpu.memory_space<vmem_shared>>
        tpu.enqueue_dma source(%dma_start3A_32 : memref<640xf32, #tpu.memory_space<vmem_shared>>) target(%dma_start3A_31 : memref<640xf32, #tpu.memory_space<hbm>>) target_semaphore(%run_scoped3A : memref<!tpu.dma_semaphore, #tpu.memory_space<semaphore_mem>>)
        %dma_wait3A = tpu.memref_slice %arg3[%scan3A_17, %arg0, %mul3A_29] : memref<12x2x10240xf32, #tpu.memory_space<hbm>> -> memref<1x1x640xf32, #tpu.memory_space<hbm>>
        %dma_wait3A_33 = tpu.memref_squeeze %dma_wait3A : memref<1x1x640xf32, #tpu.memory_space<hbm>> -> memref<640xf32, #tpu.memory_space<hbm>>
        %dma_wait3A_34 = tpu.memref_slice %arg7[%mul3A_27] : memref<10240xf32, #tpu.memory_space<vmem_shared>> -> memref<640xf32, #tpu.memory_space<vmem_shared>>
        tpu.wait_dma2 semaphore(%run_scoped3A : memref<!tpu.dma_semaphore, #tpu.memory_space<semaphore_mem>>) src(%dma_wait3A_34 : memref<640xf32, #tpu.memory_space<vmem_shared>>) dst(%dma_wait3A_33 : memref<640xf32, #tpu.memory_space<hbm>>)
        tpu.yield
      }) : () -> ()
      %barrier3A_30 = arith.constant 0 : index
      tpu.barrier barrier_id(%barrier3A_30)
    }
    %scan3A_16 = arith.constant 12 : i32
    return
  }
}

#map = affine_map<(d0, d1) -> (0, 0)>
#map1 = affine_map<(d0, d1) -> (0, 0, 0, 0, 0)>
#map2 = affine_map<(d0, d1) -> (0, 0, 0, 0)>
module attributes {stable_mosaic.version = 14 : i64} {
  func.func @conv(%arg0: i32, %arg1: i32, %arg2: memref<120000x128xf32, #tpu.memory_space<hbm>>, %arg3: memref<12x2x16x80x64xi32, #tpu.memory_space<hbm>>, %arg4: memref<12x2x16x80x64xi32, #tpu.memory_space<hbm>>, %arg5: memref<10240x128xf32, #tpu.memory_space<hbm>>, %arg6: memref<12x2x10240x128xf32, #tpu.memory_space<hbm>>, %arg7: memref<2x16x64xi32, #tpu.memory_space<vmem>>, %arg8: memref<2x16x64xi32, #tpu.memory_space<vmem>>, %arg9: memref<4x64x128xf32, #tpu.memory_space<vmem>>, %arg10: memref<10240x128xf32, #tpu.memory_space<vmem_shared>>, %arg11: memref<4x!tpu.dma_semaphore, #tpu.memory_space<semaphore_mem>>, %arg12: memref<4x!tpu.dma_semaphore, #tpu.memory_space<semaphore_mem>>, %arg13: memref<2x!tpu.dma_semaphore, #tpu.memory_space<semaphore_mem>>) attributes {dimension_semantics = [#tpu.dimension_semantics<core_parallel>, #tpu.dimension_semantics<subcore_parallel>], iteration_bounds = array<i64: 2, 16>, scalar_prefetch = 0 : i64, scratch_operands = 7 : i64, tpu.core_type = #tpu.core_type<sc_vector_subcore>, window_params = [{transform_indices = #map}, {transform_indices = #map1}, {transform_indices = #map1}, {transform_indices = #map}, {transform_indices = #map2}]} {
    %mul3A = arith.constant 640 : i32
    %mul3A_0 = arith.muli %arg1, %mul3A : i32
    %mul3A_1 = arith.constant 640 : i32
    %mul3A_2 = arith.muli %arg1, %mul3A_1 : i32
    "tpu.region"() ({
      %run_scoped3A = tpu.sem_alloc : memref<!tpu.dma_semaphore, #tpu.memory_space<semaphore_mem>>
      %dma_start3A = arith.constant 0 : i32
      %dma_start3A_8 = tpu.memref_slice %arg10[%mul3A_2, %dma_start3A] : memref<10240x128xf32, #tpu.memory_space<vmem_shared>> -> memref<640x128xf32, #tpu.memory_space<vmem_shared>>
      %dma_start3A_9 = arith.constant 0 : i32
      %dma_start3A_10 = tpu.memref_slice %arg5[%mul3A_0, %dma_start3A_9] : memref<10240x128xf32, #tpu.memory_space<hbm>> -> memref<640x128xf32, #tpu.memory_space<hbm>>
      tpu.enqueue_dma source(%dma_start3A_10 : memref<640x128xf32, #tpu.memory_space<hbm>>) target(%dma_start3A_8 : memref<640x128xf32, #tpu.memory_space<vmem_shared>>) target_semaphore(%run_scoped3A : memref<!tpu.dma_semaphore, #tpu.memory_space<semaphore_mem>>)
      %dma_wait3A = arith.constant 0 : i32
      %dma_wait3A_11 = tpu.memref_slice %arg10[%mul3A_2, %dma_wait3A] : memref<10240x128xf32, #tpu.memory_space<vmem_shared>> -> memref<640x128xf32, #tpu.memory_space<vmem_shared>>
      %dma_wait3A_12 = arith.constant 0 : i32
      %dma_wait3A_13 = tpu.memref_slice %arg5[%mul3A_0, %dma_wait3A_12] : memref<10240x128xf32, #tpu.memory_space<hbm>> -> memref<640x128xf32, #tpu.memory_space<hbm>>
      tpu.wait_dma2 semaphore(%run_scoped3A : memref<!tpu.dma_semaphore, #tpu.memory_space<semaphore_mem>>) src(%dma_wait3A_13 : memref<640x128xf32, #tpu.memory_space<hbm>>) dst(%dma_wait3A_11 : memref<640x128xf32, #tpu.memory_space<vmem_shared>>)
      tpu.yield
    }) : () -> ()
    %barrier3A = arith.constant 0 : index
    tpu.barrier barrier_id(%barrier3A)
    %scan3A = arith.constant 0 : i32
    %scan3A_3 = arith.constant 0 : i32
    %scan3A_4 = arith.constant 12 : i32
    %scan3A_5 = arith.addi %scan3A_3, %scan3A_4 : i32
    %scan3A_6 = arith.constant 1 : i32
    scf.for %scan3A_8 = %scan3A_3 to %scan3A_5 step %scan3A_6  : i32 {
      %run_scoped3A = arith.constant 0 : i32
      "tpu.region"() ({
        %run_scoped3A_136 = tpu.sem_alloc : memref<!tpu.dma_semaphore, #tpu.memory_space<semaphore_mem>>
        %dma_start3A_137 = arith.constant 0 : i32
        %dma_start3A_138 = arith.constant 0 : i32
        %dma_start3A_139 = tpu.memref_slice %arg7[%run_scoped3A, %dma_start3A_137, %dma_start3A_138] : memref<2x16x64xi32, #tpu.memory_space<vmem>> -> memref<1x16x64xi32, #tpu.memory_space<vmem>>
        %dma_start3A_140 = tpu.memref_squeeze %dma_start3A_139 : memref<1x16x64xi32, #tpu.memory_space<vmem>> -> memref<16x64xi32, #tpu.memory_space<vmem>>
        %dma_start3A_141 = arith.constant 0 : i32
        %dma_start3A_142 = arith.constant 0 : i32
        %dma_start3A_143 = tpu.memref_slice %arg3[%scan3A_8, %arg0, %arg1, %dma_start3A_141, %dma_start3A_142] : memref<12x2x16x80x64xi32, #tpu.memory_space<hbm>> -> memref<1x1x1x16x64xi32, #tpu.memory_space<hbm>>
        %dma_start3A_144 = tpu.memref_squeeze %dma_start3A_143 : memref<1x1x1x16x64xi32, #tpu.memory_space<hbm>> -> memref<16x64xi32, #tpu.memory_space<hbm>>
        %dma_start3A_145 = arith.constant 0 : i32
        %dma_start3A_146 = arith.constant 0 : i32
        %dma_start3A_147 = tpu.memref_slice %arg7[%run_scoped3A, %dma_start3A_145, %dma_start3A_146] : memref<2x16x64xi32, #tpu.memory_space<vmem>> -> memref<1x16x64xi32, #tpu.memory_space<vmem>>
        %dma_start3A_148 = tpu.memref_squeeze %dma_start3A_147 : memref<1x16x64xi32, #tpu.memory_space<vmem>> -> memref<16x64xi32, #tpu.memory_space<vmem>>
        %dma_start3A_149 = arith.constant 0 : i32
        %dma_start3A_150 = arith.constant 0 : i32
        %dma_start3A_151 = tpu.memref_slice %arg3[%scan3A_8, %arg0, %arg1, %dma_start3A_149, %dma_start3A_150] : memref<12x2x16x80x64xi32, #tpu.memory_space<hbm>> -> memref<1x1x1x16x64xi32, #tpu.memory_space<hbm>>
        %dma_start3A_152 = tpu.memref_squeeze %dma_start3A_151 : memref<1x1x1x16x64xi32, #tpu.memory_space<hbm>> -> memref<16x64xi32, #tpu.memory_space<hbm>>
        tpu.enqueue_dma source(%dma_start3A_152 : memref<16x64xi32, #tpu.memory_space<hbm>>) target(%dma_start3A_148 : memref<16x64xi32, #tpu.memory_space<vmem>>) target_semaphore(%run_scoped3A_136 : memref<!tpu.dma_semaphore, #tpu.memory_space<semaphore_mem>>)
        %dma_wait3A_153 = arith.constant 0 : i32
        %dma_wait3A_154 = arith.constant 0 : i32
        %dma_wait3A_155 = tpu.memref_slice %arg7[%run_scoped3A, %dma_wait3A_153, %dma_wait3A_154] : memref<2x16x64xi32, #tpu.memory_space<vmem>> -> memref<1x16x64xi32, #tpu.memory_space<vmem>>
        %dma_wait3A_156 = tpu.memref_squeeze %dma_wait3A_155 : memref<1x16x64xi32, #tpu.memory_space<vmem>> -> memref<16x64xi32, #tpu.memory_space<vmem>>
        %dma_wait3A_157 = arith.constant 0 : i32
        %dma_wait3A_158 = arith.constant 0 : i32
        %dma_wait3A_159 = tpu.memref_slice %arg3[%scan3A_8, %arg0, %arg1, %dma_wait3A_157, %dma_wait3A_158] : memref<12x2x16x80x64xi32, #tpu.memory_space<hbm>> -> memref<1x1x1x16x64xi32, #tpu.memory_space<hbm>>
        %dma_wait3A_160 = tpu.memref_squeeze %dma_wait3A_159 : memref<1x1x1x16x64xi32, #tpu.memory_space<hbm>> -> memref<16x64xi32, #tpu.memory_space<hbm>>
        %dma_wait3A_161 = arith.constant 0 : i32
        %dma_wait3A_162 = arith.constant 0 : i32
        %dma_wait3A_163 = tpu.memref_slice %arg7[%run_scoped3A, %dma_wait3A_161, %dma_wait3A_162] : memref<2x16x64xi32, #tpu.memory_space<vmem>> -> memref<1x16x64xi32, #tpu.memory_space<vmem>>
        %dma_wait3A_164 = tpu.memref_squeeze %dma_wait3A_163 : memref<1x16x64xi32, #tpu.memory_space<vmem>> -> memref<16x64xi32, #tpu.memory_space<vmem>>
        %dma_wait3A_165 = arith.constant 0 : i32
        %dma_wait3A_166 = arith.constant 0 : i32
        %dma_wait3A_167 = tpu.memref_slice %arg3[%scan3A_8, %arg0, %arg1, %dma_wait3A_165, %dma_wait3A_166] : memref<12x2x16x80x64xi32, #tpu.memory_space<hbm>> -> memref<1x1x1x16x64xi32, #tpu.memory_space<hbm>>
        %dma_wait3A_168 = tpu.memref_squeeze %dma_wait3A_167 : memref<1x1x1x16x64xi32, #tpu.memory_space<hbm>> -> memref<16x64xi32, #tpu.memory_space<hbm>>
        tpu.wait_dma2 semaphore(%run_scoped3A_136 : memref<!tpu.dma_semaphore, #tpu.memory_space<semaphore_mem>>) src(%dma_wait3A_168 : memref<16x64xi32, #tpu.memory_space<hbm>>) dst(%dma_wait3A_164 : memref<16x64xi32, #tpu.memory_space<vmem>>)
        tpu.yield
      }) : () -> ()
      %run_scoped3A_9 = arith.constant 0 : i32
      "tpu.region"() ({
        %run_scoped3A_136 = tpu.sem_alloc : memref<!tpu.dma_semaphore, #tpu.memory_space<semaphore_mem>>
        %dma_start3A_137 = arith.constant 0 : i32
        %dma_start3A_138 = arith.constant 0 : i32
        %dma_start3A_139 = tpu.memref_slice %arg8[%run_scoped3A_9, %dma_start3A_137, %dma_start3A_138] : memref<2x16x64xi32, #tpu.memory_space<vmem>> -> memref<1x16x64xi32, #tpu.memory_space<vmem>>
        %dma_start3A_140 = tpu.memref_squeeze %dma_start3A_139 : memref<1x16x64xi32, #tpu.memory_space<vmem>> -> memref<16x64xi32, #tpu.memory_space<vmem>>
        %dma_start3A_141 = arith.constant 0 : i32
        %dma_start3A_142 = arith.constant 0 : i32
        %dma_start3A_143 = tpu.memref_slice %arg4[%scan3A_8, %arg0, %arg1, %dma_start3A_141, %dma_start3A_142] : memref<12x2x16x80x64xi32, #tpu.memory_space<hbm>> -> memref<1x1x1x16x64xi32, #tpu.memory_space<hbm>>
        %dma_start3A_144 = tpu.memref_squeeze %dma_start3A_143 : memref<1x1x1x16x64xi32, #tpu.memory_space<hbm>> -> memref<16x64xi32, #tpu.memory_space<hbm>>
        %dma_start3A_145 = arith.constant 0 : i32
        %dma_start3A_146 = arith.constant 0 : i32
        %dma_start3A_147 = tpu.memref_slice %arg8[%run_scoped3A_9, %dma_start3A_145, %dma_start3A_146] : memref<2x16x64xi32, #tpu.memory_space<vmem>> -> memref<1x16x64xi32, #tpu.memory_space<vmem>>
        %dma_start3A_148 = tpu.memref_squeeze %dma_start3A_147 : memref<1x16x64xi32, #tpu.memory_space<vmem>> -> memref<16x64xi32, #tpu.memory_space<vmem>>
        %dma_start3A_149 = arith.constant 0 : i32
        %dma_start3A_150 = arith.constant 0 : i32
        %dma_start3A_151 = tpu.memref_slice %arg4[%scan3A_8, %arg0, %arg1, %dma_start3A_149, %dma_start3A_150] : memref<12x2x16x80x64xi32, #tpu.memory_space<hbm>> -> memref<1x1x1x16x64xi32, #tpu.memory_space<hbm>>
        %dma_start3A_152 = tpu.memref_squeeze %dma_start3A_151 : memref<1x1x1x16x64xi32, #tpu.memory_space<hbm>> -> memref<16x64xi32, #tpu.memory_space<hbm>>
        tpu.enqueue_dma source(%dma_start3A_152 : memref<16x64xi32, #tpu.memory_space<hbm>>) target(%dma_start3A_148 : memref<16x64xi32, #tpu.memory_space<vmem>>) target_semaphore(%run_scoped3A_136 : memref<!tpu.dma_semaphore, #tpu.memory_space<semaphore_mem>>)
        %dma_wait3A_153 = arith.constant 0 : i32
        %dma_wait3A_154 = arith.constant 0 : i32
        %dma_wait3A_155 = tpu.memref_slice %arg8[%run_scoped3A_9, %dma_wait3A_153, %dma_wait3A_154] : memref<2x16x64xi32, #tpu.memory_space<vmem>> -> memref<1x16x64xi32, #tpu.memory_space<vmem>>
        %dma_wait3A_156 = tpu.memref_squeeze %dma_wait3A_155 : memref<1x16x64xi32, #tpu.memory_space<vmem>> -> memref<16x64xi32, #tpu.memory_space<vmem>>
        %dma_wait3A_157 = arith.constant 0 : i32
        %dma_wait3A_158 = arith.constant 0 : i32
        %dma_wait3A_159 = tpu.memref_slice %arg4[%scan3A_8, %arg0, %arg1, %dma_wait3A_157, %dma_wait3A_158] : memref<12x2x16x80x64xi32, #tpu.memory_space<hbm>> -> memref<1x1x1x16x64xi32, #tpu.memory_space<hbm>>
        %dma_wait3A_160 = tpu.memref_squeeze %dma_wait3A_159 : memref<1x1x1x16x64xi32, #tpu.memory_space<hbm>> -> memref<16x64xi32, #tpu.memory_space<hbm>>
        %dma_wait3A_161 = arith.constant 0 : i32
        %dma_wait3A_162 = arith.constant 0 : i32
        %dma_wait3A_163 = tpu.memref_slice %arg8[%run_scoped3A_9, %dma_wait3A_161, %dma_wait3A_162] : memref<2x16x64xi32, #tpu.memory_space<vmem>> -> memref<1x16x64xi32, #tpu.memory_space<vmem>>
        %dma_wait3A_164 = tpu.memref_squeeze %dma_wait3A_163 : memref<1x16x64xi32, #tpu.memory_space<vmem>> -> memref<16x64xi32, #tpu.memory_space<vmem>>
        %dma_wait3A_165 = arith.constant 0 : i32
        %dma_wait3A_166 = arith.constant 0 : i32
        %dma_wait3A_167 = tpu.memref_slice %arg4[%scan3A_8, %arg0, %arg1, %dma_wait3A_165, %dma_wait3A_166] : memref<12x2x16x80x64xi32, #tpu.memory_space<hbm>> -> memref<1x1x1x16x64xi32, #tpu.memory_space<hbm>>
        %dma_wait3A_168 = tpu.memref_squeeze %dma_wait3A_167 : memref<1x1x1x16x64xi32, #tpu.memory_space<hbm>> -> memref<16x64xi32, #tpu.memory_space<hbm>>
        tpu.wait_dma2 semaphore(%run_scoped3A_136 : memref<!tpu.dma_semaphore, #tpu.memory_space<semaphore_mem>>) src(%dma_wait3A_168 : memref<16x64xi32, #tpu.memory_space<hbm>>) dst(%dma_wait3A_164 : memref<16x64xi32, #tpu.memory_space<vmem>>)
        tpu.yield
      }) : () -> ()
      %dma_start3A = arith.constant 0 : i32
      %dma_start3A_10 = arith.constant 0 : i32
      %dma_start3A_11 = arith.constant 0 : i32
      %dma_start3A_12 = arith.constant 0 : i32
      %dma_start3A_13 = arith.constant 0 : i32
      %dma_start3A_14 = arith.constant 0 : i32
      %dma_start3A_15 = tpu.memref_slice %arg9[%dma_start3A_11, %dma_start3A_13, %dma_start3A_14] : memref<4x64x128xf32, #tpu.memory_space<vmem>> -> memref<1x64x128xf32, #tpu.memory_space<vmem>>
      %dma_start3A_16 = tpu.memref_squeeze %dma_start3A_15 : memref<1x64x128xf32, #tpu.memory_space<vmem>> -> memref<64x128xf32, #tpu.memory_space<vmem>>
      %dma_start3A_17 = arith.constant 0 : i32
      %dma_start3A_18 = tpu.memref_slice %arg7[%dma_start3A, %dma_start3A_10, %dma_start3A_17] : memref<2x16x64xi32, #tpu.memory_space<vmem>> -> memref<1x1x64xi32, #tpu.memory_space<vmem>>
      %dma_start3A_19 = tpu.memref_squeeze %dma_start3A_18 : memref<1x1x64xi32, #tpu.memory_space<vmem>> -> memref<64xi32, #tpu.memory_space<vmem>>
      %dma_start3A_20 = arith.constant 0 : i32
      %dma_start3A_21 = arith.constant 0 : i32
      %dma_start3A_22 = tpu.memref_slice %arg2[%dma_start3A_20, %dma_start3A_21] : memref<120000x128xf32, #tpu.memory_space<hbm>> -> memref<120000x128xf32, #tpu.memory_space<hbm>>
      %dma_start3A_23 = tpu.memref_slice %arg11[%dma_start3A_12] : memref<4x!tpu.dma_semaphore, #tpu.memory_space<semaphore_mem>> -> memref<1x!tpu.dma_semaphore, #tpu.memory_space<semaphore_mem>>
      %dma_start3A_24 = tpu.memref_squeeze %dma_start3A_23 : memref<1x!tpu.dma_semaphore, #tpu.memory_space<semaphore_mem>> -> memref<!tpu.dma_semaphore, #tpu.memory_space<semaphore_mem>>
      tpu.enqueue_indirect_dma source(%dma_start3A_22 : memref<120000x128xf32, #tpu.memory_space<hbm>>) target(%dma_start3A_16 : memref<64x128xf32, #tpu.memory_space<vmem>>) offsets(%dma_start3A_19 : memref<64xi32, #tpu.memory_space<vmem>>) semaphore(%dma_start3A_24 : memref<!tpu.dma_semaphore, #tpu.memory_space<semaphore_mem>>)
      %dma_start3A_25 = arith.constant 0 : i32
      %dma_start3A_26 = arith.constant 1 : i32
      %dma_start3A_27 = arith.constant 1 : i32
      %dma_start3A_28 = arith.constant 1 : i32
      %dma_start3A_29 = arith.constant 0 : i32
      %dma_start3A_30 = arith.constant 0 : i32
      %dma_start3A_31 = tpu.memref_slice %arg9[%dma_start3A_27, %dma_start3A_29, %dma_start3A_30] : memref<4x64x128xf32, #tpu.memory_space<vmem>> -> memref<1x64x128xf32, #tpu.memory_space<vmem>>
      %dma_start3A_32 = tpu.memref_squeeze %dma_start3A_31 : memref<1x64x128xf32, #tpu.memory_space<vmem>> -> memref<64x128xf32, #tpu.memory_space<vmem>>
      %dma_start3A_33 = arith.constant 0 : i32
      %dma_start3A_34 = tpu.memref_slice %arg7[%dma_start3A_25, %dma_start3A_26, %dma_start3A_33] : memref<2x16x64xi32, #tpu.memory_space<vmem>> -> memref<1x1x64xi32, #tpu.memory_space<vmem>>
      %dma_start3A_35 = tpu.memref_squeeze %dma_start3A_34 : memref<1x1x64xi32, #tpu.memory_space<vmem>> -> memref<64xi32, #tpu.memory_space<vmem>>
      %dma_start3A_36 = arith.constant 0 : i32
      %dma_start3A_37 = arith.constant 0 : i32
      %dma_start3A_38 = tpu.memref_slice %arg2[%dma_start3A_36, %dma_start3A_37] : memref<120000x128xf32, #tpu.memory_space<hbm>> -> memref<120000x128xf32, #tpu.memory_space<hbm>>
      %dma_start3A_39 = tpu.memref_slice %arg11[%dma_start3A_28] : memref<4x!tpu.dma_semaphore, #tpu.memory_space<semaphore_mem>> -> memref<1x!tpu.dma_semaphore, #tpu.memory_space<semaphore_mem>>
      %dma_start3A_40 = tpu.memref_squeeze %dma_start3A_39 : memref<1x!tpu.dma_semaphore, #tpu.memory_space<semaphore_mem>> -> memref<!tpu.dma_semaphore, #tpu.memory_space<semaphore_mem>>
      tpu.enqueue_indirect_dma source(%dma_start3A_38 : memref<120000x128xf32, #tpu.memory_space<hbm>>) target(%dma_start3A_32 : memref<64x128xf32, #tpu.memory_space<vmem>>) offsets(%dma_start3A_35 : memref<64xi32, #tpu.memory_space<vmem>>) semaphore(%dma_start3A_40 : memref<!tpu.dma_semaphore, #tpu.memory_space<semaphore_mem>>)
      %dma_start3A_41 = arith.constant 0 : i32
      %dma_start3A_42 = arith.constant 2 : i32
      %dma_start3A_43 = arith.constant 2 : i32
      %dma_start3A_44 = arith.constant 2 : i32
      %dma_start3A_45 = arith.constant 0 : i32
      %dma_start3A_46 = arith.constant 0 : i32
      %dma_start3A_47 = tpu.memref_slice %arg9[%dma_start3A_43, %dma_start3A_45, %dma_start3A_46] : memref<4x64x128xf32, #tpu.memory_space<vmem>> -> memref<1x64x128xf32, #tpu.memory_space<vmem>>
      %dma_start3A_48 = tpu.memref_squeeze %dma_start3A_47 : memref<1x64x128xf32, #tpu.memory_space<vmem>> -> memref<64x128xf32, #tpu.memory_space<vmem>>
      %dma_start3A_49 = arith.constant 0 : i32
      %dma_start3A_50 = tpu.memref_slice %arg7[%dma_start3A_41, %dma_start3A_42, %dma_start3A_49] : memref<2x16x64xi32, #tpu.memory_space<vmem>> -> memref<1x1x64xi32, #tpu.memory_space<vmem>>
      %dma_start3A_51 = tpu.memref_squeeze %dma_start3A_50 : memref<1x1x64xi32, #tpu.memory_space<vmem>> -> memref<64xi32, #tpu.memory_space<vmem>>
      %dma_start3A_52 = arith.constant 0 : i32
      %dma_start3A_53 = arith.constant 0 : i32
      %dma_start3A_54 = tpu.memref_slice %arg2[%dma_start3A_52, %dma_start3A_53] : memref<120000x128xf32, #tpu.memory_space<hbm>> -> memref<120000x128xf32, #tpu.memory_space<hbm>>
      %dma_start3A_55 = tpu.memref_slice %arg11[%dma_start3A_44] : memref<4x!tpu.dma_semaphore, #tpu.memory_space<semaphore_mem>> -> memref<1x!tpu.dma_semaphore, #tpu.memory_space<semaphore_mem>>
      %dma_start3A_56 = tpu.memref_squeeze %dma_start3A_55 : memref<1x!tpu.dma_semaphore, #tpu.memory_space<semaphore_mem>> -> memref<!tpu.dma_semaphore, #tpu.memory_space<semaphore_mem>>
      tpu.enqueue_indirect_dma source(%dma_start3A_54 : memref<120000x128xf32, #tpu.memory_space<hbm>>) target(%dma_start3A_48 : memref<64x128xf32, #tpu.memory_space<vmem>>) offsets(%dma_start3A_51 : memref<64xi32, #tpu.memory_space<vmem>>) semaphore(%dma_start3A_56 : memref<!tpu.dma_semaphore, #tpu.memory_space<semaphore_mem>>)
      %scan3A_57 = arith.constant 0 : i32
      %scan3A_58 = arith.constant 0 : i32
      %scan3A_59 = arith.constant 5 : i32
      %scan3A_60 = arith.addi %scan3A_58, %scan3A_59 : i32
      %scan3A_61 = arith.constant 1 : i32
      scf.for %scan3A_136 = %scan3A_58 to %scan3A_60 step %scan3A_61  : i32 {
        %rem3A = arith.constant 2 : i32
        %rem3A_137 = arith.remsi %scan3A_136, %rem3A : i32
        %add3A = arith.constant 1 : i32
        %add3A_138 = arith.addi %scan3A_136, %add3A : i32
        %rem3A_139 = arith.constant 2 : i32
        %rem3A_140 = arith.remsi %add3A_138, %rem3A_139 : i32
        %scan3A_141 = arith.constant 0 : i32
        %scan3A_142 = arith.constant 0 : i32
        %scan3A_143 = arith.constant 16 : i32
        %scan3A_144 = arith.addi %scan3A_142, %scan3A_143 : i32
        %scan3A_145 = arith.constant 1 : i32
        scf.for %scan3A_149 = %scan3A_142 to %scan3A_144 step %scan3A_145  : i32 {
          %mul3A_150 = arith.constant 16 : i32
          %mul3A_151 = arith.muli %scan3A_136, %mul3A_150 : i32
          %add3A_152 = arith.addi %mul3A_151, %scan3A_149 : i32
          %rem3A_153 = arith.constant 4 : i32
          %rem3A_154 = arith.remsi %add3A_152, %rem3A_153 : i32
          %dma_wait3A_155 = arith.constant 0 : i32
          %dma_wait3A_156 = arith.constant 0 : i32
          %dma_wait3A_157 = tpu.memref_slice %arg9[%rem3A_154, %dma_wait3A_155, %dma_wait3A_156] : memref<4x64x128xf32, #tpu.memory_space<vmem>> -> memref<1x64x128xf32, #tpu.memory_space<vmem>>
          %dma_wait3A_158 = tpu.memref_squeeze %dma_wait3A_157 : memref<1x64x128xf32, #tpu.memory_space<vmem>> -> memref<64x128xf32, #tpu.memory_space<vmem>>
          %dma_wait3A_159 = arith.constant 0 : i32
          %dma_wait3A_160 = tpu.memref_slice %arg7[%rem3A_137, %scan3A_149, %dma_wait3A_159] : memref<2x16x64xi32, #tpu.memory_space<vmem>> -> memref<1x1x64xi32, #tpu.memory_space<vmem>>
          %dma_wait3A_161 = tpu.memref_squeeze %dma_wait3A_160 : memref<1x1x64xi32, #tpu.memory_space<vmem>> -> memref<64xi32, #tpu.memory_space<vmem>>
          %dma_wait3A_162 = arith.constant 0 : i32
          %dma_wait3A_163 = arith.constant 0 : i32
          %dma_wait3A_164 = tpu.memref_slice %arg2[%dma_wait3A_162, %dma_wait3A_163] : memref<120000x128xf32, #tpu.memory_space<hbm>> -> memref<120000x128xf32, #tpu.memory_space<hbm>>
          %dma_wait3A_165 = tpu.memref_slice %arg11[%rem3A_154] : memref<4x!tpu.dma_semaphore, #tpu.memory_space<semaphore_mem>> -> memref<1x!tpu.dma_semaphore, #tpu.memory_space<semaphore_mem>>
          %dma_wait3A_166 = tpu.memref_squeeze %dma_wait3A_165 : memref<1x!tpu.dma_semaphore, #tpu.memory_space<semaphore_mem>> -> memref<!tpu.dma_semaphore, #tpu.memory_space<semaphore_mem>>
          tpu.wait_indirect_dma semaphore(%dma_wait3A_166 : memref<!tpu.dma_semaphore, #tpu.memory_space<semaphore_mem>>) src(%dma_wait3A_164 : memref<120000x128xf32, #tpu.memory_space<hbm>>) dst(%dma_wait3A_158 : memref<64x128xf32, #tpu.memory_space<vmem>>)
          %dma_start3A_167 = arith.constant 0 : i32
          %dma_start3A_168 = arith.constant 0 : i32
          %dma_start3A_169 = tpu.memref_slice %arg9[%rem3A_154, %dma_start3A_167, %dma_start3A_168] : memref<4x64x128xf32, #tpu.memory_space<vmem>> -> memref<1x64x128xf32, #tpu.memory_space<vmem>>
          %dma_start3A_170 = tpu.memref_squeeze %dma_start3A_169 : memref<1x64x128xf32, #tpu.memory_space<vmem>> -> memref<64x128xf32, #tpu.memory_space<vmem>>
          %dma_start3A_171 = arith.constant 0 : i32
          %dma_start3A_172 = tpu.memref_slice %arg8[%rem3A_137, %scan3A_149, %dma_start3A_171] : memref<2x16x64xi32, #tpu.memory_space<vmem>> -> memref<1x1x64xi32, #tpu.memory_space<vmem>>
          %dma_start3A_173 = tpu.memref_squeeze %dma_start3A_172 : memref<1x1x64xi32, #tpu.memory_space<vmem>> -> memref<64xi32, #tpu.memory_space<vmem>>
          %dma_start3A_174 = arith.constant 0 : i32
          %dma_start3A_175 = arith.constant 0 : i32
          %dma_start3A_176 = tpu.memref_slice %arg10[%dma_start3A_174, %dma_start3A_175] : memref<10240x128xf32, #tpu.memory_space<vmem_shared>> -> memref<10240x128xf32, #tpu.memory_space<vmem_shared>>
          %dma_start3A_177 = tpu.memref_slice %arg12[%rem3A_154] : memref<4x!tpu.dma_semaphore, #tpu.memory_space<semaphore_mem>> -> memref<1x!tpu.dma_semaphore, #tpu.memory_space<semaphore_mem>>
          %dma_start3A_178 = tpu.memref_squeeze %dma_start3A_177 : memref<1x!tpu.dma_semaphore, #tpu.memory_space<semaphore_mem>> -> memref<!tpu.dma_semaphore, #tpu.memory_space<semaphore_mem>>
          tpu.enqueue_indirect_dma source(%dma_start3A_170 : memref<64x128xf32, #tpu.memory_space<vmem>>) target(%dma_start3A_176 : memref<10240x128xf32, #tpu.memory_space<vmem_shared>>) offsets(%dma_start3A_173 : memref<64xi32, #tpu.memory_space<vmem>>) semaphore(%dma_start3A_178 : memref<!tpu.dma_semaphore, #tpu.memory_space<semaphore_mem>>) {add = true}
          %eq3A = arith.constant 1 : i32
          %eq3A_179 = arith.cmpi eq, %scan3A_149, %eq3A : i32
          %lt3A_180 = arith.constant 4 : i32
          %lt3A_181 = arith.cmpi slt, %scan3A_136, %lt3A_180 : i32
          %and3A = arith.andi %eq3A_179, %lt3A_181 : i1
          %convert_element_type3A_182 = arith.extui %and3A : i1 to i32
          %cond3A_183 = arith.constant 0 : i32
          %cond3A_184 = arith.cmpi ne, %convert_element_type3A_182, %cond3A_183 : i32
          scf.if %cond3A_184 {
            %add3A_190 = arith.constant 1 : i32
            %add3A_191 = arith.addi %scan3A_136, %add3A_190 : i32
            %mul3A_192 = arith.constant 16 : i32
            %mul3A_193 = arith.muli %add3A_191, %mul3A_192 : i32
            %dma_start3A_194 = arith.constant 0 : i32
            %dma_start3A_195 = arith.constant 0 : i32
            %dma_start3A_196 = arith.constant 0 : i32
            %dma_start3A_197 = tpu.memref_slice %arg7[%rem3A_140, %dma_start3A_195, %dma_start3A_196] : memref<2x16x64xi32, #tpu.memory_space<vmem>> -> memref<1x16x64xi32, #tpu.memory_space<vmem>>
            %dma_start3A_198 = tpu.memref_squeeze %dma_start3A_197 : memref<1x16x64xi32, #tpu.memory_space<vmem>> -> memref<16x64xi32, #tpu.memory_space<vmem>>
            %dma_start3A_199 = arith.constant 0 : i32
            %dma_start3A_200 = tpu.memref_slice %arg3[%scan3A_8, %arg0, %arg1, %mul3A_193, %dma_start3A_199] : memref<12x2x16x80x64xi32, #tpu.memory_space<hbm>> -> memref<1x1x1x16x64xi32, #tpu.memory_space<hbm>>
            %dma_start3A_201 = tpu.memref_squeeze %dma_start3A_200 : memref<1x1x1x16x64xi32, #tpu.memory_space<hbm>> -> memref<16x64xi32, #tpu.memory_space<hbm>>
            %dma_start3A_202 = tpu.memref_slice %arg13[%dma_start3A_194] : memref<2x!tpu.dma_semaphore, #tpu.memory_space<semaphore_mem>> -> memref<1x!tpu.dma_semaphore, #tpu.memory_space<semaphore_mem>>
            %dma_start3A_203 = tpu.memref_squeeze %dma_start3A_202 : memref<1x!tpu.dma_semaphore, #tpu.memory_space<semaphore_mem>> -> memref<!tpu.dma_semaphore, #tpu.memory_space<semaphore_mem>>
            %dma_start3A_204 = arith.constant 0 : i32
            %dma_start3A_205 = arith.constant 0 : i32
            %dma_start3A_206 = tpu.memref_slice %arg7[%rem3A_140, %dma_start3A_204, %dma_start3A_205] : memref<2x16x64xi32, #tpu.memory_space<vmem>> -> memref<1x16x64xi32, #tpu.memory_space<vmem>>
            %dma_start3A_207 = tpu.memref_squeeze %dma_start3A_206 : memref<1x16x64xi32, #tpu.memory_space<vmem>> -> memref<16x64xi32, #tpu.memory_space<vmem>>
            %dma_start3A_208 = arith.constant 0 : i32
            %dma_start3A_209 = tpu.memref_slice %arg3[%scan3A_8, %arg0, %arg1, %mul3A_193, %dma_start3A_208] : memref<12x2x16x80x64xi32, #tpu.memory_space<hbm>> -> memref<1x1x1x16x64xi32, #tpu.memory_space<hbm>>
            %dma_start3A_210 = tpu.memref_squeeze %dma_start3A_209 : memref<1x1x1x16x64xi32, #tpu.memory_space<hbm>> -> memref<16x64xi32, #tpu.memory_space<hbm>>
            tpu.enqueue_dma source(%dma_start3A_210 : memref<16x64xi32, #tpu.memory_space<hbm>>) target(%dma_start3A_207 : memref<16x64xi32, #tpu.memory_space<vmem>>) target_semaphore(%dma_start3A_203 : memref<!tpu.dma_semaphore, #tpu.memory_space<semaphore_mem>>)
            %add3A_211 = arith.constant 1 : i32
            %add3A_212 = arith.addi %scan3A_136, %add3A_211 : i32
            %mul3A_213 = arith.constant 16 : i32
            %mul3A_214 = arith.muli %add3A_212, %mul3A_213 : i32
            %dma_start3A_215 = arith.constant 1 : i32
            %dma_start3A_216 = arith.constant 0 : i32
            %dma_start3A_217 = arith.constant 0 : i32
            %dma_start3A_218 = tpu.memref_slice %arg8[%rem3A_140, %dma_start3A_216, %dma_start3A_217] : memref<2x16x64xi32, #tpu.memory_space<vmem>> -> memref<1x16x64xi32, #tpu.memory_space<vmem>>
            %dma_start3A_219 = tpu.memref_squeeze %dma_start3A_218 : memref<1x16x64xi32, #tpu.memory_space<vmem>> -> memref<16x64xi32, #tpu.memory_space<vmem>>
            %dma_start3A_220 = arith.constant 0 : i32
            %dma_start3A_221 = tpu.memref_slice %arg4[%scan3A_8, %arg0, %arg1, %mul3A_214, %dma_start3A_220] : memref<12x2x16x80x64xi32, #tpu.memory_space<hbm>> -> memref<1x1x1x16x64xi32, #tpu.memory_space<hbm>>
            %dma_start3A_222 = tpu.memref_squeeze %dma_start3A_221 : memref<1x1x1x16x64xi32, #tpu.memory_space<hbm>> -> memref<16x64xi32, #tpu.memory_space<hbm>>
            %dma_start3A_223 = tpu.memref_slice %arg13[%dma_start3A_215] : memref<2x!tpu.dma_semaphore, #tpu.memory_space<semaphore_mem>> -> memref<1x!tpu.dma_semaphore, #tpu.memory_space<semaphore_mem>>
            %dma_start3A_224 = tpu.memref_squeeze %dma_start3A_223 : memref<1x!tpu.dma_semaphore, #tpu.memory_space<semaphore_mem>> -> memref<!tpu.dma_semaphore, #tpu.memory_space<semaphore_mem>>
            %dma_start3A_225 = arith.constant 0 : i32
            %dma_start3A_226 = arith.constant 0 : i32
            %dma_start3A_227 = tpu.memref_slice %arg8[%rem3A_140, %dma_start3A_225, %dma_start3A_226] : memref<2x16x64xi32, #tpu.memory_space<vmem>> -> memref<1x16x64xi32, #tpu.memory_space<vmem>>
            %dma_start3A_228 = tpu.memref_squeeze %dma_start3A_227 : memref<1x16x64xi32, #tpu.memory_space<vmem>> -> memref<16x64xi32, #tpu.memory_space<vmem>>
            %dma_start3A_229 = arith.constant 0 : i32
            %dma_start3A_230 = tpu.memref_slice %arg4[%scan3A_8, %arg0, %arg1, %mul3A_214, %dma_start3A_229] : memref<12x2x16x80x64xi32, #tpu.memory_space<hbm>> -> memref<1x1x1x16x64xi32, #tpu.memory_space<hbm>>
            %dma_start3A_231 = tpu.memref_squeeze %dma_start3A_230 : memref<1x1x1x16x64xi32, #tpu.memory_space<hbm>> -> memref<16x64xi32, #tpu.memory_space<hbm>>
            tpu.enqueue_dma source(%dma_start3A_231 : memref<16x64xi32, #tpu.memory_space<hbm>>) target(%dma_start3A_228 : memref<16x64xi32, #tpu.memory_space<vmem>>) target_semaphore(%dma_start3A_224 : memref<!tpu.dma_semaphore, #tpu.memory_space<semaphore_mem>>)
          } else {
          }
          %lt3A_185 = arith.constant 13 : i32
          %lt3A_186 = arith.cmpi slt, %scan3A_149, %lt3A_185 : i32
          %convert_element_type3A_187 = arith.extui %lt3A_186 : i1 to i32
          %cond3A_188 = arith.constant 0 : i32
          %cond3A_189 = arith.cmpi ne, %convert_element_type3A_187, %cond3A_188 : i32
          scf.if %cond3A_189 {
            %add3A_190 = arith.constant 3 : i32
            %add3A_191 = arith.addi %add3A_152, %add3A_190 : i32
            %rem3A_192 = arith.constant 4 : i32
            %rem3A_193 = arith.remsi %add3A_191, %rem3A_192 : i32
            %add3A_194 = arith.constant 3 : i32
            %add3A_195 = arith.addi %add3A_152, %add3A_194 : i32
            %ge3A = arith.constant 4 : i32
            %ge3A_196 = arith.cmpi sge, %add3A_195, %ge3A : i32
            %convert_element_type3A_197 = arith.extui %ge3A_196 : i1 to i32
            %cond3A_198 = arith.constant 0 : i32
            %cond3A_199 = arith.cmpi ne, %convert_element_type3A_197, %cond3A_198 : i32
            scf.if %cond3A_199 {
              %dma_wait3A_214 = arith.constant 0 : i32
              %dma_wait3A_215 = arith.constant 0 : i32
              %dma_wait3A_216 = arith.constant 0 : i32
              %dma_wait3A_217 = arith.constant 0 : i32
              %dma_wait3A_218 = tpu.memref_slice %arg9[%rem3A_193, %dma_wait3A_216, %dma_wait3A_217] : memref<4x64x128xf32, #tpu.memory_space<vmem>> -> memref<1x64x128xf32, #tpu.memory_space<vmem>>
              %dma_wait3A_219 = tpu.memref_squeeze %dma_wait3A_218 : memref<1x64x128xf32, #tpu.memory_space<vmem>> -> memref<64x128xf32, #tpu.memory_space<vmem>>
              %dma_wait3A_220 = arith.constant 0 : i32
              %dma_wait3A_221 = tpu.memref_slice %arg8[%dma_wait3A_214, %dma_wait3A_215, %dma_wait3A_220] : memref<2x16x64xi32, #tpu.memory_space<vmem>> -> memref<1x1x64xi32, #tpu.memory_space<vmem>>
              %dma_wait3A_222 = tpu.memref_squeeze %dma_wait3A_221 : memref<1x1x64xi32, #tpu.memory_space<vmem>> -> memref<64xi32, #tpu.memory_space<vmem>>
              %dma_wait3A_223 = arith.constant 0 : i32
              %dma_wait3A_224 = arith.constant 0 : i32
              %dma_wait3A_225 = tpu.memref_slice %arg10[%dma_wait3A_223, %dma_wait3A_224] : memref<10240x128xf32, #tpu.memory_space<vmem_shared>> -> memref<10240x128xf32, #tpu.memory_space<vmem_shared>>
              %dma_wait3A_226 = tpu.memref_slice %arg12[%rem3A_193] : memref<4x!tpu.dma_semaphore, #tpu.memory_space<semaphore_mem>> -> memref<1x!tpu.dma_semaphore, #tpu.memory_space<semaphore_mem>>
              %dma_wait3A_227 = tpu.memref_squeeze %dma_wait3A_226 : memref<1x!tpu.dma_semaphore, #tpu.memory_space<semaphore_mem>> -> memref<!tpu.dma_semaphore, #tpu.memory_space<semaphore_mem>>
              tpu.wait_indirect_dma semaphore(%dma_wait3A_227 : memref<!tpu.dma_semaphore, #tpu.memory_space<semaphore_mem>>) src(%dma_wait3A_219 : memref<64x128xf32, #tpu.memory_space<vmem>>) dst(%dma_wait3A_225 : memref<10240x128xf32, #tpu.memory_space<vmem_shared>>)
            } else {
            }
            %add3A_200 = arith.constant 3 : i32
            %add3A_201 = arith.addi %scan3A_149, %add3A_200 : i32
            %dma_start3A_202 = arith.constant 0 : i32
            %dma_start3A_203 = arith.constant 0 : i32
            %dma_start3A_204 = tpu.memref_slice %arg9[%rem3A_193, %dma_start3A_202, %dma_start3A_203] : memref<4x64x128xf32, #tpu.memory_space<vmem>> -> memref<1x64x128xf32, #tpu.memory_space<vmem>>
            %dma_start3A_205 = tpu.memref_squeeze %dma_start3A_204 : memref<1x64x128xf32, #tpu.memory_space<vmem>> -> memref<64x128xf32, #tpu.memory_space<vmem>>
            %dma_start3A_206 = arith.constant 0 : i32
            %dma_start3A_207 = tpu.memref_slice %arg7[%rem3A_137, %add3A_201, %dma_start3A_206] : memref<2x16x64xi32, #tpu.memory_space<vmem>> -> memref<1x1x64xi32, #tpu.memory_space<vmem>>
            %dma_start3A_208 = tpu.memref_squeeze %dma_start3A_207 : memref<1x1x64xi32, #tpu.memory_space<vmem>> -> memref<64xi32, #tpu.memory_space<vmem>>
            %dma_start3A_209 = arith.constant 0 : i32
            %dma_start3A_210 = arith.constant 0 : i32
            %dma_start3A_211 = tpu.memref_slice %arg2[%dma_start3A_209, %dma_start3A_210] : memref<120000x128xf32, #tpu.memory_space<hbm>> -> memref<120000x128xf32, #tpu.memory_space<hbm>>
            %dma_start3A_212 = tpu.memref_slice %arg11[%rem3A_193] : memref<4x!tpu.dma_semaphore, #tpu.memory_space<semaphore_mem>> -> memref<1x!tpu.dma_semaphore, #tpu.memory_space<semaphore_mem>>
            %dma_start3A_213 = tpu.memref_squeeze %dma_start3A_212 : memref<1x!tpu.dma_semaphore, #tpu.memory_space<semaphore_mem>> -> memref<!tpu.dma_semaphore, #tpu.memory_space<semaphore_mem>>
            tpu.enqueue_indirect_dma source(%dma_start3A_211 : memref<120000x128xf32, #tpu.memory_space<hbm>>) target(%dma_start3A_205 : memref<64x128xf32, #tpu.memory_space<vmem>>) offsets(%dma_start3A_208 : memref<64xi32, #tpu.memory_space<vmem>>) semaphore(%dma_start3A_213 : memref<!tpu.dma_semaphore, #tpu.memory_space<semaphore_mem>>)
          } else {
          }
        }
        %scan3A_146 = arith.constant 16 : i32
        %lt3A = arith.constant 4 : i32
        %lt3A_147 = arith.cmpi slt, %scan3A_136, %lt3A : i32
        %convert_element_type3A = arith.extui %lt3A_147 : i1 to i32
        %cond3A = arith.constant 0 : i32
        %cond3A_148 = arith.cmpi ne, %convert_element_type3A, %cond3A : i32
        scf.if %cond3A_148 {
          %add3A_149 = arith.constant 1 : i32
          %add3A_150 = arith.addi %scan3A_136, %add3A_149 : i32
          %mul3A_151 = arith.constant 16 : i32
          %mul3A_152 = arith.muli %add3A_150, %mul3A_151 : i32
          %dma_wait3A_153 = arith.constant 0 : i32
          %dma_wait3A_154 = arith.constant 0 : i32
          %dma_wait3A_155 = arith.constant 0 : i32
          %dma_wait3A_156 = tpu.memref_slice %arg7[%rem3A_140, %dma_wait3A_154, %dma_wait3A_155] : memref<2x16x64xi32, #tpu.memory_space<vmem>> -> memref<1x16x64xi32, #tpu.memory_space<vmem>>
          %dma_wait3A_157 = tpu.memref_squeeze %dma_wait3A_156 : memref<1x16x64xi32, #tpu.memory_space<vmem>> -> memref<16x64xi32, #tpu.memory_space<vmem>>
          %dma_wait3A_158 = arith.constant 0 : i32
          %dma_wait3A_159 = tpu.memref_slice %arg3[%scan3A_8, %arg0, %arg1, %mul3A_152, %dma_wait3A_158] : memref<12x2x16x80x64xi32, #tpu.memory_space<hbm>> -> memref<1x1x1x16x64xi32, #tpu.memory_space<hbm>>
          %dma_wait3A_160 = tpu.memref_squeeze %dma_wait3A_159 : memref<1x1x1x16x64xi32, #tpu.memory_space<hbm>> -> memref<16x64xi32, #tpu.memory_space<hbm>>
          %dma_wait3A_161 = tpu.memref_slice %arg13[%dma_wait3A_153] : memref<2x!tpu.dma_semaphore, #tpu.memory_space<semaphore_mem>> -> memref<1x!tpu.dma_semaphore, #tpu.memory_space<semaphore_mem>>
          %dma_wait3A_162 = tpu.memref_squeeze %dma_wait3A_161 : memref<1x!tpu.dma_semaphore, #tpu.memory_space<semaphore_mem>> -> memref<!tpu.dma_semaphore, #tpu.memory_space<semaphore_mem>>
          %dma_wait3A_163 = arith.constant 0 : i32
          %dma_wait3A_164 = arith.constant 0 : i32
          %dma_wait3A_165 = tpu.memref_slice %arg7[%rem3A_140, %dma_wait3A_163, %dma_wait3A_164] : memref<2x16x64xi32, #tpu.memory_space<vmem>> -> memref<1x16x64xi32, #tpu.memory_space<vmem>>
          %dma_wait3A_166 = tpu.memref_squeeze %dma_wait3A_165 : memref<1x16x64xi32, #tpu.memory_space<vmem>> -> memref<16x64xi32, #tpu.memory_space<vmem>>
          %dma_wait3A_167 = arith.constant 0 : i32
          %dma_wait3A_168 = tpu.memref_slice %arg3[%scan3A_8, %arg0, %arg1, %mul3A_152, %dma_wait3A_167] : memref<12x2x16x80x64xi32, #tpu.memory_space<hbm>> -> memref<1x1x1x16x64xi32, #tpu.memory_space<hbm>>
          %dma_wait3A_169 = tpu.memref_squeeze %dma_wait3A_168 : memref<1x1x1x16x64xi32, #tpu.memory_space<hbm>> -> memref<16x64xi32, #tpu.memory_space<hbm>>
          tpu.wait_dma2 semaphore(%dma_wait3A_162 : memref<!tpu.dma_semaphore, #tpu.memory_space<semaphore_mem>>) src(%dma_wait3A_169 : memref<16x64xi32, #tpu.memory_space<hbm>>) dst(%dma_wait3A_166 : memref<16x64xi32, #tpu.memory_space<vmem>>)
          %add3A_170 = arith.constant 1 : i32
          %add3A_171 = arith.addi %scan3A_136, %add3A_170 : i32
          %mul3A_172 = arith.constant 16 : i32
          %mul3A_173 = arith.muli %add3A_171, %mul3A_172 : i32
          %dma_wait3A_174 = arith.constant 1 : i32
          %dma_wait3A_175 = arith.constant 0 : i32
          %dma_wait3A_176 = arith.constant 0 : i32
          %dma_wait3A_177 = tpu.memref_slice %arg8[%rem3A_140, %dma_wait3A_175, %dma_wait3A_176] : memref<2x16x64xi32, #tpu.memory_space<vmem>> -> memref<1x16x64xi32, #tpu.memory_space<vmem>>
          %dma_wait3A_178 = tpu.memref_squeeze %dma_wait3A_177 : memref<1x16x64xi32, #tpu.memory_space<vmem>> -> memref<16x64xi32, #tpu.memory_space<vmem>>
          %dma_wait3A_179 = arith.constant 0 : i32
          %dma_wait3A_180 = tpu.memref_slice %arg4[%scan3A_8, %arg0, %arg1, %mul3A_173, %dma_wait3A_179] : memref<12x2x16x80x64xi32, #tpu.memory_space<hbm>> -> memref<1x1x1x16x64xi32, #tpu.memory_space<hbm>>
          %dma_wait3A_181 = tpu.memref_squeeze %dma_wait3A_180 : memref<1x1x1x16x64xi32, #tpu.memory_space<hbm>> -> memref<16x64xi32, #tpu.memory_space<hbm>>
          %dma_wait3A_182 = tpu.memref_slice %arg13[%dma_wait3A_174] : memref<2x!tpu.dma_semaphore, #tpu.memory_space<semaphore_mem>> -> memref<1x!tpu.dma_semaphore, #tpu.memory_space<semaphore_mem>>
          %dma_wait3A_183 = tpu.memref_squeeze %dma_wait3A_182 : memref<1x!tpu.dma_semaphore, #tpu.memory_space<semaphore_mem>> -> memref<!tpu.dma_semaphore, #tpu.memory_space<semaphore_mem>>
          %dma_wait3A_184 = arith.constant 0 : i32
          %dma_wait3A_185 = arith.constant 0 : i32
          %dma_wait3A_186 = tpu.memref_slice %arg8[%rem3A_140, %dma_wait3A_184, %dma_wait3A_185] : memref<2x16x64xi32, #tpu.memory_space<vmem>> -> memref<1x16x64xi32, #tpu.memory_space<vmem>>
          %dma_wait3A_187 = tpu.memref_squeeze %dma_wait3A_186 : memref<1x16x64xi32, #tpu.memory_space<vmem>> -> memref<16x64xi32, #tpu.memory_space<vmem>>
          %dma_wait3A_188 = arith.constant 0 : i32
          %dma_wait3A_189 = tpu.memref_slice %arg4[%scan3A_8, %arg0, %arg1, %mul3A_173, %dma_wait3A_188] : memref<12x2x16x80x64xi32, #tpu.memory_space<hbm>> -> memref<1x1x1x16x64xi32, #tpu.memory_space<hbm>>
          %dma_wait3A_190 = tpu.memref_squeeze %dma_wait3A_189 : memref<1x1x1x16x64xi32, #tpu.memory_space<hbm>> -> memref<16x64xi32, #tpu.memory_space<hbm>>
          tpu.wait_dma2 semaphore(%dma_wait3A_183 : memref<!tpu.dma_semaphore, #tpu.memory_space<semaphore_mem>>) src(%dma_wait3A_190 : memref<16x64xi32, #tpu.memory_space<hbm>>) dst(%dma_wait3A_187 : memref<16x64xi32, #tpu.memory_space<vmem>>)
          %add3A_191 = arith.constant 1 : i32
          %add3A_192 = arith.addi %scan3A_136, %add3A_191 : i32
          %mul3A_193 = arith.constant 16 : i32
          %mul3A_194 = arith.muli %add3A_192, %mul3A_193 : i32
          %add3A_195 = arith.constant 0 : i32
          %add3A_196 = arith.addi %mul3A_194, %add3A_195 : i32
          %rem3A_197 = arith.constant 4 : i32
          %rem3A_198 = arith.remsi %add3A_196, %rem3A_197 : i32
          %dma_wait3A_199 = arith.constant 0 : i32
          %dma_wait3A_200 = arith.constant 0 : i32
          %dma_wait3A_201 = arith.constant 0 : i32
          %dma_wait3A_202 = arith.constant 0 : i32
          %dma_wait3A_203 = tpu.memref_slice %arg9[%rem3A_198, %dma_wait3A_201, %dma_wait3A_202] : memref<4x64x128xf32, #tpu.memory_space<vmem>> -> memref<1x64x128xf32, #tpu.memory_space<vmem>>
          %dma_wait3A_204 = tpu.memref_squeeze %dma_wait3A_203 : memref<1x64x128xf32, #tpu.memory_space<vmem>> -> memref<64x128xf32, #tpu.memory_space<vmem>>
          %dma_wait3A_205 = arith.constant 0 : i32
          %dma_wait3A_206 = tpu.memref_slice %arg8[%dma_wait3A_199, %dma_wait3A_200, %dma_wait3A_205] : memref<2x16x64xi32, #tpu.memory_space<vmem>> -> memref<1x1x64xi32, #tpu.memory_space<vmem>>
          %dma_wait3A_207 = tpu.memref_squeeze %dma_wait3A_206 : memref<1x1x64xi32, #tpu.memory_space<vmem>> -> memref<64xi32, #tpu.memory_space<vmem>>
          %dma_wait3A_208 = arith.constant 0 : i32
          %dma_wait3A_209 = arith.constant 0 : i32
          %dma_wait3A_210 = tpu.memref_slice %arg10[%dma_wait3A_208, %dma_wait3A_209] : memref<10240x128xf32, #tpu.memory_space<vmem_shared>> -> memref<10240x128xf32, #tpu.memory_space<vmem_shared>>
          %dma_wait3A_211 = tpu.memref_slice %arg12[%rem3A_198] : memref<4x!tpu.dma_semaphore, #tpu.memory_space<semaphore_mem>> -> memref<1x!tpu.dma_semaphore, #tpu.memory_space<semaphore_mem>>
          %dma_wait3A_212 = tpu.memref_squeeze %dma_wait3A_211 : memref<1x!tpu.dma_semaphore, #tpu.memory_space<semaphore_mem>> -> memref<!tpu.dma_semaphore, #tpu.memory_space<semaphore_mem>>
          tpu.wait_indirect_dma semaphore(%dma_wait3A_212 : memref<!tpu.dma_semaphore, #tpu.memory_space<semaphore_mem>>) src(%dma_wait3A_204 : memref<64x128xf32, #tpu.memory_space<vmem>>) dst(%dma_wait3A_210 : memref<10240x128xf32, #tpu.memory_space<vmem_shared>>)
          %dma_start3A_213 = arith.constant 0 : i32
          %dma_start3A_214 = arith.constant 0 : i32
          %dma_start3A_215 = arith.constant 0 : i32
          %dma_start3A_216 = tpu.memref_slice %arg9[%rem3A_198, %dma_start3A_214, %dma_start3A_215] : memref<4x64x128xf32, #tpu.memory_space<vmem>> -> memref<1x64x128xf32, #tpu.memory_space<vmem>>
          %dma_start3A_217 = tpu.memref_squeeze %dma_start3A_216 : memref<1x64x128xf32, #tpu.memory_space<vmem>> -> memref<64x128xf32, #tpu.memory_space<vmem>>
          %dma_start3A_218 = arith.constant 0 : i32
          %dma_start3A_219 = tpu.memref_slice %arg7[%rem3A_140, %dma_start3A_213, %dma_start3A_218] : memref<2x16x64xi32, #tpu.memory_space<vmem>> -> memref<1x1x64xi32, #tpu.memory_space<vmem>>
          %dma_start3A_220 = tpu.memref_squeeze %dma_start3A_219 : memref<1x1x64xi32, #tpu.memory_space<vmem>> -> memref<64xi32, #tpu.memory_space<vmem>>
          %dma_start3A_221 = arith.constant 0 : i32
          %dma_start3A_222 = arith.constant 0 : i32
          %dma_start3A_223 = tpu.memref_slice %arg2[%dma_start3A_221, %dma_start3A_222] : memref<120000x128xf32, #tpu.memory_space<hbm>> -> memref<120000x128xf32, #tpu.memory_space<hbm>>
          %dma_start3A_224 = tpu.memref_slice %arg11[%rem3A_198] : memref<4x!tpu.dma_semaphore, #tpu.memory_space<semaphore_mem>> -> memref<1x!tpu.dma_semaphore, #tpu.memory_space<semaphore_mem>>
          %dma_start3A_225 = tpu.memref_squeeze %dma_start3A_224 : memref<1x!tpu.dma_semaphore, #tpu.memory_space<semaphore_mem>> -> memref<!tpu.dma_semaphore, #tpu.memory_space<semaphore_mem>>
          tpu.enqueue_indirect_dma source(%dma_start3A_223 : memref<120000x128xf32, #tpu.memory_space<hbm>>) target(%dma_start3A_217 : memref<64x128xf32, #tpu.memory_space<vmem>>) offsets(%dma_start3A_220 : memref<64xi32, #tpu.memory_space<vmem>>) semaphore(%dma_start3A_225 : memref<!tpu.dma_semaphore, #tpu.memory_space<semaphore_mem>>)
          %add3A_226 = arith.constant 1 : i32
          %add3A_227 = arith.addi %scan3A_136, %add3A_226 : i32
          %mul3A_228 = arith.constant 16 : i32
          %mul3A_229 = arith.muli %add3A_227, %mul3A_228 : i32
          %add3A_230 = arith.constant 1 : i32
          %add3A_231 = arith.addi %mul3A_229, %add3A_230 : i32
          %rem3A_232 = arith.constant 4 : i32
          %rem3A_233 = arith.remsi %add3A_231, %rem3A_232 : i32
          %dma_wait3A_234 = arith.constant 0 : i32
          %dma_wait3A_235 = arith.constant 0 : i32
          %dma_wait3A_236 = arith.constant 0 : i32
          %dma_wait3A_237 = arith.constant 0 : i32
          %dma_wait3A_238 = tpu.memref_slice %arg9[%rem3A_233, %dma_wait3A_236, %dma_wait3A_237] : memref<4x64x128xf32, #tpu.memory_space<vmem>> -> memref<1x64x128xf32, #tpu.memory_space<vmem>>
          %dma_wait3A_239 = tpu.memref_squeeze %dma_wait3A_238 : memref<1x64x128xf32, #tpu.memory_space<vmem>> -> memref<64x128xf32, #tpu.memory_space<vmem>>
          %dma_wait3A_240 = arith.constant 0 : i32
          %dma_wait3A_241 = tpu.memref_slice %arg8[%dma_wait3A_234, %dma_wait3A_235, %dma_wait3A_240] : memref<2x16x64xi32, #tpu.memory_space<vmem>> -> memref<1x1x64xi32, #tpu.memory_space<vmem>>
          %dma_wait3A_242 = tpu.memref_squeeze %dma_wait3A_241 : memref<1x1x64xi32, #tpu.memory_space<vmem>> -> memref<64xi32, #tpu.memory_space<vmem>>
          %dma_wait3A_243 = arith.constant 0 : i32
          %dma_wait3A_244 = arith.constant 0 : i32
          %dma_wait3A_245 = tpu.memref_slice %arg10[%dma_wait3A_243, %dma_wait3A_244] : memref<10240x128xf32, #tpu.memory_space<vmem_shared>> -> memref<10240x128xf32, #tpu.memory_space<vmem_shared>>
          %dma_wait3A_246 = tpu.memref_slice %arg12[%rem3A_233] : memref<4x!tpu.dma_semaphore, #tpu.memory_space<semaphore_mem>> -> memref<1x!tpu.dma_semaphore, #tpu.memory_space<semaphore_mem>>
          %dma_wait3A_247 = tpu.memref_squeeze %dma_wait3A_246 : memref<1x!tpu.dma_semaphore, #tpu.memory_space<semaphore_mem>> -> memref<!tpu.dma_semaphore, #tpu.memory_space<semaphore_mem>>
          tpu.wait_indirect_dma semaphore(%dma_wait3A_247 : memref<!tpu.dma_semaphore, #tpu.memory_space<semaphore_mem>>) src(%dma_wait3A_239 : memref<64x128xf32, #tpu.memory_space<vmem>>) dst(%dma_wait3A_245 : memref<10240x128xf32, #tpu.memory_space<vmem_shared>>)
          %dma_start3A_248 = arith.constant 1 : i32
          %dma_start3A_249 = arith.constant 0 : i32
          %dma_start3A_250 = arith.constant 0 : i32
          %dma_start3A_251 = tpu.memref_slice %arg9[%rem3A_233, %dma_start3A_249, %dma_start3A_250] : memref<4x64x128xf32, #tpu.memory_space<vmem>> -> memref<1x64x128xf32, #tpu.memory_space<vmem>>
          %dma_start3A_252 = tpu.memref_squeeze %dma_start3A_251 : memref<1x64x128xf32, #tpu.memory_space<vmem>> -> memref<64x128xf32, #tpu.memory_space<vmem>>
          %dma_start3A_253 = arith.constant 0 : i32
          %dma_start3A_254 = tpu.memref_slice %arg7[%rem3A_140, %dma_start3A_248, %dma_start3A_253] : memref<2x16x64xi32, #tpu.memory_space<vmem>> -> memref<1x1x64xi32, #tpu.memory_space<vmem>>
          %dma_start3A_255 = tpu.memref_squeeze %dma_start3A_254 : memref<1x1x64xi32, #tpu.memory_space<vmem>> -> memref<64xi32, #tpu.memory_space<vmem>>
          %dma_start3A_256 = arith.constant 0 : i32
          %dma_start3A_257 = arith.constant 0 : i32
          %dma_start3A_258 = tpu.memref_slice %arg2[%dma_start3A_256, %dma_start3A_257] : memref<120000x128xf32, #tpu.memory_space<hbm>> -> memref<120000x128xf32, #tpu.memory_space<hbm>>
          %dma_start3A_259 = tpu.memref_slice %arg11[%rem3A_233] : memref<4x!tpu.dma_semaphore, #tpu.memory_space<semaphore_mem>> -> memref<1x!tpu.dma_semaphore, #tpu.memory_space<semaphore_mem>>
          %dma_start3A_260 = tpu.memref_squeeze %dma_start3A_259 : memref<1x!tpu.dma_semaphore, #tpu.memory_space<semaphore_mem>> -> memref<!tpu.dma_semaphore, #tpu.memory_space<semaphore_mem>>
          tpu.enqueue_indirect_dma source(%dma_start3A_258 : memref<120000x128xf32, #tpu.memory_space<hbm>>) target(%dma_start3A_252 : memref<64x128xf32, #tpu.memory_space<vmem>>) offsets(%dma_start3A_255 : memref<64xi32, #tpu.memory_space<vmem>>) semaphore(%dma_start3A_260 : memref<!tpu.dma_semaphore, #tpu.memory_space<semaphore_mem>>)
          %add3A_261 = arith.constant 1 : i32
          %add3A_262 = arith.addi %scan3A_136, %add3A_261 : i32
          %mul3A_263 = arith.constant 16 : i32
          %mul3A_264 = arith.muli %add3A_262, %mul3A_263 : i32
          %add3A_265 = arith.constant 2 : i32
          %add3A_266 = arith.addi %mul3A_264, %add3A_265 : i32
          %rem3A_267 = arith.constant 4 : i32
          %rem3A_268 = arith.remsi %add3A_266, %rem3A_267 : i32
          %dma_wait3A_269 = arith.constant 0 : i32
          %dma_wait3A_270 = arith.constant 0 : i32
          %dma_wait3A_271 = arith.constant 0 : i32
          %dma_wait3A_272 = arith.constant 0 : i32
          %dma_wait3A_273 = tpu.memref_slice %arg9[%rem3A_268, %dma_wait3A_271, %dma_wait3A_272] : memref<4x64x128xf32, #tpu.memory_space<vmem>> -> memref<1x64x128xf32, #tpu.memory_space<vmem>>
          %dma_wait3A_274 = tpu.memref_squeeze %dma_wait3A_273 : memref<1x64x128xf32, #tpu.memory_space<vmem>> -> memref<64x128xf32, #tpu.memory_space<vmem>>
          %dma_wait3A_275 = arith.constant 0 : i32
          %dma_wait3A_276 = tpu.memref_slice %arg8[%dma_wait3A_269, %dma_wait3A_270, %dma_wait3A_275] : memref<2x16x64xi32, #tpu.memory_space<vmem>> -> memref<1x1x64xi32, #tpu.memory_space<vmem>>
          %dma_wait3A_277 = tpu.memref_squeeze %dma_wait3A_276 : memref<1x1x64xi32, #tpu.memory_space<vmem>> -> memref<64xi32, #tpu.memory_space<vmem>>
          %dma_wait3A_278 = arith.constant 0 : i32
          %dma_wait3A_279 = arith.constant 0 : i32
          %dma_wait3A_280 = tpu.memref_slice %arg10[%dma_wait3A_278, %dma_wait3A_279] : memref<10240x128xf32, #tpu.memory_space<vmem_shared>> -> memref<10240x128xf32, #tpu.memory_space<vmem_shared>>
          %dma_wait3A_281 = tpu.memref_slice %arg12[%rem3A_268] : memref<4x!tpu.dma_semaphore, #tpu.memory_space<semaphore_mem>> -> memref<1x!tpu.dma_semaphore, #tpu.memory_space<semaphore_mem>>
          %dma_wait3A_282 = tpu.memref_squeeze %dma_wait3A_281 : memref<1x!tpu.dma_semaphore, #tpu.memory_space<semaphore_mem>> -> memref<!tpu.dma_semaphore, #tpu.memory_space<semaphore_mem>>
          tpu.wait_indirect_dma semaphore(%dma_wait3A_282 : memref<!tpu.dma_semaphore, #tpu.memory_space<semaphore_mem>>) src(%dma_wait3A_274 : memref<64x128xf32, #tpu.memory_space<vmem>>) dst(%dma_wait3A_280 : memref<10240x128xf32, #tpu.memory_space<vmem_shared>>)
          %dma_start3A_283 = arith.constant 2 : i32
          %dma_start3A_284 = arith.constant 0 : i32
          %dma_start3A_285 = arith.constant 0 : i32
          %dma_start3A_286 = tpu.memref_slice %arg9[%rem3A_268, %dma_start3A_284, %dma_start3A_285] : memref<4x64x128xf32, #tpu.memory_space<vmem>> -> memref<1x64x128xf32, #tpu.memory_space<vmem>>
          %dma_start3A_287 = tpu.memref_squeeze %dma_start3A_286 : memref<1x64x128xf32, #tpu.memory_space<vmem>> -> memref<64x128xf32, #tpu.memory_space<vmem>>
          %dma_start3A_288 = arith.constant 0 : i32
          %dma_start3A_289 = tpu.memref_slice %arg7[%rem3A_140, %dma_start3A_283, %dma_start3A_288] : memref<2x16x64xi32, #tpu.memory_space<vmem>> -> memref<1x1x64xi32, #tpu.memory_space<vmem>>
          %dma_start3A_290 = tpu.memref_squeeze %dma_start3A_289 : memref<1x1x64xi32, #tpu.memory_space<vmem>> -> memref<64xi32, #tpu.memory_space<vmem>>
          %dma_start3A_291 = arith.constant 0 : i32
          %dma_start3A_292 = arith.constant 0 : i32
          %dma_start3A_293 = tpu.memref_slice %arg2[%dma_start3A_291, %dma_start3A_292] : memref<120000x128xf32, #tpu.memory_space<hbm>> -> memref<120000x128xf32, #tpu.memory_space<hbm>>
          %dma_start3A_294 = tpu.memref_slice %arg11[%rem3A_268] : memref<4x!tpu.dma_semaphore, #tpu.memory_space<semaphore_mem>> -> memref<1x!tpu.dma_semaphore, #tpu.memory_space<semaphore_mem>>
          %dma_start3A_295 = tpu.memref_squeeze %dma_start3A_294 : memref<1x!tpu.dma_semaphore, #tpu.memory_space<semaphore_mem>> -> memref<!tpu.dma_semaphore, #tpu.memory_space<semaphore_mem>>
          tpu.enqueue_indirect_dma source(%dma_start3A_293 : memref<120000x128xf32, #tpu.memory_space<hbm>>) target(%dma_start3A_287 : memref<64x128xf32, #tpu.memory_space<vmem>>) offsets(%dma_start3A_290 : memref<64xi32, #tpu.memory_space<vmem>>) semaphore(%dma_start3A_295 : memref<!tpu.dma_semaphore, #tpu.memory_space<semaphore_mem>>)
        } else {
        }
      }
      %scan3A_62 = arith.constant 5 : i32
      %dma_wait3A = arith.constant 0 : i32
      %dma_wait3A_63 = arith.constant 0 : i32
      %dma_wait3A_64 = arith.constant 0 : i32
      %dma_wait3A_65 = arith.constant 0 : i32
      %dma_wait3A_66 = arith.constant 0 : i32
      %dma_wait3A_67 = arith.constant 0 : i32
      %dma_wait3A_68 = tpu.memref_slice %arg9[%dma_wait3A, %dma_wait3A_66, %dma_wait3A_67] : memref<4x64x128xf32, #tpu.memory_space<vmem>> -> memref<1x64x128xf32, #tpu.memory_space<vmem>>
      %dma_wait3A_69 = tpu.memref_squeeze %dma_wait3A_68 : memref<1x64x128xf32, #tpu.memory_space<vmem>> -> memref<64x128xf32, #tpu.memory_space<vmem>>
      %dma_wait3A_70 = arith.constant 0 : i32
      %dma_wait3A_71 = tpu.memref_slice %arg8[%dma_wait3A_63, %dma_wait3A_64, %dma_wait3A_70] : memref<2x16x64xi32, #tpu.memory_space<vmem>> -> memref<1x1x64xi32, #tpu.memory_space<vmem>>
      %dma_wait3A_72 = tpu.memref_squeeze %dma_wait3A_71 : memref<1x1x64xi32, #tpu.memory_space<vmem>> -> memref<64xi32, #tpu.memory_space<vmem>>
      %dma_wait3A_73 = arith.constant 0 : i32
      %dma_wait3A_74 = arith.constant 0 : i32
      %dma_wait3A_75 = tpu.memref_slice %arg10[%dma_wait3A_73, %dma_wait3A_74] : memref<10240x128xf32, #tpu.memory_space<vmem_shared>> -> memref<10240x128xf32, #tpu.memory_space<vmem_shared>>
      %dma_wait3A_76 = tpu.memref_slice %arg12[%dma_wait3A_65] : memref<4x!tpu.dma_semaphore, #tpu.memory_space<semaphore_mem>> -> memref<1x!tpu.dma_semaphore, #tpu.memory_space<semaphore_mem>>
      %dma_wait3A_77 = tpu.memref_squeeze %dma_wait3A_76 : memref<1x!tpu.dma_semaphore, #tpu.memory_space<semaphore_mem>> -> memref<!tpu.dma_semaphore, #tpu.memory_space<semaphore_mem>>
      tpu.wait_indirect_dma semaphore(%dma_wait3A_77 : memref<!tpu.dma_semaphore, #tpu.memory_space<semaphore_mem>>) src(%dma_wait3A_69 : memref<64x128xf32, #tpu.memory_space<vmem>>) dst(%dma_wait3A_75 : memref<10240x128xf32, #tpu.memory_space<vmem_shared>>)
      %dma_wait3A_78 = arith.constant 1 : i32
      %dma_wait3A_79 = arith.constant 0 : i32
      %dma_wait3A_80 = arith.constant 0 : i32
      %dma_wait3A_81 = arith.constant 1 : i32
      %dma_wait3A_82 = arith.constant 0 : i32
      %dma_wait3A_83 = arith.constant 0 : i32
      %dma_wait3A_84 = tpu.memref_slice %arg9[%dma_wait3A_78, %dma_wait3A_82, %dma_wait3A_83] : memref<4x64x128xf32, #tpu.memory_space<vmem>> -> memref<1x64x128xf32, #tpu.memory_space<vmem>>
      %dma_wait3A_85 = tpu.memref_squeeze %dma_wait3A_84 : memref<1x64x128xf32, #tpu.memory_space<vmem>> -> memref<64x128xf32, #tpu.memory_space<vmem>>
      %dma_wait3A_86 = arith.constant 0 : i32
      %dma_wait3A_87 = tpu.memref_slice %arg8[%dma_wait3A_79, %dma_wait3A_80, %dma_wait3A_86] : memref<2x16x64xi32, #tpu.memory_space<vmem>> -> memref<1x1x64xi32, #tpu.memory_space<vmem>>
      %dma_wait3A_88 = tpu.memref_squeeze %dma_wait3A_87 : memref<1x1x64xi32, #tpu.memory_space<vmem>> -> memref<64xi32, #tpu.memory_space<vmem>>
      %dma_wait3A_89 = arith.constant 0 : i32
      %dma_wait3A_90 = arith.constant 0 : i32
      %dma_wait3A_91 = tpu.memref_slice %arg10[%dma_wait3A_89, %dma_wait3A_90] : memref<10240x128xf32, #tpu.memory_space<vmem_shared>> -> memref<10240x128xf32, #tpu.memory_space<vmem_shared>>
      %dma_wait3A_92 = tpu.memref_slice %arg12[%dma_wait3A_81] : memref<4x!tpu.dma_semaphore, #tpu.memory_space<semaphore_mem>> -> memref<1x!tpu.dma_semaphore, #tpu.memory_space<semaphore_mem>>
      %dma_wait3A_93 = tpu.memref_squeeze %dma_wait3A_92 : memref<1x!tpu.dma_semaphore, #tpu.memory_space<semaphore_mem>> -> memref<!tpu.dma_semaphore, #tpu.memory_space<semaphore_mem>>
      tpu.wait_indirect_dma semaphore(%dma_wait3A_93 : memref<!tpu.dma_semaphore, #tpu.memory_space<semaphore_mem>>) src(%dma_wait3A_85 : memref<64x128xf32, #tpu.memory_space<vmem>>) dst(%dma_wait3A_91 : memref<10240x128xf32, #tpu.memory_space<vmem_shared>>)
      %dma_wait3A_94 = arith.constant 2 : i32
      %dma_wait3A_95 = arith.constant 0 : i32
      %dma_wait3A_96 = arith.constant 0 : i32
      %dma_wait3A_97 = arith.constant 2 : i32
      %dma_wait3A_98 = arith.constant 0 : i32
      %dma_wait3A_99 = arith.constant 0 : i32
      %dma_wait3A_100 = tpu.memref_slice %arg9[%dma_wait3A_94, %dma_wait3A_98, %dma_wait3A_99] : memref<4x64x128xf32, #tpu.memory_space<vmem>> -> memref<1x64x128xf32, #tpu.memory_space<vmem>>
      %dma_wait3A_101 = tpu.memref_squeeze %dma_wait3A_100 : memref<1x64x128xf32, #tpu.memory_space<vmem>> -> memref<64x128xf32, #tpu.memory_space<vmem>>
      %dma_wait3A_102 = arith.constant 0 : i32
      %dma_wait3A_103 = tpu.memref_slice %arg8[%dma_wait3A_95, %dma_wait3A_96, %dma_wait3A_102] : memref<2x16x64xi32, #tpu.memory_space<vmem>> -> memref<1x1x64xi32, #tpu.memory_space<vmem>>
      %dma_wait3A_104 = tpu.memref_squeeze %dma_wait3A_103 : memref<1x1x64xi32, #tpu.memory_space<vmem>> -> memref<64xi32, #tpu.memory_space<vmem>>
      %dma_wait3A_105 = arith.constant 0 : i32
      %dma_wait3A_106 = arith.constant 0 : i32
      %dma_wait3A_107 = tpu.memref_slice %arg10[%dma_wait3A_105, %dma_wait3A_106] : memref<10240x128xf32, #tpu.memory_space<vmem_shared>> -> memref<10240x128xf32, #tpu.memory_space<vmem_shared>>
      %dma_wait3A_108 = tpu.memref_slice %arg12[%dma_wait3A_97] : memref<4x!tpu.dma_semaphore, #tpu.memory_space<semaphore_mem>> -> memref<1x!tpu.dma_semaphore, #tpu.memory_space<semaphore_mem>>
      %dma_wait3A_109 = tpu.memref_squeeze %dma_wait3A_108 : memref<1x!tpu.dma_semaphore, #tpu.memory_space<semaphore_mem>> -> memref<!tpu.dma_semaphore, #tpu.memory_space<semaphore_mem>>
      tpu.wait_indirect_dma semaphore(%dma_wait3A_109 : memref<!tpu.dma_semaphore, #tpu.memory_space<semaphore_mem>>) src(%dma_wait3A_101 : memref<64x128xf32, #tpu.memory_space<vmem>>) dst(%dma_wait3A_107 : memref<10240x128xf32, #tpu.memory_space<vmem_shared>>)
      %dma_wait3A_110 = arith.constant 3 : i32
      %dma_wait3A_111 = arith.constant 0 : i32
      %dma_wait3A_112 = arith.constant 0 : i32
      %dma_wait3A_113 = arith.constant 3 : i32
      %dma_wait3A_114 = arith.constant 0 : i32
      %dma_wait3A_115 = arith.constant 0 : i32
      %dma_wait3A_116 = tpu.memref_slice %arg9[%dma_wait3A_110, %dma_wait3A_114, %dma_wait3A_115] : memref<4x64x128xf32, #tpu.memory_space<vmem>> -> memref<1x64x128xf32, #tpu.memory_space<vmem>>
      %dma_wait3A_117 = tpu.memref_squeeze %dma_wait3A_116 : memref<1x64x128xf32, #tpu.memory_space<vmem>> -> memref<64x128xf32, #tpu.memory_space<vmem>>
      %dma_wait3A_118 = arith.constant 0 : i32
      %dma_wait3A_119 = tpu.memref_slice %arg8[%dma_wait3A_111, %dma_wait3A_112, %dma_wait3A_118] : memref<2x16x64xi32, #tpu.memory_space<vmem>> -> memref<1x1x64xi32, #tpu.memory_space<vmem>>
      %dma_wait3A_120 = tpu.memref_squeeze %dma_wait3A_119 : memref<1x1x64xi32, #tpu.memory_space<vmem>> -> memref<64xi32, #tpu.memory_space<vmem>>
      %dma_wait3A_121 = arith.constant 0 : i32
      %dma_wait3A_122 = arith.constant 0 : i32
      %dma_wait3A_123 = tpu.memref_slice %arg10[%dma_wait3A_121, %dma_wait3A_122] : memref<10240x128xf32, #tpu.memory_space<vmem_shared>> -> memref<10240x128xf32, #tpu.memory_space<vmem_shared>>
      %dma_wait3A_124 = tpu.memref_slice %arg12[%dma_wait3A_113] : memref<4x!tpu.dma_semaphore, #tpu.memory_space<semaphore_mem>> -> memref<1x!tpu.dma_semaphore, #tpu.memory_space<semaphore_mem>>
      %dma_wait3A_125 = tpu.memref_squeeze %dma_wait3A_124 : memref<1x!tpu.dma_semaphore, #tpu.memory_space<semaphore_mem>> -> memref<!tpu.dma_semaphore, #tpu.memory_space<semaphore_mem>>
      tpu.wait_indirect_dma semaphore(%dma_wait3A_125 : memref<!tpu.dma_semaphore, #tpu.memory_space<semaphore_mem>>) src(%dma_wait3A_117 : memref<64x128xf32, #tpu.memory_space<vmem>>) dst(%dma_wait3A_123 : memref<10240x128xf32, #tpu.memory_space<vmem_shared>>)
      %barrier3A_126 = arith.constant 0 : index
      tpu.barrier barrier_id(%barrier3A_126)
      %mul3A_127 = arith.constant 640 : i32
      %mul3A_128 = arith.muli %arg1, %mul3A_127 : i32
      %mul3A_129 = arith.constant 640 : i32
      %mul3A_130 = arith.muli %arg1, %mul3A_129 : i32
      "tpu.region"() ({
        %run_scoped3A_136 = tpu.sem_alloc : memref<!tpu.dma_semaphore, #tpu.memory_space<semaphore_mem>>
        %dma_start3A_137 = arith.constant 0 : i32
        %dma_start3A_138 = tpu.memref_slice %arg6[%scan3A_8, %arg0, %mul3A_130, %dma_start3A_137] : memref<12x2x10240x128xf32, #tpu.memory_space<hbm>> -> memref<1x1x640x128xf32, #tpu.memory_space<hbm>>
        %dma_start3A_139 = tpu.memref_squeeze %dma_start3A_138 : memref<1x1x640x128xf32, #tpu.memory_space<hbm>> -> memref<640x128xf32, #tpu.memory_space<hbm>>
        %dma_start3A_140 = arith.constant 0 : i32
        %dma_start3A_141 = tpu.memref_slice %arg10[%mul3A_128, %dma_start3A_140] : memref<10240x128xf32, #tpu.memory_space<vmem_shared>> -> memref<640x128xf32, #tpu.memory_space<vmem_shared>>
        tpu.enqueue_dma source(%dma_start3A_141 : memref<640x128xf32, #tpu.memory_space<vmem_shared>>) target(%dma_start3A_139 : memref<640x128xf32, #tpu.memory_space<hbm>>) target_semaphore(%run_scoped3A_136 : memref<!tpu.dma_semaphore, #tpu.memory_space<semaphore_mem>>)
        %dma_wait3A_142 = arith.constant 0 : i32
        %dma_wait3A_143 = tpu.memref_slice %arg6[%scan3A_8, %arg0, %mul3A_130, %dma_wait3A_142] : memref<12x2x10240x128xf32, #tpu.memory_space<hbm>> -> memref<1x1x640x128xf32, #tpu.memory_space<hbm>>
        %dma_wait3A_144 = tpu.memref_squeeze %dma_wait3A_143 : memref<1x1x640x128xf32, #tpu.memory_space<hbm>> -> memref<640x128xf32, #tpu.memory_space<hbm>>
        %dma_wait3A_145 = arith.constant 0 : i32
        %dma_wait3A_146 = tpu.memref_slice %arg10[%mul3A_128, %dma_wait3A_145] : memref<10240x128xf32, #tpu.memory_space<vmem_shared>> -> memref<640x128xf32, #tpu.memory_space<vmem_shared>>
        tpu.wait_dma2 semaphore(%run_scoped3A_136 : memref<!tpu.dma_semaphore, #tpu.memory_space<semaphore_mem>>) src(%dma_wait3A_146 : memref<640x128xf32, #tpu.memory_space<vmem_shared>>) dst(%dma_wait3A_144 : memref<640x128xf32, #tpu.memory_space<hbm>>)
        tpu.yield
      }) : () -> ()
      %mul3A_131 = arith.constant 640 : i32
      %mul3A_132 = arith.muli %arg1, %mul3A_131 : i32
      %mul3A_133 = arith.constant 640 : i32
      %mul3A_134 = arith.muli %arg1, %mul3A_133 : i32
      "tpu.region"() ({
        %run_scoped3A_136 = tpu.sem_alloc : memref<!tpu.dma_semaphore, #tpu.memory_space<semaphore_mem>>
        %dma_start3A_137 = arith.constant 0 : i32
        %dma_start3A_138 = tpu.memref_slice %arg10[%mul3A_134, %dma_start3A_137] : memref<10240x128xf32, #tpu.memory_space<vmem_shared>> -> memref<640x128xf32, #tpu.memory_space<vmem_shared>>
        %dma_start3A_139 = arith.constant 0 : i32
        %dma_start3A_140 = tpu.memref_slice %arg5[%mul3A_132, %dma_start3A_139] : memref<10240x128xf32, #tpu.memory_space<hbm>> -> memref<640x128xf32, #tpu.memory_space<hbm>>
        tpu.enqueue_dma source(%dma_start3A_140 : memref<640x128xf32, #tpu.memory_space<hbm>>) target(%dma_start3A_138 : memref<640x128xf32, #tpu.memory_space<vmem_shared>>) target_semaphore(%run_scoped3A_136 : memref<!tpu.dma_semaphore, #tpu.memory_space<semaphore_mem>>)
        %dma_wait3A_141 = arith.constant 0 : i32
        %dma_wait3A_142 = tpu.memref_slice %arg10[%mul3A_134, %dma_wait3A_141] : memref<10240x128xf32, #tpu.memory_space<vmem_shared>> -> memref<640x128xf32, #tpu.memory_space<vmem_shared>>
        %dma_wait3A_143 = arith.constant 0 : i32
        %dma_wait3A_144 = tpu.memref_slice %arg5[%mul3A_132, %dma_wait3A_143] : memref<10240x128xf32, #tpu.memory_space<hbm>> -> memref<640x128xf32, #tpu.memory_space<hbm>>
        tpu.wait_dma2 semaphore(%run_scoped3A_136 : memref<!tpu.dma_semaphore, #tpu.memory_space<semaphore_mem>>) src(%dma_wait3A_144 : memref<640x128xf32, #tpu.memory_space<hbm>>) dst(%dma_wait3A_142 : memref<640x128xf32, #tpu.memory_space<vmem_shared>>)
        tpu.yield
      }) : () -> ()
      %barrier3A_135 = arith.constant 0 : index
      tpu.barrier barrier_id(%barrier3A_135)
    }
    %scan3A_7 = arith.constant 12 : i32
    return
  }
}

module attributes {stable_mosaic.version = 14 : i64} {
  func.func @_dense1_body(%arg0: i32, %arg1: i32, %arg2: memref<3x1x2000x128xf32, #tpu.memory_space<vmem>>, %arg3: memref<1x2000x16xf32, #tpu.memory_space<vmem>>, %arg4: memref<1x2x2000x1xf32, #tpu.memory_space<vmem>>, %arg5: memref<1x3x128x256xf32, #tpu.memory_space<vmem>>, %arg6: memref<1x16x256xf32, #tpu.memory_space<vmem>>, %arg7: memref<2x1x2000x128xf32, #tpu.memory_space<vmem>>, %arg8: memref<1x1x1x256xf32, #tpu.memory_space<vmem>>) attributes {dimension_semantics = [#tpu.dimension_semantics<arbitrary>, #tpu.dimension_semantics<arbitrary>], iteration_bounds = array<i64: 12, 5>, scalar_prefetch = 0 : i64, scratch_operands = 0 : i64, tpu.core_type = #tpu.core_type<tc>, window_params = [{transform_indices = @transform_0, window_bounds = array<i64: 3, 1, 2000, 128>}, {transform_indices = @transform_1, window_bounds = array<i64: 1, 2000, 16>}, {transform_indices = @transform_2, window_bounds = array<i64: 1, 2, 2000, 1>}, {transform_indices = @transform_3, window_bounds = array<i64: 1, 3, 128, 256>}, {transform_indices = @transform_4, window_bounds = array<i64: 1, 16, 256>}, {transform_indices = @transform_5, window_bounds = array<i64: 2, 1, 2000, 128>}, {transform_indices = @transform_6, window_bounds = array<i64: 1, 1, 1, 256>}]} {
    %get3A = arith.constant 0 : index
    %get3A_0 = arith.constant 0 : index
    %get3A_1 = arith.constant 0 : index
    %get3A_2 = arith.constant 0 : index
    %get3A_3 = vector.load %arg4[%get3A, %get3A_0, %get3A_1, %get3A_2] : memref<1x2x2000x1xf32, #tpu.memory_space<vmem>>, vector<1x2x2000x1xf32>
    %get3A_4 = vector.shape_cast %get3A_3 : vector<1x2x2000x1xf32> to vector<2x2000xf32>
    %reduce_sum3A = arith.constant dense<0.000000e+00> : vector<2000xf32>
    %reduce_sum3A_5 = vector.multi_reduction <add>, %get3A_4, %reduce_sum3A [0] : vector<2x2000xf32> to vector<2000xf32>
    %add3A = arith.constant 1.000000e+00 : f32
    %add3A_6 = vector.broadcast %add3A : f32 to vector<2000xf32>
    %add3A_7 = arith.addf %reduce_sum3A_5, %add3A_6 : vector<2000xf32>
    %rsqrt3A = math.rsqrt %add3A_7 : vector<2000xf32>
    %get3A_8 = arith.constant 0 : index
    %get3A_9 = arith.constant 0 : index
    %get3A_10 = arith.constant 0 : index
    %get3A_11 = arith.constant 0 : index
    %get3A_12 = vector.load %arg2[%get3A_8, %get3A_9, %get3A_10, %get3A_11] : memref<3x1x2000x128xf32, #tpu.memory_space<vmem>>, vector<1x1x2000x128xf32>
    %get3A_13 = vector.shape_cast %get3A_12 : vector<1x1x2000x128xf32> to vector<2000x128xf32>
    %get3A_14 = arith.constant 0 : index
    %get3A_15 = arith.constant 0 : index
    %get3A_16 = arith.constant 0 : index
    %get3A_17 = arith.constant 0 : index
    %get3A_18 = vector.load %arg5[%get3A_14, %get3A_15, %get3A_16, %get3A_17] : memref<1x3x128x256xf32, #tpu.memory_space<vmem>>, vector<1x1x128x256xf32>
    %get3A_19 = vector.shape_cast %get3A_18 : vector<1x1x128x256xf32> to vector<128x256xf32>
    %dot_general3A = arith.constant dense<0.000000e+00> : vector<2000x256xf32>
    %dot_general3A_20 = tpu.matmul %get3A_13, %get3A_19, %dot_general3A {dimension_numbers = #tpu.dot_dimension_numbers<[1], [0], [0], [1], [0, 0, 1, 1], [], []>, transpose_lhs_hint = false} : vector<2000x128xf32>, vector<128x256xf32>, vector<2000x256xf32> -> vector<2000x256xf32>
    %get3A_21 = arith.constant 1 : index
    %get3A_22 = arith.constant 0 : index
    %get3A_23 = arith.constant 0 : index
    %get3A_24 = arith.constant 0 : index
    %get3A_25 = vector.load %arg2[%get3A_21, %get3A_22, %get3A_23, %get3A_24] : memref<3x1x2000x128xf32, #tpu.memory_space<vmem>>, vector<1x1x2000x128xf32>
    %get3A_26 = vector.shape_cast %get3A_25 : vector<1x1x2000x128xf32> to vector<2000x128xf32>
    %get3A_27 = arith.constant 0 : index
    %get3A_28 = arith.constant 1 : index
    %get3A_29 = arith.constant 0 : index
    %get3A_30 = arith.constant 0 : index
    %get3A_31 = vector.load %arg5[%get3A_27, %get3A_28, %get3A_29, %get3A_30] : memref<1x3x128x256xf32, #tpu.memory_space<vmem>>, vector<1x1x128x256xf32>
    %get3A_32 = vector.shape_cast %get3A_31 : vector<1x1x128x256xf32> to vector<128x256xf32>
    %dot_general3A_33 = arith.constant dense<0.000000e+00> : vector<2000x256xf32>
    %dot_general3A_34 = tpu.matmul %get3A_26, %get3A_32, %dot_general3A_33 {dimension_numbers = #tpu.dot_dimension_numbers<[1], [0], [0], [1], [0, 0, 1, 1], [], []>, transpose_lhs_hint = false} : vector<2000x128xf32>, vector<128x256xf32>, vector<2000x256xf32> -> vector<2000x256xf32>
    %add3A_35 = arith.addf %dot_general3A_20, %dot_general3A_34 : vector<2000x256xf32>
    %get3A_36 = arith.constant 2 : index
    %get3A_37 = arith.constant 0 : index
    %get3A_38 = arith.constant 0 : index
    %get3A_39 = arith.constant 0 : index
    %get3A_40 = vector.load %arg2[%get3A_36, %get3A_37, %get3A_38, %get3A_39] : memref<3x1x2000x128xf32, #tpu.memory_space<vmem>>, vector<1x1x2000x128xf32>
    %get3A_41 = vector.shape_cast %get3A_40 : vector<1x1x2000x128xf32> to vector<2000x128xf32>
    %get3A_42 = arith.constant 0 : index
    %get3A_43 = arith.constant 2 : index
    %get3A_44 = arith.constant 0 : index
    %get3A_45 = arith.constant 0 : index
    %get3A_46 = vector.load %arg5[%get3A_42, %get3A_43, %get3A_44, %get3A_45] : memref<1x3x128x256xf32, #tpu.memory_space<vmem>>, vector<1x1x128x256xf32>
    %get3A_47 = vector.shape_cast %get3A_46 : vector<1x1x128x256xf32> to vector<128x256xf32>
    %dot_general3A_48 = arith.constant dense<0.000000e+00> : vector<2000x256xf32>
    %dot_general3A_49 = tpu.matmul %get3A_41, %get3A_47, %dot_general3A_48 {dimension_numbers = #tpu.dot_dimension_numbers<[1], [0], [0], [1], [0, 0, 1, 1], [], []>, transpose_lhs_hint = false} : vector<2000x128xf32>, vector<128x256xf32>, vector<2000x256xf32> -> vector<2000x256xf32>
    %add3A_50 = arith.addf %add3A_35, %dot_general3A_49 : vector<2000x256xf32>
    %get3A_51 = arith.constant 0 : index
    %get3A_52 = arith.constant 0 : index
    %get3A_53 = arith.constant 0 : index
    %get3A_54 = vector.load %arg3[%get3A_51, %get3A_52, %get3A_53] : memref<1x2000x16xf32, #tpu.memory_space<vmem>>, vector<1x2000x16xf32>
    %get3A_55 = vector.shape_cast %get3A_54 : vector<1x2000x16xf32> to vector<2000x16xf32>
    %get3A_56 = arith.constant 0 : index
    %get3A_57 = arith.constant 0 : index
    %get3A_58 = arith.constant 0 : index
    %get3A_59 = vector.load %arg6[%get3A_56, %get3A_57, %get3A_58] : memref<1x16x256xf32, #tpu.memory_space<vmem>>, vector<1x16x256xf32>
    %get3A_60 = vector.shape_cast %get3A_59 : vector<1x16x256xf32> to vector<16x256xf32>
    %dot_general3A_61 = arith.constant dense<0.000000e+00> : vector<2000x256xf32>
    %dot_general3A_62 = tpu.matmul %get3A_55, %get3A_60, %dot_general3A_61 {dimension_numbers = #tpu.dot_dimension_numbers<[1], [0], [0], [1], [0, 0, 1, 1], [], []>, transpose_lhs_hint = false} : vector<2000x16xf32>, vector<16x256xf32>, vector<2000x256xf32> -> vector<2000x256xf32>
    %add3A_63 = arith.addf %add3A_50, %dot_general3A_62 : vector<2000x256xf32>
    %broadcast_in_dim3A = vector.shape_cast %rsqrt3A : vector<2000xf32> to vector<2000x1xf32>
    %mul3A = vector.broadcast %broadcast_in_dim3A : vector<2000x1xf32> to vector<2000x256xf32>
    %mul3A_64 = arith.mulf %add3A_63, %mul3A : vector<2000x256xf32>
    %slice3A = vector.extract_strided_slice %mul3A_64 {offsets = [0, 0], sizes = [2000, 128], strides = [1, 1]} : vector<2000x256xf32> to vector<2000x128xf32>
    %swap3A = arith.constant 0 : index
    %swap3A_65 = arith.constant 0 : index
    %swap3A_66 = arith.constant 0 : index
    %swap3A_67 = arith.constant 0 : index
    %swap3A_68 = vector.load %arg7[%swap3A, %swap3A_65, %swap3A_66, %swap3A_67] : memref<2x1x2000x128xf32, #tpu.memory_space<vmem>>, vector<1x1x2000x128xf32>
    %swap3A_69 = vector.shape_cast %swap3A_68 : vector<1x1x2000x128xf32> to vector<2000x128xf32>
    %swap3A_70 = vector.shape_cast %slice3A : vector<2000x128xf32> to vector<1x1x2000x128xf32>
    tpu.vector_store %arg7[%swap3A, %swap3A_65, %swap3A_66, %swap3A_67], %swap3A_70 {strides = array<i32>} : memref<2x1x2000x128xf32, #tpu.memory_space<vmem>>, vector<1x1x2000x128xf32>,
    %slice3A_71 = vector.extract_strided_slice %mul3A_64 {offsets = [0, 128], sizes = [2000, 128], strides = [1, 1]} : vector<2000x256xf32> to vector<2000x128xf32>
    %swap3A_72 = arith.constant 1 : index
    %swap3A_73 = arith.constant 0 : index
    %swap3A_74 = arith.constant 0 : index
    %swap3A_75 = arith.constant 0 : index
    %swap3A_76 = vector.load %arg7[%swap3A_72, %swap3A_73, %swap3A_74, %swap3A_75] : memref<2x1x2000x128xf32, #tpu.memory_space<vmem>>, vector<1x1x2000x128xf32>
    %swap3A_77 = vector.shape_cast %swap3A_76 : vector<1x1x2000x128xf32> to vector<2000x128xf32>
    %swap3A_78 = vector.shape_cast %slice3A_71 : vector<2000x128xf32> to vector<1x1x2000x128xf32>
    tpu.vector_store %arg7[%swap3A_72, %swap3A_73, %swap3A_74, %swap3A_75], %swap3A_78 {strides = array<i32>} : memref<2x1x2000x128xf32, #tpu.memory_space<vmem>>, vector<1x1x2000x128xf32>,
    %abs3A = math.absf %mul3A_64 : vector<2000x256xf32>
    %reduce_max3A = arith.constant dense<0xFF800000> : vector<256xf32>
    %reduce_max3A_79 = vector.multi_reduction <maximumf>, %abs3A, %reduce_max3A [0] : vector<2000x256xf32> to vector<256xf32>
    %swap3A_80 = arith.constant 0 : index
    %swap3A_81 = arith.constant 0 : index
    %swap3A_82 = arith.constant 0 : index
    %swap3A_83 = arith.constant 0 : index
    %swap3A_84 = vector.load %arg8[%swap3A_80, %swap3A_81, %swap3A_82, %swap3A_83] : memref<1x1x1x256xf32, #tpu.memory_space<vmem>>, vector<1x1x1x256xf32>
    %swap3A_85 = vector.shape_cast %swap3A_84 : vector<1x1x1x256xf32> to vector<256xf32>
    %swap3A_86 = vector.shape_cast %reduce_max3A_79 : vector<256xf32> to vector<1x1x1x256xf32>
    tpu.vector_store %arg8[%swap3A_80, %swap3A_81, %swap3A_82, %swap3A_83], %swap3A_86 {strides = array<i32>} : memref<1x1x1x256xf32, #tpu.memory_space<vmem>>, vector<1x1x1x256xf32>,
    return
  }
  func.func @transform_0(%arg0: i32, %arg1: i32) -> (i32, i32, i32, i32) {
    %c0_i32 = arith.constant 0 : i32
    %c0_i32_0 = arith.constant 0 : i32
    %c0_i32_1 = arith.constant 0 : i32
    return %c0_i32, %arg0, %arg1, %c0_i32_0 : i32, i32, i32, i32
  }
  func.func @transform_1(%arg0: i32, %arg1: i32) -> (i32, i32, i32) {
    %c0_i32 = arith.constant 0 : i32
    %c0_i32_0 = arith.constant 0 : i32
    return %arg0, %arg1, %c0_i32 : i32, i32, i32
  }
  func.func @transform_2(%arg0: i32, %arg1: i32) -> (i32, i32, i32, i32) {
    %c0_i32 = arith.constant 0 : i32
    %c0_i32_0 = arith.constant 0 : i32
    %c0_i32_1 = arith.constant 0 : i32
    return %arg0, %c0_i32, %arg1, %c0_i32_0 : i32, i32, i32, i32
  }
  func.func @transform_3(%arg0: i32, %arg1: i32) -> (i32, i32, i32, i32) {
    %c0_i32 = arith.constant 0 : i32
    %c0_i32_0 = arith.constant 0 : i32
    %c0_i32_1 = arith.constant 0 : i32
    %c0_i32_2 = arith.constant 0 : i32
    return %arg0, %c0_i32, %c0_i32_0, %c0_i32_1 : i32, i32, i32, i32
  }
  func.func @transform_4(%arg0: i32, %arg1: i32) -> (i32, i32, i32) {
    %c0_i32 = arith.constant 0 : i32
    %c0_i32_0 = arith.constant 0 : i32
    %c0_i32_1 = arith.constant 0 : i32
    return %arg0, %c0_i32, %c0_i32_0 : i32, i32, i32
  }
  func.func @transform_5(%arg0: i32, %arg1: i32) -> (i32, i32, i32, i32) {
    %c0_i32 = arith.constant 0 : i32
    %c0_i32_0 = arith.constant 0 : i32
    %c0_i32_1 = arith.constant 0 : i32
    return %c0_i32, %arg0, %arg1, %c0_i32_0 : i32, i32, i32, i32
  }
  func.func @transform_6(%arg0: i32, %arg1: i32) -> (i32, i32, i32, i32) {
    %c0_i32 = arith.constant 0 : i32
    %c0_i32_0 = arith.constant 0 : i32
    %c0_i32_1 = arith.constant 0 : i32
    return %arg0, %arg1, %c0_i32, %c0_i32_0 : i32, i32, i32, i32
  }
}

module attributes {stable_mosaic.version = 14 : i64} {
  func.func @_quant_body(%arg0: i32, %arg1: i32, %arg2: memref<2x1x2000x128xf32, #tpu.memory_space<vmem>>, %arg3: memref<2x128xf32, #tpu.memory_space<vmem>>, %arg4: memref<1x2000x128xi32, #tpu.memory_space<vmem>>) attributes {dimension_semantics = [#tpu.dimension_semantics<arbitrary>, #tpu.dimension_semantics<arbitrary>], iteration_bounds = array<i64: 12, 5>, scalar_prefetch = 0 : i64, scratch_operands = 0 : i64, tpu.core_type = #tpu.core_type<tc>, window_params = [{transform_indices = @transform_0, window_bounds = array<i64: 2, 1, 2000, 128>}, {pipeline_mode = #tpu.pipeline_mode<synchronous>, transform_indices = @transform_1, window_bounds = array<i64: 2, 128>}, {transform_indices = @transform_2, window_bounds = array<i64: 1, 2000, 128>}]} {
    %get3A = arith.constant 0 : index
    %get3A_0 = arith.constant 0 : index
    %get3A_1 = arith.constant 0 : index
    %get3A_2 = arith.constant 0 : index
    %get3A_3 = vector.load %arg2[%get3A, %get3A_0, %get3A_1, %get3A_2] : memref<2x1x2000x128xf32, #tpu.memory_space<vmem>>, vector<1x1x2000x128xf32>
    %get3A_4 = vector.shape_cast %get3A_3 : vector<1x1x2000x128xf32> to vector<2000x128xf32>
    %get3A_5 = arith.constant 0 : index
    %get3A_6 = arith.constant 0 : index
    %get3A_7 = vector.load %arg3[%get3A_5, %get3A_6] : memref<2x128xf32, #tpu.memory_space<vmem>>, vector<1x128xf32>
    %get3A_8 = vector.shape_cast %get3A_7 : vector<1x128xf32> to vector<128xf32>
    %broadcast_in_dim3A = vector.shape_cast %get3A_8 : vector<128xf32> to vector<1x128xf32>
    %mul3A = vector.broadcast %broadcast_in_dim3A : vector<1x128xf32> to vector<2000x128xf32>
    %mul3A_9 = arith.mulf %get3A_4, %mul3A : vector<2000x128xf32>
    %round3A = math.roundeven %mul3A_9 : vector<2000x128xf32>
    %convert_element_type3A = arith.fptosi %round3A : vector<2000x128xf32> to vector<2000x128xi32>
    %add3A = arith.constant 32768 : i32
    %add3A_10 = vector.broadcast %add3A : i32 to vector<2000x128xi32>
    %add3A_11 = arith.addi %convert_element_type3A, %add3A_10 : vector<2000x128xi32>
    %get3A_12 = arith.constant 1 : index
    %get3A_13 = arith.constant 0 : index
    %get3A_14 = arith.constant 0 : index
    %get3A_15 = arith.constant 0 : index
    %get3A_16 = vector.load %arg2[%get3A_12, %get3A_13, %get3A_14, %get3A_15] : memref<2x1x2000x128xf32, #tpu.memory_space<vmem>>, vector<1x1x2000x128xf32>
    %get3A_17 = vector.shape_cast %get3A_16 : vector<1x1x2000x128xf32> to vector<2000x128xf32>
    %get3A_18 = arith.constant 1 : index
    %get3A_19 = arith.constant 0 : index
    %get3A_20 = vector.load %arg3[%get3A_18, %get3A_19] : memref<2x128xf32, #tpu.memory_space<vmem>>, vector<1x128xf32>
    %get3A_21 = vector.shape_cast %get3A_20 : vector<1x128xf32> to vector<128xf32>
    %broadcast_in_dim3A_22 = vector.shape_cast %get3A_21 : vector<128xf32> to vector<1x128xf32>
    %mul3A_23 = vector.broadcast %broadcast_in_dim3A_22 : vector<1x128xf32> to vector<2000x128xf32>
    %mul3A_24 = arith.mulf %get3A_17, %mul3A_23 : vector<2000x128xf32>
    %round3A_25 = math.roundeven %mul3A_24 : vector<2000x128xf32>
    %convert_element_type3A_26 = arith.fptosi %round3A_25 : vector<2000x128xf32> to vector<2000x128xi32>
    %add3A_27 = arith.constant 32768 : i32
    %add3A_28 = vector.broadcast %add3A_27 : i32 to vector<2000x128xi32>
    %add3A_29 = arith.addi %convert_element_type3A_26, %add3A_28 : vector<2000x128xi32>
    %shift_left3A = arith.constant 16 : i32
    %shift_left3A_30 = vector.broadcast %shift_left3A : i32 to vector<2000x128xi32>
    %shift_left3A_31 = arith.shli %add3A_29, %shift_left3A_30 : vector<2000x128xi32>
    %add3A_32 = arith.addi %add3A_11, %shift_left3A_31 : vector<2000x128xi32>
    %swap3A = arith.constant 0 : index
    %swap3A_33 = arith.constant 0 : index
    %swap3A_34 = arith.constant 0 : index
    %swap3A_35 = vector.load %arg4[%swap3A, %swap3A_33, %swap3A_34] : memref<1x2000x128xi32, #tpu.memory_space<vmem>>, vector<1x2000x128xi32>
    %swap3A_36 = vector.shape_cast %swap3A_35 : vector<1x2000x128xi32> to vector<2000x128xi32>
    %swap3A_37 = vector.shape_cast %add3A_32 : vector<2000x128xi32> to vector<1x2000x128xi32>
    tpu.vector_store %arg4[%swap3A, %swap3A_33, %swap3A_34], %swap3A_37 {strides = array<i32>} : memref<1x2000x128xi32, #tpu.memory_space<vmem>>, vector<1x2000x128xi32>,
    return
  }
  func.func @transform_0(%arg0: i32, %arg1: i32) -> (i32, i32, i32, i32) {
    %c0_i32 = arith.constant 0 : i32
    %c0_i32_0 = arith.constant 0 : i32
    %c0_i32_1 = arith.constant 0 : i32
    return %c0_i32, %arg0, %arg1, %c0_i32_0 : i32, i32, i32, i32
  }
  func.func @transform_1(%arg0: i32, %arg1: i32) -> (i32, i32) {
    %c0_i32 = arith.constant 0 : i32
    %c0_i32_0 = arith.constant 0 : i32
    %c0_i32_1 = arith.constant 0 : i32
    return %c0_i32, %c0_i32_0 : i32, i32
  }
  func.func @transform_2(%arg0: i32, %arg1: i32) -> (i32, i32, i32) {
    %c0_i32 = arith.constant 0 : i32
    %c0_i32_0 = arith.constant 0 : i32
    return %arg0, %arg1, %c0_i32 : i32, i32, i32
  }
}

module attributes {stable_mosaic.version = 14 : i64} {
  func.func @_dense2_body(%arg0: i32, %arg1: i32, %arg2: memref<1x2x2000x128xi32, #tpu.memory_space<vmem>>, %arg3: memref<2x1x2000x128xf32, #tpu.memory_space<vmem>>, %arg4: memref<1x2x2000x1xf32, #tpu.memory_space<vmem>>, %arg5: memref<2x128xf32, #tpu.memory_space<vmem>>, %arg6: memref<1x2x128xf32, #tpu.memory_space<vmem>>, %arg7: memref<1x2x128x128xf32, #tpu.memory_space<vmem>>, %arg8: memref<1x2000x128xf32, #tpu.memory_space<vmem>>) attributes {dimension_semantics = [#tpu.dimension_semantics<arbitrary>, #tpu.dimension_semantics<arbitrary>], iteration_bounds = array<i64: 12, 5>, scalar_prefetch = 0 : i64, scratch_operands = 0 : i64, tpu.core_type = #tpu.core_type<tc>, window_params = [{transform_indices = @transform_0, window_bounds = array<i64: 1, 2, 2000, 128>}, {transform_indices = @transform_1, window_bounds = array<i64: 2, 1, 2000, 128>}, {transform_indices = @transform_2, window_bounds = array<i64: 1, 2, 2000, 1>}, {pipeline_mode = #tpu.pipeline_mode<synchronous>, transform_indices = @transform_3, window_bounds = array<i64: 2, 128>}, {transform_indices = @transform_4, window_bounds = array<i64: 1, 2, 128>}, {transform_indices = @transform_5, window_bounds = array<i64: 1, 2, 128, 128>}, {transform_indices = @transform_6, window_bounds = array<i64: 1, 2000, 128>}]} {
    %get3A = arith.constant 0 : index
    %get3A_0 = arith.constant 0 : index
    %get3A_1 = arith.constant 0 : index
    %get3A_2 = arith.constant 0 : index
    %get3A_3 = vector.load %arg4[%get3A, %get3A_0, %get3A_1, %get3A_2] : memref<1x2x2000x1xf32, #tpu.memory_space<vmem>>, vector<1x2x2000x1xf32>
    %get3A_4 = vector.shape_cast %get3A_3 : vector<1x2x2000x1xf32> to vector<2x2000xf32>
    %reduce_sum3A = arith.constant dense<0.000000e+00> : vector<2000xf32>
    %reduce_sum3A_5 = vector.multi_reduction <add>, %get3A_4, %reduce_sum3A [0] : vector<2x2000xf32> to vector<2000xf32>
    %convert_element_type3A = arith.fptosi %reduce_sum3A_5 : vector<2000xf32> to vector<2000xi32>
    %add3A = arith.constant 1.000000e+00 : f32
    %add3A_6 = vector.broadcast %add3A : f32 to vector<2000xf32>
    %add3A_7 = arith.addf %reduce_sum3A_5, %add3A_6 : vector<2000xf32>
    %rsqrt3A = math.rsqrt %add3A_7 : vector<2000xf32>
    %get3A_8 = arith.constant 0 : index
    %get3A_9 = arith.constant 0 : index
    %get3A_10 = arith.constant 0 : index
    %get3A_11 = arith.constant 0 : index
    %get3A_12 = vector.load %arg2[%get3A_8, %get3A_9, %get3A_10, %get3A_11] : memref<1x2x2000x128xi32, #tpu.memory_space<vmem>>, vector<1x1x2000x128xi32>
    %get3A_13 = vector.shape_cast %get3A_12 : vector<1x1x2000x128xi32> to vector<2000x128xi32>
    %get3A_14 = arith.constant 0 : index
    %get3A_15 = arith.constant 1 : index
    %get3A_16 = arith.constant 0 : index
    %get3A_17 = arith.constant 0 : index
    %get3A_18 = vector.load %arg2[%get3A_14, %get3A_15, %get3A_16, %get3A_17] : memref<1x2x2000x128xi32, #tpu.memory_space<vmem>>, vector<1x1x2000x128xi32>
    %get3A_19 = vector.shape_cast %get3A_18 : vector<1x1x2000x128xi32> to vector<2000x128xi32>
    %add3A_20 = arith.addi %get3A_13, %get3A_19 : vector<2000x128xi32>
    %get3A_21 = arith.constant 0 : index
    %get3A_22 = arith.constant 0 : index
    %get3A_23 = vector.load %arg5[%get3A_21, %get3A_22] : memref<2x128xf32, #tpu.memory_space<vmem>>, vector<1x128xf32>
    %get3A_24 = vector.shape_cast %get3A_23 : vector<1x128xf32> to vector<128xf32>
    %broadcast_in_dim3A = vector.shape_cast %get3A_24 : vector<128xf32> to vector<1x128xf32>
    %get3A_25 = arith.constant 1 : index
    %get3A_26 = arith.constant 0 : index
    %get3A_27 = vector.load %arg5[%get3A_25, %get3A_26] : memref<2x128xf32, #tpu.memory_space<vmem>>, vector<1x128xf32>
    %get3A_28 = vector.shape_cast %get3A_27 : vector<1x128xf32> to vector<128xf32>
    %broadcast_in_dim3A_29 = vector.shape_cast %get3A_28 : vector<128xf32> to vector<1x128xf32>
    %bitcast_convert_type3A = tpu.bitcast %add3A_20 : vector<2000x128xi32> -> vector<2000x128xi32>
    %and3A = arith.constant 65535 : i32
    %and3A_30 = vector.broadcast %and3A : i32 to vector<2000x128xi32>
    %and3A_31 = arith.andi %bitcast_convert_type3A, %and3A_30 : vector<2000x128xi32>
    %shift_right_logical3A = arith.constant 16 : i32
    %shift_right_logical3A_32 = vector.broadcast %shift_right_logical3A : i32 to vector<2000x128xi32>
    %shift_right_logical3A_33 = arith.shrui %bitcast_convert_type3A, %shift_right_logical3A_32 : vector<2000x128xi32>
    %mul3A = arith.constant 32768 : i32
    %mul3A_34 = vector.broadcast %mul3A : i32 to vector<2000xi32>
    %mul3A_35 = arith.muli %convert_element_type3A, %mul3A_34 : vector<2000xi32>
    %broadcast_in_dim3A_36 = vector.shape_cast %mul3A_35 : vector<2000xi32> to vector<2000x1xi32>
    %sub3A = vector.broadcast %broadcast_in_dim3A_36 : vector<2000x1xi32> to vector<2000x128xi32>
    %sub3A_37 = arith.subi %and3A_31, %sub3A : vector<2000x128xi32>
    %add3A_38 = arith.constant 32768 : i32
    %add3A_39 = vector.broadcast %add3A_38 : i32 to vector<2000x128xi32>
    %add3A_40 = arith.addi %sub3A_37, %add3A_39 : vector<2000x128xi32>
    %and3A_41 = arith.constant 65535 : i32
    %and3A_42 = vector.broadcast %and3A_41 : i32 to vector<2000x128xi32>
    %and3A_43 = arith.andi %add3A_40, %and3A_42 : vector<2000x128xi32>
    %sub3A_44 = arith.constant 32768 : i32
    %sub3A_45 = vector.broadcast %sub3A_44 : i32 to vector<2000x128xi32>
    %sub3A_46 = arith.subi %and3A_43, %sub3A_45 : vector<2000x128xi32>
    %add3A_47 = vector.broadcast %broadcast_in_dim3A_36 : vector<2000x1xi32> to vector<2000x128xi32>
    %add3A_48 = arith.addi %add3A_47, %sub3A_46 : vector<2000x128xi32>
    %sub3A_49 = arith.subi %add3A_48, %and3A_31 : vector<2000x128xi32>
    %shift_right_arithmetic3A = arith.constant 16 : i32
    %shift_right_arithmetic3A_50 = vector.broadcast %shift_right_arithmetic3A : i32 to vector<2000x128xi32>
    %shift_right_arithmetic3A_51 = arith.shrsi %sub3A_49, %shift_right_arithmetic3A_50 : vector<2000x128xi32>
    %sub3A_52 = arith.subi %shift_right_logical3A_33, %shift_right_arithmetic3A_51 : vector<2000x128xi32>
    %sub3A_53 = vector.broadcast %broadcast_in_dim3A_36 : vector<2000x1xi32> to vector<2000x128xi32>
    %sub3A_54 = arith.subi %sub3A_52, %sub3A_53 : vector<2000x128xi32>
    %add3A_55 = arith.constant 32768 : i32
    %add3A_56 = vector.broadcast %add3A_55 : i32 to vector<2000x128xi32>
    %add3A_57 = arith.addi %sub3A_54, %add3A_56 : vector<2000x128xi32>
    %and3A_58 = arith.constant 65535 : i32
    %and3A_59 = vector.broadcast %and3A_58 : i32 to vector<2000x128xi32>
    %and3A_60 = arith.andi %add3A_57, %and3A_59 : vector<2000x128xi32>
    %sub3A_61 = arith.constant 32768 : i32
    %sub3A_62 = vector.broadcast %sub3A_61 : i32 to vector<2000x128xi32>
    %sub3A_63 = arith.subi %and3A_60, %sub3A_62 : vector<2000x128xi32>
    %convert_element_type3A_64 = arith.sitofp %sub3A_46 : vector<2000x128xi32> to vector<2000x128xf32>
    %mul3A_65 = vector.broadcast %broadcast_in_dim3A : vector<1x128xf32> to vector<2000x128xf32>
    %mul3A_66 = arith.mulf %convert_element_type3A_64, %mul3A_65 : vector<2000x128xf32>
    %convert_element_type3A_67 = arith.sitofp %sub3A_63 : vector<2000x128xi32> to vector<2000x128xf32>
    %mul3A_68 = vector.broadcast %broadcast_in_dim3A_29 : vector<1x128xf32> to vector<2000x128xf32>
    %mul3A_69 = arith.mulf %convert_element_type3A_67, %mul3A_68 : vector<2000x128xf32>
    %get3A_70 = arith.constant 0 : index
    %get3A_71 = arith.constant 0 : index
    %get3A_72 = arith.constant 0 : index
    %get3A_73 = arith.constant 0 : index
    %get3A_74 = vector.load %arg3[%get3A_70, %get3A_71, %get3A_72, %get3A_73] : memref<2x1x2000x128xf32, #tpu.memory_space<vmem>>, vector<1x1x2000x128xf32>
    %get3A_75 = vector.shape_cast %get3A_74 : vector<1x1x2000x128xf32> to vector<2000x128xf32>
    %add3A_76 = arith.addf %mul3A_66, %get3A_75 : vector<2000x128xf32>
    %broadcast_in_dim3A_77 = vector.shape_cast %rsqrt3A : vector<2000xf32> to vector<2000x1xf32>
    %mul3A_78 = vector.broadcast %broadcast_in_dim3A_77 : vector<2000x1xf32> to vector<2000x128xf32>
    %mul3A_79 = arith.mulf %mul3A_78, %add3A_76 : vector<2000x128xf32>
    %get3A_80 = arith.constant 0 : index
    %get3A_81 = arith.constant 0 : index
    %get3A_82 = arith.constant 0 : index
    %get3A_83 = vector.load %arg6[%get3A_80, %get3A_81, %get3A_82] : memref<1x2x128xf32, #tpu.memory_space<vmem>>, vector<1x1x128xf32>
    %get3A_84 = vector.shape_cast %get3A_83 : vector<1x1x128xf32> to vector<128xf32>
    %broadcast_in_dim3A_85 = vector.shape_cast %get3A_84 : vector<128xf32> to vector<1x128xf32>
    %add3A_86 = vector.broadcast %broadcast_in_dim3A_85 : vector<1x128xf32> to vector<2000x128xf32>
    %add3A_87 = arith.addf %mul3A_79, %add3A_86 : vector<2000x128xf32>
    %max3A = arith.constant 0.000000e+00 : f32
    %max3A_88 = vector.broadcast %max3A : f32 to vector<2000x128xf32>
    %max3A_89 = arith.maximumf %add3A_87, %max3A_88 : vector<2000x128xf32>
    %get3A_90 = arith.constant 0 : index
    %get3A_91 = arith.constant 0 : index
    %get3A_92 = arith.constant 0 : index
    %get3A_93 = arith.constant 0 : index
    %get3A_94 = vector.load %arg7[%get3A_90, %get3A_91, %get3A_92, %get3A_93] : memref<1x2x128x128xf32, #tpu.memory_space<vmem>>, vector<1x1x128x128xf32>
    %get3A_95 = vector.shape_cast %get3A_94 : vector<1x1x128x128xf32> to vector<128x128xf32>
    %dot_general3A = arith.constant dense<0.000000e+00> : vector<2000x128xf32>
    %dot_general3A_96 = tpu.matmul %max3A_89, %get3A_95, %dot_general3A {dimension_numbers = #tpu.dot_dimension_numbers<[1], [0], [0], [1], [0, 0, 1, 1], [], []>, transpose_lhs_hint = false} : vector<2000x128xf32>, vector<128x128xf32>, vector<2000x128xf32> -> vector<2000x128xf32>
    %get3A_97 = arith.constant 1 : index
    %get3A_98 = arith.constant 0 : index
    %get3A_99 = arith.constant 0 : index
    %get3A_100 = arith.constant 0 : index
    %get3A_101 = vector.load %arg3[%get3A_97, %get3A_98, %get3A_99, %get3A_100] : memref<2x1x2000x128xf32, #tpu.memory_space<vmem>>, vector<1x1x2000x128xf32>
    %get3A_102 = vector.shape_cast %get3A_101 : vector<1x1x2000x128xf32> to vector<2000x128xf32>
    %add3A_103 = arith.addf %mul3A_69, %get3A_102 : vector<2000x128xf32>
    %broadcast_in_dim3A_104 = vector.shape_cast %rsqrt3A : vector<2000xf32> to vector<2000x1xf32>
    %mul3A_105 = vector.broadcast %broadcast_in_dim3A_104 : vector<2000x1xf32> to vector<2000x128xf32>
    %mul3A_106 = arith.mulf %mul3A_105, %add3A_103 : vector<2000x128xf32>
    %get3A_107 = arith.constant 0 : index
    %get3A_108 = arith.constant 1 : index
    %get3A_109 = arith.constant 0 : index
    %get3A_110 = vector.load %arg6[%get3A_107, %get3A_108, %get3A_109] : memref<1x2x128xf32, #tpu.memory_space<vmem>>, vector<1x1x128xf32>
    %get3A_111 = vector.shape_cast %get3A_110 : vector<1x1x128xf32> to vector<128xf32>
    %broadcast_in_dim3A_112 = vector.shape_cast %get3A_111 : vector<128xf32> to vector<1x128xf32>
    %add3A_113 = vector.broadcast %broadcast_in_dim3A_112 : vector<1x128xf32> to vector<2000x128xf32>
    %add3A_114 = arith.addf %mul3A_106, %add3A_113 : vector<2000x128xf32>
    %max3A_115 = arith.constant 0.000000e+00 : f32
    %max3A_116 = vector.broadcast %max3A_115 : f32 to vector<2000x128xf32>
    %max3A_117 = arith.maximumf %add3A_114, %max3A_116 : vector<2000x128xf32>
    %get3A_118 = arith.constant 0 : index
    %get3A_119 = arith.constant 1 : index
    %get3A_120 = arith.constant 0 : index
    %get3A_121 = arith.constant 0 : index
    %get3A_122 = vector.load %arg7[%get3A_118, %get3A_119, %get3A_120, %get3A_121] : memref<1x2x128x128xf32, #tpu.memory_space<vmem>>, vector<1x1x128x128xf32>
    %get3A_123 = vector.shape_cast %get3A_122 : vector<1x1x128x128xf32> to vector<128x128xf32>
    %dot_general3A_124 = arith.constant dense<0.000000e+00> : vector<2000x128xf32>
    %dot_general3A_125 = tpu.matmul %max3A_117, %get3A_123, %dot_general3A_124 {dimension_numbers = #tpu.dot_dimension_numbers<[1], [0], [0], [1], [0, 0, 1, 1], [], []>, transpose_lhs_hint = false} : vector<2000x128xf32>, vector<128x128xf32>, vector<2000x128xf32> -> vector<2000x128xf32>
    %add3A_126 = arith.addf %dot_general3A_96, %dot_general3A_125 : vector<2000x128xf32>
    %broadcast_in_dim3A_127 = vector.shape_cast %rsqrt3A : vector<2000xf32> to vector<2000x1xf32>
    %mul3A_128 = vector.broadcast %broadcast_in_dim3A_127 : vector<2000x1xf32> to vector<2000x128xf32>
    %mul3A_129 = arith.mulf %add3A_126, %mul3A_128 : vector<2000x128xf32>
    %swap3A = arith.constant 0 : index
    %swap3A_130 = arith.constant 0 : index
    %swap3A_131 = arith.constant 0 : index
    %swap3A_132 = vector.load %arg8[%swap3A, %swap3A_130, %swap3A_131] : memref<1x2000x128xf32, #tpu.memory_space<vmem>>, vector<1x2000x128xf32>
    %swap3A_133 = vector.shape_cast %swap3A_132 : vector<1x2000x128xf32> to vector<2000x128xf32>
    %swap3A_134 = vector.shape_cast %mul3A_129 : vector<2000x128xf32> to vector<1x2000x128xf32>
    tpu.vector_store %arg8[%swap3A, %swap3A_130, %swap3A_131], %swap3A_134 {strides = array<i32>} : memref<1x2000x128xf32, #tpu.memory_space<vmem>>, vector<1x2000x128xf32>,
    return
  }
  func.func @transform_0(%arg0: i32, %arg1: i32) -> (i32, i32, i32, i32) {
    %c0_i32 = arith.constant 0 : i32
    %c0_i32_0 = arith.constant 0 : i32
    %c0_i32_1 = arith.constant 0 : i32
    return %arg0, %c0_i32, %arg1, %c0_i32_0 : i32, i32, i32, i32
  }
  func.func @transform_1(%arg0: i32, %arg1: i32) -> (i32, i32, i32, i32) {
    %c0_i32 = arith.constant 0 : i32
    %c0_i32_0 = arith.constant 0 : i32
    %c0_i32_1 = arith.constant 0 : i32
    return %c0_i32, %arg0, %arg1, %c0_i32_0 : i32, i32, i32, i32
  }
  func.func @transform_2(%arg0: i32, %arg1: i32) -> (i32, i32, i32, i32) {
    %c0_i32 = arith.constant 0 : i32
    %c0_i32_0 = arith.constant 0 : i32
    %c0_i32_1 = arith.constant 0 : i32
    return %arg0, %c0_i32, %arg1, %c0_i32_0 : i32, i32, i32, i32
  }
  func.func @transform_3(%arg0: i32, %arg1: i32) -> (i32, i32) {
    %c0_i32 = arith.constant 0 : i32
    %c0_i32_0 = arith.constant 0 : i32
    %c0_i32_1 = arith.constant 0 : i32
    return %c0_i32, %c0_i32_0 : i32, i32
  }
  func.func @transform_4(%arg0: i32, %arg1: i32) -> (i32, i32, i32) {
    %c0_i32 = arith.constant 0 : i32
    %c0_i32_0 = arith.constant 0 : i32
    %c0_i32_1 = arith.constant 0 : i32
    return %arg0, %c0_i32, %c0_i32_0 : i32, i32, i32
  }
  func.func @transform_5(%arg0: i32, %arg1: i32) -> (i32, i32, i32, i32) {
    %c0_i32 = arith.constant 0 : i32
    %c0_i32_0 = arith.constant 0 : i32
    %c0_i32_1 = arith.constant 0 : i32
    %c0_i32_2 = arith.constant 0 : i32
    return %arg0, %c0_i32, %c0_i32_0, %c0_i32_1 : i32, i32, i32, i32
  }
  func.func @transform_6(%arg0: i32, %arg1: i32) -> (i32, i32, i32) {
    %c0_i32 = arith.constant 0 : i32
    %c0_i32_0 = arith.constant 0 : i32
    return %arg0, %arg1, %c0_i32 : i32, i32, i32
  }
}

module attributes {stable_mosaic.version = 14 : i64} {
  func.func @_gru_body(%arg0: i32, %arg1: memref<12x2x400x128xf32, #tpu.memory_space<vmem>>, %arg2: memref<12x400x128xf32, #tpu.memory_space<vmem>>, %arg3: memref<12x2x400x1xf32, #tpu.memory_space<vmem>>, %arg4: memref<12x128xf32, #tpu.memory_space<vmem>>, %arg5: memref<128x384xf32, #tpu.memory_space<vmem>>, %arg6: memref<128x384xf32, #tpu.memory_space<vmem>>, %arg7: memref<1x384xf32, #tpu.memory_space<vmem>>, %arg8: memref<1x384xf32, #tpu.memory_space<vmem>>, %arg9: memref<400x128xf32, #tpu.memory_space<vmem>>) attributes {dimension_semantics = [#tpu.dimension_semantics<arbitrary>], iteration_bounds = array<i64: 25>, scalar_prefetch = 0 : i64, scratch_operands = 0 : i64, tpu.core_type = #tpu.core_type<tc>, window_params = [{transform_indices = @transform_0, window_bounds = array<i64: 12, 2, 400, 128>}, {transform_indices = @transform_1, window_bounds = array<i64: 12, 400, 128>}, {transform_indices = @transform_2, window_bounds = array<i64: 12, 2, 400, 1>}, {pipeline_mode = #tpu.pipeline_mode<synchronous>, transform_indices = @transform_3, window_bounds = array<i64: 12, 128>}, {pipeline_mode = #tpu.pipeline_mode<synchronous>, transform_indices = @transform_4, window_bounds = array<i64: 128, 384>}, {pipeline_mode = #tpu.pipeline_mode<synchronous>, transform_indices = @transform_5, window_bounds = array<i64: 128, 384>}, {pipeline_mode = #tpu.pipeline_mode<synchronous>, transform_indices = @transform_6, window_bounds = array<i64: 1, 384>}, {pipeline_mode = #tpu.pipeline_mode<synchronous>, transform_indices = @transform_7, window_bounds = array<i64: 1, 384>}, {transform_indices = @transform_8, window_bounds = array<i64: 400, 128>}]} {
    %get3A = arith.constant 0 : index
    %get3A_0 = arith.constant 0 : index
    %get3A_1 = vector.load %arg5[%get3A, %get3A_0] : memref<128x384xf32, #tpu.memory_space<vmem>>, vector<128x384xf32>
    %get3A_2 = arith.constant 0 : index
    %get3A_3 = arith.constant 0 : index
    %get3A_4 = vector.load %arg6[%get3A_2, %get3A_3] : memref<128x384xf32, #tpu.memory_space<vmem>>, vector<128x384xf32>
    %get3A_5 = arith.constant 0 : index
    %get3A_6 = arith.constant 0 : index
    %get3A_7 = vector.load %arg7[%get3A_5, %get3A_6] : memref<1x384xf32, #tpu.memory_space<vmem>>, vector<1x384xf32>
    %get3A_8 = arith.constant 0 : index
    %get3A_9 = arith.constant 0 : index
    %get3A_10 = vector.load %arg8[%get3A_8, %get3A_9] : memref<1x384xf32, #tpu.memory_space<vmem>>, vector<1x384xf32>
    %broadcast_in_dim3A = arith.constant 0.000000e+00 : f32
    %broadcast_in_dim3A_11 = vector.broadcast %broadcast_in_dim3A : f32 to vector<400x128xf32>
    %get3A_12 = arith.constant 0 : index
    %get3A_13 = arith.constant 0 : index
    %get3A_14 = arith.constant 0 : index
    %get3A_15 = arith.constant 0 : index
    %get3A_16 = vector.load %arg3[%get3A_12, %get3A_13, %get3A_14, %get3A_15] : memref<12x2x400x1xf32, #tpu.memory_space<vmem>>, vector<1x1x400x1xf32>
    %get3A_17 = vector.shape_cast %get3A_16 : vector<1x1x400x1xf32> to vector<400xf32>
    %get3A_18 = arith.constant 0 : index
    %get3A_19 = arith.constant 1 : index
    %get3A_20 = arith.constant 0 : index
    %get3A_21 = arith.constant 0 : index
    %get3A_22 = vector.load %arg3[%get3A_18, %get3A_19, %get3A_20, %get3A_21] : memref<12x2x400x1xf32, #tpu.memory_space<vmem>>, vector<1x1x400x1xf32>
    %get3A_23 = vector.shape_cast %get3A_22 : vector<1x1x400x1xf32> to vector<400xf32>
    %add3A = arith.addf %get3A_17, %get3A_23 : vector<400xf32>
    %add3A_24 = arith.constant 1.000000e+00 : f32
    %add3A_25 = vector.broadcast %add3A_24 : f32 to vector<400xf32>
    %add3A_26 = arith.addf %add3A, %add3A_25 : vector<400xf32>
    %rsqrt3A = math.rsqrt %add3A_26 : vector<400xf32>
    %broadcast_in_dim3A_27 = vector.shape_cast %rsqrt3A : vector<400xf32> to vector<400x1xf32>
    %get3A_28 = arith.constant 0 : index
    %get3A_29 = arith.constant 0 : index
    %get3A_30 = arith.constant 0 : index
    %get3A_31 = arith.constant 0 : index
    %get3A_32 = vector.load %arg1[%get3A_28, %get3A_29, %get3A_30, %get3A_31] : memref<12x2x400x128xf32, #tpu.memory_space<vmem>>, vector<1x1x400x128xf32>
    %get3A_33 = vector.shape_cast %get3A_32 : vector<1x1x400x128xf32> to vector<400x128xf32>
    %get3A_34 = arith.constant 0 : index
    %get3A_35 = arith.constant 1 : index
    %get3A_36 = arith.constant 0 : index
    %get3A_37 = arith.constant 0 : index
    %get3A_38 = vector.load %arg1[%get3A_34, %get3A_35, %get3A_36, %get3A_37] : memref<12x2x400x128xf32, #tpu.memory_space<vmem>>, vector<1x1x400x128xf32>
    %get3A_39 = vector.shape_cast %get3A_38 : vector<1x1x400x128xf32> to vector<400x128xf32>
    %add3A_40 = arith.addf %get3A_33, %get3A_39 : vector<400x128xf32>
    %get3A_41 = arith.constant 0 : index
    %get3A_42 = arith.constant 0 : index
    %get3A_43 = arith.constant 0 : index
    %get3A_44 = vector.load %arg2[%get3A_41, %get3A_42, %get3A_43] : memref<12x400x128xf32, #tpu.memory_space<vmem>>, vector<1x400x128xf32>
    %get3A_45 = vector.shape_cast %get3A_44 : vector<1x400x128xf32> to vector<400x128xf32>
    %add3A_46 = arith.addf %add3A_40, %get3A_45 : vector<400x128xf32>
    %mul3A = vector.broadcast %broadcast_in_dim3A_27 : vector<400x1xf32> to vector<400x128xf32>
    %mul3A_47 = arith.mulf %mul3A, %add3A_46 : vector<400x128xf32>
    %get3A_48 = arith.constant 0 : index
    %get3A_49 = arith.constant 0 : index
    %get3A_50 = vector.load %arg4[%get3A_48, %get3A_49] : memref<12x128xf32, #tpu.memory_space<vmem>>, vector<1x128xf32>
    %get3A_51 = vector.shape_cast %get3A_50 : vector<1x128xf32> to vector<128xf32>
    %broadcast_in_dim3A_52 = vector.shape_cast %get3A_51 : vector<128xf32> to vector<1x128xf32>
    %add3A_53 = vector.broadcast %broadcast_in_dim3A_52 : vector<1x128xf32> to vector<400x128xf32>
    %add3A_54 = arith.addf %mul3A_47, %add3A_53 : vector<400x128xf32>
    %dot_general3A = arith.constant dense<0.000000e+00> : vector<400x384xf32>
    %dot_general3A_55 = tpu.matmul %add3A_54, %get3A_1, %dot_general3A {dimension_numbers = #tpu.dot_dimension_numbers<[1], [0], [0], [1], [0, 0, 1, 1], [], []>, transpose_lhs_hint = false} : vector<400x128xf32>, vector<128x384xf32>, vector<400x384xf32> -> vector<400x384xf32>
    %add3A_56 = vector.broadcast %get3A_7 : vector<1x384xf32> to vector<400x384xf32>
    %add3A_57 = arith.addf %dot_general3A_55, %add3A_56 : vector<400x384xf32>
    %dot_general3A_58 = arith.constant dense<0.000000e+00> : vector<400x384xf32>
    %dot_general3A_59 = tpu.matmul %broadcast_in_dim3A_11, %get3A_4, %dot_general3A_58 {dimension_numbers = #tpu.dot_dimension_numbers<[1], [0], [0], [1], [0, 0, 1, 1], [], []>, transpose_lhs_hint = false} : vector<400x128xf32>, vector<128x384xf32>, vector<400x384xf32> -> vector<400x384xf32>
    %add3A_60 = vector.broadcast %get3A_10 : vector<1x384xf32> to vector<400x384xf32>
    %add3A_61 = arith.addf %dot_general3A_59, %add3A_60 : vector<400x384xf32>
    %slice3A = vector.extract_strided_slice %add3A_57 {offsets = [0, 0], sizes = [400, 128], strides = [1, 1]} : vector<400x384xf32> to vector<400x128xf32>
    %slice3A_62 = vector.extract_strided_slice %add3A_61 {offsets = [0, 0], sizes = [400, 128], strides = [1, 1]} : vector<400x384xf32> to vector<400x128xf32>
    %add3A_63 = arith.addf %slice3A, %slice3A_62 : vector<400x128xf32>
    %logistic3A = arith.negf %add3A_63 : vector<400x128xf32>
    %logistic3A_64 = math.exp %logistic3A : vector<400x128xf32>
    %logistic3A_65 = arith.constant 1.000000e+00 : f32
    %logistic3A_66 = vector.broadcast %logistic3A_65 : f32 to vector<400x128xf32>
    %logistic3A_67 = arith.addf %logistic3A_66, %logistic3A_64 : vector<400x128xf32>
    %logistic3A_68 = arith.divf %logistic3A_66, %logistic3A_67 : vector<400x128xf32>
    %slice3A_69 = vector.extract_strided_slice %add3A_57 {offsets = [0, 128], sizes = [400, 128], strides = [1, 1]} : vector<400x384xf32> to vector<400x128xf32>
    %slice3A_70 = vector.extract_strided_slice %add3A_61 {offsets = [0, 128], sizes = [400, 128], strides = [1, 1]} : vector<400x384xf32> to vector<400x128xf32>
    %add3A_71 = arith.addf %slice3A_69, %slice3A_70 : vector<400x128xf32>
    %logistic3A_72 = arith.negf %add3A_71 : vector<400x128xf32>
    %logistic3A_73 = math.exp %logistic3A_72 : vector<400x128xf32>
    %logistic3A_74 = arith.constant 1.000000e+00 : f32
    %logistic3A_75 = vector.broadcast %logistic3A_74 : f32 to vector<400x128xf32>
    %logistic3A_76 = arith.addf %logistic3A_75, %logistic3A_73 : vector<400x128xf32>
    %logistic3A_77 = arith.divf %logistic3A_75, %logistic3A_76 : vector<400x128xf32>
    %slice3A_78 = vector.extract_strided_slice %add3A_57 {offsets = [0, 256], sizes = [400, 128], strides = [1, 1]} : vector<400x384xf32> to vector<400x128xf32>
    %slice3A_79 = vector.extract_strided_slice %add3A_61 {offsets = [0, 256], sizes = [400, 128], strides = [1, 1]} : vector<400x384xf32> to vector<400x128xf32>
    %mul3A_80 = arith.mulf %logistic3A_68, %slice3A_79 : vector<400x128xf32>
    %add3A_81 = arith.addf %slice3A_78, %mul3A_80 : vector<400x128xf32>
    %tanh3A = math.tanh %add3A_81 : vector<400x128xf32>
    %sub3A = arith.constant 1.000000e+00 : f32
    %sub3A_82 = vector.broadcast %sub3A : f32 to vector<400x128xf32>
    %sub3A_83 = arith.subf %sub3A_82, %logistic3A_77 : vector<400x128xf32>
    %mul3A_84 = arith.mulf %sub3A_83, %tanh3A : vector<400x128xf32>
    %mul3A_85 = arith.mulf %logistic3A_77, %broadcast_in_dim3A_11 : vector<400x128xf32>
    %add3A_86 = arith.addf %mul3A_84, %mul3A_85 : vector<400x128xf32>
    %get3A_87 = arith.constant 1 : index
    %get3A_88 = arith.constant 0 : index
    %get3A_89 = arith.constant 0 : index
    %get3A_90 = arith.constant 0 : index
    %get3A_91 = vector.load %arg3[%get3A_87, %get3A_88, %get3A_89, %get3A_90] : memref<12x2x400x1xf32, #tpu.memory_space<vmem>>, vector<1x1x400x1xf32>
    %get3A_92 = vector.shape_cast %get3A_91 : vector<1x1x400x1xf32> to vector<400xf32>
    %get3A_93 = arith.constant 1 : index
    %get3A_94 = arith.constant 1 : index
    %get3A_95 = arith.constant 0 : index
    %get3A_96 = arith.constant 0 : index
    %get3A_97 = vector.load %arg3[%get3A_93, %get3A_94, %get3A_95, %get3A_96] : memref<12x2x400x1xf32, #tpu.memory_space<vmem>>, vector<1x1x400x1xf32>
    %get3A_98 = vector.shape_cast %get3A_97 : vector<1x1x400x1xf32> to vector<400xf32>
    %add3A_99 = arith.addf %get3A_92, %get3A_98 : vector<400xf32>
    %add3A_100 = arith.constant 1.000000e+00 : f32
    %add3A_101 = vector.broadcast %add3A_100 : f32 to vector<400xf32>
    %add3A_102 = arith.addf %add3A_99, %add3A_101 : vector<400xf32>
    %rsqrt3A_103 = math.rsqrt %add3A_102 : vector<400xf32>
    %broadcast_in_dim3A_104 = vector.shape_cast %rsqrt3A_103 : vector<400xf32> to vector<400x1xf32>
    %get3A_105 = arith.constant 1 : index
    %get3A_106 = arith.constant 0 : index
    %get3A_107 = arith.constant 0 : index
    %get3A_108 = arith.constant 0 : index
    %get3A_109 = vector.load %arg1[%get3A_105, %get3A_106, %get3A_107, %get3A_108] : memref<12x2x400x128xf32, #tpu.memory_space<vmem>>, vector<1x1x400x128xf32>
    %get3A_110 = vector.shape_cast %get3A_109 : vector<1x1x400x128xf32> to vector<400x128xf32>
    %get3A_111 = arith.constant 1 : index
    %get3A_112 = arith.constant 1 : index
    %get3A_113 = arith.constant 0 : index
    %get3A_114 = arith.constant 0 : index
    %get3A_115 = vector.load %arg1[%get3A_111, %get3A_112, %get3A_113, %get3A_114] : memref<12x2x400x128xf32, #tpu.memory_space<vmem>>, vector<1x1x400x128xf32>
    %get3A_116 = vector.shape_cast %get3A_115 : vector<1x1x400x128xf32> to vector<400x128xf32>
    %add3A_117 = arith.addf %get3A_110, %get3A_116 : vector<400x128xf32>
    %get3A_118 = arith.constant 1 : index
    %get3A_119 = arith.constant 0 : index
    %get3A_120 = arith.constant 0 : index
    %get3A_121 = vector.load %arg2[%get3A_118, %get3A_119, %get3A_120] : memref<12x400x128xf32, #tpu.memory_space<vmem>>, vector<1x400x128xf32>
    %get3A_122 = vector.shape_cast %get3A_121 : vector<1x400x128xf32> to vector<400x128xf32>
    %add3A_123 = arith.addf %add3A_117, %get3A_122 : vector<400x128xf32>
    %mul3A_124 = vector.broadcast %broadcast_in_dim3A_104 : vector<400x1xf32> to vector<400x128xf32>
    %mul3A_125 = arith.mulf %mul3A_124, %add3A_123 : vector<400x128xf32>
    %get3A_126 = arith.constant 1 : index
    %get3A_127 = arith.constant 0 : index
    %get3A_128 = vector.load %arg4[%get3A_126, %get3A_127] : memref<12x128xf32, #tpu.memory_space<vmem>>, vector<1x128xf32>
    %get3A_129 = vector.shape_cast %get3A_128 : vector<1x128xf32> to vector<128xf32>
    %broadcast_in_dim3A_130 = vector.shape_cast %get3A_129 : vector<128xf32> to vector<1x128xf32>
    %add3A_131 = vector.broadcast %broadcast_in_dim3A_130 : vector<1x128xf32> to vector<400x128xf32>
    %add3A_132 = arith.addf %mul3A_125, %add3A_131 : vector<400x128xf32>
    %dot_general3A_133 = arith.constant dense<0.000000e+00> : vector<400x384xf32>
    %dot_general3A_134 = tpu.matmul %add3A_132, %get3A_1, %dot_general3A_133 {dimension_numbers = #tpu.dot_dimension_numbers<[1], [0], [0], [1], [0, 0, 1, 1], [], []>, transpose_lhs_hint = false} : vector<400x128xf32>, vector<128x384xf32>, vector<400x384xf32> -> vector<400x384xf32>
    %add3A_135 = vector.broadcast %get3A_7 : vector<1x384xf32> to vector<400x384xf32>
    %add3A_136 = arith.addf %dot_general3A_134, %add3A_135 : vector<400x384xf32>
    %dot_general3A_137 = arith.constant dense<0.000000e+00> : vector<400x384xf32>
    %dot_general3A_138 = tpu.matmul %add3A_86, %get3A_4, %dot_general3A_137 {dimension_numbers = #tpu.dot_dimension_numbers<[1], [0], [0], [1], [0, 0, 1, 1], [], []>, transpose_lhs_hint = false} : vector<400x128xf32>, vector<128x384xf32>, vector<400x384xf32> -> vector<400x384xf32>
    %add3A_139 = vector.broadcast %get3A_10 : vector<1x384xf32> to vector<400x384xf32>
    %add3A_140 = arith.addf %dot_general3A_138, %add3A_139 : vector<400x384xf32>
    %slice3A_141 = vector.extract_strided_slice %add3A_136 {offsets = [0, 0], sizes = [400, 128], strides = [1, 1]} : vector<400x384xf32> to vector<400x128xf32>
    %slice3A_142 = vector.extract_strided_slice %add3A_140 {offsets = [0, 0], sizes = [400, 128], strides = [1, 1]} : vector<400x384xf32> to vector<400x128xf32>
    %add3A_143 = arith.addf %slice3A_141, %slice3A_142 : vector<400x128xf32>
    %logistic3A_144 = arith.negf %add3A_143 : vector<400x128xf32>
    %logistic3A_145 = math.exp %logistic3A_144 : vector<400x128xf32>
    %logistic3A_146 = arith.constant 1.000000e+00 : f32
    %logistic3A_147 = vector.broadcast %logistic3A_146 : f32 to vector<400x128xf32>
    %logistic3A_148 = arith.addf %logistic3A_147, %logistic3A_145 : vector<400x128xf32>
    %logistic3A_149 = arith.divf %logistic3A_147, %logistic3A_148 : vector<400x128xf32>
    %slice3A_150 = vector.extract_strided_slice %add3A_136 {offsets = [0, 128], sizes = [400, 128], strides = [1, 1]} : vector<400x384xf32> to vector<400x128xf32>
    %slice3A_151 = vector.extract_strided_slice %add3A_140 {offsets = [0, 128], sizes = [400, 128], strides = [1, 1]} : vector<400x384xf32> to vector<400x128xf32>
    %add3A_152 = arith.addf %slice3A_150, %slice3A_151 : vector<400x128xf32>
    %logistic3A_153 = arith.negf %add3A_152 : vector<400x128xf32>
    %logistic3A_154 = math.exp %logistic3A_153 : vector<400x128xf32>
    %logistic3A_155 = arith.constant 1.000000e+00 : f32
    %logistic3A_156 = vector.broadcast %logistic3A_155 : f32 to vector<400x128xf32>
    %logistic3A_157 = arith.addf %logistic3A_156, %logistic3A_154 : vector<400x128xf32>
    %logistic3A_158 = arith.divf %logistic3A_156, %logistic3A_157 : vector<400x128xf32>
    %slice3A_159 = vector.extract_strided_slice %add3A_136 {offsets = [0, 256], sizes = [400, 128], strides = [1, 1]} : vector<400x384xf32> to vector<400x128xf32>
    %slice3A_160 = vector.extract_strided_slice %add3A_140 {offsets = [0, 256], sizes = [400, 128], strides = [1, 1]} : vector<400x384xf32> to vector<400x128xf32>
    %mul3A_161 = arith.mulf %logistic3A_149, %slice3A_160 : vector<400x128xf32>
    %add3A_162 = arith.addf %slice3A_159, %mul3A_161 : vector<400x128xf32>
    %tanh3A_163 = math.tanh %add3A_162 : vector<400x128xf32>
    %sub3A_164 = arith.constant 1.000000e+00 : f32
    %sub3A_165 = vector.broadcast %sub3A_164 : f32 to vector<400x128xf32>
    %sub3A_166 = arith.subf %sub3A_165, %logistic3A_158 : vector<400x128xf32>
    %mul3A_167 = arith.mulf %sub3A_166, %tanh3A_163 : vector<400x128xf32>
    %mul3A_168 = arith.mulf %logistic3A_158, %add3A_86 : vector<400x128xf32>
    %add3A_169 = arith.addf %mul3A_167, %mul3A_168 : vector<400x128xf32>
    %get3A_170 = arith.constant 2 : index
    %get3A_171 = arith.constant 0 : index
    %get3A_172 = arith.constant 0 : index
    %get3A_173 = arith.constant 0 : index
    %get3A_174 = vector.load %arg3[%get3A_170, %get3A_171, %get3A_172, %get3A_173] : memref<12x2x400x1xf32, #tpu.memory_space<vmem>>, vector<1x1x400x1xf32>
    %get3A_175 = vector.shape_cast %get3A_174 : vector<1x1x400x1xf32> to vector<400xf32>
    %get3A_176 = arith.constant 2 : index
    %get3A_177 = arith.constant 1 : index
    %get3A_178 = arith.constant 0 : index
    %get3A_179 = arith.constant 0 : index
    %get3A_180 = vector.load %arg3[%get3A_176, %get3A_177, %get3A_178, %get3A_179] : memref<12x2x400x1xf32, #tpu.memory_space<vmem>>, vector<1x1x400x1xf32>
    %get3A_181 = vector.shape_cast %get3A_180 : vector<1x1x400x1xf32> to vector<400xf32>
    %add3A_182 = arith.addf %get3A_175, %get3A_181 : vector<400xf32>
    %add3A_183 = arith.constant 1.000000e+00 : f32
    %add3A_184 = vector.broadcast %add3A_183 : f32 to vector<400xf32>
    %add3A_185 = arith.addf %add3A_182, %add3A_184 : vector<400xf32>
    %rsqrt3A_186 = math.rsqrt %add3A_185 : vector<400xf32>
    %broadcast_in_dim3A_187 = vector.shape_cast %rsqrt3A_186 : vector<400xf32> to vector<400x1xf32>
    %get3A_188 = arith.constant 2 : index
    %get3A_189 = arith.constant 0 : index
    %get3A_190 = arith.constant 0 : index
    %get3A_191 = arith.constant 0 : index
    %get3A_192 = vector.load %arg1[%get3A_188, %get3A_189, %get3A_190, %get3A_191] : memref<12x2x400x128xf32, #tpu.memory_space<vmem>>, vector<1x1x400x128xf32>
    %get3A_193 = vector.shape_cast %get3A_192 : vector<1x1x400x128xf32> to vector<400x128xf32>
    %get3A_194 = arith.constant 2 : index
    %get3A_195 = arith.constant 1 : index
    %get3A_196 = arith.constant 0 : index
    %get3A_197 = arith.constant 0 : index
    %get3A_198 = vector.load %arg1[%get3A_194, %get3A_195, %get3A_196, %get3A_197] : memref<12x2x400x128xf32, #tpu.memory_space<vmem>>, vector<1x1x400x128xf32>
    %get3A_199 = vector.shape_cast %get3A_198 : vector<1x1x400x128xf32> to vector<400x128xf32>
    %add3A_200 = arith.addf %get3A_193, %get3A_199 : vector<400x128xf32>
    %get3A_201 = arith.constant 2 : index
    %get3A_202 = arith.constant 0 : index
    %get3A_203 = arith.constant 0 : index
    %get3A_204 = vector.load %arg2[%get3A_201, %get3A_202, %get3A_203] : memref<12x400x128xf32, #tpu.memory_space<vmem>>, vector<1x400x128xf32>
    %get3A_205 = vector.shape_cast %get3A_204 : vector<1x400x128xf32> to vector<400x128xf32>
    %add3A_206 = arith.addf %add3A_200, %get3A_205 : vector<400x128xf32>
    %mul3A_207 = vector.broadcast %broadcast_in_dim3A_187 : vector<400x1xf32> to vector<400x128xf32>
    %mul3A_208 = arith.mulf %mul3A_207, %add3A_206 : vector<400x128xf32>
    %get3A_209 = arith.constant 2 : index
    %get3A_210 = arith.constant 0 : index
    %get3A_211 = vector.load %arg4[%get3A_209, %get3A_210] : memref<12x128xf32, #tpu.memory_space<vmem>>, vector<1x128xf32>
    %get3A_212 = vector.shape_cast %get3A_211 : vector<1x128xf32> to vector<128xf32>
    %broadcast_in_dim3A_213 = vector.shape_cast %get3A_212 : vector<128xf32> to vector<1x128xf32>
    %add3A_214 = vector.broadcast %broadcast_in_dim3A_213 : vector<1x128xf32> to vector<400x128xf32>
    %add3A_215 = arith.addf %mul3A_208, %add3A_214 : vector<400x128xf32>
    %dot_general3A_216 = arith.constant dense<0.000000e+00> : vector<400x384xf32>
    %dot_general3A_217 = tpu.matmul %add3A_215, %get3A_1, %dot_general3A_216 {dimension_numbers = #tpu.dot_dimension_numbers<[1], [0], [0], [1], [0, 0, 1, 1], [], []>, transpose_lhs_hint = false} : vector<400x128xf32>, vector<128x384xf32>, vector<400x384xf32> -> vector<400x384xf32>
    %add3A_218 = vector.broadcast %get3A_7 : vector<1x384xf32> to vector<400x384xf32>
    %add3A_219 = arith.addf %dot_general3A_217, %add3A_218 : vector<400x384xf32>
    %dot_general3A_220 = arith.constant dense<0.000000e+00> : vector<400x384xf32>
    %dot_general3A_221 = tpu.matmul %add3A_169, %get3A_4, %dot_general3A_220 {dimension_numbers = #tpu.dot_dimension_numbers<[1], [0], [0], [1], [0, 0, 1, 1], [], []>, transpose_lhs_hint = false} : vector<400x128xf32>, vector<128x384xf32>, vector<400x384xf32> -> vector<400x384xf32>
    %add3A_222 = vector.broadcast %get3A_10 : vector<1x384xf32> to vector<400x384xf32>
    %add3A_223 = arith.addf %dot_general3A_221, %add3A_222 : vector<400x384xf32>
    %slice3A_224 = vector.extract_strided_slice %add3A_219 {offsets = [0, 0], sizes = [400, 128], strides = [1, 1]} : vector<400x384xf32> to vector<400x128xf32>
    %slice3A_225 = vector.extract_strided_slice %add3A_223 {offsets = [0, 0], sizes = [400, 128], strides = [1, 1]} : vector<400x384xf32> to vector<400x128xf32>
    %add3A_226 = arith.addf %slice3A_224, %slice3A_225 : vector<400x128xf32>
    %logistic3A_227 = arith.negf %add3A_226 : vector<400x128xf32>
    %logistic3A_228 = math.exp %logistic3A_227 : vector<400x128xf32>
    %logistic3A_229 = arith.constant 1.000000e+00 : f32
    %logistic3A_230 = vector.broadcast %logistic3A_229 : f32 to vector<400x128xf32>
    %logistic3A_231 = arith.addf %logistic3A_230, %logistic3A_228 : vector<400x128xf32>
    %logistic3A_232 = arith.divf %logistic3A_230, %logistic3A_231 : vector<400x128xf32>
    %slice3A_233 = vector.extract_strided_slice %add3A_219 {offsets = [0, 128], sizes = [400, 128], strides = [1, 1]} : vector<400x384xf32> to vector<400x128xf32>
    %slice3A_234 = vector.extract_strided_slice %add3A_223 {offsets = [0, 128], sizes = [400, 128], strides = [1, 1]} : vector<400x384xf32> to vector<400x128xf32>
    %add3A_235 = arith.addf %slice3A_233, %slice3A_234 : vector<400x128xf32>
    %logistic3A_236 = arith.negf %add3A_235 : vector<400x128xf32>
    %logistic3A_237 = math.exp %logistic3A_236 : vector<400x128xf32>
    %logistic3A_238 = arith.constant 1.000000e+00 : f32
    %logistic3A_239 = vector.broadcast %logistic3A_238 : f32 to vector<400x128xf32>
    %logistic3A_240 = arith.addf %logistic3A_239, %logistic3A_237 : vector<400x128xf32>
    %logistic3A_241 = arith.divf %logistic3A_239, %logistic3A_240 : vector<400x128xf32>
    %slice3A_242 = vector.extract_strided_slice %add3A_219 {offsets = [0, 256], sizes = [400, 128], strides = [1, 1]} : vector<400x384xf32> to vector<400x128xf32>
    %slice3A_243 = vector.extract_strided_slice %add3A_223 {offsets = [0, 256], sizes = [400, 128], strides = [1, 1]} : vector<400x384xf32> to vector<400x128xf32>
    %mul3A_244 = arith.mulf %logistic3A_232, %slice3A_243 : vector<400x128xf32>
    %add3A_245 = arith.addf %slice3A_242, %mul3A_244 : vector<400x128xf32>
    %tanh3A_246 = math.tanh %add3A_245 : vector<400x128xf32>
    %sub3A_247 = arith.constant 1.000000e+00 : f32
    %sub3A_248 = vector.broadcast %sub3A_247 : f32 to vector<400x128xf32>
    %sub3A_249 = arith.subf %sub3A_248, %logistic3A_241 : vector<400x128xf32>
    %mul3A_250 = arith.mulf %sub3A_249, %tanh3A_246 : vector<400x128xf32>
    %mul3A_251 = arith.mulf %logistic3A_241, %add3A_169 : vector<400x128xf32>
    %add3A_252 = arith.addf %mul3A_250, %mul3A_251 : vector<400x128xf32>
    %get3A_253 = arith.constant 3 : index
    %get3A_254 = arith.constant 0 : index
    %get3A_255 = arith.constant 0 : index
    %get3A_256 = arith.constant 0 : index
    %get3A_257 = vector.load %arg3[%get3A_253, %get3A_254, %get3A_255, %get3A_256] : memref<12x2x400x1xf32, #tpu.memory_space<vmem>>, vector<1x1x400x1xf32>
    %get3A_258 = vector.shape_cast %get3A_257 : vector<1x1x400x1xf32> to vector<400xf32>
    %get3A_259 = arith.constant 3 : index
    %get3A_260 = arith.constant 1 : index
    %get3A_261 = arith.constant 0 : index
    %get3A_262 = arith.constant 0 : index
    %get3A_263 = vector.load %arg3[%get3A_259, %get3A_260, %get3A_261, %get3A_262] : memref<12x2x400x1xf32, #tpu.memory_space<vmem>>, vector<1x1x400x1xf32>
    %get3A_264 = vector.shape_cast %get3A_263 : vector<1x1x400x1xf32> to vector<400xf32>
    %add3A_265 = arith.addf %get3A_258, %get3A_264 : vector<400xf32>
    %add3A_266 = arith.constant 1.000000e+00 : f32
    %add3A_267 = vector.broadcast %add3A_266 : f32 to vector<400xf32>
    %add3A_268 = arith.addf %add3A_265, %add3A_267 : vector<400xf32>
    %rsqrt3A_269 = math.rsqrt %add3A_268 : vector<400xf32>
    %broadcast_in_dim3A_270 = vector.shape_cast %rsqrt3A_269 : vector<400xf32> to vector<400x1xf32>
    %get3A_271 = arith.constant 3 : index
    %get3A_272 = arith.constant 0 : index
    %get3A_273 = arith.constant 0 : index
    %get3A_274 = arith.constant 0 : index
    %get3A_275 = vector.load %arg1[%get3A_271, %get3A_272, %get3A_273, %get3A_274] : memref<12x2x400x128xf32, #tpu.memory_space<vmem>>, vector<1x1x400x128xf32>
    %get3A_276 = vector.shape_cast %get3A_275 : vector<1x1x400x128xf32> to vector<400x128xf32>
    %get3A_277 = arith.constant 3 : index
    %get3A_278 = arith.constant 1 : index
    %get3A_279 = arith.constant 0 : index
    %get3A_280 = arith.constant 0 : index
    %get3A_281 = vector.load %arg1[%get3A_277, %get3A_278, %get3A_279, %get3A_280] : memref<12x2x400x128xf32, #tpu.memory_space<vmem>>, vector<1x1x400x128xf32>
    %get3A_282 = vector.shape_cast %get3A_281 : vector<1x1x400x128xf32> to vector<400x128xf32>
    %add3A_283 = arith.addf %get3A_276, %get3A_282 : vector<400x128xf32>
    %get3A_284 = arith.constant 3 : index
    %get3A_285 = arith.constant 0 : index
    %get3A_286 = arith.constant 0 : index
    %get3A_287 = vector.load %arg2[%get3A_284, %get3A_285, %get3A_286] : memref<12x400x128xf32, #tpu.memory_space<vmem>>, vector<1x400x128xf32>
    %get3A_288 = vector.shape_cast %get3A_287 : vector<1x400x128xf32> to vector<400x128xf32>
    %add3A_289 = arith.addf %add3A_283, %get3A_288 : vector<400x128xf32>
    %mul3A_290 = vector.broadcast %broadcast_in_dim3A_270 : vector<400x1xf32> to vector<400x128xf32>
    %mul3A_291 = arith.mulf %mul3A_290, %add3A_289 : vector<400x128xf32>
    %get3A_292 = arith.constant 3 : index
    %get3A_293 = arith.constant 0 : index
    %get3A_294 = vector.load %arg4[%get3A_292, %get3A_293] : memref<12x128xf32, #tpu.memory_space<vmem>>, vector<1x128xf32>
    %get3A_295 = vector.shape_cast %get3A_294 : vector<1x128xf32> to vector<128xf32>
    %broadcast_in_dim3A_296 = vector.shape_cast %get3A_295 : vector<128xf32> to vector<1x128xf32>
    %add3A_297 = vector.broadcast %broadcast_in_dim3A_296 : vector<1x128xf32> to vector<400x128xf32>
    %add3A_298 = arith.addf %mul3A_291, %add3A_297 : vector<400x128xf32>
    %dot_general3A_299 = arith.constant dense<0.000000e+00> : vector<400x384xf32>
    %dot_general3A_300 = tpu.matmul %add3A_298, %get3A_1, %dot_general3A_299 {dimension_numbers = #tpu.dot_dimension_numbers<[1], [0], [0], [1], [0, 0, 1, 1], [], []>, transpose_lhs_hint = false} : vector<400x128xf32>, vector<128x384xf32>, vector<400x384xf32> -> vector<400x384xf32>
    %add3A_301 = vector.broadcast %get3A_7 : vector<1x384xf32> to vector<400x384xf32>
    %add3A_302 = arith.addf %dot_general3A_300, %add3A_301 : vector<400x384xf32>
    %dot_general3A_303 = arith.constant dense<0.000000e+00> : vector<400x384xf32>
    %dot_general3A_304 = tpu.matmul %add3A_252, %get3A_4, %dot_general3A_303 {dimension_numbers = #tpu.dot_dimension_numbers<[1], [0], [0], [1], [0, 0, 1, 1], [], []>, transpose_lhs_hint = false} : vector<400x128xf32>, vector<128x384xf32>, vector<400x384xf32> -> vector<400x384xf32>
    %add3A_305 = vector.broadcast %get3A_10 : vector<1x384xf32> to vector<400x384xf32>
    %add3A_306 = arith.addf %dot_general3A_304, %add3A_305 : vector<400x384xf32>
    %slice3A_307 = vector.extract_strided_slice %add3A_302 {offsets = [0, 0], sizes = [400, 128], strides = [1, 1]} : vector<400x384xf32> to vector<400x128xf32>
    %slice3A_308 = vector.extract_strided_slice %add3A_306 {offsets = [0, 0], sizes = [400, 128], strides = [1, 1]} : vector<400x384xf32> to vector<400x128xf32>
    %add3A_309 = arith.addf %slice3A_307, %slice3A_308 : vector<400x128xf32>
    %logistic3A_310 = arith.negf %add3A_309 : vector<400x128xf32>
    %logistic3A_311 = math.exp %logistic3A_310 : vector<400x128xf32>
    %logistic3A_312 = arith.constant 1.000000e+00 : f32
    %logistic3A_313 = vector.broadcast %logistic3A_312 : f32 to vector<400x128xf32>
    %logistic3A_314 = arith.addf %logistic3A_313, %logistic3A_311 : vector<400x128xf32>
    %logistic3A_315 = arith.divf %logistic3A_313, %logistic3A_314 : vector<400x128xf32>
    %slice3A_316 = vector.extract_strided_slice %add3A_302 {offsets = [0, 128], sizes = [400, 128], strides = [1, 1]} : vector<400x384xf32> to vector<400x128xf32>
    %slice3A_317 = vector.extract_strided_slice %add3A_306 {offsets = [0, 128], sizes = [400, 128], strides = [1, 1]} : vector<400x384xf32> to vector<400x128xf32>
    %add3A_318 = arith.addf %slice3A_316, %slice3A_317 : vector<400x128xf32>
    %logistic3A_319 = arith.negf %add3A_318 : vector<400x128xf32>
    %logistic3A_320 = math.exp %logistic3A_319 : vector<400x128xf32>
    %logistic3A_321 = arith.constant 1.000000e+00 : f32
    %logistic3A_322 = vector.broadcast %logistic3A_321 : f32 to vector<400x128xf32>
    %logistic3A_323 = arith.addf %logistic3A_322, %logistic3A_320 : vector<400x128xf32>
    %logistic3A_324 = arith.divf %logistic3A_322, %logistic3A_323 : vector<400x128xf32>
    %slice3A_325 = vector.extract_strided_slice %add3A_302 {offsets = [0, 256], sizes = [400, 128], strides = [1, 1]} : vector<400x384xf32> to vector<400x128xf32>
    %slice3A_326 = vector.extract_strided_slice %add3A_306 {offsets = [0, 256], sizes = [400, 128], strides = [1, 1]} : vector<400x384xf32> to vector<400x128xf32>
    %mul3A_327 = arith.mulf %logistic3A_315, %slice3A_326 : vector<400x128xf32>
    %add3A_328 = arith.addf %slice3A_325, %mul3A_327 : vector<400x128xf32>
    %tanh3A_329 = math.tanh %add3A_328 : vector<400x128xf32>
    %sub3A_330 = arith.constant 1.000000e+00 : f32
    %sub3A_331 = vector.broadcast %sub3A_330 : f32 to vector<400x128xf32>
    %sub3A_332 = arith.subf %sub3A_331, %logistic3A_324 : vector<400x128xf32>
    %mul3A_333 = arith.mulf %sub3A_332, %tanh3A_329 : vector<400x128xf32>
    %mul3A_334 = arith.mulf %logistic3A_324, %add3A_252 : vector<400x128xf32>
    %add3A_335 = arith.addf %mul3A_333, %mul3A_334 : vector<400x128xf32>
    %get3A_336 = arith.constant 4 : index
    %get3A_337 = arith.constant 0 : index
    %get3A_338 = arith.constant 0 : index
    %get3A_339 = arith.constant 0 : index
    %get3A_340 = vector.load %arg3[%get3A_336, %get3A_337, %get3A_338, %get3A_339] : memref<12x2x400x1xf32, #tpu.memory_space<vmem>>, vector<1x1x400x1xf32>
    %get3A_341 = vector.shape_cast %get3A_340 : vector<1x1x400x1xf32> to vector<400xf32>
    %get3A_342 = arith.constant 4 : index
    %get3A_343 = arith.constant 1 : index
    %get3A_344 = arith.constant 0 : index
    %get3A_345 = arith.constant 0 : index
    %get3A_346 = vector.load %arg3[%get3A_342, %get3A_343, %get3A_344, %get3A_345] : memref<12x2x400x1xf32, #tpu.memory_space<vmem>>, vector<1x1x400x1xf32>
    %get3A_347 = vector.shape_cast %get3A_346 : vector<1x1x400x1xf32> to vector<400xf32>
    %add3A_348 = arith.addf %get3A_341, %get3A_347 : vector<400xf32>
    %add3A_349 = arith.constant 1.000000e+00 : f32
    %add3A_350 = vector.broadcast %add3A_349 : f32 to vector<400xf32>
    %add3A_351 = arith.addf %add3A_348, %add3A_350 : vector<400xf32>
    %rsqrt3A_352 = math.rsqrt %add3A_351 : vector<400xf32>
    %broadcast_in_dim3A_353 = vector.shape_cast %rsqrt3A_352 : vector<400xf32> to vector<400x1xf32>
    %get3A_354 = arith.constant 4 : index
    %get3A_355 = arith.constant 0 : index
    %get3A_356 = arith.constant 0 : index
    %get3A_357 = arith.constant 0 : index
    %get3A_358 = vector.load %arg1[%get3A_354, %get3A_355, %get3A_356, %get3A_357] : memref<12x2x400x128xf32, #tpu.memory_space<vmem>>, vector<1x1x400x128xf32>
    %get3A_359 = vector.shape_cast %get3A_358 : vector<1x1x400x128xf32> to vector<400x128xf32>
    %get3A_360 = arith.constant 4 : index
    %get3A_361 = arith.constant 1 : index
    %get3A_362 = arith.constant 0 : index
    %get3A_363 = arith.constant 0 : index
    %get3A_364 = vector.load %arg1[%get3A_360, %get3A_361, %get3A_362, %get3A_363] : memref<12x2x400x128xf32, #tpu.memory_space<vmem>>, vector<1x1x400x128xf32>
    %get3A_365 = vector.shape_cast %get3A_364 : vector<1x1x400x128xf32> to vector<400x128xf32>
    %add3A_366 = arith.addf %get3A_359, %get3A_365 : vector<400x128xf32>
    %get3A_367 = arith.constant 4 : index
    %get3A_368 = arith.constant 0 : index
    %get3A_369 = arith.constant 0 : index
    %get3A_370 = vector.load %arg2[%get3A_367, %get3A_368, %get3A_369] : memref<12x400x128xf32, #tpu.memory_space<vmem>>, vector<1x400x128xf32>
    %get3A_371 = vector.shape_cast %get3A_370 : vector<1x400x128xf32> to vector<400x128xf32>
    %add3A_372 = arith.addf %add3A_366, %get3A_371 : vector<400x128xf32>
    %mul3A_373 = vector.broadcast %broadcast_in_dim3A_353 : vector<400x1xf32> to vector<400x128xf32>
    %mul3A_374 = arith.mulf %mul3A_373, %add3A_372 : vector<400x128xf32>
    %get3A_375 = arith.constant 4 : index
    %get3A_376 = arith.constant 0 : index
    %get3A_377 = vector.load %arg4[%get3A_375, %get3A_376] : memref<12x128xf32, #tpu.memory_space<vmem>>, vector<1x128xf32>
    %get3A_378 = vector.shape_cast %get3A_377 : vector<1x128xf32> to vector<128xf32>
    %broadcast_in_dim3A_379 = vector.shape_cast %get3A_378 : vector<128xf32> to vector<1x128xf32>
    %add3A_380 = vector.broadcast %broadcast_in_dim3A_379 : vector<1x128xf32> to vector<400x128xf32>
    %add3A_381 = arith.addf %mul3A_374, %add3A_380 : vector<400x128xf32>
    %dot_general3A_382 = arith.constant dense<0.000000e+00> : vector<400x384xf32>
    %dot_general3A_383 = tpu.matmul %add3A_381, %get3A_1, %dot_general3A_382 {dimension_numbers = #tpu.dot_dimension_numbers<[1], [0], [0], [1], [0, 0, 1, 1], [], []>, transpose_lhs_hint = false} : vector<400x128xf32>, vector<128x384xf32>, vector<400x384xf32> -> vector<400x384xf32>
    %add3A_384 = vector.broadcast %get3A_7 : vector<1x384xf32> to vector<400x384xf32>
    %add3A_385 = arith.addf %dot_general3A_383, %add3A_384 : vector<400x384xf32>
    %dot_general3A_386 = arith.constant dense<0.000000e+00> : vector<400x384xf32>
    %dot_general3A_387 = tpu.matmul %add3A_335, %get3A_4, %dot_general3A_386 {dimension_numbers = #tpu.dot_dimension_numbers<[1], [0], [0], [1], [0, 0, 1, 1], [], []>, transpose_lhs_hint = false} : vector<400x128xf32>, vector<128x384xf32>, vector<400x384xf32> -> vector<400x384xf32>
    %add3A_388 = vector.broadcast %get3A_10 : vector<1x384xf32> to vector<400x384xf32>
    %add3A_389 = arith.addf %dot_general3A_387, %add3A_388 : vector<400x384xf32>
    %slice3A_390 = vector.extract_strided_slice %add3A_385 {offsets = [0, 0], sizes = [400, 128], strides = [1, 1]} : vector<400x384xf32> to vector<400x128xf32>
    %slice3A_391 = vector.extract_strided_slice %add3A_389 {offsets = [0, 0], sizes = [400, 128], strides = [1, 1]} : vector<400x384xf32> to vector<400x128xf32>
    %add3A_392 = arith.addf %slice3A_390, %slice3A_391 : vector<400x128xf32>
    %logistic3A_393 = arith.negf %add3A_392 : vector<400x128xf32>
    %logistic3A_394 = math.exp %logistic3A_393 : vector<400x128xf32>
    %logistic3A_395 = arith.constant 1.000000e+00 : f32
    %logistic3A_396 = vector.broadcast %logistic3A_395 : f32 to vector<400x128xf32>
    %logistic3A_397 = arith.addf %logistic3A_396, %logistic3A_394 : vector<400x128xf32>
    %logistic3A_398 = arith.divf %logistic3A_396, %logistic3A_397 : vector<400x128xf32>
    %slice3A_399 = vector.extract_strided_slice %add3A_385 {offsets = [0, 128], sizes = [400, 128], strides = [1, 1]} : vector<400x384xf32> to vector<400x128xf32>
    %slice3A_400 = vector.extract_strided_slice %add3A_389 {offsets = [0, 128], sizes = [400, 128], strides = [1, 1]} : vector<400x384xf32> to vector<400x128xf32>
    %add3A_401 = arith.addf %slice3A_399, %slice3A_400 : vector<400x128xf32>
    %logistic3A_402 = arith.negf %add3A_401 : vector<400x128xf32>
    %logistic3A_403 = math.exp %logistic3A_402 : vector<400x128xf32>
    %logistic3A_404 = arith.constant 1.000000e+00 : f32
    %logistic3A_405 = vector.broadcast %logistic3A_404 : f32 to vector<400x128xf32>
    %logistic3A_406 = arith.addf %logistic3A_405, %logistic3A_403 : vector<400x128xf32>
    %logistic3A_407 = arith.divf %logistic3A_405, %logistic3A_406 : vector<400x128xf32>
    %slice3A_408 = vector.extract_strided_slice %add3A_385 {offsets = [0, 256], sizes = [400, 128], strides = [1, 1]} : vector<400x384xf32> to vector<400x128xf32>
    %slice3A_409 = vector.extract_strided_slice %add3A_389 {offsets = [0, 256], sizes = [400, 128], strides = [1, 1]} : vector<400x384xf32> to vector<400x128xf32>
    %mul3A_410 = arith.mulf %logistic3A_398, %slice3A_409 : vector<400x128xf32>
    %add3A_411 = arith.addf %slice3A_408, %mul3A_410 : vector<400x128xf32>
    %tanh3A_412 = math.tanh %add3A_411 : vector<400x128xf32>
    %sub3A_413 = arith.constant 1.000000e+00 : f32
    %sub3A_414 = vector.broadcast %sub3A_413 : f32 to vector<400x128xf32>
    %sub3A_415 = arith.subf %sub3A_414, %logistic3A_407 : vector<400x128xf32>
    %mul3A_416 = arith.mulf %sub3A_415, %tanh3A_412 : vector<400x128xf32>
    %mul3A_417 = arith.mulf %logistic3A_407, %add3A_335 : vector<400x128xf32>
    %add3A_418 = arith.addf %mul3A_416, %mul3A_417 : vector<400x128xf32>
    %get3A_419 = arith.constant 5 : index
    %get3A_420 = arith.constant 0 : index
    %get3A_421 = arith.constant 0 : index
    %get3A_422 = arith.constant 0 : index
    %get3A_423 = vector.load %arg3[%get3A_419, %get3A_420, %get3A_421, %get3A_422] : memref<12x2x400x1xf32, #tpu.memory_space<vmem>>, vector<1x1x400x1xf32>
    %get3A_424 = vector.shape_cast %get3A_423 : vector<1x1x400x1xf32> to vector<400xf32>
    %get3A_425 = arith.constant 5 : index
    %get3A_426 = arith.constant 1 : index
    %get3A_427 = arith.constant 0 : index
    %get3A_428 = arith.constant 0 : index
    %get3A_429 = vector.load %arg3[%get3A_425, %get3A_426, %get3A_427, %get3A_428] : memref<12x2x400x1xf32, #tpu.memory_space<vmem>>, vector<1x1x400x1xf32>
    %get3A_430 = vector.shape_cast %get3A_429 : vector<1x1x400x1xf32> to vector<400xf32>
    %add3A_431 = arith.addf %get3A_424, %get3A_430 : vector<400xf32>
    %add3A_432 = arith.constant 1.000000e+00 : f32
    %add3A_433 = vector.broadcast %add3A_432 : f32 to vector<400xf32>
    %add3A_434 = arith.addf %add3A_431, %add3A_433 : vector<400xf32>
    %rsqrt3A_435 = math.rsqrt %add3A_434 : vector<400xf32>
    %broadcast_in_dim3A_436 = vector.shape_cast %rsqrt3A_435 : vector<400xf32> to vector<400x1xf32>
    %get3A_437 = arith.constant 5 : index
    %get3A_438 = arith.constant 0 : index
    %get3A_439 = arith.constant 0 : index
    %get3A_440 = arith.constant 0 : index
    %get3A_441 = vector.load %arg1[%get3A_437, %get3A_438, %get3A_439, %get3A_440] : memref<12x2x400x128xf32, #tpu.memory_space<vmem>>, vector<1x1x400x128xf32>
    %get3A_442 = vector.shape_cast %get3A_441 : vector<1x1x400x128xf32> to vector<400x128xf32>
    %get3A_443 = arith.constant 5 : index
    %get3A_444 = arith.constant 1 : index
    %get3A_445 = arith.constant 0 : index
    %get3A_446 = arith.constant 0 : index
    %get3A_447 = vector.load %arg1[%get3A_443, %get3A_444, %get3A_445, %get3A_446] : memref<12x2x400x128xf32, #tpu.memory_space<vmem>>, vector<1x1x400x128xf32>
    %get3A_448 = vector.shape_cast %get3A_447 : vector<1x1x400x128xf32> to vector<400x128xf32>
    %add3A_449 = arith.addf %get3A_442, %get3A_448 : vector<400x128xf32>
    %get3A_450 = arith.constant 5 : index
    %get3A_451 = arith.constant 0 : index
    %get3A_452 = arith.constant 0 : index
    %get3A_453 = vector.load %arg2[%get3A_450, %get3A_451, %get3A_452] : memref<12x400x128xf32, #tpu.memory_space<vmem>>, vector<1x400x128xf32>
    %get3A_454 = vector.shape_cast %get3A_453 : vector<1x400x128xf32> to vector<400x128xf32>
    %add3A_455 = arith.addf %add3A_449, %get3A_454 : vector<400x128xf32>
    %mul3A_456 = vector.broadcast %broadcast_in_dim3A_436 : vector<400x1xf32> to vector<400x128xf32>
    %mul3A_457 = arith.mulf %mul3A_456, %add3A_455 : vector<400x128xf32>
    %get3A_458 = arith.constant 5 : index
    %get3A_459 = arith.constant 0 : index
    %get3A_460 = vector.load %arg4[%get3A_458, %get3A_459] : memref<12x128xf32, #tpu.memory_space<vmem>>, vector<1x128xf32>
    %get3A_461 = vector.shape_cast %get3A_460 : vector<1x128xf32> to vector<128xf32>
    %broadcast_in_dim3A_462 = vector.shape_cast %get3A_461 : vector<128xf32> to vector<1x128xf32>
    %add3A_463 = vector.broadcast %broadcast_in_dim3A_462 : vector<1x128xf32> to vector<400x128xf32>
    %add3A_464 = arith.addf %mul3A_457, %add3A_463 : vector<400x128xf32>
    %dot_general3A_465 = arith.constant dense<0.000000e+00> : vector<400x384xf32>
    %dot_general3A_466 = tpu.matmul %add3A_464, %get3A_1, %dot_general3A_465 {dimension_numbers = #tpu.dot_dimension_numbers<[1], [0], [0], [1], [0, 0, 1, 1], [], []>, transpose_lhs_hint = false} : vector<400x128xf32>, vector<128x384xf32>, vector<400x384xf32> -> vector<400x384xf32>
    %add3A_467 = vector.broadcast %get3A_7 : vector<1x384xf32> to vector<400x384xf32>
    %add3A_468 = arith.addf %dot_general3A_466, %add3A_467 : vector<400x384xf32>
    %dot_general3A_469 = arith.constant dense<0.000000e+00> : vector<400x384xf32>
    %dot_general3A_470 = tpu.matmul %add3A_418, %get3A_4, %dot_general3A_469 {dimension_numbers = #tpu.dot_dimension_numbers<[1], [0], [0], [1], [0, 0, 1, 1], [], []>, transpose_lhs_hint = false} : vector<400x128xf32>, vector<128x384xf32>, vector<400x384xf32> -> vector<400x384xf32>
    %add3A_471 = vector.broadcast %get3A_10 : vector<1x384xf32> to vector<400x384xf32>
    %add3A_472 = arith.addf %dot_general3A_470, %add3A_471 : vector<400x384xf32>
    %slice3A_473 = vector.extract_strided_slice %add3A_468 {offsets = [0, 0], sizes = [400, 128], strides = [1, 1]} : vector<400x384xf32> to vector<400x128xf32>
    %slice3A_474 = vector.extract_strided_slice %add3A_472 {offsets = [0, 0], sizes = [400, 128], strides = [1, 1]} : vector<400x384xf32> to vector<400x128xf32>
    %add3A_475 = arith.addf %slice3A_473, %slice3A_474 : vector<400x128xf32>
    %logistic3A_476 = arith.negf %add3A_475 : vector<400x128xf32>
    %logistic3A_477 = math.exp %logistic3A_476 : vector<400x128xf32>
    %logistic3A_478 = arith.constant 1.000000e+00 : f32
    %logistic3A_479 = vector.broadcast %logistic3A_478 : f32 to vector<400x128xf32>
    %logistic3A_480 = arith.addf %logistic3A_479, %logistic3A_477 : vector<400x128xf32>
    %logistic3A_481 = arith.divf %logistic3A_479, %logistic3A_480 : vector<400x128xf32>
    %slice3A_482 = vector.extract_strided_slice %add3A_468 {offsets = [0, 128], sizes = [400, 128], strides = [1, 1]} : vector<400x384xf32> to vector<400x128xf32>
    %slice3A_483 = vector.extract_strided_slice %add3A_472 {offsets = [0, 128], sizes = [400, 128], strides = [1, 1]} : vector<400x384xf32> to vector<400x128xf32>
    %add3A_484 = arith.addf %slice3A_482, %slice3A_483 : vector<400x128xf32>
    %logistic3A_485 = arith.negf %add3A_484 : vector<400x128xf32>
    %logistic3A_486 = math.exp %logistic3A_485 : vector<400x128xf32>
    %logistic3A_487 = arith.constant 1.000000e+00 : f32
    %logistic3A_488 = vector.broadcast %logistic3A_487 : f32 to vector<400x128xf32>
    %logistic3A_489 = arith.addf %logistic3A_488, %logistic3A_486 : vector<400x128xf32>
    %logistic3A_490 = arith.divf %logistic3A_488, %logistic3A_489 : vector<400x128xf32>
    %slice3A_491 = vector.extract_strided_slice %add3A_468 {offsets = [0, 256], sizes = [400, 128], strides = [1, 1]} : vector<400x384xf32> to vector<400x128xf32>
    %slice3A_492 = vector.extract_strided_slice %add3A_472 {offsets = [0, 256], sizes = [400, 128], strides = [1, 1]} : vector<400x384xf32> to vector<400x128xf32>
    %mul3A_493 = arith.mulf %logistic3A_481, %slice3A_492 : vector<400x128xf32>
    %add3A_494 = arith.addf %slice3A_491, %mul3A_493 : vector<400x128xf32>
    %tanh3A_495 = math.tanh %add3A_494 : vector<400x128xf32>
    %sub3A_496 = arith.constant 1.000000e+00 : f32
    %sub3A_497 = vector.broadcast %sub3A_496 : f32 to vector<400x128xf32>
    %sub3A_498 = arith.subf %sub3A_497, %logistic3A_490 : vector<400x128xf32>
    %mul3A_499 = arith.mulf %sub3A_498, %tanh3A_495 : vector<400x128xf32>
    %mul3A_500 = arith.mulf %logistic3A_490, %add3A_418 : vector<400x128xf32>
    %add3A_501 = arith.addf %mul3A_499, %mul3A_500 : vector<400x128xf32>
    %get3A_502 = arith.constant 6 : index
    %get3A_503 = arith.constant 0 : index
    %get3A_504 = arith.constant 0 : index
    %get3A_505 = arith.constant 0 : index
    %get3A_506 = vector.load %arg3[%get3A_502, %get3A_503, %get3A_504, %get3A_505] : memref<12x2x400x1xf32, #tpu.memory_space<vmem>>, vector<1x1x400x1xf32>
    %get3A_507 = vector.shape_cast %get3A_506 : vector<1x1x400x1xf32> to vector<400xf32>
    %get3A_508 = arith.constant 6 : index
    %get3A_509 = arith.constant 1 : index
    %get3A_510 = arith.constant 0 : index
    %get3A_511 = arith.constant 0 : index
    %get3A_512 = vector.load %arg3[%get3A_508, %get3A_509, %get3A_510, %get3A_511] : memref<12x2x400x1xf32, #tpu.memory_space<vmem>>, vector<1x1x400x1xf32>
    %get3A_513 = vector.shape_cast %get3A_512 : vector<1x1x400x1xf32> to vector<400xf32>
    %add3A_514 = arith.addf %get3A_507, %get3A_513 : vector<400xf32>
    %add3A_515 = arith.constant 1.000000e+00 : f32
    %add3A_516 = vector.broadcast %add3A_515 : f32 to vector<400xf32>
    %add3A_517 = arith.addf %add3A_514, %add3A_516 : vector<400xf32>
    %rsqrt3A_518 = math.rsqrt %add3A_517 : vector<400xf32>
    %broadcast_in_dim3A_519 = vector.shape_cast %rsqrt3A_518 : vector<400xf32> to vector<400x1xf32>
    %get3A_520 = arith.constant 6 : index
    %get3A_521 = arith.constant 0 : index
    %get3A_522 = arith.constant 0 : index
    %get3A_523 = arith.constant 0 : index
    %get3A_524 = vector.load %arg1[%get3A_520, %get3A_521, %get3A_522, %get3A_523] : memref<12x2x400x128xf32, #tpu.memory_space<vmem>>, vector<1x1x400x128xf32>
    %get3A_525 = vector.shape_cast %get3A_524 : vector<1x1x400x128xf32> to vector<400x128xf32>
    %get3A_526 = arith.constant 6 : index
    %get3A_527 = arith.constant 1 : index
    %get3A_528 = arith.constant 0 : index
    %get3A_529 = arith.constant 0 : index
    %get3A_530 = vector.load %arg1[%get3A_526, %get3A_527, %get3A_528, %get3A_529] : memref<12x2x400x128xf32, #tpu.memory_space<vmem>>, vector<1x1x400x128xf32>
    %get3A_531 = vector.shape_cast %get3A_530 : vector<1x1x400x128xf32> to vector<400x128xf32>
    %add3A_532 = arith.addf %get3A_525, %get3A_531 : vector<400x128xf32>
    %get3A_533 = arith.constant 6 : index
    %get3A_534 = arith.constant 0 : index
    %get3A_535 = arith.constant 0 : index
    %get3A_536 = vector.load %arg2[%get3A_533, %get3A_534, %get3A_535] : memref<12x400x128xf32, #tpu.memory_space<vmem>>, vector<1x400x128xf32>
    %get3A_537 = vector.shape_cast %get3A_536 : vector<1x400x128xf32> to vector<400x128xf32>
    %add3A_538 = arith.addf %add3A_532, %get3A_537 : vector<400x128xf32>
    %mul3A_539 = vector.broadcast %broadcast_in_dim3A_519 : vector<400x1xf32> to vector<400x128xf32>
    %mul3A_540 = arith.mulf %mul3A_539, %add3A_538 : vector<400x128xf32>
    %get3A_541 = arith.constant 6 : index
    %get3A_542 = arith.constant 0 : index
    %get3A_543 = vector.load %arg4[%get3A_541, %get3A_542] : memref<12x128xf32, #tpu.memory_space<vmem>>, vector<1x128xf32>
    %get3A_544 = vector.shape_cast %get3A_543 : vector<1x128xf32> to vector<128xf32>
    %broadcast_in_dim3A_545 = vector.shape_cast %get3A_544 : vector<128xf32> to vector<1x128xf32>
    %add3A_546 = vector.broadcast %broadcast_in_dim3A_545 : vector<1x128xf32> to vector<400x128xf32>
    %add3A_547 = arith.addf %mul3A_540, %add3A_546 : vector<400x128xf32>
    %dot_general3A_548 = arith.constant dense<0.000000e+00> : vector<400x384xf32>
    %dot_general3A_549 = tpu.matmul %add3A_547, %get3A_1, %dot_general3A_548 {dimension_numbers = #tpu.dot_dimension_numbers<[1], [0], [0], [1], [0, 0, 1, 1], [], []>, transpose_lhs_hint = false} : vector<400x128xf32>, vector<128x384xf32>, vector<400x384xf32> -> vector<400x384xf32>
    %add3A_550 = vector.broadcast %get3A_7 : vector<1x384xf32> to vector<400x384xf32>
    %add3A_551 = arith.addf %dot_general3A_549, %add3A_550 : vector<400x384xf32>
    %dot_general3A_552 = arith.constant dense<0.000000e+00> : vector<400x384xf32>
    %dot_general3A_553 = tpu.matmul %add3A_501, %get3A_4, %dot_general3A_552 {dimension_numbers = #tpu.dot_dimension_numbers<[1], [0], [0], [1], [0, 0, 1, 1], [], []>, transpose_lhs_hint = false} : vector<400x128xf32>, vector<128x384xf32>, vector<400x384xf32> -> vector<400x384xf32>
    %add3A_554 = vector.broadcast %get3A_10 : vector<1x384xf32> to vector<400x384xf32>
    %add3A_555 = arith.addf %dot_general3A_553, %add3A_554 : vector<400x384xf32>
    %slice3A_556 = vector.extract_strided_slice %add3A_551 {offsets = [0, 0], sizes = [400, 128], strides = [1, 1]} : vector<400x384xf32> to vector<400x128xf32>
    %slice3A_557 = vector.extract_strided_slice %add3A_555 {offsets = [0, 0], sizes = [400, 128], strides = [1, 1]} : vector<400x384xf32> to vector<400x128xf32>
    %add3A_558 = arith.addf %slice3A_556, %slice3A_557 : vector<400x128xf32>
    %logistic3A_559 = arith.negf %add3A_558 : vector<400x128xf32>
    %logistic3A_560 = math.exp %logistic3A_559 : vector<400x128xf32>
    %logistic3A_561 = arith.constant 1.000000e+00 : f32
    %logistic3A_562 = vector.broadcast %logistic3A_561 : f32 to vector<400x128xf32>
    %logistic3A_563 = arith.addf %logistic3A_562, %logistic3A_560 : vector<400x128xf32>
    %logistic3A_564 = arith.divf %logistic3A_562, %logistic3A_563 : vector<400x128xf32>
    %slice3A_565 = vector.extract_strided_slice %add3A_551 {offsets = [0, 128], sizes = [400, 128], strides = [1, 1]} : vector<400x384xf32> to vector<400x128xf32>
    %slice3A_566 = vector.extract_strided_slice %add3A_555 {offsets = [0, 128], sizes = [400, 128], strides = [1, 1]} : vector<400x384xf32> to vector<400x128xf32>
    %add3A_567 = arith.addf %slice3A_565, %slice3A_566 : vector<400x128xf32>
    %logistic3A_568 = arith.negf %add3A_567 : vector<400x128xf32>
    %logistic3A_569 = math.exp %logistic3A_568 : vector<400x128xf32>
    %logistic3A_570 = arith.constant 1.000000e+00 : f32
    %logistic3A_571 = vector.broadcast %logistic3A_570 : f32 to vector<400x128xf32>
    %logistic3A_572 = arith.addf %logistic3A_571, %logistic3A_569 : vector<400x128xf32>
    %logistic3A_573 = arith.divf %logistic3A_571, %logistic3A_572 : vector<400x128xf32>
    %slice3A_574 = vector.extract_strided_slice %add3A_551 {offsets = [0, 256], sizes = [400, 128], strides = [1, 1]} : vector<400x384xf32> to vector<400x128xf32>
    %slice3A_575 = vector.extract_strided_slice %add3A_555 {offsets = [0, 256], sizes = [400, 128], strides = [1, 1]} : vector<400x384xf32> to vector<400x128xf32>
    %mul3A_576 = arith.mulf %logistic3A_564, %slice3A_575 : vector<400x128xf32>
    %add3A_577 = arith.addf %slice3A_574, %mul3A_576 : vector<400x128xf32>
    %tanh3A_578 = math.tanh %add3A_577 : vector<400x128xf32>
    %sub3A_579 = arith.constant 1.000000e+00 : f32
    %sub3A_580 = vector.broadcast %sub3A_579 : f32 to vector<400x128xf32>
    %sub3A_581 = arith.subf %sub3A_580, %logistic3A_573 : vector<400x128xf32>
    %mul3A_582 = arith.mulf %sub3A_581, %tanh3A_578 : vector<400x128xf32>
    %mul3A_583 = arith.mulf %logistic3A_573, %add3A_501 : vector<400x128xf32>
    %add3A_584 = arith.addf %mul3A_582, %mul3A_583 : vector<400x128xf32>
    %get3A_585 = arith.constant 7 : index
    %get3A_586 = arith.constant 0 : index
    %get3A_587 = arith.constant 0 : index
    %get3A_588 = arith.constant 0 : index
    %get3A_589 = vector.load %arg3[%get3A_585, %get3A_586, %get3A_587, %get3A_588] : memref<12x2x400x1xf32, #tpu.memory_space<vmem>>, vector<1x1x400x1xf32>
    %get3A_590 = vector.shape_cast %get3A_589 : vector<1x1x400x1xf32> to vector<400xf32>
    %get3A_591 = arith.constant 7 : index
    %get3A_592 = arith.constant 1 : index
    %get3A_593 = arith.constant 0 : index
    %get3A_594 = arith.constant 0 : index
    %get3A_595 = vector.load %arg3[%get3A_591, %get3A_592, %get3A_593, %get3A_594] : memref<12x2x400x1xf32, #tpu.memory_space<vmem>>, vector<1x1x400x1xf32>
    %get3A_596 = vector.shape_cast %get3A_595 : vector<1x1x400x1xf32> to vector<400xf32>
    %add3A_597 = arith.addf %get3A_590, %get3A_596 : vector<400xf32>
    %add3A_598 = arith.constant 1.000000e+00 : f32
    %add3A_599 = vector.broadcast %add3A_598 : f32 to vector<400xf32>
    %add3A_600 = arith.addf %add3A_597, %add3A_599 : vector<400xf32>
    %rsqrt3A_601 = math.rsqrt %add3A_600 : vector<400xf32>
    %broadcast_in_dim3A_602 = vector.shape_cast %rsqrt3A_601 : vector<400xf32> to vector<400x1xf32>
    %get3A_603 = arith.constant 7 : index
    %get3A_604 = arith.constant 0 : index
    %get3A_605 = arith.constant 0 : index
    %get3A_606 = arith.constant 0 : index
    %get3A_607 = vector.load %arg1[%get3A_603, %get3A_604, %get3A_605, %get3A_606] : memref<12x2x400x128xf32, #tpu.memory_space<vmem>>, vector<1x1x400x128xf32>
    %get3A_608 = vector.shape_cast %get3A_607 : vector<1x1x400x128xf32> to vector<400x128xf32>
    %get3A_609 = arith.constant 7 : index
    %get3A_610 = arith.constant 1 : index
    %get3A_611 = arith.constant 0 : index
    %get3A_612 = arith.constant 0 : index
    %get3A_613 = vector.load %arg1[%get3A_609, %get3A_610, %get3A_611, %get3A_612] : memref<12x2x400x128xf32, #tpu.memory_space<vmem>>, vector<1x1x400x128xf32>
    %get3A_614 = vector.shape_cast %get3A_613 : vector<1x1x400x128xf32> to vector<400x128xf32>
    %add3A_615 = arith.addf %get3A_608, %get3A_614 : vector<400x128xf32>
    %get3A_616 = arith.constant 7 : index
    %get3A_617 = arith.constant 0 : index
    %get3A_618 = arith.constant 0 : index
    %get3A_619 = vector.load %arg2[%get3A_616, %get3A_617, %get3A_618] : memref<12x400x128xf32, #tpu.memory_space<vmem>>, vector<1x400x128xf32>
    %get3A_620 = vector.shape_cast %get3A_619 : vector<1x400x128xf32> to vector<400x128xf32>
    %add3A_621 = arith.addf %add3A_615, %get3A_620 : vector<400x128xf32>
    %mul3A_622 = vector.broadcast %broadcast_in_dim3A_602 : vector<400x1xf32> to vector<400x128xf32>
    %mul3A_623 = arith.mulf %mul3A_622, %add3A_621 : vector<400x128xf32>
    %get3A_624 = arith.constant 7 : index
    %get3A_625 = arith.constant 0 : index
    %get3A_626 = vector.load %arg4[%get3A_624, %get3A_625] : memref<12x128xf32, #tpu.memory_space<vmem>>, vector<1x128xf32>
    %get3A_627 = vector.shape_cast %get3A_626 : vector<1x128xf32> to vector<128xf32>
    %broadcast_in_dim3A_628 = vector.shape_cast %get3A_627 : vector<128xf32> to vector<1x128xf32>
    %add3A_629 = vector.broadcast %broadcast_in_dim3A_628 : vector<1x128xf32> to vector<400x128xf32>
    %add3A_630 = arith.addf %mul3A_623, %add3A_629 : vector<400x128xf32>
    %dot_general3A_631 = arith.constant dense<0.000000e+00> : vector<400x384xf32>
    %dot_general3A_632 = tpu.matmul %add3A_630, %get3A_1, %dot_general3A_631 {dimension_numbers = #tpu.dot_dimension_numbers<[1], [0], [0], [1], [0, 0, 1, 1], [], []>, transpose_lhs_hint = false} : vector<400x128xf32>, vector<128x384xf32>, vector<400x384xf32> -> vector<400x384xf32>
    %add3A_633 = vector.broadcast %get3A_7 : vector<1x384xf32> to vector<400x384xf32>
    %add3A_634 = arith.addf %dot_general3A_632, %add3A_633 : vector<400x384xf32>
    %dot_general3A_635 = arith.constant dense<0.000000e+00> : vector<400x384xf32>
    %dot_general3A_636 = tpu.matmul %add3A_584, %get3A_4, %dot_general3A_635 {dimension_numbers = #tpu.dot_dimension_numbers<[1], [0], [0], [1], [0, 0, 1, 1], [], []>, transpose_lhs_hint = false} : vector<400x128xf32>, vector<128x384xf32>, vector<400x384xf32> -> vector<400x384xf32>
    %add3A_637 = vector.broadcast %get3A_10 : vector<1x384xf32> to vector<400x384xf32>
    %add3A_638 = arith.addf %dot_general3A_636, %add3A_637 : vector<400x384xf32>
    %slice3A_639 = vector.extract_strided_slice %add3A_634 {offsets = [0, 0], sizes = [400, 128], strides = [1, 1]} : vector<400x384xf32> to vector<400x128xf32>
    %slice3A_640 = vector.extract_strided_slice %add3A_638 {offsets = [0, 0], sizes = [400, 128], strides = [1, 1]} : vector<400x384xf32> to vector<400x128xf32>
    %add3A_641 = arith.addf %slice3A_639, %slice3A_640 : vector<400x128xf32>
    %logistic3A_642 = arith.negf %add3A_641 : vector<400x128xf32>
    %logistic3A_643 = math.exp %logistic3A_642 : vector<400x128xf32>
    %logistic3A_644 = arith.constant 1.000000e+00 : f32
    %logistic3A_645 = vector.broadcast %logistic3A_644 : f32 to vector<400x128xf32>
    %logistic3A_646 = arith.addf %logistic3A_645, %logistic3A_643 : vector<400x128xf32>
    %logistic3A_647 = arith.divf %logistic3A_645, %logistic3A_646 : vector<400x128xf32>
    %slice3A_648 = vector.extract_strided_slice %add3A_634 {offsets = [0, 128], sizes = [400, 128], strides = [1, 1]} : vector<400x384xf32> to vector<400x128xf32>
    %slice3A_649 = vector.extract_strided_slice %add3A_638 {offsets = [0, 128], sizes = [400, 128], strides = [1, 1]} : vector<400x384xf32> to vector<400x128xf32>
    %add3A_650 = arith.addf %slice3A_648, %slice3A_649 : vector<400x128xf32>
    %logistic3A_651 = arith.negf %add3A_650 : vector<400x128xf32>
    %logistic3A_652 = math.exp %logistic3A_651 : vector<400x128xf32>
    %logistic3A_653 = arith.constant 1.000000e+00 : f32
    %logistic3A_654 = vector.broadcast %logistic3A_653 : f32 to vector<400x128xf32>
    %logistic3A_655 = arith.addf %logistic3A_654, %logistic3A_652 : vector<400x128xf32>
    %logistic3A_656 = arith.divf %logistic3A_654, %logistic3A_655 : vector<400x128xf32>
    %slice3A_657 = vector.extract_strided_slice %add3A_634 {offsets = [0, 256], sizes = [400, 128], strides = [1, 1]} : vector<400x384xf32> to vector<400x128xf32>
    %slice3A_658 = vector.extract_strided_slice %add3A_638 {offsets = [0, 256], sizes = [400, 128], strides = [1, 1]} : vector<400x384xf32> to vector<400x128xf32>
    %mul3A_659 = arith.mulf %logistic3A_647, %slice3A_658 : vector<400x128xf32>
    %add3A_660 = arith.addf %slice3A_657, %mul3A_659 : vector<400x128xf32>
    %tanh3A_661 = math.tanh %add3A_660 : vector<400x128xf32>
    %sub3A_662 = arith.constant 1.000000e+00 : f32
    %sub3A_663 = vector.broadcast %sub3A_662 : f32 to vector<400x128xf32>
    %sub3A_664 = arith.subf %sub3A_663, %logistic3A_656 : vector<400x128xf32>
    %mul3A_665 = arith.mulf %sub3A_664, %tanh3A_661 : vector<400x128xf32>
    %mul3A_666 = arith.mulf %logistic3A_656, %add3A_584 : vector<400x128xf32>
    %add3A_667 = arith.addf %mul3A_665, %mul3A_666 : vector<400x128xf32>
    %get3A_668 = arith.constant 8 : index
    %get3A_669 = arith.constant 0 : index
    %get3A_670 = arith.constant 0 : index
    %get3A_671 = arith.constant 0 : index
    %get3A_672 = vector.load %arg3[%get3A_668, %get3A_669, %get3A_670, %get3A_671] : memref<12x2x400x1xf32, #tpu.memory_space<vmem>>, vector<1x1x400x1xf32>
    %get3A_673 = vector.shape_cast %get3A_672 : vector<1x1x400x1xf32> to vector<400xf32>
    %get3A_674 = arith.constant 8 : index
    %get3A_675 = arith.constant 1 : index
    %get3A_676 = arith.constant 0 : index
    %get3A_677 = arith.constant 0 : index
    %get3A_678 = vector.load %arg3[%get3A_674, %get3A_675, %get3A_676, %get3A_677] : memref<12x2x400x1xf32, #tpu.memory_space<vmem>>, vector<1x1x400x1xf32>
    %get3A_679 = vector.shape_cast %get3A_678 : vector<1x1x400x1xf32> to vector<400xf32>
    %add3A_680 = arith.addf %get3A_673, %get3A_679 : vector<400xf32>
    %add3A_681 = arith.constant 1.000000e+00 : f32
    %add3A_682 = vector.broadcast %add3A_681 : f32 to vector<400xf32>
    %add3A_683 = arith.addf %add3A_680, %add3A_682 : vector<400xf32>
    %rsqrt3A_684 = math.rsqrt %add3A_683 : vector<400xf32>
    %broadcast_in_dim3A_685 = vector.shape_cast %rsqrt3A_684 : vector<400xf32> to vector<400x1xf32>
    %get3A_686 = arith.constant 8 : index
    %get3A_687 = arith.constant 0 : index
    %get3A_688 = arith.constant 0 : index
    %get3A_689 = arith.constant 0 : index
    %get3A_690 = vector.load %arg1[%get3A_686, %get3A_687, %get3A_688, %get3A_689] : memref<12x2x400x128xf32, #tpu.memory_space<vmem>>, vector<1x1x400x128xf32>
    %get3A_691 = vector.shape_cast %get3A_690 : vector<1x1x400x128xf32> to vector<400x128xf32>
    %get3A_692 = arith.constant 8 : index
    %get3A_693 = arith.constant 1 : index
    %get3A_694 = arith.constant 0 : index
    %get3A_695 = arith.constant 0 : index
    %get3A_696 = vector.load %arg1[%get3A_692, %get3A_693, %get3A_694, %get3A_695] : memref<12x2x400x128xf32, #tpu.memory_space<vmem>>, vector<1x1x400x128xf32>
    %get3A_697 = vector.shape_cast %get3A_696 : vector<1x1x400x128xf32> to vector<400x128xf32>
    %add3A_698 = arith.addf %get3A_691, %get3A_697 : vector<400x128xf32>
    %get3A_699 = arith.constant 8 : index
    %get3A_700 = arith.constant 0 : index
    %get3A_701 = arith.constant 0 : index
    %get3A_702 = vector.load %arg2[%get3A_699, %get3A_700, %get3A_701] : memref<12x400x128xf32, #tpu.memory_space<vmem>>, vector<1x400x128xf32>
    %get3A_703 = vector.shape_cast %get3A_702 : vector<1x400x128xf32> to vector<400x128xf32>
    %add3A_704 = arith.addf %add3A_698, %get3A_703 : vector<400x128xf32>
    %mul3A_705 = vector.broadcast %broadcast_in_dim3A_685 : vector<400x1xf32> to vector<400x128xf32>
    %mul3A_706 = arith.mulf %mul3A_705, %add3A_704 : vector<400x128xf32>
    %get3A_707 = arith.constant 8 : index
    %get3A_708 = arith.constant 0 : index
    %get3A_709 = vector.load %arg4[%get3A_707, %get3A_708] : memref<12x128xf32, #tpu.memory_space<vmem>>, vector<1x128xf32>
    %get3A_710 = vector.shape_cast %get3A_709 : vector<1x128xf32> to vector<128xf32>
    %broadcast_in_dim3A_711 = vector.shape_cast %get3A_710 : vector<128xf32> to vector<1x128xf32>
    %add3A_712 = vector.broadcast %broadcast_in_dim3A_711 : vector<1x128xf32> to vector<400x128xf32>
    %add3A_713 = arith.addf %mul3A_706, %add3A_712 : vector<400x128xf32>
    %dot_general3A_714 = arith.constant dense<0.000000e+00> : vector<400x384xf32>
    %dot_general3A_715 = tpu.matmul %add3A_713, %get3A_1, %dot_general3A_714 {dimension_numbers = #tpu.dot_dimension_numbers<[1], [0], [0], [1], [0, 0, 1, 1], [], []>, transpose_lhs_hint = false} : vector<400x128xf32>, vector<128x384xf32>, vector<400x384xf32> -> vector<400x384xf32>
    %add3A_716 = vector.broadcast %get3A_7 : vector<1x384xf32> to vector<400x384xf32>
    %add3A_717 = arith.addf %dot_general3A_715, %add3A_716 : vector<400x384xf32>
    %dot_general3A_718 = arith.constant dense<0.000000e+00> : vector<400x384xf32>
    %dot_general3A_719 = tpu.matmul %add3A_667, %get3A_4, %dot_general3A_718 {dimension_numbers = #tpu.dot_dimension_numbers<[1], [0], [0], [1], [0, 0, 1, 1], [], []>, transpose_lhs_hint = false} : vector<400x128xf32>, vector<128x384xf32>, vector<400x384xf32> -> vector<400x384xf32>
    %add3A_720 = vector.broadcast %get3A_10 : vector<1x384xf32> to vector<400x384xf32>
    %add3A_721 = arith.addf %dot_general3A_719, %add3A_720 : vector<400x384xf32>
    %slice3A_722 = vector.extract_strided_slice %add3A_717 {offsets = [0, 0], sizes = [400, 128], strides = [1, 1]} : vector<400x384xf32> to vector<400x128xf32>
    %slice3A_723 = vector.extract_strided_slice %add3A_721 {offsets = [0, 0], sizes = [400, 128], strides = [1, 1]} : vector<400x384xf32> to vector<400x128xf32>
    %add3A_724 = arith.addf %slice3A_722, %slice3A_723 : vector<400x128xf32>
    %logistic3A_725 = arith.negf %add3A_724 : vector<400x128xf32>
    %logistic3A_726 = math.exp %logistic3A_725 : vector<400x128xf32>
    %logistic3A_727 = arith.constant 1.000000e+00 : f32
    %logistic3A_728 = vector.broadcast %logistic3A_727 : f32 to vector<400x128xf32>
    %logistic3A_729 = arith.addf %logistic3A_728, %logistic3A_726 : vector<400x128xf32>
    %logistic3A_730 = arith.divf %logistic3A_728, %logistic3A_729 : vector<400x128xf32>
    %slice3A_731 = vector.extract_strided_slice %add3A_717 {offsets = [0, 128], sizes = [400, 128], strides = [1, 1]} : vector<400x384xf32> to vector<400x128xf32>
    %slice3A_732 = vector.extract_strided_slice %add3A_721 {offsets = [0, 128], sizes = [400, 128], strides = [1, 1]} : vector<400x384xf32> to vector<400x128xf32>
    %add3A_733 = arith.addf %slice3A_731, %slice3A_732 : vector<400x128xf32>
    %logistic3A_734 = arith.negf %add3A_733 : vector<400x128xf32>
    %logistic3A_735 = math.exp %logistic3A_734 : vector<400x128xf32>
    %logistic3A_736 = arith.constant 1.000000e+00 : f32
    %logistic3A_737 = vector.broadcast %logistic3A_736 : f32 to vector<400x128xf32>
    %logistic3A_738 = arith.addf %logistic3A_737, %logistic3A_735 : vector<400x128xf32>
    %logistic3A_739 = arith.divf %logistic3A_737, %logistic3A_738 : vector<400x128xf32>
    %slice3A_740 = vector.extract_strided_slice %add3A_717 {offsets = [0, 256], sizes = [400, 128], strides = [1, 1]} : vector<400x384xf32> to vector<400x128xf32>
    %slice3A_741 = vector.extract_strided_slice %add3A_721 {offsets = [0, 256], sizes = [400, 128], strides = [1, 1]} : vector<400x384xf32> to vector<400x128xf32>
    %mul3A_742 = arith.mulf %logistic3A_730, %slice3A_741 : vector<400x128xf32>
    %add3A_743 = arith.addf %slice3A_740, %mul3A_742 : vector<400x128xf32>
    %tanh3A_744 = math.tanh %add3A_743 : vector<400x128xf32>
    %sub3A_745 = arith.constant 1.000000e+00 : f32
    %sub3A_746 = vector.broadcast %sub3A_745 : f32 to vector<400x128xf32>
    %sub3A_747 = arith.subf %sub3A_746, %logistic3A_739 : vector<400x128xf32>
    %mul3A_748 = arith.mulf %sub3A_747, %tanh3A_744 : vector<400x128xf32>
    %mul3A_749 = arith.mulf %logistic3A_739, %add3A_667 : vector<400x128xf32>
    %add3A_750 = arith.addf %mul3A_748, %mul3A_749 : vector<400x128xf32>
    %get3A_751 = arith.constant 9 : index
    %get3A_752 = arith.constant 0 : index
    %get3A_753 = arith.constant 0 : index
    %get3A_754 = arith.constant 0 : index
    %get3A_755 = vector.load %arg3[%get3A_751, %get3A_752, %get3A_753, %get3A_754] : memref<12x2x400x1xf32, #tpu.memory_space<vmem>>, vector<1x1x400x1xf32>
    %get3A_756 = vector.shape_cast %get3A_755 : vector<1x1x400x1xf32> to vector<400xf32>
    %get3A_757 = arith.constant 9 : index
    %get3A_758 = arith.constant 1 : index
    %get3A_759 = arith.constant 0 : index
    %get3A_760 = arith.constant 0 : index
    %get3A_761 = vector.load %arg3[%get3A_757, %get3A_758, %get3A_759, %get3A_760] : memref<12x2x400x1xf32, #tpu.memory_space<vmem>>, vector<1x1x400x1xf32>
    %get3A_762 = vector.shape_cast %get3A_761 : vector<1x1x400x1xf32> to vector<400xf32>
    %add3A_763 = arith.addf %get3A_756, %get3A_762 : vector<400xf32>
    %add3A_764 = arith.constant 1.000000e+00 : f32
    %add3A_765 = vector.broadcast %add3A_764 : f32 to vector<400xf32>
    %add3A_766 = arith.addf %add3A_763, %add3A_765 : vector<400xf32>
    %rsqrt3A_767 = math.rsqrt %add3A_766 : vector<400xf32>
    %broadcast_in_dim3A_768 = vector.shape_cast %rsqrt3A_767 : vector<400xf32> to vector<400x1xf32>
    %get3A_769 = arith.constant 9 : index
    %get3A_770 = arith.constant 0 : index
    %get3A_771 = arith.constant 0 : index
    %get3A_772 = arith.constant 0 : index
    %get3A_773 = vector.load %arg1[%get3A_769, %get3A_770, %get3A_771, %get3A_772] : memref<12x2x400x128xf32, #tpu.memory_space<vmem>>, vector<1x1x400x128xf32>
    %get3A_774 = vector.shape_cast %get3A_773 : vector<1x1x400x128xf32> to vector<400x128xf32>
    %get3A_775 = arith.constant 9 : index
    %get3A_776 = arith.constant 1 : index
    %get3A_777 = arith.constant 0 : index
    %get3A_778 = arith.constant 0 : index
    %get3A_779 = vector.load %arg1[%get3A_775, %get3A_776, %get3A_777, %get3A_778] : memref<12x2x400x128xf32, #tpu.memory_space<vmem>>, vector<1x1x400x128xf32>
    %get3A_780 = vector.shape_cast %get3A_779 : vector<1x1x400x128xf32> to vector<400x128xf32>
    %add3A_781 = arith.addf %get3A_774, %get3A_780 : vector<400x128xf32>
    %get3A_782 = arith.constant 9 : index
    %get3A_783 = arith.constant 0 : index
    %get3A_784 = arith.constant 0 : index
    %get3A_785 = vector.load %arg2[%get3A_782, %get3A_783, %get3A_784] : memref<12x400x128xf32, #tpu.memory_space<vmem>>, vector<1x400x128xf32>
    %get3A_786 = vector.shape_cast %get3A_785 : vector<1x400x128xf32> to vector<400x128xf32>
    %add3A_787 = arith.addf %add3A_781, %get3A_786 : vector<400x128xf32>
    %mul3A_788 = vector.broadcast %broadcast_in_dim3A_768 : vector<400x1xf32> to vector<400x128xf32>
    %mul3A_789 = arith.mulf %mul3A_788, %add3A_787 : vector<400x128xf32>
    %get3A_790 = arith.constant 9 : index
    %get3A_791 = arith.constant 0 : index
    %get3A_792 = vector.load %arg4[%get3A_790, %get3A_791] : memref<12x128xf32, #tpu.memory_space<vmem>>, vector<1x128xf32>
    %get3A_793 = vector.shape_cast %get3A_792 : vector<1x128xf32> to vector<128xf32>
    %broadcast_in_dim3A_794 = vector.shape_cast %get3A_793 : vector<128xf32> to vector<1x128xf32>
    %add3A_795 = vector.broadcast %broadcast_in_dim3A_794 : vector<1x128xf32> to vector<400x128xf32>
    %add3A_796 = arith.addf %mul3A_789, %add3A_795 : vector<400x128xf32>
    %dot_general3A_797 = arith.constant dense<0.000000e+00> : vector<400x384xf32>
    %dot_general3A_798 = tpu.matmul %add3A_796, %get3A_1, %dot_general3A_797 {dimension_numbers = #tpu.dot_dimension_numbers<[1], [0], [0], [1], [0, 0, 1, 1], [], []>, transpose_lhs_hint = false} : vector<400x128xf32>, vector<128x384xf32>, vector<400x384xf32> -> vector<400x384xf32>
    %add3A_799 = vector.broadcast %get3A_7 : vector<1x384xf32> to vector<400x384xf32>
    %add3A_800 = arith.addf %dot_general3A_798, %add3A_799 : vector<400x384xf32>
    %dot_general3A_801 = arith.constant dense<0.000000e+00> : vector<400x384xf32>
    %dot_general3A_802 = tpu.matmul %add3A_750, %get3A_4, %dot_general3A_801 {dimension_numbers = #tpu.dot_dimension_numbers<[1], [0], [0], [1], [0, 0, 1, 1], [], []>, transpose_lhs_hint = false} : vector<400x128xf32>, vector<128x384xf32>, vector<400x384xf32> -> vector<400x384xf32>
    %add3A_803 = vector.broadcast %get3A_10 : vector<1x384xf32> to vector<400x384xf32>
    %add3A_804 = arith.addf %dot_general3A_802, %add3A_803 : vector<400x384xf32>
    %slice3A_805 = vector.extract_strided_slice %add3A_800 {offsets = [0, 0], sizes = [400, 128], strides = [1, 1]} : vector<400x384xf32> to vector<400x128xf32>
    %slice3A_806 = vector.extract_strided_slice %add3A_804 {offsets = [0, 0], sizes = [400, 128], strides = [1, 1]} : vector<400x384xf32> to vector<400x128xf32>
    %add3A_807 = arith.addf %slice3A_805, %slice3A_806 : vector<400x128xf32>
    %logistic3A_808 = arith.negf %add3A_807 : vector<400x128xf32>
    %logistic3A_809 = math.exp %logistic3A_808 : vector<400x128xf32>
    %logistic3A_810 = arith.constant 1.000000e+00 : f32
    %logistic3A_811 = vector.broadcast %logistic3A_810 : f32 to vector<400x128xf32>
    %logistic3A_812 = arith.addf %logistic3A_811, %logistic3A_809 : vector<400x128xf32>
    %logistic3A_813 = arith.divf %logistic3A_811, %logistic3A_812 : vector<400x128xf32>
    %slice3A_814 = vector.extract_strided_slice %add3A_800 {offsets = [0, 128], sizes = [400, 128], strides = [1, 1]} : vector<400x384xf32> to vector<400x128xf32>
    %slice3A_815 = vector.extract_strided_slice %add3A_804 {offsets = [0, 128], sizes = [400, 128], strides = [1, 1]} : vector<400x384xf32> to vector<400x128xf32>
    %add3A_816 = arith.addf %slice3A_814, %slice3A_815 : vector<400x128xf32>
    %logistic3A_817 = arith.negf %add3A_816 : vector<400x128xf32>
    %logistic3A_818 = math.exp %logistic3A_817 : vector<400x128xf32>
    %logistic3A_819 = arith.constant 1.000000e+00 : f32
    %logistic3A_820 = vector.broadcast %logistic3A_819 : f32 to vector<400x128xf32>
    %logistic3A_821 = arith.addf %logistic3A_820, %logistic3A_818 : vector<400x128xf32>
    %logistic3A_822 = arith.divf %logistic3A_820, %logistic3A_821 : vector<400x128xf32>
    %slice3A_823 = vector.extract_strided_slice %add3A_800 {offsets = [0, 256], sizes = [400, 128], strides = [1, 1]} : vector<400x384xf32> to vector<400x128xf32>
    %slice3A_824 = vector.extract_strided_slice %add3A_804 {offsets = [0, 256], sizes = [400, 128], strides = [1, 1]} : vector<400x384xf32> to vector<400x128xf32>
    %mul3A_825 = arith.mulf %logistic3A_813, %slice3A_824 : vector<400x128xf32>
    %add3A_826 = arith.addf %slice3A_823, %mul3A_825 : vector<400x128xf32>
    %tanh3A_827 = math.tanh %add3A_826 : vector<400x128xf32>
    %sub3A_828 = arith.constant 1.000000e+00 : f32
    %sub3A_829 = vector.broadcast %sub3A_828 : f32 to vector<400x128xf32>
    %sub3A_830 = arith.subf %sub3A_829, %logistic3A_822 : vector<400x128xf32>
    %mul3A_831 = arith.mulf %sub3A_830, %tanh3A_827 : vector<400x128xf32>
    %mul3A_832 = arith.mulf %logistic3A_822, %add3A_750 : vector<400x128xf32>
    %add3A_833 = arith.addf %mul3A_831, %mul3A_832 : vector<400x128xf32>
    %get3A_834 = arith.constant 10 : index
    %get3A_835 = arith.constant 0 : index
    %get3A_836 = arith.constant 0 : index
    %get3A_837 = arith.constant 0 : index
    %get3A_838 = vector.load %arg3[%get3A_834, %get3A_835, %get3A_836, %get3A_837] : memref<12x2x400x1xf32, #tpu.memory_space<vmem>>, vector<1x1x400x1xf32>
    %get3A_839 = vector.shape_cast %get3A_838 : vector<1x1x400x1xf32> to vector<400xf32>
    %get3A_840 = arith.constant 10 : index
    %get3A_841 = arith.constant 1 : index
    %get3A_842 = arith.constant 0 : index
    %get3A_843 = arith.constant 0 : index
    %get3A_844 = vector.load %arg3[%get3A_840, %get3A_841, %get3A_842, %get3A_843] : memref<12x2x400x1xf32, #tpu.memory_space<vmem>>, vector<1x1x400x1xf32>
    %get3A_845 = vector.shape_cast %get3A_844 : vector<1x1x400x1xf32> to vector<400xf32>
    %add3A_846 = arith.addf %get3A_839, %get3A_845 : vector<400xf32>
    %add3A_847 = arith.constant 1.000000e+00 : f32
    %add3A_848 = vector.broadcast %add3A_847 : f32 to vector<400xf32>
    %add3A_849 = arith.addf %add3A_846, %add3A_848 : vector<400xf32>
    %rsqrt3A_850 = math.rsqrt %add3A_849 : vector<400xf32>
    %broadcast_in_dim3A_851 = vector.shape_cast %rsqrt3A_850 : vector<400xf32> to vector<400x1xf32>
    %get3A_852 = arith.constant 10 : index
    %get3A_853 = arith.constant 0 : index
    %get3A_854 = arith.constant 0 : index
    %get3A_855 = arith.constant 0 : index
    %get3A_856 = vector.load %arg1[%get3A_852, %get3A_853, %get3A_854, %get3A_855] : memref<12x2x400x128xf32, #tpu.memory_space<vmem>>, vector<1x1x400x128xf32>
    %get3A_857 = vector.shape_cast %get3A_856 : vector<1x1x400x128xf32> to vector<400x128xf32>
    %get3A_858 = arith.constant 10 : index
    %get3A_859 = arith.constant 1 : index
    %get3A_860 = arith.constant 0 : index
    %get3A_861 = arith.constant 0 : index
    %get3A_862 = vector.load %arg1[%get3A_858, %get3A_859, %get3A_860, %get3A_861] : memref<12x2x400x128xf32, #tpu.memory_space<vmem>>, vector<1x1x400x128xf32>
    %get3A_863 = vector.shape_cast %get3A_862 : vector<1x1x400x128xf32> to vector<400x128xf32>
    %add3A_864 = arith.addf %get3A_857, %get3A_863 : vector<400x128xf32>
    %get3A_865 = arith.constant 10 : index
    %get3A_866 = arith.constant 0 : index
    %get3A_867 = arith.constant 0 : index
    %get3A_868 = vector.load %arg2[%get3A_865, %get3A_866, %get3A_867] : memref<12x400x128xf32, #tpu.memory_space<vmem>>, vector<1x400x128xf32>
    %get3A_869 = vector.shape_cast %get3A_868 : vector<1x400x128xf32> to vector<400x128xf32>
    %add3A_870 = arith.addf %add3A_864, %get3A_869 : vector<400x128xf32>
    %mul3A_871 = vector.broadcast %broadcast_in_dim3A_851 : vector<400x1xf32> to vector<400x128xf32>
    %mul3A_872 = arith.mulf %mul3A_871, %add3A_870 : vector<400x128xf32>
    %get3A_873 = arith.constant 10 : index
    %get3A_874 = arith.constant 0 : index
    %get3A_875 = vector.load %arg4[%get3A_873, %get3A_874] : memref<12x128xf32, #tpu.memory_space<vmem>>, vector<1x128xf32>
    %get3A_876 = vector.shape_cast %get3A_875 : vector<1x128xf32> to vector<128xf32>
    %broadcast_in_dim3A_877 = vector.shape_cast %get3A_876 : vector<128xf32> to vector<1x128xf32>
    %add3A_878 = vector.broadcast %broadcast_in_dim3A_877 : vector<1x128xf32> to vector<400x128xf32>
    %add3A_879 = arith.addf %mul3A_872, %add3A_878 : vector<400x128xf32>
    %dot_general3A_880 = arith.constant dense<0.000000e+00> : vector<400x384xf32>
    %dot_general3A_881 = tpu.matmul %add3A_879, %get3A_1, %dot_general3A_880 {dimension_numbers = #tpu.dot_dimension_numbers<[1], [0], [0], [1], [0, 0, 1, 1], [], []>, transpose_lhs_hint = false} : vector<400x128xf32>, vector<128x384xf32>, vector<400x384xf32> -> vector<400x384xf32>
    %add3A_882 = vector.broadcast %get3A_7 : vector<1x384xf32> to vector<400x384xf32>
    %add3A_883 = arith.addf %dot_general3A_881, %add3A_882 : vector<400x384xf32>
    %dot_general3A_884 = arith.constant dense<0.000000e+00> : vector<400x384xf32>
    %dot_general3A_885 = tpu.matmul %add3A_833, %get3A_4, %dot_general3A_884 {dimension_numbers = #tpu.dot_dimension_numbers<[1], [0], [0], [1], [0, 0, 1, 1], [], []>, transpose_lhs_hint = false} : vector<400x128xf32>, vector<128x384xf32>, vector<400x384xf32> -> vector<400x384xf32>
    %add3A_886 = vector.broadcast %get3A_10 : vector<1x384xf32> to vector<400x384xf32>
    %add3A_887 = arith.addf %dot_general3A_885, %add3A_886 : vector<400x384xf32>
    %slice3A_888 = vector.extract_strided_slice %add3A_883 {offsets = [0, 0], sizes = [400, 128], strides = [1, 1]} : vector<400x384xf32> to vector<400x128xf32>
    %slice3A_889 = vector.extract_strided_slice %add3A_887 {offsets = [0, 0], sizes = [400, 128], strides = [1, 1]} : vector<400x384xf32> to vector<400x128xf32>
    %add3A_890 = arith.addf %slice3A_888, %slice3A_889 : vector<400x128xf32>
    %logistic3A_891 = arith.negf %add3A_890 : vector<400x128xf32>
    %logistic3A_892 = math.exp %logistic3A_891 : vector<400x128xf32>
    %logistic3A_893 = arith.constant 1.000000e+00 : f32
    %logistic3A_894 = vector.broadcast %logistic3A_893 : f32 to vector<400x128xf32>
    %logistic3A_895 = arith.addf %logistic3A_894, %logistic3A_892 : vector<400x128xf32>
    %logistic3A_896 = arith.divf %logistic3A_894, %logistic3A_895 : vector<400x128xf32>
    %slice3A_897 = vector.extract_strided_slice %add3A_883 {offsets = [0, 128], sizes = [400, 128], strides = [1, 1]} : vector<400x384xf32> to vector<400x128xf32>
    %slice3A_898 = vector.extract_strided_slice %add3A_887 {offsets = [0, 128], sizes = [400, 128], strides = [1, 1]} : vector<400x384xf32> to vector<400x128xf32>
    %add3A_899 = arith.addf %slice3A_897, %slice3A_898 : vector<400x128xf32>
    %logistic3A_900 = arith.negf %add3A_899 : vector<400x128xf32>
    %logistic3A_901 = math.exp %logistic3A_900 : vector<400x128xf32>
    %logistic3A_902 = arith.constant 1.000000e+00 : f32
    %logistic3A_903 = vector.broadcast %logistic3A_902 : f32 to vector<400x128xf32>
    %logistic3A_904 = arith.addf %logistic3A_903, %logistic3A_901 : vector<400x128xf32>
    %logistic3A_905 = arith.divf %logistic3A_903, %logistic3A_904 : vector<400x128xf32>
    %slice3A_906 = vector.extract_strided_slice %add3A_883 {offsets = [0, 256], sizes = [400, 128], strides = [1, 1]} : vector<400x384xf32> to vector<400x128xf32>
    %slice3A_907 = vector.extract_strided_slice %add3A_887 {offsets = [0, 256], sizes = [400, 128], strides = [1, 1]} : vector<400x384xf32> to vector<400x128xf32>
    %mul3A_908 = arith.mulf %logistic3A_896, %slice3A_907 : vector<400x128xf32>
    %add3A_909 = arith.addf %slice3A_906, %mul3A_908 : vector<400x128xf32>
    %tanh3A_910 = math.tanh %add3A_909 : vector<400x128xf32>
    %sub3A_911 = arith.constant 1.000000e+00 : f32
    %sub3A_912 = vector.broadcast %sub3A_911 : f32 to vector<400x128xf32>
    %sub3A_913 = arith.subf %sub3A_912, %logistic3A_905 : vector<400x128xf32>
    %mul3A_914 = arith.mulf %sub3A_913, %tanh3A_910 : vector<400x128xf32>
    %mul3A_915 = arith.mulf %logistic3A_905, %add3A_833 : vector<400x128xf32>
    %add3A_916 = arith.addf %mul3A_914, %mul3A_915 : vector<400x128xf32>
    %get3A_917 = arith.constant 11 : index
    %get3A_918 = arith.constant 0 : index
    %get3A_919 = arith.constant 0 : index
    %get3A_920 = arith.constant 0 : index
    %get3A_921 = vector.load %arg3[%get3A_917, %get3A_918, %get3A_919, %get3A_920] : memref<12x2x400x1xf32, #tpu.memory_space<vmem>>, vector<1x1x400x1xf32>
    %get3A_922 = vector.shape_cast %get3A_921 : vector<1x1x400x1xf32> to vector<400xf32>
    %get3A_923 = arith.constant 11 : index
    %get3A_924 = arith.constant 1 : index
    %get3A_925 = arith.constant 0 : index
    %get3A_926 = arith.constant 0 : index
    %get3A_927 = vector.load %arg3[%get3A_923, %get3A_924, %get3A_925, %get3A_926] : memref<12x2x400x1xf32, #tpu.memory_space<vmem>>, vector<1x1x400x1xf32>
    %get3A_928 = vector.shape_cast %get3A_927 : vector<1x1x400x1xf32> to vector<400xf32>
    %add3A_929 = arith.addf %get3A_922, %get3A_928 : vector<400xf32>
    %add3A_930 = arith.constant 1.000000e+00 : f32
    %add3A_931 = vector.broadcast %add3A_930 : f32 to vector<400xf32>
    %add3A_932 = arith.addf %add3A_929, %add3A_931 : vector<400xf32>
    %rsqrt3A_933 = math.rsqrt %add3A_932 : vector<400xf32>
    %broadcast_in_dim3A_934 = vector.shape_cast %rsqrt3A_933 : vector<400xf32> to vector<400x1xf32>
    %get3A_935 = arith.constant 11 : index
    %get3A_936 = arith.constant 0 : index
    %get3A_937 = arith.constant 0 : index
    %get3A_938 = arith.constant 0 : index
    %get3A_939 = vector.load %arg1[%get3A_935, %get3A_936, %get3A_937, %get3A_938] : memref<12x2x400x128xf32, #tpu.memory_space<vmem>>, vector<1x1x400x128xf32>
    %get3A_940 = vector.shape_cast %get3A_939 : vector<1x1x400x128xf32> to vector<400x128xf32>
    %get3A_941 = arith.constant 11 : index
    %get3A_942 = arith.constant 1 : index
    %get3A_943 = arith.constant 0 : index
    %get3A_944 = arith.constant 0 : index
    %get3A_945 = vector.load %arg1[%get3A_941, %get3A_942, %get3A_943, %get3A_944] : memref<12x2x400x128xf32, #tpu.memory_space<vmem>>, vector<1x1x400x128xf32>
    %get3A_946 = vector.shape_cast %get3A_945 : vector<1x1x400x128xf32> to vector<400x128xf32>
    %add3A_947 = arith.addf %get3A_940, %get3A_946 : vector<400x128xf32>
    %get3A_948 = arith.constant 11 : index
    %get3A_949 = arith.constant 0 : index
    %get3A_950 = arith.constant 0 : index
    %get3A_951 = vector.load %arg2[%get3A_948, %get3A_949, %get3A_950] : memref<12x400x128xf32, #tpu.memory_space<vmem>>, vector<1x400x128xf32>
    %get3A_952 = vector.shape_cast %get3A_951 : vector<1x400x128xf32> to vector<400x128xf32>
    %add3A_953 = arith.addf %add3A_947, %get3A_952 : vector<400x128xf32>
    %mul3A_954 = vector.broadcast %broadcast_in_dim3A_934 : vector<400x1xf32> to vector<400x128xf32>
    %mul3A_955 = arith.mulf %mul3A_954, %add3A_953 : vector<400x128xf32>
    %get3A_956 = arith.constant 11 : index
    %get3A_957 = arith.constant 0 : index
    %get3A_958 = vector.load %arg4[%get3A_956, %get3A_957] : memref<12x128xf32, #tpu.memory_space<vmem>>, vector<1x128xf32>
    %get3A_959 = vector.shape_cast %get3A_958 : vector<1x128xf32> to vector<128xf32>
    %broadcast_in_dim3A_960 = vector.shape_cast %get3A_959 : vector<128xf32> to vector<1x128xf32>
    %add3A_961 = vector.broadcast %broadcast_in_dim3A_960 : vector<1x128xf32> to vector<400x128xf32>
    %add3A_962 = arith.addf %mul3A_955, %add3A_961 : vector<400x128xf32>
    %dot_general3A_963 = arith.constant dense<0.000000e+00> : vector<400x384xf32>
    %dot_general3A_964 = tpu.matmul %add3A_962, %get3A_1, %dot_general3A_963 {dimension_numbers = #tpu.dot_dimension_numbers<[1], [0], [0], [1], [0, 0, 1, 1], [], []>, transpose_lhs_hint = false} : vector<400x128xf32>, vector<128x384xf32>, vector<400x384xf32> -> vector<400x384xf32>
    %add3A_965 = vector.broadcast %get3A_7 : vector<1x384xf32> to vector<400x384xf32>
    %add3A_966 = arith.addf %dot_general3A_964, %add3A_965 : vector<400x384xf32>
    %dot_general3A_967 = arith.constant dense<0.000000e+00> : vector<400x384xf32>
    %dot_general3A_968 = tpu.matmul %add3A_916, %get3A_4, %dot_general3A_967 {dimension_numbers = #tpu.dot_dimension_numbers<[1], [0], [0], [1], [0, 0, 1, 1], [], []>, transpose_lhs_hint = false} : vector<400x128xf32>, vector<128x384xf32>, vector<400x384xf32> -> vector<400x384xf32>
    %add3A_969 = vector.broadcast %get3A_10 : vector<1x384xf32> to vector<400x384xf32>
    %add3A_970 = arith.addf %dot_general3A_968, %add3A_969 : vector<400x384xf32>
    %slice3A_971 = vector.extract_strided_slice %add3A_966 {offsets = [0, 0], sizes = [400, 128], strides = [1, 1]} : vector<400x384xf32> to vector<400x128xf32>
    %slice3A_972 = vector.extract_strided_slice %add3A_970 {offsets = [0, 0], sizes = [400, 128], strides = [1, 1]} : vector<400x384xf32> to vector<400x128xf32>
    %add3A_973 = arith.addf %slice3A_971, %slice3A_972 : vector<400x128xf32>
    %logistic3A_974 = arith.negf %add3A_973 : vector<400x128xf32>
    %logistic3A_975 = math.exp %logistic3A_974 : vector<400x128xf32>
    %logistic3A_976 = arith.constant 1.000000e+00 : f32
    %logistic3A_977 = vector.broadcast %logistic3A_976 : f32 to vector<400x128xf32>
    %logistic3A_978 = arith.addf %logistic3A_977, %logistic3A_975 : vector<400x128xf32>
    %logistic3A_979 = arith.divf %logistic3A_977, %logistic3A_978 : vector<400x128xf32>
    %slice3A_980 = vector.extract_strided_slice %add3A_966 {offsets = [0, 128], sizes = [400, 128], strides = [1, 1]} : vector<400x384xf32> to vector<400x128xf32>
    %slice3A_981 = vector.extract_strided_slice %add3A_970 {offsets = [0, 128], sizes = [400, 128], strides = [1, 1]} : vector<400x384xf32> to vector<400x128xf32>
    %add3A_982 = arith.addf %slice3A_980, %slice3A_981 : vector<400x128xf32>
    %logistic3A_983 = arith.negf %add3A_982 : vector<400x128xf32>
    %logistic3A_984 = math.exp %logistic3A_983 : vector<400x128xf32>
    %logistic3A_985 = arith.constant 1.000000e+00 : f32
    %logistic3A_986 = vector.broadcast %logistic3A_985 : f32 to vector<400x128xf32>
    %logistic3A_987 = arith.addf %logistic3A_986, %logistic3A_984 : vector<400x128xf32>
    %logistic3A_988 = arith.divf %logistic3A_986, %logistic3A_987 : vector<400x128xf32>
    %slice3A_989 = vector.extract_strided_slice %add3A_966 {offsets = [0, 256], sizes = [400, 128], strides = [1, 1]} : vector<400x384xf32> to vector<400x128xf32>
    %slice3A_990 = vector.extract_strided_slice %add3A_970 {offsets = [0, 256], sizes = [400, 128], strides = [1, 1]} : vector<400x384xf32> to vector<400x128xf32>
    %mul3A_991 = arith.mulf %logistic3A_979, %slice3A_990 : vector<400x128xf32>
    %add3A_992 = arith.addf %slice3A_989, %mul3A_991 : vector<400x128xf32>
    %tanh3A_993 = math.tanh %add3A_992 : vector<400x128xf32>
    %sub3A_994 = arith.constant 1.000000e+00 : f32
    %sub3A_995 = vector.broadcast %sub3A_994 : f32 to vector<400x128xf32>
    %sub3A_996 = arith.subf %sub3A_995, %logistic3A_988 : vector<400x128xf32>
    %mul3A_997 = arith.mulf %sub3A_996, %tanh3A_993 : vector<400x128xf32>
    %mul3A_998 = arith.mulf %logistic3A_988, %add3A_916 : vector<400x128xf32>
    %add3A_999 = arith.addf %mul3A_997, %mul3A_998 : vector<400x128xf32>
    %swap3A = arith.constant 0 : index
    %swap3A_1000 = arith.constant 0 : index
    %swap3A_1001 = vector.load %arg9[%swap3A, %swap3A_1000] : memref<400x128xf32, #tpu.memory_space<vmem>>, vector<400x128xf32>
    tpu.vector_store %arg9[%swap3A, %swap3A_1000], %add3A_999 {strides = array<i32>} : memref<400x128xf32, #tpu.memory_space<vmem>>, vector<400x128xf32>,
    return
  }
  func.func @transform_0(%arg0: i32) -> (i32, i32, i32, i32) {
    %c0_i32 = arith.constant 0 : i32
    %c0_i32_0 = arith.constant 0 : i32
    %c0_i32_1 = arith.constant 0 : i32
    %c0_i32_2 = arith.constant 0 : i32
    return %c0_i32, %c0_i32_0, %arg0, %c0_i32_1 : i32, i32, i32, i32
  }
  func.func @transform_1(%arg0: i32) -> (i32, i32, i32) {
    %c0_i32 = arith.constant 0 : i32
    %c0_i32_0 = arith.constant 0 : i32
    %c0_i32_1 = arith.constant 0 : i32
    return %c0_i32, %arg0, %c0_i32_0 : i32, i32, i32
  }
  func.func @transform_2(%arg0: i32) -> (i32, i32, i32, i32) {
    %c0_i32 = arith.constant 0 : i32
    %c0_i32_0 = arith.constant 0 : i32
    %c0_i32_1 = arith.constant 0 : i32
    %c0_i32_2 = arith.constant 0 : i32
    return %c0_i32, %c0_i32_0, %arg0, %c0_i32_1 : i32, i32, i32, i32
  }
  func.func @transform_3(%arg0: i32) -> (i32, i32) {
    %c0_i32 = arith.constant 0 : i32
    %c0_i32_0 = arith.constant 0 : i32
    %c0_i32_1 = arith.constant 0 : i32
    return %c0_i32, %c0_i32_0 : i32, i32
  }
  func.func @transform_4(%arg0: i32) -> (i32, i32) {
    %c0_i32 = arith.constant 0 : i32
    %c0_i32_0 = arith.constant 0 : i32
    %c0_i32_1 = arith.constant 0 : i32
    return %c0_i32, %c0_i32_0 : i32, i32
  }
  func.func @transform_5(%arg0: i32) -> (i32, i32) {
    %c0_i32 = arith.constant 0 : i32
    %c0_i32_0 = arith.constant 0 : i32
    %c0_i32_1 = arith.constant 0 : i32
    return %c0_i32, %c0_i32_0 : i32, i32
  }
  func.func @transform_6(%arg0: i32) -> (i32, i32) {
    %c0_i32 = arith.constant 0 : i32
    %c0_i32_0 = arith.constant 0 : i32
    %c0_i32_1 = arith.constant 0 : i32
    return %c0_i32, %c0_i32_0 : i32, i32
  }
  func.func @transform_7(%arg0: i32) -> (i32, i32) {
    %c0_i32 = arith.constant 0 : i32
    %c0_i32_0 = arith.constant 0 : i32
    %c0_i32_1 = arith.constant 0 : i32
    return %c0_i32, %c0_i32_0 : i32, i32
  }
  func.func @transform_8(%arg0: i32) -> (i32, i32) {
    %c0_i32 = arith.constant 0 : i32
    %c0_i32_0 = arith.constant 0 : i32
    return %arg0, %c0_i32 : i32, i32
  }
}

</mosaic_0001>

<sc_bundles>
// kernel: kernel.10.cloned.1.call-start
scs
__scs_entry_jumppad:
0x0: {  	(pc) =	sbr.rel $0x88, $3  }
0x1: {  	(tag) =	ssettag $0x0;
	lr =	simm.s32 $0x1  }
0x2: {  	[smem:$0x3F94] =	sst lr;
	_ =	strace $0xD0000000  }
0x3: {  	_ = 	snop  }
0x4: {  	_ = 	snop  }
0x5: {  	_ = 	snop  }
0x6: {  	_ = 	snop  }
0x7: {  	_ = 	snop  }
__scs_overlays_trampoline_lowered:
0x8: {  	[smem:$0x3FA3] =	sst s0  }
0x9: {  	[smem:$0x3FA4] =	sst s1  }
0xa: {  	[smem:$0x3FA5] =	sst s2  }
0xb: {  	[smem:$0x3FA6] =	sst s3  }
0xc: {  	[smem:$0x3FA7] =	sst s4  }
0xd: {  	[smem:$0x3FA8] =	sst s5  }
0xe: {  	[smem:$0x3FA9] =	sst s6  }
0xf: {  	[smem:$0x3FAA] =	sst s7  }
0x10: {  	[smem:$0x3FAB] =	sst s8  }
0x11: {  	[smem:$0x3FAC] =	sst s9;
	s0 =	simm.s32 @!p0 $0x0  }
0x12: {  	s1 =	sld [smem:$0x3F92];
	s0 =	simm.s32 @p0 $0x1  }
0x13: {  	[smem:$0x3FAD] =	sst s0;
	s0 =	simm.s32 @!p1 $0x0  }
0x14: {  	s2 =	sld [smem:$0x3F91];
	s0 =	simm.s32 @p1 $0x1  }
0x15: {  	[smem:$0x3FAE] =	sst s0;
	s0 =	simm.s32 @!p2 $0x0  }
0x16: {  	s3 =	sld [smem:$0x3FDB];
	s0 =	simm.s32 @p2 $0x1  }
0x17: {  	s4 =	simm.s32 $0x1BF5;
	[smem:$0x3FB0] =	sst s0  }
0x18: {  	s0 =	sld [smem:$0x3F93];
	_ =	swait.ge [sflag:s4], $0x0  }
0x19: {  	s7 =	sld [smem:$0x3F94]  }
0x1a: {  	s8 =	sadd.s32 $0xFFFFE003, lr  }
0x1b: {  	s9 =	sadd.s32 $0xFFFFFEF7, lr;
	s5 =	simm.s32 $0xFFFFFFFF;
	p2 =	slt.u32 s8, $0xFFFFF086  }
0x1c: {  	p1 =	slt.u32 s9, $0xF7A;
	s5 =	simm.s32 @!p2 $0x0  }
0x1d: {  	s5 =	simm.s32 @p1 $0x1;
	p0 =	seq.s32 s7, s2  }
0x1e: {  	s7 =	smul.u32 @!p0 $0xF7A, s2;
	p2 =	seq.s32 @!p0 s5, $0x0  }
0x1f: {  	s9 =	smul.u32 $0xF7A, s1;
	s8 =	simm.s32 @!p0 $0x1BF5;
	p2 =	por !p2, p0  }
0x20: {  	[sflag:s8] =	ssyncset.s32 @!p0 $0xFFFFF086;
	s6 =	sadd.s32 @!p0 s3, s7;
	s7 =	simm.s32 @!p0 $0x108  }
0x21: {  	s3 =	sadd.s32 s3, s9;
	s6 =	sadd.s32 @!p0 $0x88, s6;
	s7 =	simm.s32 @p2 $0x1082  }
0x22: {  	[simem:s7], [sflag:s8] =	dma.local @!p0 [hbm:s6], $0xF7A  }
0x23: {  	s9 =	sor.u32 $0xD0000000, s2;
	s6 =	simm.s32 $0x108;
	_ =	swait.ge @!p0 [sflag:s8], $0x0  }
0x24: {  	s3 =	sadd.s32 $0x88, s3;
	s6 =	simm.s32 @!p1 $0x1082;
	[sflag:s4] =	ssyncset.s32 $0xFFFFF086  }
0x25: {  	[simem:s6], [sflag:s4] =	dma.local [hbm:s3], $0xF7A  }
0x26: {  	[smem:$0x3F94] =	sst s1;
	(tag) =	ssettag s2;
	_ =	strace s9  }
0x27: {  	s1 =	sld [smem:$0x3FA4]  }
0x28: {  	s2 =	sld [smem:$0x3FA5]  }
0x29: {  	s4 =	sld [smem:$0x3FA7]  }
0x2a: {  	p0 =	seq.s32 s5, $0x0;
	s5 =	sld [smem:$0x3FA8]  }
0x2b: {  	s6 =	sld [smem:$0x3FA9]  }
0x2c: {  	s7 =	sld [smem:$0x3FAA]  }
0x2d: {  	s3 =	simm.s32 $0x108;
	s8 =	sld [smem:$0x3FAB]  }
0x2e: {  	s3 =	simm.s32 @!p0 $0x1082;
	s9 =	sld [smem:$0x3FAC]  }
0x2f: {  	lr =	sadd.s32 s0, s3;
	s0 =	sld [smem:$0x3FA3]  }
0x30: {  	s3 =	sld [smem:$0x3FA6]  }
0x31: {  	[smem:$0x3FAF] =	sst s10  }
0x32: {  	s10 =	sld [smem:$0x3FAD];
	_ =	sdelay $0x3  }
0x33: {  	p0 =	seq.s32 s10, $0x1;
	s10 =	sld [smem:$0x3FAF];
	_ =	sdelay $0x3  }
0x34: {  	[smem:$0x3FAF] =	sst s10  }
0x35: {  	s10 =	sld [smem:$0x3FAE];
	_ =	sdelay $0x3  }
0x36: {  	p1 =	seq.s32 s10, $0x1;
	s10 =	sld [smem:$0x3FAF];
	_ =	sdelay $0x3  }
0x37: {  	[smem:$0x3FAF] =	sst s10  }
0x38: {  	s10 =	sld [smem:$0x3FB0]  }
0x39: {  	_ = 	snop;
	(pc) =	sbr.ind lr, $3  }
0x3a: {  	_ = 	snop  }
0x3b: {  	_ = 	snop  }
0x3c: {  	p2 =	seq.s32 s10, $0x1;
	s10 =	sld [smem:$0x3FAF]  }
0x3d: {  	_ =	shalt  }
0x3e: {  	_ =	shalt  }
0x3f: {  	_ =	shalt  }
0x40: {  	_ =	shalt  }
0x41: {  	_ =	shalt  }
0x42: {  	_ =	shalt  }
0x43: {  	_ =	shalt  }
0x44: {  	_ =	shalt  }
0x45: {  	_ =	shalt  }
0x46: {  	_ =	shalt  }
0x47: {  	_ =	shalt  }
0x48: {  	_ =	shalt  }
0x49: {  	_ =	shalt  }
0x4a: {  	_ =	shalt  }
0x4b: {  	_ =	shalt  }
0x4c: {  	_ =	shalt  }
0x4d: {  	_ =	shalt  }
0x4e: {  	_ =	shalt  }
0x4f: {  	_ =	shalt  }
0x50: {  	_ =	shalt  }
0x51: {  	_ =	shalt  }
0x52: {  	_ =	shalt  }
0x53: {  	_ =	shalt  }
0x54: {  	_ =	shalt  }
0x55: {  	_ =	shalt  }
0x56: {  	_ =	shalt  }
0x57: {  	_ =	shalt  }
0x58: {  	_ =	shalt  }
0x59: {  	_ =	shalt  }
0x5a: {  	_ =	shalt  }
0x5b: {  	_ =	shalt  }
0x5c: {  	_ =	shalt  }
0x5d: {  	_ =	shalt  }
0x5e: {  	_ =	shalt  }
0x5f: {  	_ =	shalt  }
0x60: {  	_ =	shalt  }
0x61: {  	_ =	shalt  }
0x62: {  	_ =	shalt  }
0x63: {  	_ =	shalt  }
0x64: {  	_ =	shalt  }
0x65: {  	_ =	shalt  }
0x66: {  	_ =	shalt  }
0x67: {  	_ =	shalt  }
0x68: {  	_ =	shalt  }
0x69: {  	_ =	shalt  }
0x6a: {  	_ =	shalt  }
0x6b: {  	_ =	shalt  }
0x6c: {  	_ =	shalt  }
0x6d: {  	_ =	shalt  }
0x6e: {  	_ =	shalt  }
0x6f: {  	_ =	shalt  }
0x70: {  	_ =	shalt  }
0x71: {  	_ =	shalt  }
0x72: {  	_ =	shalt  }
0x73: {  	_ =	shalt  }
0x74: {  	_ =	shalt  }
0x75: {  	_ =	shalt  }
0x76: {  	_ =	shalt  }
0x77: {  	_ =	shalt  }
0x78: {  	_ =	shalt  }
0x79: {  	_ =	shalt  }
0x7a: {  	_ =	shalt  }
0x7b: {  	_ =	shalt  }
0x7c: {  	_ =	shalt  }
0x7d: {  	_ =	shalt  }
0x7e: {  	_ =	shalt  }
0x7f: {  	_ =	shalt  }
0x80: {  	_ =	shalt  }
0x81: {  	_ =	shalt  }
0x82: {  	_ =	shalt  }
0x83: {  	_ =	shalt  }
0x84: {  	_ =	shalt  }
0x85: {  	_ =	shalt  }
0x86: {  	_ =	shalt  }
0x87: {  	_ =	shalt  }
.Lfunc_end0:
.L_simem_size_0:
called_computation_lowered:
.L_overlay_start_0:
0x88: {  	s2 =	sld [smem:$0x3FD9]  }
0x89: {  	s3 =	sld [smem:$0x3FFE];
	_ =	sdelay $0x1  }
0x8a: {  	s1 =	srdreg.scid  }
0x8b: {  	s0 =	sand.u32 $0x1, s1  }
0x8c: {  	s17 =	sshll.u32 s0, $0xA;
	s2 =	sadd.s32 s3, s2  }
0x8d: {  	s2 =	sadd.s32 s2, s17  }
0x8e: {  	[smem:$0x3FBB] =	sst s2  }
0x8f: {  	_ = 	snop  }
0x90: {  	s18 =	sld [smem:$0x3FD0];
	(tm) =	ssettm $0x1  }
0x91: {  	s19 =	sld [smem:$0x3FFB];
	_ =	sdelay $0x3  }
0x92: {  	_ =	strace s19  }
0x93: {  	s2 =	sld [smem:$0x3FFC];
	_ =	sdelay $0x3  }
0x94: {  	_ =	strace s2  }
0x95: {  	s2 =	sld [smem:$0x3FFD];
	_ =	sdelay $0x3  }
0x96: {  	_ =	strace s2  }
0x97: {  	_ =	strace $0x8FFFFFFF  }
0x98: {  	s20 =	sld [smem:$0x3FDB];
	_ =	sdelay $0x1  }
0x99: {  	s4 =	simm.s32 $_scs_section_size  }
0x9a: {  	s5 =	simm.s32 $_size__tile_overlayer_lowered;
	s6 =	simm.s32 $_tile_overlayer_lowered  }
0x9b: {  	s7 =	simm.s32 $0x1BFF;
	s21 =	sshll.u32 s6, $0x1;
	s4 =	sadd.s32 s4, s20  }
0x9c: {  	s22 =	simm.s32 $0x0;
	s5 =	sshll.u32 s5, $0x1;
	s6 =	sadd.s32 s21, s4  }
0x9d: {  	[timem:s22], [sflag:s7] =	dma.local [hbm:s6], s5  }
0x9e: {  	_ =	swait.ge [sflag:s7], s5  }
0x9f: {  	s5 =	ssub.s32 $0x0, s5;
	[sflag:s7] =	ssyncset.done $0x0  }
0xa0: {  	[sflag:s7] =	ssyncadd.s32 s5;
	_ =	sdelay $0x1  }
0xa1: {  	s23 =	simm.s32 $0x1B8B  }
0xa2: {  	_ =	swait.ge [sflag:s23], $0x1  }
0xa3: {  	[sflag:s23] =	ssyncset.done $0x0  }
0xa4: {  	[sflag:s23] =	ssyncadd.s32 $0xFFFFFFFF  }
0xa5: {  	s5 =	sld [smem:$0x0]  }
0xa6: {  	s6 =	sand.u32 $0xFFFFFFFE, s1  }
0xa7: {  	p0 =	sne.s32 s1, s6  }
0xa8: {  	s6 =	sshll.u32 @p0 s6, $0xE  }
0xa9: {  	s6 =	sadd.s32 @p0 $0x11B8D, s6;
	s7 =	sshll.u32 @p0 s5, $0x11  }
0xaa: {  	s6 =	sor.u32 @p0 s7, s6  }
0xab: {  	[sflag:s6] =	ssyncadd.remote.s32 @p0 $0x1;
	_ =	sdelay $0x1  }
0xac: {  	s6 =	simm.s32 @p0 $0x1B8D  }
0xad: {  	_ =	swait.eq @p0 [sflag:s6], $0x1  }
0xae: {  	[sflag:s6] =	ssyncadd.s32 @p0 $0xFFFFFFFF  }
0xaf: {  	s7 =	sshll.u32 @!p0 s1, $0xE  }
0xb0: {  	s7 =	sor.u32 @!p0 $0x4000, s7;
	s6 =	simm.s32 @!p0 $0x1B8D  }
0xb1: {  	s5 =	sshll.u32 @!p0 s5, $0x11;
	s7 =	sadd.s32 @!p0 $0x11B8D, s7;
	_ =	swait.eq @!p0 [sflag:s6], $0x1  }
0xb2: {  	s5 =	sor.u32 @!p0 s5, s7;
	[sflag:s6] =	ssyncadd.s32 @!p0 $0xFFFFFFFF  }
0xb3: {  	s25 =	simm.s32 $0x1B8E;
	s24 =	sld [smem:$0x3FFE];
	[sflag:s5] =	ssyncadd.remote.s32 @!p0 $0x1  }
0xb4: {  	s26 =	simm.s32 $execute0_lowered;
	[smem:$0x3FD2] =	sst s25  }
0xb5: {  	s6 =	sshll.u32 s26, $0x1;
	_ =	strace $0x80000049;
	[dreg:$0x1] =	wrdreg $0xFFFFFFFF  }
0xb6: {  	s28 =	simm.s32 $_size_execute0_lowered;
	s4 =	sadd.s32 s4, s6;
	[dreg:$0x0] =	wrdreg $0x0  }
0xb7: {  	s6 =	sshll.u32 s28, $0x1;
	[dreg:$0x2] =	wrdreg s4  }
0xb8: {  	[dreg:$0x3] =	wrdreg s6  }
0xb9: {  	[dreg:$0x4] =	wrdreg $0xC0  }
0xba: {  	_ =	task [dreg:s22], $0x5FFFF  }
0xbb: {  	[dreg:$0x1] =	wrdreg $0xFFFFFFFF  }
0xbc: {  	[dreg:$0x0] =	wrdreg $0x60  }
0xbd: {  	[dreg:$0x2] =	wrdreg s24  }
0xbe: {  	[dreg:$0x3] =	wrdreg s18  }
0xbf: {  	[dreg:$0x4] =	wrdreg $0x9  }
0xc0: {  	_ =	task.clear_ibuf [dreg:s22], $0x5FFFF;
	_ =	strace $0x90000049  }
0xc1: {  	s29 =	simm.s32 $0x9;
	_ =	strace $0x8000004B  }
0xc2: {  	_ =	swait.ge [sflag:s29], $0x1  }
0xc3: {  	[sflag:s29] =	ssyncadd.s32 $0xFFFFFFFF  }
0xc4: {  	_ =	strace $0x9000004B  }
0xc5: {  	_ =	sfence  }
0xc6: {  	s30 =	sld [smem:$0x0];
	_ =	sdelay $0x2  }
0xc7: {  	s31 =	sshll.u32 s1, $0xD;
	s1 =	sshrl.u32 s1, $0x2  }
0xc8: {  	s4 =	sand.u32 $0x4000, s31;
	s1 =	sadd.s32 s1, s30  }
0xc9: {  	s0 =	sor.u32 s4, s0;
	s1 =	sshll.u32 s1, $0x11  }
0xca: {  	s0 =	sor.u32 s1, s0  }
0xcb: {  	s0 =	sadd.s32 $0x8F2B, s0  }
0xcc: {  	[sflag:s0] =	ssyncadd.remote.s32 $0x1  }
0xcd: {  	_ =	sfence.sel $0xFFFF  }
0xce: {  	[dreg:$0x0] =	wrdreg $0xFFFFFFFF;
	(pc) =	sbr.abs _section_cstart, $3  }
0xcf: {  	[dreg:$0x1] =	wrdreg $0xFFFFFFFF  }
0xd0: {  	_ =	task.clear_ibuf [dreg:s22], $0x2FFFF;
	_ =	strace $0x9FFFFFFF  }
0xd1: {  	(tm) =	ssettm $0x7FFFFFFF  }
tec
execute0_lowered:
.L_overlay_start_1:
0x0: {  	(tag) =	ssettag $0x1  }
0x1: {  	s4 =	rddreg [dreg:$0x0]  }
0x2: {  	s0 =	srdreg.scid;
	s7 =	rddreg [dreg:$0x1]  }
0x3: {  	s1 =	rddreg [dreg:$0x2];
	s5 =	sand.u32 $0x1, s0  }
0x4: {  	s2 =	simm.s32 $0x0;
	s0 =	stileid.u32;
	s6 =	smul.u32 $0x1680000, s5  }
0x5: {  	s11 =	simm.s32 $0x100;
	s12 =	simm.s32 $0xB000;
	s8 =	smul.u32 $0x168000, s0  }
0x6: {  	s13 =	simm.s32 $0x0;
	[smem:$0x7FF] =	sst s2;
	s9 =	smul.u32 $0x30000, s5  }
0x7: {  	s3 =	sadd.s32 $0xD0600, s4;
	s10 =	smul.u32 $0x3000, s0;
	s5 =	ssub.s32 $0x2, s5  }
0x8: {  	_ =	strace $0x8000004A;
	s31 =	sshrl.u32 s5, $0x1;
	s6 =	sadd.s32 s8, s6  }
0x9: {  	s30 =	sadd.s32 s10, s9;
	s5 =	ssub.s32 s5, s31;
	s9 =	simm.s32 $0x3000  }
0xa: {  	s10 =	simm.s32 $0x7000;
	s6 =	sshrl.u32 s6, $0x3;
	s8 =	sshrl.u32 s30, $0x3  }
0xb: {  	s5 =	smax.u32 s5, $0x1;
	s6 =	sadd.s32 s6, s4;
	s4 =	sadd.s32 s7, s8  }
0xc: {  	s7 =	simm.s32 $0x5;
	s8 =	simm.s32 $0x80;
	s6 =	sadd.s32 $0xDC200, s6  }
.LBB2_1:
0xd: {  	[tilespmem:s2], [sflag:$0x5] =	stream.linear.gather [hbm4b:s4+s2], $0x2D00, $0x38;
	[tilespmem:$0x13000] =	vst v63  }
0xe: {  	_ =	swait.ge [sflag:s7], $0x2D00  }
0xf: {  	[sflag:s7] =	ssyncset.done $0x0  }
0x10: {  	s14 =	simm.s32 $0x3;
	p0 =	por $0x0, $0x0;
	[sflag:s7] =	ssyncadd.s32 $0xFFFFD300  }
0x11: {  	[tilespmem:s9], [sflag:$0x1] =	stream.indirect.gather [hbm4b:s3+s8], $0x80, s2, s8, $0xb8;
	[tilespmem:$0x13000] =	vst v63  }
0x12: {  	s15 =	simm.s32 $0x180;
	s16 =	simm.s32 $0x0;
	s14 =	sand.u32 @!p0 $0x3, s14  }
0x13: {  	[tilespmem:s10], [sflag:$0x2] =	stream.indirect.gather [hbm4b:s3+s8], $0x80, s8, s8, $0xb8;
	[tilespmem:$0x13000] =	vst v63  }
0x14: {  	s17 =	sand.u32 $0x3, s16;
	s18 =	simm.s32 @!p0 $0x80;
	s16 =	sshll.u32 @!p0 s14, $0xE  }
0x15: {  	[tilespmem:s12], [sflag:$0x3] =	stream.indirect.gather [hbm4b:s3+s8], $0x80, s11, s8, $0xb8;
	[tilespmem:$0x13000] =	vst v63  }
0x16: {  	s14 =	sadd.s32 @!p0 $0x1, s14;
	s19 =	sadd.s32 $0x1, s17;
	s16 =	sor.u32 @!p0 $0x3000, s16  }
0x17: {  	[tilespmem:s16], [sflag:s14] =	stream.indirect.gather @!p0 [hbm4b:s3+s18], $0x80, s15, s18, $0xb8;
	[tilespmem:$0x13000] =	vst v63  }
0x18: {  	s30 =	sshll.u32 s17, $0xE;
	_ =	swait.ge [sflag:s19], $0x4000  }
0x19: {  	s31 =	simm.s32 $0x1;
	s17 =	sor.u32 $0x3000, s30;
	[sflag:s19] =	ssyncset.done $0x0  }
0x1a: {  	s15 =	simm.s32 $0x4;
	s16 =	simm.s32 $0x5;
	[sflag:s19] =	ssyncadd.s32 $0xFFFFC000  }
0x1b: {  	[hbm4b:s6+s2] =	stream.linear.scatter [tilespmem:s17], [sflag:$0x5], $0x4000, $0x38;
	[tilespmem:$0x13000] =	vst v63  }
0x1c: {  	s14 =	sadd.s32 $0x800, s6;
	s18 =	sand.u32 $0x3, s31;
	_ =	swait.ge [sflag:s7], $0x4000  }
0x1d: {  	p0 =	por $0x0, $0x0;
	s17 =	simm.s32 $0x200;
	[sflag:s7] =	ssyncset.done $0x0  }
.LBB2_2:
0x1e: {  	s19 =	sand.u32 @!p0 $0x3, s15;
	[sflag:s7] =	ssyncadd.s32 $0xFFFFC000  }
0x1f: {  	s15 =	smov.u32 s16;
	s16 =	sadd.s32 $0x1, s16;
	s20 =	smov.u32 s14  }
0x20: {  	p1 =	sne.s32 s16, $0x5D;
	s21 =	sshll.u32 @!p0 s19, $0xE;
	s19 =	sadd.s32 @!p0 $0x1, s19  }
0x21: {  	s22 =	simm.s32 @!p0 $0x80;
	s23 =	sadd.s32 $0x1, s18;
	s21 =	sor.u32 @!p0 $0x3000, s21  }
0x22: {  	[tilespmem:s21], [sflag:s19] =	stream.indirect.gather @!p0 [hbm4b:s3+s22], $0x80, s17, s22, $0xb8;
	[tilespmem:$0x13000] =	vst v63  }
0x23: {  	_ =	swait.ge [sflag:s23], $0x4000  }
.Ltmp0:
0x24: {  	s18 =	sshll.u32 s18, $0xE;
	[sflag:s23] =	ssyncset.done $0x0;
	(pc) =	sbr.rel @p1 .LBB2_2-.Ltmp0, $4  }
0x25: {  	s14 =	sadd.s32 $0x800, s14;
	s18 =	sor.u32 $0x3000, s18;
	[sflag:s23] =	ssyncadd.s32 $0xFFFFC000  }
0x26: {  	[hbm4b:s20+s2] =	stream.linear.scatter [tilespmem:s18], [sflag:$0x5], $0x4000, $0x38;
	[tilespmem:$0x13000] =	vst v63  }
0x27: {  	s19 =	sadd.s32 $0xFFFFFFFD, s15;
	s17 =	sadd.s32 $0x80, s17;
	_ =	swait.ge [sflag:s7], $0x4000  }
0x28: {  	p0 =	sgt.u32 s19, $0x56;
	s18 =	sand.u32 $0x3, s19;
	[sflag:s7] =	ssyncset.done $0x0  }
0x29: {  	s15 =	sand.u32 @!p0 $0x3, s15  }
0x2a: {  	[sflag:s7] =	ssyncadd.s32 $0xFFFFC000;
	s19 =	simm.s32 @!p0 $0x80;
	s16 =	sshll.u32 @!p0 s15, $0xE  }
0x2b: {  	s20 =	sadd.s32 $0x1, s18;
	s15 =	sadd.s32 @!p0 $0x1, s15;
	s16 =	sor.u32 @!p0 $0x3000, s16  }
0x2c: {  	[tilespmem:s16], [sflag:s15] =	stream.indirect.gather @!p0 [hbm4b:s3+s19], $0x80, s17, s19, $0xb8;
	[tilespmem:$0x13000] =	vst v63  }
0x2d: {  	s13 =	sadd.s32 $0x1, s13;
	_ =	swait.ge [sflag:s20], $0x4000  }
0x2e: {  	s31 =	sshll.u32 s18, $0xE;
	p0 =	sne.s32 s13, s5;
	[sflag:s20] =	ssyncset.done $0x0  }
.Ltmp1:
0x2f: {  	s15 =	sor.u32 $0x3000, s31;
	[sflag:s20] =	ssyncadd.s32 $0xFFFFC000;
	(pc) =	sbr.rel @p0 .LBB2_1-.Ltmp1, $4  }
0x30: {  	[hbm4b:s14+s2] =	stream.linear.scatter [tilespmem:s15], [sflag:$0x5], $0x4000, $0x38;
	[tilespmem:$0x13000] =	vst v63  }
0x31: {  	_ =	swait.ge [sflag:s7], $0x4000  }
0x32: {  	[sflag:s7] =	ssyncset.done $0x0  }
0x33: {  	[sflag:s7] =	ssyncadd.s32 $0xFFFFC000  }
0x34: {  	_ =	sfence.sel $0x180000  }
0x35: {  	[bflag:$0x0] =	sbarrier.arrive $0xFFFF  }
0x36: {  	p0 =	sne.s32 s0, $0x0;
	_ =	strace $0x9000004A  }
0x37: {  	s0 =	sadd.s32 @!p0 $0x100000, s1;
	[bflag:$0x2] =	sbarrier.arrive $0xFFFF  }
0x38: {  	[sflag:s0] =	ssyncadd.tile.s32 @!p0 $0x1;
	_ =	shalt  }
.Lfunc_end2:
_tile_overlayer_lowered:
.L_overlay_start_2:
0x39: {  	(tag) =	ssettag $0x2  }
0x3a: {  	s0 =	rddreg [dreg:$0x0];
	s2 =	stileid.u32  }
0x3b: {  	s1 =	rddreg [dreg:$0x1];
	p0 =	sne.s32 s2, $0x0  }
0x3c: {  	s3 =	rddreg [dreg:$0x2];
	[bflag:$0x3] =	sbarrier.arrive $0xFFFF;
	s2 =	simm.s32 @!p0 $0x1C05  }
0x3d: {  	[timem:s3], [sflag:s2] =	dma.local @!p0 [hbm:s0], s1  }
0x3e: {  	s0 =	simm.s32 @!p0 $0x5  }
0x3f: {  	_ =	swait.ge @!p0 [sflag:s0], s1  }
0x40: {  	s1 =	ssub.s32 @!p0 $0x0, s1;
	[sflag:s0] =	ssyncset.done @!p0 $0x0  }
0x41: {  	[sflag:s0] =	ssyncadd.s32 @!p0 s1  }
0x42: {  	[bflag:$0x3] =	sbarrier.arrive $0xFFFF  }
0x43: {  	_ =	shalt  }

// kernel: kernel.13.cloned.1.call-start
scs
__scs_entry_jumppad:
0x0: {  	(pc) =	sbr.rel $0x88, $3  }
0x1: {  	(tag) =	ssettag $0x0;
	lr =	simm.s32 $0x1  }
0x2: {  	[smem:$0x3F94] =	sst lr;
	_ =	strace $0xD0000000  }
0x3: {  	_ = 	snop  }
0x4: {  	_ = 	snop  }
0x5: {  	_ = 	snop  }
0x6: {  	_ = 	snop  }
0x7: {  	_ = 	snop  }
__scs_overlays_trampoline_lowered:
0x8: {  	[smem:$0x3FA3] =	sst s0  }
0x9: {  	[smem:$0x3FA4] =	sst s1  }
0xa: {  	[smem:$0x3FA5] =	sst s2  }
0xb: {  	[smem:$0x3FA6] =	sst s3  }
0xc: {  	[smem:$0x3FA7] =	sst s4  }
0xd: {  	[smem:$0x3FA8] =	sst s5  }
0xe: {  	[smem:$0x3FA9] =	sst s6  }
0xf: {  	[smem:$0x3FAA] =	sst s7  }
0x10: {  	[smem:$0x3FAB] =	sst s8  }
0x11: {  	[smem:$0x3FAC] =	sst s9;
	s0 =	simm.s32 @!p0 $0x0  }
0x12: {  	s1 =	sld [smem:$0x3F92];
	s0 =	simm.s32 @p0 $0x1  }
0x13: {  	[smem:$0x3FAD] =	sst s0;
	s0 =	simm.s32 @!p1 $0x0  }
0x14: {  	s2 =	sld [smem:$0x3F91];
	s0 =	simm.s32 @p1 $0x1  }
0x15: {  	[smem:$0x3FAE] =	sst s0;
	s0 =	simm.s32 @!p2 $0x0  }
0x16: {  	s3 =	sld [smem:$0x3FDB];
	s0 =	simm.s32 @p2 $0x1  }
0x17: {  	s4 =	simm.s32 $0x1BF5;
	[smem:$0x3FB0] =	sst s0  }
0x18: {  	s0 =	sld [smem:$0x3F93];
	_ =	swait.ge [sflag:s4], $0x0  }
0x19: {  	s7 =	sld [smem:$0x3F94]  }
0x1a: {  	s8 =	sadd.s32 $0xFFFFE003, lr  }
0x1b: {  	s9 =	sadd.s32 $0xFFFFFEF7, lr;
	s5 =	simm.s32 $0xFFFFFFFF;
	p2 =	slt.u32 s8, $0xFFFFF086  }
0x1c: {  	p1 =	slt.u32 s9, $0xF7A;
	s5 =	simm.s32 @!p2 $0x0  }
0x1d: {  	s5 =	simm.s32 @p1 $0x1;
	p0 =	seq.s32 s7, s2  }
0x1e: {  	s7 =	smul.u32 @!p0 $0xF7A, s2;
	p2 =	seq.s32 @!p0 s5, $0x0  }
0x1f: {  	s9 =	smul.u32 $0xF7A, s1;
	s8 =	simm.s32 @!p0 $0x1BF5;
	p2 =	por !p2, p0  }
0x20: {  	[sflag:s8] =	ssyncset.s32 @!p0 $0xFFFFF086;
	s6 =	sadd.s32 @!p0 s3, s7;
	s7 =	simm.s32 @!p0 $0x108  }
0x21: {  	s3 =	sadd.s32 s3, s9;
	s6 =	sadd.s32 @!p0 $0x88, s6;
	s7 =	simm.s32 @p2 $0x1082  }
0x22: {  	[simem:s7], [sflag:s8] =	dma.local @!p0 [hbm:s6], $0xF7A  }
0x23: {  	s9 =	sor.u32 $0xD0000000, s2;
	s6 =	simm.s32 $0x108;
	_ =	swait.ge @!p0 [sflag:s8], $0x0  }
0x24: {  	s3 =	sadd.s32 $0x88, s3;
	s6 =	simm.s32 @!p1 $0x1082;
	[sflag:s4] =	ssyncset.s32 $0xFFFFF086  }
0x25: {  	[simem:s6], [sflag:s4] =	dma.local [hbm:s3], $0xF7A  }
0x26: {  	[smem:$0x3F94] =	sst s1;
	(tag) =	ssettag s2;
	_ =	strace s9  }
0x27: {  	s1 =	sld [smem:$0x3FA4]  }
0x28: {  	s2 =	sld [smem:$0x3FA5]  }
0x29: {  	s4 =	sld [smem:$0x3FA7]  }
0x2a: {  	p0 =	seq.s32 s5, $0x0;
	s5 =	sld [smem:$0x3FA8]  }
0x2b: {  	s6 =	sld [smem:$0x3FA9]  }
0x2c: {  	s7 =	sld [smem:$0x3FAA]  }
0x2d: {  	s3 =	simm.s32 $0x108;
	s8 =	sld [smem:$0x3FAB]  }
0x2e: {  	s3 =	simm.s32 @!p0 $0x1082;
	s9 =	sld [smem:$0x3FAC]  }
0x2f: {  	lr =	sadd.s32 s0, s3;
	s0 =	sld [smem:$0x3FA3]  }
0x30: {  	s3 =	sld [smem:$0x3FA6]  }
0x31: {  	[smem:$0x3FAF] =	sst s10  }
0x32: {  	s10 =	sld [smem:$0x3FAD];
	_ =	sdelay $0x3  }
0x33: {  	p0 =	seq.s32 s10, $0x1;
	s10 =	sld [smem:$0x3FAF];
	_ =	sdelay $0x3  }
0x34: {  	[smem:$0x3FAF] =	sst s10  }
0x35: {  	s10 =	sld [smem:$0x3FAE];
	_ =	sdelay $0x3  }
0x36: {  	p1 =	seq.s32 s10, $0x1;
	s10 =	sld [smem:$0x3FAF];
	_ =	sdelay $0x3  }
0x37: {  	[smem:$0x3FAF] =	sst s10  }
0x38: {  	s10 =	sld [smem:$0x3FB0]  }
0x39: {  	_ = 	snop;
	(pc) =	sbr.ind lr, $3  }
0x3a: {  	_ = 	snop  }
0x3b: {  	_ = 	snop  }
0x3c: {  	p2 =	seq.s32 s10, $0x1;
	s10 =	sld [smem:$0x3FAF]  }
0x3d: {  	_ =	shalt  }
0x3e: {  	_ =	shalt  }
0x3f: {  	_ =	shalt  }
0x40: {  	_ =	shalt  }
0x41: {  	_ =	shalt  }
0x42: {  	_ =	shalt  }
0x43: {  	_ =	shalt  }
0x44: {  	_ =	shalt  }
0x45: {  	_ =	shalt  }
0x46: {  	_ =	shalt  }
0x47: {  	_ =	shalt  }
0x48: {  	_ =	shalt  }
0x49: {  	_ =	shalt  }
0x4a: {  	_ =	shalt  }
0x4b: {  	_ =	shalt  }
0x4c: {  	_ =	shalt  }
0x4d: {  	_ =	shalt  }
0x4e: {  	_ =	shalt  }
0x4f: {  	_ =	shalt  }
0x50: {  	_ =	shalt  }
0x51: {  	_ =	shalt  }
0x52: {  	_ =	shalt  }
0x53: {  	_ =	shalt  }
0x54: {  	_ =	shalt  }
0x55: {  	_ =	shalt  }
0x56: {  	_ =	shalt  }
0x57: {  	_ =	shalt  }
0x58: {  	_ =	shalt  }
0x59: {  	_ =	shalt  }
0x5a: {  	_ =	shalt  }
0x5b: {  	_ =	shalt  }
0x5c: {  	_ =	shalt  }
0x5d: {  	_ =	shalt  }
0x5e: {  	_ =	shalt  }
0x5f: {  	_ =	shalt  }
0x60: {  	_ =	shalt  }
0x61: {  	_ =	shalt  }
0x62: {  	_ =	shalt  }
0x63: {  	_ =	shalt  }
0x64: {  	_ =	shalt  }
0x65: {  	_ =	shalt  }
0x66: {  	_ =	shalt  }
0x67: {  	_ =	shalt  }
0x68: {  	_ =	shalt  }
0x69: {  	_ =	shalt  }
0x6a: {  	_ =	shalt  }
0x6b: {  	_ =	shalt  }
0x6c: {  	_ =	shalt  }
0x6d: {  	_ =	shalt  }
0x6e: {  	_ =	shalt  }
0x6f: {  	_ =	shalt  }
0x70: {  	_ =	shalt  }
0x71: {  	_ =	shalt  }
0x72: {  	_ =	shalt  }
0x73: {  	_ =	shalt  }
0x74: {  	_ =	shalt  }
0x75: {  	_ =	shalt  }
0x76: {  	_ =	shalt  }
0x77: {  	_ =	shalt  }
0x78: {  	_ =	shalt  }
0x79: {  	_ =	shalt  }
0x7a: {  	_ =	shalt  }
0x7b: {  	_ =	shalt  }
0x7c: {  	_ =	shalt  }
0x7d: {  	_ =	shalt  }
0x7e: {  	_ =	shalt  }
0x7f: {  	_ =	shalt  }
0x80: {  	_ =	shalt  }
0x81: {  	_ =	shalt  }
0x82: {  	_ =	shalt  }
0x83: {  	_ =	shalt  }
0x84: {  	_ =	shalt  }
0x85: {  	_ =	shalt  }
0x86: {  	_ =	shalt  }
0x87: {  	_ =	shalt  }
.Lfunc_end0:
.L_simem_size_0:
called_computation.1_lowered:
.L_overlay_start_0:
0x88: {  	s2 =	sld [smem:$0x3FD9]  }
0x89: {  	s3 =	sld [smem:$0x3FFE];
	_ =	sdelay $0x1  }
0x8a: {  	s1 =	srdreg.scid  }
0x8b: {  	s0 =	sand.u32 $0x1, s1  }
0x8c: {  	s16 =	sshll.u32 s0, $0xA;
	s2 =	sadd.s32 s3, s2  }
0x8d: {  	s2 =	sadd.s32 s2, s16  }
0x8e: {  	[smem:$0x3FBB] =	sst s2  }
0x8f: {  	_ = 	snop  }
0x90: {  	(tm) =	ssettm $0x1  }
0x91: {  	s17 =	sld [smem:$0x3FFB];
	_ =	sdelay $0x3  }
0x92: {  	_ =	strace s17  }
0x93: {  	s2 =	sld [smem:$0x3FFC];
	_ =	sdelay $0x3  }
0x94: {  	_ =	strace s2  }
0x95: {  	s2 =	sld [smem:$0x3FFD];
	_ =	sdelay $0x3  }
0x96: {  	_ =	strace s2  }
0x97: {  	_ =	strace $0x8FFFFFFF  }
0x98: {  	s18 =	sld [smem:$0x3FDB];
	_ =	sdelay $0x1  }
0x99: {  	s19 =	simm.s32 $_scs_section_size  }
0x9a: {  	s4 =	simm.s32 $_size__tile_overlayer_lowered;
	s5 =	simm.s32 $_tile_overlayer_lowered  }
0x9b: {  	s22 =	simm.s32 $0x1BFF;
	s21 =	sshll.u32 s5, $0x1;
	s2 =	sadd.s32 s19, s18  }
0x9c: {  	s6 =	simm.s32 $0x0;
	s20 =	sshll.u32 s4, $0x1;
	s4 =	sadd.s32 s21, s2  }
0x9d: {  	[timem:s6], [sflag:s22] =	dma.local [hbm:s4], s20  }
0x9e: {  	_ =	swait.ge [sflag:s22], s20  }
0x9f: {  	s3 =	ssub.s32 $0x0, s20;
	[sflag:s22] =	ssyncset.done $0x0  }
0xa0: {  	[sflag:s22] =	ssyncadd.s32 s3;
	_ =	sdelay $0x1  }
0xa1: {  	s23 =	simm.s32 $0x1B8B  }
0xa2: {  	_ =	swait.ge [sflag:s23], $0x1  }
0xa3: {  	[sflag:s23] =	ssyncset.done $0x0  }
0xa4: {  	s25 =	simm.s32 $0x1B8E;
	s24 =	sld [smem:$0x3FFE];
	[sflag:s23] =	ssyncadd.s32 $0xFFFFFFFF  }
0xa5: {  	s26 =	simm.s32 $execute0_lowered;
	[smem:$0x3FD2] =	sst s25  }
0xa6: {  	s4 =	sshll.u32 s26, $0x1;
	_ =	strace $0x80000046;
	[dreg:$0x1] =	wrdreg $0xFFFFFFFF  }
0xa7: {  	s28 =	simm.s32 $_size_execute0_lowered;
	s2 =	sadd.s32 s2, s4;
	[dreg:$0x0] =	wrdreg $0x0  }
0xa8: {  	s4 =	sshll.u32 s28, $0x1;
	[dreg:$0x2] =	wrdreg s2  }
0xa9: {  	[dreg:$0x3] =	wrdreg s4  }
0xaa: {  	[dreg:$0x4] =	wrdreg $0xC0  }
0xab: {  	_ =	task [dreg:s6], $0x5FFFF  }
0xac: {  	[dreg:$0x1] =	wrdreg $0xFFFFFFFF  }
0xad: {  	[dreg:$0x0] =	wrdreg $0x60  }
0xae: {  	[dreg:$0x2] =	wrdreg s24  }
0xaf: {  	[dreg:$0x3] =	wrdreg $0x17000  }
0xb0: {  	[dreg:$0x4] =	wrdreg $0xA  }
0xb1: {  	_ =	task.clear_ibuf [dreg:s6], $0x5FFFF;
	_ =	strace $0x90000046  }
0xb2: {  	s29 =	simm.s32 $0xA;
	_ =	strace $0x80000048  }
0xb3: {  	_ =	swait.ge [sflag:s29], $0x1  }
0xb4: {  	[sflag:s29] =	ssyncadd.s32 $0xFFFFFFFF  }
0xb5: {  	_ =	strace $0x90000048  }
0xb6: {  	_ =	sfence  }
0xb7: {  	s30 =	sld [smem:$0x0];
	_ =	sdelay $0x2  }
0xb8: {  	s31 =	sshll.u32 s1, $0xD;
	s1 =	sshrl.u32 s1, $0x2  }
0xb9: {  	s3 =	sand.u32 $0x4000, s31;
	s1 =	sadd.s32 s1, s30  }
0xba: {  	s0 =	sor.u32 s3, s0;
	s1 =	sshll.u32 s1, $0x11  }
0xbb: {  	s0 =	sor.u32 s1, s0  }
0xbc: {  	s0 =	sadd.s32 $0x8F2B, s0  }
0xbd: {  	[sflag:s0] =	ssyncadd.remote.s32 $0x1  }
0xbe: {  	_ =	sfence.sel $0xFFFF  }
0xbf: {  	[dreg:$0x0] =	wrdreg $0xFFFFFFFF;
	(pc) =	sbr.abs _section_cstart, $3  }
0xc0: {  	[dreg:$0x1] =	wrdreg $0xFFFFFFFF  }
0xc1: {  	_ =	task.clear_ibuf [dreg:s6], $0x2FFFF;
	_ =	strace $0x9FFFFFFF  }
0xc2: {  	(tm) =	ssettm $0x7FFFFFFF  }
0xc3: {  	_ =	shalt  }
tec
execute0_lowered:
.L_overlay_start_1:
0x0: {  	(tag) =	ssettag $0x1  }
0x1: {  	s5 =	rddreg [dreg:$0x0]  }
0x2: {  	s2 =	rddreg [dreg:$0x1]  }
0x3: {  	s0 =	rddreg [dreg:$0x2]  }
0x4: {  	s3 =	simm.s32 $0x0;
	s4 =	srdreg.scid;
	s1 =	stileid.u32  }
0x5: {  	s13 =	simm.s32 $0x1400;
	s16 =	simm.s32 $0x20;
	s17 =	simm.s32 $0x10  }
0x6: {  	[smem:$0x7FF] =	sst s3;
	s7 =	sand.u32 $0x1, s4;
	s6 =	smul.u32 $0xA00, s1  }
0x7: {  	s4 =	sadd.s32 $0x8CE00, s5;
	s5 =	sadd.s32 $0xC8E00, s5;
	s10 =	smul.u32 $0x1400, s1  }
0x8: {  	s12 =	smul.u32 $0x500, s1;
	s14 =	sshll.u32 s1, $0x6;
	_ =	strace $0x80000047  }
0x9: {  	s8 =	smul.u32 $0x14000, s7;
	s9 =	ssub.s32 $0x2, s7;
	s31 =	sshll.u32 s7, $0x7  }
0xa: {  	s14 =	sor.u32 $0x1C01, s14;
	s11 =	sshrl.u32 s9, $0x1;
	s6 =	sshrl.u32 s6, $0x2  }
0xb: {  	s9 =	ssub.s32 s9, s11;
	s6 =	sadd.s32 s6, s2;
	s7 =	sadd.s32 s8, s10  }
0xc: {  	s8 =	sor.u32 s31, s12;
	s10 =	simm.s32 $0x1480;
	s11 =	simm.s32 $0x1  }
0xd: {  	v0 =	vimm.f32 $1.000000000e+00;
	v1 =	vimm.f32 $0.0e+00;
	s12 =	simm.s32 $0x80;
	s9 =	smax.u32 s9, $0x1;
	s15 =	sshrl.u32 s6, $0x3  }
.LBB2_1:
0xe: {  	[tilespmem:$0x1400] =	vst v0  }
0xf: {  	[tilespmem:$0x1410] =	vst v0  }
0x10: {  	[tilespmem:$0x1420] =	vst v0  }
0x11: {  	[tilespmem:$0x1430] =	vst v0  }
0x12: {  	[tilespmem:$0x1440] =	vst v0  }
0x13: {  	[tilespmem:$0x1450] =	vst v0  }
0x14: {  	[tilespmem:$0x1460] =	vst v0  }
0x15: {  	[tilespmem:$0x1470] =	vst v0  }
0x16: {  	[tilespmem:$0x1480] =	vst v1  }
0x17: {  	[tilespmem:$0x1490] =	vst v1  }
0x18: {  	[tilespmem:$0x14A0] =	vst v1  }
0x19: {  	[tilespmem:$0x14B0] =	vst v1  }
0x1a: {  	[tilespmem:$0x14C0] =	vst v1  }
0x1b: {  	[tilespmem:$0x14D0] =	vst v1  }
0x1c: {  	[tilespmem:$0x14E0] =	vst v1  }
0x1d: {  	[tilespmem:$0x14F0] =	vst v1  }
0x1e: {  	[tilespmem:$0x1500] =	vst v1  }
0x1f: {  	[tilespmem:$0x1510] =	vst v1  }
0x20: {  	[tilespmem:$0x1520] =	vst v1  }
0x21: {  	[tilespmem:$0x1530] =	vst v1  }
0x22: {  	[tilespmem:$0x1540] =	vst v1  }
0x23: {  	[tilespmem:$0x1550] =	vst v1  }
0x24: {  	[tilespmem:$0x1560] =	vst v1  }
0x25: {  	[tilespmem:$0x1570] =	vst v1  }
0x26: {  	[tilespmem:$0x1580] =	vst v1  }
0x27: {  	[tilespmem:$0x1590] =	vst v1  }
0x28: {  	[tilespmem:$0x15A0] =	vst v1  }
0x29: {  	[tilespmem:$0x15B0] =	vst v1  }
0x2a: {  	[tilespmem:$0x15C0] =	vst v1  }
0x2b: {  	[tilespmem:$0x15D0] =	vst v1  }
0x2c: {  	[tilespmem:$0x15E0] =	vst v1  }
0x2d: {  	[tilespmem:$0x15F0] =	vst v1  }
0x2e: {  	[tilespmem:$0x1600] =	vst v1  }
0x2f: {  	[tilespmem:$0x1610] =	vst v1  }
0x30: {  	[tilespmem:$0x1620] =	vst v1  }
0x31: {  	[tilespmem:$0x1630] =	vst v1  }
0x32: {  	[tilespmem:$0x1640] =	vst v1  }
0x33: {  	[tilespmem:$0x1650] =	vst v1  }
0x34: {  	[tilespmem:$0x1660] =	vst v1  }
0x35: {  	[tilespmem:$0x1670] =	vst v1  }
0x36: {  	[tilespmem:$0x1680] =	vst v1  }
0x37: {  	[tilespmem:$0x1690] =	vst v1  }
0x38: {  	[tilespmem:$0x16A0] =	vst v1  }
0x39: {  	[tilespmem:$0x16B0] =	vst v1  }
0x3a: {  	[tilespmem:$0x16C0] =	vst v1  }
0x3b: {  	[tilespmem:$0x16D0] =	vst v1  }
0x3c: {  	[tilespmem:$0x16E0] =	vst v1  }
0x3d: {  	[tilespmem:$0x16F0] =	vst v1;
	s18 =	simm.s32 $0x0  }
.LBB2_2:
0x3e: {  	[spmem:s6] =	stream.linear.scatter [tilespmem:s10], [sflag:$0x1], $0x280, $0x38;
	[tilespmem:$0x1980] =	vst v63  }
0x3f: {  	s19 =	smul.u32 $0x28000, s18  }
0x40: {  	_ =	swait.ge [sflag:s11], $0x280  }
0x41: {  	[sflag:s11] =	ssyncset.done $0x0;
	s19 =	sadd.s32 s19, s7  }
0x42: {  	[sflag:s11] =	ssyncadd.s32 $0xFFFFFD80;
	s19 =	sshrl.u32 s19, $0x3  }
0x43: {  	s20 =	simm.s32 $0x0;
	[bflag:$0x0] =	sbarrier.arrive $0xFFFF;
	s19 =	sadd.s32 s4, s19  }
0x44: {  	[tilespmem:s20], [sflag:$0x1] =	stream.linear.gather [hbm4b:s19+s20], $0x1400, $0x38;
	[tilespmem:$0x1980] =	vst v63  }
0x45: {  	_ =	swait.ge [sflag:s11], $0x1400  }
0x46: {  	[sflag:s11] =	ssyncset.done $0x0  }
0x47: {  	s31 =	simm.s32 $0x0;
	[sflag:s11] =	ssyncadd.s32 $0xFFFFEC00  }
0x48: {  	[spmem:s2] =	stream.indirect.scatter.add.f32 [tilespmem:s13], [sflag:$0x1], $0x1, s31, s12, $0xb8;
	[tilespmem:$0x1980] =	vst v63  }
0x49: {  	_ =	swait.ge [sflag:s11], $0x80  }
0x4a: {  	s19 =	simm.s32 $0x200;
	[sflag:s11] =	ssyncset.done $0x0  }
.LBB2_3:
0x4b: {  	s20 =	sshra.s32 s19, $0x2;
	[sflag:s11] =	ssyncadd.s32 $0xFFFFFF80;
	p0 =	sne.s32 s19, $0x4E00  }
0x4c: {  	[spmem:s2] =	stream.indirect.scatter.add.f32 [tilespmem:s13], [sflag:$0x1], $0x1, s20, s12, $0xb8;
	[tilespmem:$0x1980] =	vst v63  }
.Ltmp0:
0x4d: {  	_ = 	snop;
	(pc) =	sbr.rel @p0 .LBB2_3-.Ltmp0, $4  }
0x4e: {  	_ = 	snop  }
0x4f: {  	s19 =	sadd.s32 $0x200, s19  }
0x50: {  	_ =	swait.ge [sflag:s11], $0x80  }
0x51: {  	[sflag:s11] =	ssyncset.done $0x0  }
0x52: {  	s19 =	smul.u32 $0x5000, s18;
	_ =	sdelay $0x1  }
0x53: {  	s19 =	sadd.s32 s8, s19  }
0x54: {  	[sflag:s11] =	ssyncadd.s32 $0xFFFFFF80;
	s18 =	sadd.s32 $0x1, s18;
	s19 =	sshrl.u32 s19, $0x3  }
0x55: {  	[bflag:$0x0] =	sbarrier.arrive $0xFFFF;
	p0 =	sne.s32 s18, $0xC;
	s19 =	sadd.s32 s5, s19  }
0x56: {  	[hbm:s19@s16], [sflag:s14] =	dma.strided [spmem:s15@s17], $0x50, s11, $0x10   }
.Ltmp1:
0x57: {  	_ =	swait.ge [sflag:s11], $0x50;
	(pc) =	sbr.rel @p0 .LBB2_2-.Ltmp1, $3  }
0x58: {  	[sflag:s11] =	ssyncset.done $0x0  }
0x59: {  	[sflag:s11] =	ssyncadd.s32 $0xFFFFFFB0  }
0x5a: {  	[bflag:$0x0] =	sbarrier.arrive $0xFFFF;
	_ =	sdelay $0x1  }
0x5b: {  	s3 =	sadd.s32 $0x1, s3  }
0x5c: {  	p0 =	sne.s32 s3, s9  }
.Ltmp2:
0x5d: {  	_ = 	snop;
	(pc) =	sbr.rel @p0 .LBB2_1-.Ltmp2, $1  }
0x5e: {  	_ =	sdelay $0x3  }
0x5f: {  	_ =	sfence.sel $0x180000  }
0x60: {  	[bflag:$0x0] =	sbarrier.arrive $0xFFFF  }
0x61: {  	p0 =	sne.s32 s1, $0x0;
	_ =	strace $0x90000047  }
0x62: {  	s0 =	sadd.s32 @!p0 $0x100000, s0;
	[bflag:$0x2] =	sbarrier.arrive $0xFFFF  }
0x63: {  	[sflag:s0] =	ssyncadd.tile.s32 @!p0 $0x1;
	_ =	shalt  }
.Lfunc_end2:
_tile_overlayer_lowered:
.L_overlay_start_2:
0x64: {  	(tag) =	ssettag $0x2  }
0x65: {  	s0 =	rddreg [dreg:$0x0];
	s2 =	stileid.u32  }
0x66: {  	s1 =	rddreg [dreg:$0x1];
	p0 =	sne.s32 s2, $0x0  }
0x67: {  	s3 =	rddreg [dreg:$0x2];
	[bflag:$0x3] =	sbarrier.arrive $0xFFFF;
	s2 =	simm.s32 @!p0 $0x1C01  }
0x68: {  	[timem:s3], [sflag:s2] =	dma.local @!p0 [hbm:s0], s1  }
0x69: {  	s0 =	simm.s32 @!p0 $0x1  }
0x6a: {  	_ =	swait.ge @!p0 [sflag:s0], s1  }
0x6b: {  	s1 =	ssub.s32 @!p0 $0x0, s1;
	[sflag:s0] =	ssyncset.done @!p0 $0x0  }
0x6c: {  	[sflag:s0] =	ssyncadd.s32 @!p0 s1  }
0x6d: {  	[bflag:$0x3] =	sbarrier.arrive $0xFFFF  }
0x6e: {  	_ =	shalt  }

// kernel: kernel.16.cloned.1.call-start
scs
__scs_entry_jumppad:
0x0: {  	(pc) =	sbr.rel $0x88, $3  }
0x1: {  	(tag) =	ssettag $0x0;
	lr =	simm.s32 $0x1  }
0x2: {  	[smem:$0x3F94] =	sst lr;
	_ =	strace $0xD0000000  }
0x3: {  	_ = 	snop  }
0x4: {  	_ = 	snop  }
0x5: {  	_ = 	snop  }
0x6: {  	_ = 	snop  }
0x7: {  	_ = 	snop  }
__scs_overlays_trampoline_lowered:
0x8: {  	[smem:$0x3FA3] =	sst s0  }
0x9: {  	[smem:$0x3FA4] =	sst s1  }
0xa: {  	[smem:$0x3FA5] =	sst s2  }
0xb: {  	[smem:$0x3FA6] =	sst s3  }
0xc: {  	[smem:$0x3FA7] =	sst s4  }
0xd: {  	[smem:$0x3FA8] =	sst s5  }
0xe: {  	[smem:$0x3FA9] =	sst s6  }
0xf: {  	[smem:$0x3FAA] =	sst s7  }
0x10: {  	[smem:$0x3FAB] =	sst s8  }
0x11: {  	[smem:$0x3FAC] =	sst s9;
	s0 =	simm.s32 @!p0 $0x0  }
0x12: {  	s1 =	sld [smem:$0x3F92];
	s0 =	simm.s32 @p0 $0x1  }
0x13: {  	[smem:$0x3FAD] =	sst s0;
	s0 =	simm.s32 @!p1 $0x0  }
0x14: {  	s2 =	sld [smem:$0x3F91];
	s0 =	simm.s32 @p1 $0x1  }
0x15: {  	[smem:$0x3FAE] =	sst s0;
	s0 =	simm.s32 @!p2 $0x0  }
0x16: {  	s3 =	sld [smem:$0x3FDB];
	s0 =	simm.s32 @p2 $0x1  }
0x17: {  	s4 =	simm.s32 $0x1BF5;
	[smem:$0x3FB0] =	sst s0  }
0x18: {  	s0 =	sld [smem:$0x3F93];
	_ =	swait.ge [sflag:s4], $0x0  }
0x19: {  	s7 =	sld [smem:$0x3F94]  }
0x1a: {  	s8 =	sadd.s32 $0xFFFFE003, lr  }
0x1b: {  	s9 =	sadd.s32 $0xFFFFFEF7, lr;
	s5 =	simm.s32 $0xFFFFFFFF;
	p2 =	slt.u32 s8, $0xFFFFF086  }
0x1c: {  	p1 =	slt.u32 s9, $0xF7A;
	s5 =	simm.s32 @!p2 $0x0  }
0x1d: {  	s5 =	simm.s32 @p1 $0x1;
	p0 =	seq.s32 s7, s2  }
0x1e: {  	s7 =	smul.u32 @!p0 $0xF7A, s2;
	p2 =	seq.s32 @!p0 s5, $0x0  }
0x1f: {  	s9 =	smul.u32 $0xF7A, s1;
	s8 =	simm.s32 @!p0 $0x1BF5;
	p2 =	por !p2, p0  }
0x20: {  	[sflag:s8] =	ssyncset.s32 @!p0 $0xFFFFF086;
	s6 =	sadd.s32 @!p0 s3, s7;
	s7 =	simm.s32 @!p0 $0x108  }
0x21: {  	s3 =	sadd.s32 s3, s9;
	s6 =	sadd.s32 @!p0 $0x88, s6;
	s7 =	simm.s32 @p2 $0x1082  }
0x22: {  	[simem:s7], [sflag:s8] =	dma.local @!p0 [hbm:s6], $0xF7A  }
0x23: {  	s9 =	sor.u32 $0xD0000000, s2;
	s6 =	simm.s32 $0x108;
	_ =	swait.ge @!p0 [sflag:s8], $0x0  }
0x24: {  	s3 =	sadd.s32 $0x88, s3;
	s6 =	simm.s32 @!p1 $0x1082;
	[sflag:s4] =	ssyncset.s32 $0xFFFFF086  }
0x25: {  	[simem:s6], [sflag:s4] =	dma.local [hbm:s3], $0xF7A  }
0x26: {  	[smem:$0x3F94] =	sst s1;
	(tag) =	ssettag s2;
	_ =	strace s9  }
0x27: {  	s1 =	sld [smem:$0x3FA4]  }
0x28: {  	s2 =	sld [smem:$0x3FA5]  }
0x29: {  	s4 =	sld [smem:$0x3FA7]  }
0x2a: {  	p0 =	seq.s32 s5, $0x0;
	s5 =	sld [smem:$0x3FA8]  }
0x2b: {  	s6 =	sld [smem:$0x3FA9]  }
0x2c: {  	s7 =	sld [smem:$0x3FAA]  }
0x2d: {  	s3 =	simm.s32 $0x108;
	s8 =	sld [smem:$0x3FAB]  }
0x2e: {  	s3 =	simm.s32 @!p0 $0x1082;
	s9 =	sld [smem:$0x3FAC]  }
0x2f: {  	lr =	sadd.s32 s0, s3;
	s0 =	sld [smem:$0x3FA3]  }
0x30: {  	s3 =	sld [smem:$0x3FA6]  }
0x31: {  	[smem:$0x3FAF] =	sst s10  }
0x32: {  	s10 =	sld [smem:$0x3FAD];
	_ =	sdelay $0x3  }
0x33: {  	p0 =	seq.s32 s10, $0x1;
	s10 =	sld [smem:$0x3FAF];
	_ =	sdelay $0x3  }
0x34: {  	[smem:$0x3FAF] =	sst s10  }
0x35: {  	s10 =	sld [smem:$0x3FAE];
	_ =	sdelay $0x3  }
0x36: {  	p1 =	seq.s32 s10, $0x1;
	s10 =	sld [smem:$0x3FAF];
	_ =	sdelay $0x3  }
0x37: {  	[smem:$0x3FAF] =	sst s10  }
0x38: {  	s10 =	sld [smem:$0x3FB0]  }
0x39: {  	_ = 	snop;
	(pc) =	sbr.ind lr, $3  }
0x3a: {  	_ = 	snop  }
0x3b: {  	_ = 	snop  }
0x3c: {  	p2 =	seq.s32 s10, $0x1;
	s10 =	sld [smem:$0x3FAF]  }
0x3d: {  	_ =	shalt  }
0x3e: {  	_ =	shalt  }
0x3f: {  	_ =	shalt  }
0x40: {  	_ =	shalt  }
0x41: {  	_ =	shalt  }
0x42: {  	_ =	shalt  }
0x43: {  	_ =	shalt  }
0x44: {  	_ =	shalt  }
0x45: {  	_ =	shalt  }
0x46: {  	_ =	shalt  }
0x47: {  	_ =	shalt  }
0x48: {  	_ =	shalt  }
0x49: {  	_ =	shalt  }
0x4a: {  	_ =	shalt  }
0x4b: {  	_ =	shalt  }
0x4c: {  	_ =	shalt  }
0x4d: {  	_ =	shalt  }
0x4e: {  	_ =	shalt  }
0x4f: {  	_ =	shalt  }
0x50: {  	_ =	shalt  }
0x51: {  	_ =	shalt  }
0x52: {  	_ =	shalt  }
0x53: {  	_ =	shalt  }
0x54: {  	_ =	shalt  }
0x55: {  	_ =	shalt  }
0x56: {  	_ =	shalt  }
0x57: {  	_ =	shalt  }
0x58: {  	_ =	shalt  }
0x59: {  	_ =	shalt  }
0x5a: {  	_ =	shalt  }
0x5b: {  	_ =	shalt  }
0x5c: {  	_ =	shalt  }
0x5d: {  	_ =	shalt  }
0x5e: {  	_ =	shalt  }
0x5f: {  	_ =	shalt  }
0x60: {  	_ =	shalt  }
0x61: {  	_ =	shalt  }
0x62: {  	_ =	shalt  }
0x63: {  	_ =	shalt  }
0x64: {  	_ =	shalt  }
0x65: {  	_ =	shalt  }
0x66: {  	_ =	shalt  }
0x67: {  	_ =	shalt  }
0x68: {  	_ =	shalt  }
0x69: {  	_ =	shalt  }
0x6a: {  	_ =	shalt  }
0x6b: {  	_ =	shalt  }
0x6c: {  	_ =	shalt  }
0x6d: {  	_ =	shalt  }
0x6e: {  	_ =	shalt  }
0x6f: {  	_ =	shalt  }
0x70: {  	_ =	shalt  }
0x71: {  	_ =	shalt  }
0x72: {  	_ =	shalt  }
0x73: {  	_ =	shalt  }
0x74: {  	_ =	shalt  }
0x75: {  	_ =	shalt  }
0x76: {  	_ =	shalt  }
0x77: {  	_ =	shalt  }
0x78: {  	_ =	shalt  }
0x79: {  	_ =	shalt  }
0x7a: {  	_ =	shalt  }
0x7b: {  	_ =	shalt  }
0x7c: {  	_ =	shalt  }
0x7d: {  	_ =	shalt  }
0x7e: {  	_ =	shalt  }
0x7f: {  	_ =	shalt  }
0x80: {  	_ =	shalt  }
0x81: {  	_ =	shalt  }
0x82: {  	_ =	shalt  }
0x83: {  	_ =	shalt  }
0x84: {  	_ =	shalt  }
0x85: {  	_ =	shalt  }
0x86: {  	_ =	shalt  }
0x87: {  	_ =	shalt  }
.Lfunc_end0:
.L_simem_size_0:
called_computation.2_lowered:
.L_overlay_start_0:
0x88: {  	s2 =	sld [smem:$0x3FD9]  }
0x89: {  	s3 =	sld [smem:$0x3FFE];
	_ =	sdelay $0x1  }
0x8a: {  	s1 =	srdreg.scid  }
0x8b: {  	s0 =	sand.u32 $0x1, s1  }
0x8c: {  	s16 =	sshll.u32 s0, $0xA;
	s2 =	sadd.s32 s3, s2  }
0x8d: {  	s2 =	sadd.s32 s2, s16  }
0x8e: {  	[smem:$0x3FBB] =	sst s2  }
0x8f: {  	_ = 	snop  }
0x90: {  	(tm) =	ssettm $0x1  }
0x91: {  	s17 =	sld [smem:$0x3FFB];
	_ =	sdelay $0x3  }
0x92: {  	_ =	strace s17  }
0x93: {  	s2 =	sld [smem:$0x3FFC];
	_ =	sdelay $0x3  }
0x94: {  	_ =	strace s2  }
0x95: {  	s2 =	sld [smem:$0x3FFD];
	_ =	sdelay $0x3  }
0x96: {  	_ =	strace s2  }
0x97: {  	_ =	strace $0x8FFFFFFF  }
0x98: {  	s18 =	sld [smem:$0x3FDB];
	_ =	sdelay $0x1  }
0x99: {  	s19 =	simm.s32 $_scs_section_size  }
0x9a: {  	s4 =	simm.s32 $_size__tile_overlayer_lowered;
	s5 =	simm.s32 $_tile_overlayer_lowered  }
0x9b: {  	s22 =	simm.s32 $0x1BFF;
	s21 =	sshll.u32 s5, $0x1;
	s2 =	sadd.s32 s19, s18  }
0x9c: {  	s6 =	simm.s32 $0x0;
	s20 =	sshll.u32 s4, $0x1;
	s4 =	sadd.s32 s21, s2  }
0x9d: {  	[timem:s6], [sflag:s22] =	dma.local [hbm:s4], s20  }
0x9e: {  	_ =	swait.ge [sflag:s22], s20  }
0x9f: {  	s3 =	ssub.s32 $0x0, s20;
	[sflag:s22] =	ssyncset.done $0x0  }
0xa0: {  	[sflag:s22] =	ssyncadd.s32 s3;
	_ =	sdelay $0x1  }
0xa1: {  	s23 =	simm.s32 $0x1B8B  }
0xa2: {  	_ =	swait.ge [sflag:s23], $0x1  }
0xa3: {  	[sflag:s23] =	ssyncset.done $0x0  }
0xa4: {  	s25 =	simm.s32 $0x1B8E;
	s24 =	sld [smem:$0x3FFE];
	[sflag:s23] =	ssyncadd.s32 $0xFFFFFFFF  }
0xa5: {  	s26 =	simm.s32 $execute0_lowered;
	[smem:$0x3FD2] =	sst s25  }
0xa6: {  	s4 =	sshll.u32 s26, $0x1;
	_ =	strace $0x8000004C;
	[dreg:$0x1] =	wrdreg $0xFFFFFFFF  }
0xa7: {  	s28 =	simm.s32 $_size_execute0_lowered;
	s2 =	sadd.s32 s2, s4;
	[dreg:$0x0] =	wrdreg $0x0  }
0xa8: {  	s4 =	sshll.u32 s28, $0x1;
	[dreg:$0x2] =	wrdreg s2  }
0xa9: {  	[dreg:$0x3] =	wrdreg s4  }
0xaa: {  	[dreg:$0x4] =	wrdreg $0xC0  }
0xab: {  	_ =	task [dreg:s6], $0x5FFFF  }
0xac: {  	[dreg:$0x1] =	wrdreg $0xFFFFFFFF  }
0xad: {  	[dreg:$0x0] =	wrdreg $0x60  }
0xae: {  	[dreg:$0x2] =	wrdreg s24  }
0xaf: {  	[dreg:$0x3] =	wrdreg $0xA0000  }
0xb0: {  	[dreg:$0x4] =	wrdreg $0x9  }
0xb1: {  	_ =	task.clear_ibuf [dreg:s6], $0x5FFFF;
	_ =	strace $0x9000004C  }
0xb2: {  	s29 =	simm.s32 $0x9;
	_ =	strace $0x8000004E  }
0xb3: {  	_ =	swait.ge [sflag:s29], $0x1  }
0xb4: {  	[sflag:s29] =	ssyncadd.s32 $0xFFFFFFFF  }
0xb5: {  	_ =	strace $0x9000004E  }
0xb6: {  	_ =	sfence  }
0xb7: {  	s30 =	sld [smem:$0x0];
	_ =	sdelay $0x2  }
0xb8: {  	s31 =	sshll.u32 s1, $0xD;
	s1 =	sshrl.u32 s1, $0x2  }
0xb9: {  	s3 =	sand.u32 $0x4000, s31;
	s1 =	sadd.s32 s1, s30  }
0xba: {  	s0 =	sor.u32 s3, s0;
	s1 =	sshll.u32 s1, $0x11  }
0xbb: {  	s0 =	sor.u32 s1, s0  }
0xbc: {  	s0 =	sadd.s32 $0x8F2B, s0  }
0xbd: {  	[sflag:s0] =	ssyncadd.remote.s32 $0x1  }
0xbe: {  	_ =	sfence.sel $0xFFFF  }
0xbf: {  	[dreg:$0x0] =	wrdreg $0xFFFFFFFF;
	(pc) =	sbr.abs _section_cstart, $3  }
0xc0: {  	[dreg:$0x1] =	wrdreg $0xFFFFFFFF  }
0xc1: {  	_ =	task.clear_ibuf [dreg:s6], $0x2FFFF;
	_ =	strace $0x9FFFFFFF  }
0xc2: {  	(tm) =	ssettm $0x7FFFFFFF  }
0xc3: {  	_ =	shalt  }
tec
execute0_lowered:
.L_overlay_start_1:
0x0: {  	(tag) =	ssettag $0x1  }
0x1: {  	s0 =	rddreg [dreg:$0x0]  }
0x2: {  	s1 =	rddreg [dreg:$0x1];
	s15 =	simm.s32 $0x0  }
0x3: {  	s12 =	stileid.u32;
	s3 =	srdreg.scid;
	s14 =	simm.s32 $0xB  }
0x4: {  	s16 =	simm.s32 $0x40;
	s17 =	simm.s32 $0x2000;
	s19 =	simm.s32 $0x4000  }
0x5: {  	s20 =	simm.s32 $0x1;
	s21 =	simm.s32 $0x6000;
	s22 =	simm.s32 $0x8000  }
0x6: {  	s23 =	simm.s32 $0x2;
	s24 =	simm.s32 $0x5;
	s25 =	simm.s32 $0x6  }
0x7: {  	s29 =	simm.s32 $0x9;
	s30 =	simm.s32 $0xA;
	[smem:$0x7FF] =	sst s15  }
0x8: {  	s4 =	sadd.s32 $0x6F4200, s0;
	s2 =	smul.u32 $0x14000, s12;
	s5 =	sadd.s32 $0x2C00, s0  }
0x9: {  	s6 =	sadd.s32 $0x67C200, s0;
	s3 =	sand.u32 $0x1, s3;
	s8 =	smul.u32 $0x50000, s12  }
0xa: {  	s11 =	smul.u32 $0x2800, s12;
	s28 =	sshll.u32 s12, $0x6;
	_ =	strace $0x8000004D  }
0xb: {  	s9 =	ssub.s32 $0x2, s3;
	s10 =	smul.u32 $0x28000, s3;
	s7 =	sshrl.u32 s2, $0x3  }
0xc: {  	s3 =	smul.u32 $0x140000, s3;
	s7 =	sadd.s32 s7, s0;
	s0 =	sadd.s32 $0xA2C00, s0  }
0xd: {  	s26 =	sshrl.u32 s9, $0x1;
	s31 =	sadd.s32 s10, s11;
	[dreg:$0x4] =	wrdreg s0  }
.Ltmp0:
0xe: {  	s2 =	sadd.s32 s3, s2;
	[dreg:$0x7] =	wrdreg s31;
	(pc) =	sbr.rel .LBB2_1-.Ltmp0, $4  }
0xf: {  	s8 =	sshrl.u32 s8, $0x2;
	s7 =	sadd.s32 $0x7AC00, s7;
	[dreg:$0x8] =	wrdreg s2  }
0x10: {  	s0 =	ssub.s32 s9, s26;
	[dreg:$0x5] =	wrdreg s7;
	s7 =	sor.u32 $0x1C0B, s28  }
0x11: {  	s8 =	sadd.s32 s8, s1;
	s0 =	smax.u32 s0, $0x1;
	[dreg:$0x6] =	wrdreg s7  }
0x12: {  	s13 =	sshrl.u32 s8, $0x3;
	s26 =	simm.s32 $0x7;
	[dreg:$0x9] =	wrdreg s0  }
.LBB2_8:
0x13: {  	s15 =	rddreg [dreg:$0x3]  }
0x14: {  	s0 =	rddreg [dreg:$0x9];
	s15 =	sadd.s32 $0x1, s15  }
0x15: {  	p0 =	sne.s32 s15, s0  }
.Ltmp1:
0x16: {  	_ = 	snop;
	(pc) =	sbr.rel @!p0 .LBB2_9-.Ltmp1, $1  }
0x17: {  	_ =	sdelay $0x3  }
.LBB2_1:
0x18: {  	[dreg:$0x3] =	wrdreg s15  }
0x19: {  	s0 =	rddreg [dreg:$0x5]  }
0x1a: {  	s2 =	rddreg [dreg:$0x6]  }
0x1b: {  	[spmem:s13], [sflag:s2] =	dma.local [hbm:s0], $0x2800  }
.Ltmp2:
0x1c: {  	_ =	swait.ge [sflag:s14], $0x2800;
	(pc) =	sbr.rel .LBB2_2-.Ltmp2, $4  }
0x1d: {  	[sflag:s14] =	ssyncset.done $0x0  }
0x1e: {  	[sflag:s14] =	ssyncadd.s32 $0xFFFFD800  }
0x1f: {  	[bflag:$0x0] =	sbarrier.arrive $0xFFFF  }
0x20: {  	s31 =	simm.s32 $0x0  }
.LBB2_7:
0x21: {  	_ =	swait.ge [sflag:s24], $0x2000  }
0x22: {  	[sflag:s24] =	ssyncset.done $0x0  }
0x23: {  	[sflag:s24] =	ssyncadd.s32 $0xFFFFE000  }
0x24: {  	_ =	swait.ge [sflag:s25], $0x2000  }
0x25: {  	[sflag:s25] =	ssyncset.done $0x0  }
0x26: {  	[sflag:s25] =	ssyncadd.s32 $0xFFFFE000  }
0x27: {  	_ =	swait.ge [sflag:s26], $0x2000  }
0x28: {  	[sflag:s26] =	ssyncset.done $0x0  }
0x29: {  	s3 =	simm.s32 $0x8;
	[sflag:s26] =	ssyncadd.s32 $0xFFFFE000  }
0x2a: {  	_ =	swait.ge [sflag:s3], $0x2000  }
0x2b: {  	s0 =	smul.u32 $0x280000, s31;
	[sflag:s3] =	ssyncset.done $0x0  }
0x2c: {  	s2 =	rddreg [dreg:$0x8];
	[sflag:s3] =	ssyncadd.s32 $0xFFFFE000  }
0x2d: {  	s0 =	sadd.s32 s0, s2;
	[bflag:$0x0] =	sbarrier.arrive $0xFFFF  }
0x2e: {  	s0 =	sshrl.u32 s0, $0x3;
	s15 =	rddreg [dreg:$0x4]  }
0x2f: {  	s18 =	rddreg [dreg:$0x6];
	s0 =	sadd.s32 s15, s0  }
0x30: {  	[hbm:s0], [sflag:s18] =	dma.local [spmem:s13], $0x2800  }
0x31: {  	_ =	swait.ge [sflag:s14], $0x2800  }
0x32: {  	s31 =	sadd.s32 $0x1, s31;
	[sflag:s14] =	ssyncset.done $0x0  }
0x33: {  	p0 =	sne.s32 s31, $0xC;
	s28 =	rddreg [dreg:$0x5];
	[sflag:s14] =	ssyncadd.s32 $0xFFFFD800  }
0x34: {  	[spmem:s13], [sflag:s18] =	dma.local [hbm:s28], $0x2800  }
.Ltmp3:
0x35: {  	_ =	swait.ge [sflag:s14], $0x2800;
	(pc) =	sbr.rel @!p0 .LBB2_8-.Ltmp3, $3  }
0x36: {  	[sflag:s14] =	ssyncset.done $0x0  }
0x37: {  	[sflag:s14] =	ssyncadd.s32 $0xFFFFD800  }
0x38: {  	[bflag:$0x0] =	sbarrier.arrive $0xFFFF;
	_ =	sdelay $0x1  }
.LBB2_2:
0x39: {  	s0 =	smul.u32 $0x50000, s31  }
0x3a: {  	s2 =	rddreg [dreg:$0x7]  }
0x3b: {  	s0 =	sadd.s32 s0, s2  }
0x3c: {  	s3 =	sshrl.u32 s0, $0x3  }
0x3d: {  	s2 =	simm.s32 $0x0;
	s7 =	sadd.s32 s5, s3  }
0x3e: {  	[tilespmem:s2], [sflag:$0xB] =	stream.linear.gather [hbm4b:s7+s2], $0x800, $0x38;
	[tilespmem:$0x1E000] =	vst v63  }
0x3f: {  	_ =	swait.ge [sflag:s14], $0x800  }
0x40: {  	[sflag:s14] =	ssyncset.done $0x0  }
0x41: {  	s18 =	simm.s32 $0x1000;
	s3 =	sadd.s32 s6, s3;
	[sflag:s14] =	ssyncadd.s32 $0xFFFFF800  }
0x42: {  	[tilespmem:s18], [sflag:$0xB] =	stream.linear.gather [hbm4b:s3+s2], $0x800, $0x38;
	[tilespmem:$0x1E000] =	vst v63  }
0x43: {  	_ =	swait.ge [sflag:s14], $0x800  }
0x44: {  	[sflag:s14] =	ssyncset.done $0x0  }
0x45: {  	[sflag:s14] =	ssyncadd.s32 $0xFFFFF800  }
0x46: {  	[tilespmem:s17], [sflag:$0x1] =	stream.indirect.gather [hbm4b:s4+s16], $0x80, s2, s16, $0xb8;
	[tilespmem:$0x1E000] =	vst v63  }
0x47: {  	s28 =	simm.s32 $0x80;
	p0 =	por $0x0, $0x0;
	s12 =	simm.s32 $0x0  }
0x48: {  	[tilespmem:s19], [sflag:$0x2] =	stream.indirect.gather [hbm4b:s4+s16], $0x80, s28, s16, $0xb8;
	[tilespmem:$0x1E000] =	vst v63  }
.LBB2_3:
0x49: {  	s3 =	sadd.s32 $0x100, s12  }
0x4a: {  	[tilespmem:s21], [sflag:$0x3] =	stream.indirect.gather [hbm4b:s4+s16], $0x80, s3, s16, $0xb8;
	[tilespmem:$0x1E000] =	vst v63  }
0x4b: {  	s7 =	smov.u32 s2;
	s15 =	sshll.u32 s2, $0xB;
	_ =	swait.ge [sflag:s20], $0x2000  }
0x4c: {  	s18 =	sand.u32 $0x800, s15;
	p1 =	seq.s32 s7, $0x0;
	[sflag:s20] =	ssyncset.done $0x0  }
0x4d: {  	s2 =	sor.u32 $0x1000, s18;
	s8 =	simm.s32 @!p1 $0x8;
	[sflag:s20] =	ssyncadd.s32 $0xFFFFE000  }
0x4e: {  	[spmem:s1] =	stream.indirect.scatter.add.s32 [tilespmem:s17], [sflag:$0x5], $0x80, s2, s16, $0xb8;
	[tilespmem:$0x1E000] =	vst v63  }
0x4f: {  	_ =	swait.ge @!p1 [sflag:s8], $0x2000  }
0x50: {  	[sflag:s8] =	ssyncset.done @!p1 $0x0  }
0x51: {  	s9 =	sadd.s32 $0x180, s18;
	s2 =	sadd.s32 $0x1, s7;
	[sflag:s8] =	ssyncadd.s32 @!p1 $0xFFFFE000  }
0x52: {  	[tilespmem:s22], [sflag:$0x4] =	stream.indirect.gather [hbm4b:s4+s16], $0x80, s9, s16, $0xb8;
	[tilespmem:$0x1E000] =	vst v63  }
0x53: {  	s15 =	sadd.s32 $0x1080, s18;
	s10 =	sshll.u32 s2, $0xB;
	_ =	swait.ge [sflag:s23], $0x2000  }
0x54: {  	s12 =	sand.u32 $0x1, s2;
	s11 =	sadd.s32 s0, s10;
	[sflag:s23] =	ssyncset.done $0x0  }
0x55: {  	s8 =	sshrl.u32 s11, $0x3;
	p1 =	seq.s32 s7, $0x4;
	[sflag:s23] =	ssyncadd.s32 $0xFFFFE000  }
0x56: {  	[spmem:s1] =	stream.indirect.scatter.add.s32 [tilespmem:s19], [sflag:$0x6], $0x80, s15, s16, $0xb8;
	[tilespmem:$0x1E000] =	vst v63  }
0x57: {  	s12 =	sshll.u32 s12, $0xB;
	s7 =	sadd.s32 s5, s8;
	s10 =	simm.s32 @!p1 $0x0  }
0x58: {  	[tilespmem:s12], [sflag:$0x9] =	stream.linear.gather @!p1 [hbm4b:s7+s10], $0x800, $0x38;
	[tilespmem:$0x1E000] =	vst v63  }
0x59: {  	p2 =	por $0x0, $0x0;
	s8 =	sadd.s32 s6, s8;
	s7 =	sor.u32 $0x1000, s12  }
0x5a: {  	[tilespmem:s7], [sflag:$0xA] =	stream.linear.gather @!p1 [hbm4b:s8+s10], $0x800, $0x38;
	[tilespmem:$0x1E000] =	vst v63  }
0x5b: {  	s28 =	simm.s32 @!p2 $0x40;
	s3 =	sadd.s32 $0x200, s18;
	s7 =	simm.s32 $0x5  }
0x5c: {  	s18 =	simm.s32 $0x2;
	s15 =	simm.s32 $0x6;
	_ =	swait.ge [sflag:s7], $0x2000  }
0x5d: {  	s8 =	simm.s32 $0x1;
	s10 =	sand.u32 $0x3, s18;
	[sflag:s7] =	ssyncset.done $0x0  }
0x5e: {  	s8 =	simm.s32 @!p0 $0x0;
	s9 =	sadd.s32 $0x1, s10;
	[sflag:s7] =	ssyncadd.s32 $0xFFFFE000  }
0x5f: {  	[tilespmem:s17], [sflag:$0x1] =	stream.indirect.gather [hbm4b:s4+s16], $0x80, s3, s16, $0xb8;
	[tilespmem:$0x1E000] =	vst v63  }
0x60: {  	s11 =	sshll.u32 s10, $0xD;
	s10 =	sadd.s32 $0x5, s10;
	_ =	swait.ge [sflag:s9], $0x2000  }
0x61: {  	s8 =	sshll.u32 s8, $0xB;
	s11 =	sadd.s32 $0x2000, s11;
	[sflag:s9] =	ssyncset.done $0x0  }
0x62: {  	s18 =	sor.u32 $0x1100, s8;
	s7 =	sand.u32 @!p2 $0x3, s7;
	[sflag:s9] =	ssyncadd.s32 $0xFFFFE000  }
0x63: {  	[spmem:s1] =	stream.indirect.scatter.add.s32 [tilespmem:s11], [sflag:s10], $0x80, s18, s16, $0xb8;
	[tilespmem:$0x1E000] =	vst v63  }
0x64: {  	s3 =	sor.u32 $0x280, s8;
	s8 =	sshll.u32 @!p2 s7, $0xD;
	s11 =	sadd.s32 @!p2 $0x5, s7  }
0x65: {  	s8 =	sadd.s32 @!p2 $0x2000, s8;
	s10 =	sadd.s32 @!p2 $0x1, s7;
	_ =	swait.ge @!p2 [sflag:s11], $0x2000  }
0x66: {  	s18 =	sadd.s32 $0x80, s18;
	s7 =	sadd.s32 $0x80, s3;
	[sflag:s11] =	ssyncset.done @!p2 $0x0  }
.LBB2_4:
0x67: {  	s9 =	sadd.s32 $0xFFFFFFFD, s15  }
0x68: {  	[sflag:s11] =	ssyncadd.s32 @!p2 $0xFFFFE000;
	s11 =	smov.u32 s15;
	s15 =	sadd.s32 $0x1, s15  }
0x69: {  	[tilespmem:s8], [sflag:s10] =	stream.indirect.gather @!p2 [hbm4b:s4+s28], $0x80, s3, s28, $0xb8;
	[tilespmem:$0x1E000] =	vst v63  }
0x6a: {  	s8 =	sand.u32 $0x3, s9;
	p3 =	sne.s32 s15, $0x13;
	s3 =	smov.u32 s7  }
0x6b: {  	s10 =	sshll.u32 s8, $0xD;
	s28 =	sadd.s32 $0x1, s8  }
0x6c: {  	p2 =	sgt.u32 s9, $0xC;
	_ =	swait.ge [sflag:s28], $0x2000  }
0x6d: {  	s8 =	sadd.s32 $0x5, s8;
	s9 =	sadd.s32 $0x2000, s10;
	[sflag:s28] =	ssyncset.done $0x0  }
.Ltmp4:
0x6e: {  	s10 =	sand.u32 @!p2 $0x3, s11;
	[sflag:s28] =	ssyncadd.s32 $0xFFFFE000;
	(pc) =	sbr.rel @p3 .LBB2_4-.Ltmp4, $4  }
0x6f: {  	[spmem:s1] =	stream.indirect.scatter.add.s32 [tilespmem:s9], [sflag:s8], $0x80, s18, s16, $0xb8;
	[tilespmem:$0x1E000] =	vst v63  }
0x70: {  	s11 =	sadd.s32 @!p2 $0x5, s10;
	s8 =	sshll.u32 @!p2 s10, $0xD;
	s10 =	sadd.s32 @!p2 $0x1, s10  }
0x71: {  	s18 =	sadd.s32 $0x80, s18;
	s8 =	sadd.s32 @!p2 $0x2000, s8;
	_ =	swait.ge @!p2 [sflag:s11], $0x2000  }
0x72: {  	s7 =	sadd.s32 $0x80, s7;
	s28 =	simm.s32 @!p2 $0x40;
	[sflag:s11] =	ssyncset.done @!p2 $0x0  }
.Ltmp5:
0x73: {  	(pc) =	sbr.rel @p1 .LBB2_7-.Ltmp5, $3  }
0x74: {  	_ =	sdelay $0x1  }
0x75: {  	[sflag:s11] =	ssyncadd.s32 @!p2 $0xFFFFE000  }
0x76: {  	[tilespmem:s8], [sflag:s10] =	stream.indirect.gather @!p2 [hbm4b:s4+s28], $0x80, s3, s28, $0xb8;
	[tilespmem:$0x1E000] =	vst v63  }
0x77: {  	_ =	swait.ge [sflag:s29], $0x800  }
0x78: {  	[sflag:s29] =	ssyncset.done $0x0  }
0x79: {  	[sflag:s29] =	ssyncadd.s32 $0xFFFFF800  }
0x7a: {  	_ =	swait.ge [sflag:s30], $0x800  }
0x7b: {  	[sflag:s30] =	ssyncset.done $0x0  }
0x7c: {  	[sflag:s30] =	ssyncadd.s32 $0xFFFFF800  }
0x7d: {  	_ =	swait.ge [sflag:s24], $0x2000  }
0x7e: {  	[sflag:s24] =	ssyncset.done $0x0  }
0x7f: {  	[sflag:s24] =	ssyncadd.s32 $0xFFFFE000  }
0x80: {  	[tilespmem:s17], [sflag:$0x1] =	stream.indirect.gather [hbm4b:s4+s16], $0x80, s12, s16, $0xb8;
	[tilespmem:$0x1E000] =	vst v63  }
0x81: {  	_ =	swait.ge [sflag:s25], $0x2000  }
0x82: {  	[sflag:s25] =	ssyncset.done $0x0  }
.Ltmp6:
0x83: {  	s3 =	sor.u32 $0x80, s12;
	[sflag:s25] =	ssyncadd.s32 $0xFFFFE000;
	(pc) =	sbr.rel .LBB2_3-.Ltmp6, $4  }
0x84: {  	[tilespmem:s19], [sflag:$0x2] =	stream.indirect.gather [hbm4b:s4+s16], $0x80, s3, s16, $0xb8;
	[tilespmem:$0x1E000] =	vst v63  }
0x85: {  	_ =	swait.ge [sflag:s26], $0x2000  }
0x86: {  	[sflag:s26] =	ssyncset.done $0x0  }
0x87: {  	p0 =	por !p0, !p0;
	[sflag:s26] =	ssyncadd.s32 $0xFFFFE000  }
.LBB2_9:
0x88: {  	_ =	sfence.sel $0x180000  }
0x89: {  	[bflag:$0x0] =	sbarrier.arrive $0xFFFF  }
0x8a: {  	_ =	strace $0x9000004D  }
0x8b: {  	s0 =	stileid.u32;
	[bflag:$0x2] =	sbarrier.arrive $0xFFFF  }
0x8c: {  	p0 =	sne.s32 s0, $0x0;
	s0 =	rddreg [dreg:$0x2]  }
0x8d: {  	s0 =	sadd.s32 @!p0 $0x100000, s0  }
0x8e: {  	[sflag:s0] =	ssyncadd.tile.s32 @!p0 $0x1;
	_ =	shalt  }
.Lfunc_end2:
_tile_overlayer_lowered:
.L_overlay_start_2:
0x8f: {  	(tag) =	ssettag $0x2  }
0x90: {  	s0 =	rddreg [dreg:$0x0];
	s2 =	stileid.u32  }
0x91: {  	s1 =	rddreg [dreg:$0x1];
	p0 =	sne.s32 s2, $0x0  }
0x92: {  	s3 =	rddreg [dreg:$0x2];
	[bflag:$0x3] =	sbarrier.arrive $0xFFFF;
	s2 =	simm.s32 @!p0 $0x1C0B  }
0x93: {  	[timem:s3], [sflag:s2] =	dma.local @!p0 [hbm:s0], s1  }
0x94: {  	s0 =	simm.s32 @!p0 $0xB  }
0x95: {  	_ =	swait.ge @!p0 [sflag:s0], s1  }
0x96: {  	s1 =	ssub.s32 @!p0 $0x0, s1;
	[sflag:s0] =	ssyncset.done @!p0 $0x0  }
0x97: {  	[sflag:s0] =	ssyncadd.s32 @!p0 s1  }
0x98: {  	[bflag:$0x3] =	sbarrier.arrive $0xFFFF  }
0x99: {  	_ =	shalt  }

// kernel: kernel.19.cloned.1.call-start
scs
__scs_entry_jumppad:
0x0: {  	(pc) =	sbr.rel $0x88, $3  }
0x1: {  	(tag) =	ssettag $0x0;
	lr =	simm.s32 $0x1  }
0x2: {  	[smem:$0x3F94] =	sst lr;
	_ =	strace $0xD0000000  }
0x3: {  	_ = 	snop  }
0x4: {  	_ = 	snop  }
0x5: {  	_ = 	snop  }
0x6: {  	_ = 	snop  }
0x7: {  	_ = 	snop  }
__scs_overlays_trampoline_lowered:
0x8: {  	[smem:$0x3FA3] =	sst s0  }
0x9: {  	[smem:$0x3FA4] =	sst s1  }
0xa: {  	[smem:$0x3FA5] =	sst s2  }
0xb: {  	[smem:$0x3FA6] =	sst s3  }
0xc: {  	[smem:$0x3FA7] =	sst s4  }
0xd: {  	[smem:$0x3FA8] =	sst s5  }
0xe: {  	[smem:$0x3FA9] =	sst s6  }
0xf: {  	[smem:$0x3FAA] =	sst s7  }
0x10: {  	[smem:$0x3FAB] =	sst s8  }
0x11: {  	[smem:$0x3FAC] =	sst s9;
	s0 =	simm.s32 @!p0 $0x0  }
0x12: {  	s1 =	sld [smem:$0x3F92];
	s0 =	simm.s32 @p0 $0x1  }
0x13: {  	[smem:$0x3FAD] =	sst s0;
	s0 =	simm.s32 @!p1 $0x0  }
0x14: {  	s2 =	sld [smem:$0x3F91];
	s0 =	simm.s32 @p1 $0x1  }
0x15: {  	[smem:$0x3FAE] =	sst s0;
	s0 =	simm.s32 @!p2 $0x0  }
0x16: {  	s3 =	sld [smem:$0x3FDB];
	s0 =	simm.s32 @p2 $0x1  }
0x17: {  	s4 =	simm.s32 $0x1BF5;
	[smem:$0x3FB0] =	sst s0  }
0x18: {  	s0 =	sld [smem:$0x3F93];
	_ =	swait.ge [sflag:s4], $0x0  }
0x19: {  	s7 =	sld [smem:$0x3F94]  }
0x1a: {  	s8 =	sadd.s32 $0xFFFFE003, lr  }
0x1b: {  	s9 =	sadd.s32 $0xFFFFFEF7, lr;
	s5 =	simm.s32 $0xFFFFFFFF;
	p2 =	slt.u32 s8, $0xFFFFF086  }
0x1c: {  	p1 =	slt.u32 s9, $0xF7A;
	s5 =	simm.s32 @!p2 $0x0  }
0x1d: {  	s5 =	simm.s32 @p1 $0x1;
	p0 =	seq.s32 s7, s2  }
0x1e: {  	s7 =	smul.u32 @!p0 $0xF7A, s2;
	p2 =	seq.s32 @!p0 s5, $0x0  }
0x1f: {  	s9 =	smul.u32 $0xF7A, s1;
	s8 =	simm.s32 @!p0 $0x1BF5;
	p2 =	por !p2, p0  }
0x20: {  	[sflag:s8] =	ssyncset.s32 @!p0 $0xFFFFF086;
	s6 =	sadd.s32 @!p0 s3, s7;
	s7 =	simm.s32 @!p0 $0x108  }
0x21: {  	s3 =	sadd.s32 s3, s9;
	s6 =	sadd.s32 @!p0 $0x88, s6;
	s7 =	simm.s32 @p2 $0x1082  }
0x22: {  	[simem:s7], [sflag:s8] =	dma.local @!p0 [hbm:s6], $0xF7A  }
0x23: {  	s9 =	sor.u32 $0xD0000000, s2;
	s6 =	simm.s32 $0x108;
	_ =	swait.ge @!p0 [sflag:s8], $0x0  }
0x24: {  	s3 =	sadd.s32 $0x88, s3;
	s6 =	simm.s32 @!p1 $0x1082;
	[sflag:s4] =	ssyncset.s32 $0xFFFFF086  }
0x25: {  	[simem:s6], [sflag:s4] =	dma.local [hbm:s3], $0xF7A  }
0x26: {  	[smem:$0x3F94] =	sst s1;
	(tag) =	ssettag s2;
	_ =	strace s9  }
0x27: {  	s1 =	sld [smem:$0x3FA4]  }
0x28: {  	s2 =	sld [smem:$0x3FA5]  }
0x29: {  	s4 =	sld [smem:$0x3FA7]  }
0x2a: {  	p0 =	seq.s32 s5, $0x0;
	s5 =	sld [smem:$0x3FA8]  }
0x2b: {  	s6 =	sld [smem:$0x3FA9]  }
0x2c: {  	s7 =	sld [smem:$0x3FAA]  }
0x2d: {  	s3 =	simm.s32 $0x108;
	s8 =	sld [smem:$0x3FAB]  }
0x2e: {  	s3 =	simm.s32 @!p0 $0x1082;
	s9 =	sld [smem:$0x3FAC]  }
0x2f: {  	lr =	sadd.s32 s0, s3;
	s0 =	sld [smem:$0x3FA3]  }
0x30: {  	s3 =	sld [smem:$0x3FA6]  }
0x31: {  	[smem:$0x3FAF] =	sst s10  }
0x32: {  	s10 =	sld [smem:$0x3FAD];
	_ =	sdelay $0x3  }
0x33: {  	p0 =	seq.s32 s10, $0x1;
	s10 =	sld [smem:$0x3FAF];
	_ =	sdelay $0x3  }
0x34: {  	[smem:$0x3FAF] =	sst s10  }
0x35: {  	s10 =	sld [smem:$0x3FAE];
	_ =	sdelay $0x3  }
0x36: {  	p1 =	seq.s32 s10, $0x1;
	s10 =	sld [smem:$0x3FAF];
	_ =	sdelay $0x3  }
0x37: {  	[smem:$0x3FAF] =	sst s10  }
0x38: {  	s10 =	sld [smem:$0x3FB0]  }
0x39: {  	_ = 	snop;
	(pc) =	sbr.ind lr, $3  }
0x3a: {  	_ = 	snop  }
0x3b: {  	_ = 	snop  }
0x3c: {  	p2 =	seq.s32 s10, $0x1;
	s10 =	sld [smem:$0x3FAF]  }
0x3d: {  	_ =	shalt  }
0x3e: {  	_ =	shalt  }
0x3f: {  	_ =	shalt  }
0x40: {  	_ =	shalt  }
0x41: {  	_ =	shalt  }
0x42: {  	_ =	shalt  }
0x43: {  	_ =	shalt  }
0x44: {  	_ =	shalt  }
0x45: {  	_ =	shalt  }
0x46: {  	_ =	shalt  }
0x47: {  	_ =	shalt  }
0x48: {  	_ =	shalt  }
0x49: {  	_ =	shalt  }
0x4a: {  	_ =	shalt  }
0x4b: {  	_ =	shalt  }
0x4c: {  	_ =	shalt  }
0x4d: {  	_ =	shalt  }
0x4e: {  	_ =	shalt  }
0x4f: {  	_ =	shalt  }
0x50: {  	_ =	shalt  }
0x51: {  	_ =	shalt  }
0x52: {  	_ =	shalt  }
0x53: {  	_ =	shalt  }
0x54: {  	_ =	shalt  }
0x55: {  	_ =	shalt  }
0x56: {  	_ =	shalt  }
0x57: {  	_ =	shalt  }
0x58: {  	_ =	shalt  }
0x59: {  	_ =	shalt  }
0x5a: {  	_ =	shalt  }
0x5b: {  	_ =	shalt  }
0x5c: {  	_ =	shalt  }
0x5d: {  	_ =	shalt  }
0x5e: {  	_ =	shalt  }
0x5f: {  	_ =	shalt  }
0x60: {  	_ =	shalt  }
0x61: {  	_ =	shalt  }
0x62: {  	_ =	shalt  }
0x63: {  	_ =	shalt  }
0x64: {  	_ =	shalt  }
0x65: {  	_ =	shalt  }
0x66: {  	_ =	shalt  }
0x67: {  	_ =	shalt  }
0x68: {  	_ =	shalt  }
0x69: {  	_ =	shalt  }
0x6a: {  	_ =	shalt  }
0x6b: {  	_ =	shalt  }
0x6c: {  	_ =	shalt  }
0x6d: {  	_ =	shalt  }
0x6e: {  	_ =	shalt  }
0x6f: {  	_ =	shalt  }
0x70: {  	_ =	shalt  }
0x71: {  	_ =	shalt  }
0x72: {  	_ =	shalt  }
0x73: {  	_ =	shalt  }
0x74: {  	_ =	shalt  }
0x75: {  	_ =	shalt  }
0x76: {  	_ =	shalt  }
0x77: {  	_ =	shalt  }
0x78: {  	_ =	shalt  }
0x79: {  	_ =	shalt  }
0x7a: {  	_ =	shalt  }
0x7b: {  	_ =	shalt  }
0x7c: {  	_ =	shalt  }
0x7d: {  	_ =	shalt  }
0x7e: {  	_ =	shalt  }
0x7f: {  	_ =	shalt  }
0x80: {  	_ =	shalt  }
0x81: {  	_ =	shalt  }
0x82: {  	_ =	shalt  }
0x83: {  	_ =	shalt  }
0x84: {  	_ =	shalt  }
0x85: {  	_ =	shalt  }
0x86: {  	_ =	shalt  }
0x87: {  	_ =	shalt  }
.Lfunc_end0:
.L_simem_size_0:
called_computation.3_lowered:
.L_overlay_start_0:
0x88: {  	s2 =	sld [smem:$0x3FD9]  }
0x89: {  	s3 =	sld [smem:$0x3FFE];
	_ =	sdelay $0x1  }
0x8a: {  	s1 =	srdreg.scid  }
0x8b: {  	s0 =	sand.u32 $0x1, s1  }
0x8c: {  	s16 =	sshll.u32 s0, $0xA;
	s2 =	sadd.s32 s3, s2  }
0x8d: {  	s2 =	sadd.s32 s2, s16  }
0x8e: {  	[smem:$0x3FBB] =	sst s2  }
0x8f: {  	_ = 	snop  }
0x90: {  	(tm) =	ssettm $0x1  }
0x91: {  	s17 =	sld [smem:$0x3FFB];
	_ =	sdelay $0x3  }
0x92: {  	_ =	strace s17  }
0x93: {  	s2 =	sld [smem:$0x3FFC];
	_ =	sdelay $0x3  }
0x94: {  	_ =	strace s2  }
0x95: {  	s2 =	sld [smem:$0x3FFD];
	_ =	sdelay $0x3  }
0x96: {  	_ =	strace s2  }
0x97: {  	_ =	strace $0x8FFFFFFF  }
0x98: {  	s18 =	sld [smem:$0x3FDB];
	_ =	sdelay $0x1  }
0x99: {  	s19 =	simm.s32 $_scs_section_size  }
0x9a: {  	s4 =	simm.s32 $_size__tile_overlayer_lowered;
	s5 =	simm.s32 $_tile_overlayer_lowered  }
0x9b: {  	s22 =	simm.s32 $0x1BFF;
	s21 =	sshll.u32 s5, $0x1;
	s2 =	sadd.s32 s19, s18  }
0x9c: {  	s6 =	simm.s32 $0x0;
	s20 =	sshll.u32 s4, $0x1;
	s4 =	sadd.s32 s21, s2  }
0x9d: {  	[timem:s6], [sflag:s22] =	dma.local [hbm:s4], s20  }
0x9e: {  	_ =	swait.ge [sflag:s22], s20  }
0x9f: {  	s3 =	ssub.s32 $0x0, s20;
	[sflag:s22] =	ssyncset.done $0x0  }
0xa0: {  	[sflag:s22] =	ssyncadd.s32 s3;
	_ =	sdelay $0x1  }
0xa1: {  	s23 =	simm.s32 $0x1B8B  }
0xa2: {  	_ =	swait.ge [sflag:s23], $0x1  }
0xa3: {  	[sflag:s23] =	ssyncset.done $0x0  }
0xa4: {  	s25 =	simm.s32 $0x1B8E;
	s24 =	sld [smem:$0x3FFE];
	[sflag:s23] =	ssyncadd.s32 $0xFFFFFFFF  }
0xa5: {  	s26 =	simm.s32 $execute0_lowered;
	[smem:$0x3FD2] =	sst s25  }
0xa6: {  	s4 =	sshll.u32 s26, $0x1;
	_ =	strace $0x8000004F;
	[dreg:$0x1] =	wrdreg $0xFFFFFFFF  }
0xa7: {  	s28 =	simm.s32 $_size_execute0_lowered;
	s2 =	sadd.s32 s2, s4;
	[dreg:$0x0] =	wrdreg $0x0  }
0xa8: {  	s4 =	sshll.u32 s28, $0x1;
	[dreg:$0x2] =	wrdreg s2  }
0xa9: {  	[dreg:$0x3] =	wrdreg s4  }
0xaa: {  	[dreg:$0x4] =	wrdreg $0xC0  }
0xab: {  	_ =	task [dreg:s6], $0x5FFFF  }
0xac: {  	[dreg:$0x1] =	wrdreg $0xFFFFFFFF  }
0xad: {  	[dreg:$0x0] =	wrdreg $0x60  }
0xae: {  	[dreg:$0x2] =	wrdreg s24  }
0xaf: {  	[dreg:$0x3] =	wrdreg $0xA0000  }
0xb0: {  	[dreg:$0x4] =	wrdreg $0x9  }
0xb1: {  	_ =	task.clear_ibuf [dreg:s6], $0x5FFFF;
	_ =	strace $0x9000004F  }
0xb2: {  	s29 =	simm.s32 $0x9;
	_ =	strace $0x80000051  }
0xb3: {  	_ =	swait.ge [sflag:s29], $0x1  }
0xb4: {  	[sflag:s29] =	ssyncadd.s32 $0xFFFFFFFF  }
0xb5: {  	_ =	strace $0x90000051  }
0xb6: {  	_ =	sfence  }
0xb7: {  	s30 =	sld [smem:$0x0];
	_ =	sdelay $0x2  }
0xb8: {  	s31 =	sshll.u32 s1, $0xD;
	s1 =	sshrl.u32 s1, $0x2  }
0xb9: {  	s3 =	sand.u32 $0x4000, s31;
	s1 =	sadd.s32 s1, s30  }
0xba: {  	s0 =	sor.u32 s3, s0;
	s1 =	sshll.u32 s1, $0x11  }
0xbb: {  	s0 =	sor.u32 s1, s0  }
0xbc: {  	s0 =	sadd.s32 $0x8F2B, s0  }
0xbd: {  	[sflag:s0] =	ssyncadd.remote.s32 $0x1  }
0xbe: {  	_ =	sfence.sel $0xFFFF  }
0xbf: {  	[dreg:$0x0] =	wrdreg $0xFFFFFFFF;
	(pc) =	sbr.abs _section_cstart, $3  }
0xc0: {  	[dreg:$0x1] =	wrdreg $0xFFFFFFFF  }
0xc1: {  	_ =	task.clear_ibuf [dreg:s6], $0x2FFFF;
	_ =	strace $0x9FFFFFFF  }
0xc2: {  	(tm) =	ssettm $0x7FFFFFFF  }
0xc3: {  	_ =	shalt  }
tec
execute0_lowered:
.L_overlay_start_1:
0x0: {  	(tag) =	ssettag $0x1  }
0x1: {  	s0 =	rddreg [dreg:$0x0]  }
0x2: {  	s1 =	rddreg [dreg:$0x1];
	s15 =	simm.s32 $0x0  }
0x3: {  	s12 =	stileid.u32;
	s3 =	srdreg.scid;
	s14 =	simm.s32 $0xB  }
0x4: {  	s16 =	simm.s32 $0x40;
	s17 =	simm.s32 $0x2000;
	s19 =	simm.s32 $0x4000  }
0x5: {  	s20 =	simm.s32 $0x1;
	s21 =	simm.s32 $0x6000;
	s22 =	simm.s32 $0x8000  }
0x6: {  	s23 =	simm.s32 $0x2;
	s24 =	simm.s32 $0x5;
	s25 =	simm.s32 $0x6  }
0x7: {  	s29 =	simm.s32 $0x9;
	s30 =	simm.s32 $0xA;
	[smem:$0x7FF] =	sst s15  }
0x8: {  	s4 =	sadd.s32 $0x6F4200, s0;
	s2 =	smul.u32 $0x14000, s12;
	s5 =	sadd.s32 $0x2C00, s0  }
0x9: {  	s6 =	sadd.s32 $0x67C200, s0;
	s3 =	sand.u32 $0x1, s3;
	s8 =	smul.u32 $0x50000, s12  }
0xa: {  	s11 =	smul.u32 $0x2800, s12;
	s28 =	sshll.u32 s12, $0x6;
	_ =	strace $0x80000050  }
0xb: {  	s9 =	ssub.s32 $0x2, s3;
	s10 =	smul.u32 $0x28000, s3;
	s7 =	sshrl.u32 s2, $0x3  }
0xc: {  	s3 =	smul.u32 $0x140000, s3;
	s7 =	sadd.s32 s7, s0;
	s0 =	sadd.s32 $0xA2C00, s0  }
0xd: {  	s26 =	sshrl.u32 s9, $0x1;
	s31 =	sadd.s32 s10, s11;
	[dreg:$0x4] =	wrdreg s0  }
.Ltmp0:
0xe: {  	s2 =	sadd.s32 s3, s2;
	[dreg:$0x7] =	wrdreg s31;
	(pc) =	sbr.rel .LBB2_1-.Ltmp0, $4  }
0xf: {  	s8 =	sshrl.u32 s8, $0x2;
	s7 =	sadd.s32 $0x7AC00, s7;
	[dreg:$0x8] =	wrdreg s2  }
0x10: {  	s0 =	ssub.s32 s9, s26;
	[dreg:$0x5] =	wrdreg s7;
	s7 =	sor.u32 $0x1C0B, s28  }
0x11: {  	s8 =	sadd.s32 s8, s1;
	s0 =	smax.u32 s0, $0x1;
	[dreg:$0x6] =	wrdreg s7  }
0x12: {  	s13 =	sshrl.u32 s8, $0x3;
	s26 =	simm.s32 $0x7;
	[dreg:$0x9] =	wrdreg s0  }
.LBB2_8:
0x13: {  	s15 =	rddreg [dreg:$0x3]  }
0x14: {  	s0 =	rddreg [dreg:$0x9];
	s15 =	sadd.s32 $0x1, s15  }
0x15: {  	p0 =	sne.s32 s15, s0  }
.Ltmp1:
0x16: {  	_ = 	snop;
	(pc) =	sbr.rel @!p0 .LBB2_9-.Ltmp1, $1  }
0x17: {  	_ =	sdelay $0x3  }
.LBB2_1:
0x18: {  	[dreg:$0x3] =	wrdreg s15  }
0x19: {  	s0 =	rddreg [dreg:$0x5]  }
0x1a: {  	s2 =	rddreg [dreg:$0x6]  }
0x1b: {  	[spmem:s13], [sflag:s2] =	dma.local [hbm:s0], $0x2800  }
.Ltmp2:
0x1c: {  	_ =	swait.ge [sflag:s14], $0x2800;
	(pc) =	sbr.rel .LBB2_2-.Ltmp2, $4  }
0x1d: {  	[sflag:s14] =	ssyncset.done $0x0  }
0x1e: {  	[sflag:s14] =	ssyncadd.s32 $0xFFFFD800  }
0x1f: {  	[bflag:$0x0] =	sbarrier.arrive $0xFFFF  }
0x20: {  	s31 =	simm.s32 $0x0  }
.LBB2_7:
0x21: {  	_ =	swait.ge [sflag:s24], $0x2000  }
0x22: {  	[sflag:s24] =	ssyncset.done $0x0  }
0x23: {  	[sflag:s24] =	ssyncadd.s32 $0xFFFFE000  }
0x24: {  	_ =	swait.ge [sflag:s25], $0x2000  }
0x25: {  	[sflag:s25] =	ssyncset.done $0x0  }
0x26: {  	[sflag:s25] =	ssyncadd.s32 $0xFFFFE000  }
0x27: {  	_ =	swait.ge [sflag:s26], $0x2000  }
0x28: {  	[sflag:s26] =	ssyncset.done $0x0  }
0x29: {  	s3 =	simm.s32 $0x8;
	[sflag:s26] =	ssyncadd.s32 $0xFFFFE000  }
0x2a: {  	_ =	swait.ge [sflag:s3], $0x2000  }
0x2b: {  	s0 =	smul.u32 $0x280000, s31;
	[sflag:s3] =	ssyncset.done $0x0  }
0x2c: {  	s2 =	rddreg [dreg:$0x8];
	[sflag:s3] =	ssyncadd.s32 $0xFFFFE000  }
0x2d: {  	s0 =	sadd.s32 s0, s2;
	[bflag:$0x0] =	sbarrier.arrive $0xFFFF  }
0x2e: {  	s0 =	sshrl.u32 s0, $0x3;
	s15 =	rddreg [dreg:$0x4]  }
0x2f: {  	s18 =	rddreg [dreg:$0x6];
	s0 =	sadd.s32 s15, s0  }
0x30: {  	[hbm:s0], [sflag:s18] =	dma.local [spmem:s13], $0x2800  }
0x31: {  	_ =	swait.ge [sflag:s14], $0x2800  }
0x32: {  	s31 =	sadd.s32 $0x1, s31;
	[sflag:s14] =	ssyncset.done $0x0  }
0x33: {  	p0 =	sne.s32 s31, $0xC;
	s28 =	rddreg [dreg:$0x5];
	[sflag:s14] =	ssyncadd.s32 $0xFFFFD800  }
0x34: {  	[spmem:s13], [sflag:s18] =	dma.local [hbm:s28], $0x2800  }
.Ltmp3:
0x35: {  	_ =	swait.ge [sflag:s14], $0x2800;
	(pc) =	sbr.rel @!p0 .LBB2_8-.Ltmp3, $3  }
0x36: {  	[sflag:s14] =	ssyncset.done $0x0  }
0x37: {  	[sflag:s14] =	ssyncadd.s32 $0xFFFFD800  }
0x38: {  	[bflag:$0x0] =	sbarrier.arrive $0xFFFF;
	_ =	sdelay $0x1  }
.LBB2_2:
0x39: {  	s0 =	smul.u32 $0x50000, s31  }
0x3a: {  	s2 =	rddreg [dreg:$0x7]  }
0x3b: {  	s0 =	sadd.s32 s0, s2  }
0x3c: {  	s3 =	sshrl.u32 s0, $0x3  }
0x3d: {  	s2 =	simm.s32 $0x0;
	s7 =	sadd.s32 s5, s3  }
0x3e: {  	[tilespmem:s2], [sflag:$0xB] =	stream.linear.gather [hbm4b:s7+s2], $0x800, $0x38;
	[tilespmem:$0x1E000] =	vst v63  }
0x3f: {  	_ =	swait.ge [sflag:s14], $0x800  }
0x40: {  	[sflag:s14] =	ssyncset.done $0x0  }
0x41: {  	s18 =	simm.s32 $0x1000;
	s3 =	sadd.s32 s6, s3;
	[sflag:s14] =	ssyncadd.s32 $0xFFFFF800  }
0x42: {  	[tilespmem:s18], [sflag:$0xB] =	stream.linear.gather [hbm4b:s3+s2], $0x800, $0x38;
	[tilespmem:$0x1E000] =	vst v63  }
0x43: {  	_ =	swait.ge [sflag:s14], $0x800  }
0x44: {  	[sflag:s14] =	ssyncset.done $0x0  }
0x45: {  	[sflag:s14] =	ssyncadd.s32 $0xFFFFF800  }
0x46: {  	[tilespmem:s17], [sflag:$0x1] =	stream.indirect.gather [hbm4b:s4+s16], $0x80, s2, s16, $0xb8;
	[tilespmem:$0x1E000] =	vst v63  }
0x47: {  	s28 =	simm.s32 $0x80;
	p0 =	por $0x0, $0x0;
	s12 =	simm.s32 $0x0  }
0x48: {  	[tilespmem:s19], [sflag:$0x2] =	stream.indirect.gather [hbm4b:s4+s16], $0x80, s28, s16, $0xb8;
	[tilespmem:$0x1E000] =	vst v63  }
.LBB2_3:
0x49: {  	s3 =	sadd.s32 $0x100, s12  }
0x4a: {  	[tilespmem:s21], [sflag:$0x3] =	stream.indirect.gather [hbm4b:s4+s16], $0x80, s3, s16, $0xb8;
	[tilespmem:$0x1E000] =	vst v63  }
0x4b: {  	s7 =	smov.u32 s2;
	s15 =	sshll.u32 s2, $0xB;
	_ =	swait.ge [sflag:s20], $0x2000  }
0x4c: {  	s18 =	sand.u32 $0x800, s15;
	p1 =	seq.s32 s7, $0x0;
	[sflag:s20] =	ssyncset.done $0x0  }
0x4d: {  	s2 =	sor.u32 $0x1000, s18;
	s8 =	simm.s32 @!p1 $0x8;
	[sflag:s20] =	ssyncadd.s32 $0xFFFFE000  }
0x4e: {  	[spmem:s1] =	stream.indirect.scatter.add.f32 [tilespmem:s17], [sflag:$0x5], $0x80, s2, s16, $0xb8;
	[tilespmem:$0x1E000] =	vst v63  }
0x4f: {  	_ =	swait.ge @!p1 [sflag:s8], $0x2000  }
0x50: {  	[sflag:s8] =	ssyncset.done @!p1 $0x0  }
0x51: {  	s9 =	sadd.s32 $0x180, s18;
	s2 =	sadd.s32 $0x1, s7;
	[sflag:s8] =	ssyncadd.s32 @!p1 $0xFFFFE000  }
0x52: {  	[tilespmem:s22], [sflag:$0x4] =	stream.indirect.gather [hbm4b:s4+s16], $0x80, s9, s16, $0xb8;
	[tilespmem:$0x1E000] =	vst v63  }
0x53: {  	s15 =	sadd.s32 $0x1080, s18;
	s10 =	sshll.u32 s2, $0xB;
	_ =	swait.ge [sflag:s23], $0x2000  }
0x54: {  	s12 =	sand.u32 $0x1, s2;
	s11 =	sadd.s32 s0, s10;
	[sflag:s23] =	ssyncset.done $0x0  }
0x55: {  	s8 =	sshrl.u32 s11, $0x3;
	p1 =	seq.s32 s7, $0x4;
	[sflag:s23] =	ssyncadd.s32 $0xFFFFE000  }
0x56: {  	[spmem:s1] =	stream.indirect.scatter.add.f32 [tilespmem:s19], [sflag:$0x6], $0x80, s15, s16, $0xb8;
	[tilespmem:$0x1E000] =	vst v63  }
0x57: {  	s12 =	sshll.u32 s12, $0xB;
	s7 =	sadd.s32 s5, s8;
	s10 =	simm.s32 @!p1 $0x0  }
0x58: {  	[tilespmem:s12], [sflag:$0x9] =	stream.linear.gather @!p1 [hbm4b:s7+s10], $0x800, $0x38;
	[tilespmem:$0x1E000] =	vst v63  }
0x59: {  	p2 =	por $0x0, $0x0;
	s8 =	sadd.s32 s6, s8;
	s7 =	sor.u32 $0x1000, s12  }
0x5a: {  	[tilespmem:s7], [sflag:$0xA] =	stream.linear.gather @!p1 [hbm4b:s8+s10], $0x800, $0x38;
	[tilespmem:$0x1E000] =	vst v63  }
0x5b: {  	s28 =	simm.s32 @!p2 $0x40;
	s3 =	sadd.s32 $0x200, s18;
	s7 =	simm.s32 $0x5  }
0x5c: {  	s18 =	simm.s32 $0x2;
	s15 =	simm.s32 $0x6;
	_ =	swait.ge [sflag:s7], $0x2000  }
0x5d: {  	s8 =	simm.s32 $0x1;
	s10 =	sand.u32 $0x3, s18;
	[sflag:s7] =	ssyncset.done $0x0  }
0x5e: {  	s8 =	simm.s32 @!p0 $0x0;
	s9 =	sadd.s32 $0x1, s10;
	[sflag:s7] =	ssyncadd.s32 $0xFFFFE000  }
0x5f: {  	[tilespmem:s17], [sflag:$0x1] =	stream.indirect.gather [hbm4b:s4+s16], $0x80, s3, s16, $0xb8;
	[tilespmem:$0x1E000] =	vst v63  }
0x60: {  	s11 =	sshll.u32 s10, $0xD;
	s10 =	sadd.s32 $0x5, s10;
	_ =	swait.ge [sflag:s9], $0x2000  }
0x61: {  	s8 =	sshll.u32 s8, $0xB;
	s11 =	sadd.s32 $0x2000, s11;
	[sflag:s9] =	ssyncset.done $0x0  }
0x62: {  	s18 =	sor.u32 $0x1100, s8;
	s7 =	sand.u32 @!p2 $0x3, s7;
	[sflag:s9] =	ssyncadd.s32 $0xFFFFE000  }
0x63: {  	[spmem:s1] =	stream.indirect.scatter.add.f32 [tilespmem:s11], [sflag:s10], $0x80, s18, s16, $0xb8;
	[tilespmem:$0x1E000] =	vst v63  }
0x64: {  	s3 =	sor.u32 $0x280, s8;
	s8 =	sshll.u32 @!p2 s7, $0xD;
	s11 =	sadd.s32 @!p2 $0x5, s7  }
0x65: {  	s8 =	sadd.s32 @!p2 $0x2000, s8;
	s10 =	sadd.s32 @!p2 $0x1, s7;
	_ =	swait.ge @!p2 [sflag:s11], $0x2000  }
0x66: {  	s18 =	sadd.s32 $0x80, s18;
	s7 =	sadd.s32 $0x80, s3;
	[sflag:s11] =	ssyncset.done @!p2 $0x0  }
.LBB2_4:
0x67: {  	s9 =	sadd.s32 $0xFFFFFFFD, s15  }
0x68: {  	[sflag:s11] =	ssyncadd.s32 @!p2 $0xFFFFE000;
	s11 =	smov.u32 s15;
	s15 =	sadd.s32 $0x1, s15  }
0x69: {  	[tilespmem:s8], [sflag:s10] =	stream.indirect.gather @!p2 [hbm4b:s4+s28], $0x80, s3, s28, $0xb8;
	[tilespmem:$0x1E000] =	vst v63  }
0x6a: {  	s8 =	sand.u32 $0x3, s9;
	p3 =	sne.s32 s15, $0x13;
	s3 =	smov.u32 s7  }
0x6b: {  	s10 =	sshll.u32 s8, $0xD;
	s28 =	sadd.s32 $0x1, s8  }
0x6c: {  	p2 =	sgt.u32 s9, $0xC;
	_ =	swait.ge [sflag:s28], $0x2000  }
0x6d: {  	s8 =	sadd.s32 $0x5, s8;
	s9 =	sadd.s32 $0x2000, s10;
	[sflag:s28] =	ssyncset.done $0x0  }
.Ltmp4:
0x6e: {  	s10 =	sand.u32 @!p2 $0x3, s11;
	[sflag:s28] =	ssyncadd.s32 $0xFFFFE000;
	(pc) =	sbr.rel @p3 .LBB2_4-.Ltmp4, $4  }
0x6f: {  	[spmem:s1] =	stream.indirect.scatter.add.f32 [tilespmem:s9], [sflag:s8], $0x80, s18, s16, $0xb8;
	[tilespmem:$0x1E000] =	vst v63  }
0x70: {  	s11 =	sadd.s32 @!p2 $0x5, s10;
	s8 =	sshll.u32 @!p2 s10, $0xD;
	s10 =	sadd.s32 @!p2 $0x1, s10  }
0x71: {  	s18 =	sadd.s32 $0x80, s18;
	s8 =	sadd.s32 @!p2 $0x2000, s8;
	_ =	swait.ge @!p2 [sflag:s11], $0x2000  }
0x72: {  	s7 =	sadd.s32 $0x80, s7;
	s28 =	simm.s32 @!p2 $0x40;
	[sflag:s11] =	ssyncset.done @!p2 $0x0  }
.Ltmp5:
0x73: {  	(pc) =	sbr.rel @p1 .LBB2_7-.Ltmp5, $3  }
0x74: {  	_ =	sdelay $0x1  }
0x75: {  	[sflag:s11] =	ssyncadd.s32 @!p2 $0xFFFFE000  }
0x76: {  	[tilespmem:s8], [sflag:s10] =	stream.indirect.gather @!p2 [hbm4b:s4+s28], $0x80, s3, s28, $0xb8;
	[tilespmem:$0x1E000] =	vst v63  }
0x77: {  	_ =	swait.ge [sflag:s29], $0x800  }
0x78: {  	[sflag:s29] =	ssyncset.done $0x0  }
0x79: {  	[sflag:s29] =	ssyncadd.s32 $0xFFFFF800  }
0x7a: {  	_ =	swait.ge [sflag:s30], $0x800  }
0x7b: {  	[sflag:s30] =	ssyncset.done $0x0  }
0x7c: {  	[sflag:s30] =	ssyncadd.s32 $0xFFFFF800  }
0x7d: {  	_ =	swait.ge [sflag:s24], $0x2000  }
0x7e: {  	[sflag:s24] =	ssyncset.done $0x0  }
0x7f: {  	[sflag:s24] =	ssyncadd.s32 $0xFFFFE000  }
0x80: {  	[tilespmem:s17], [sflag:$0x1] =	stream.indirect.gather [hbm4b:s4+s16], $0x80, s12, s16, $0xb8;
	[tilespmem:$0x1E000] =	vst v63  }
0x81: {  	_ =	swait.ge [sflag:s25], $0x2000  }
0x82: {  	[sflag:s25] =	ssyncset.done $0x0  }
.Ltmp6:
0x83: {  	s3 =	sor.u32 $0x80, s12;
	[sflag:s25] =	ssyncadd.s32 $0xFFFFE000;
	(pc) =	sbr.rel .LBB2_3-.Ltmp6, $4  }
0x84: {  	[tilespmem:s19], [sflag:$0x2] =	stream.indirect.gather [hbm4b:s4+s16], $0x80, s3, s16, $0xb8;
	[tilespmem:$0x1E000] =	vst v63  }
0x85: {  	_ =	swait.ge [sflag:s26], $0x2000  }
0x86: {  	[sflag:s26] =	ssyncset.done $0x0  }
0x87: {  	p0 =	por !p0, !p0;
	[sflag:s26] =	ssyncadd.s32 $0xFFFFE000  }
.LBB2_9:
0x88: {  	_ =	sfence.sel $0x180000  }
0x89: {  	[bflag:$0x0] =	sbarrier.arrive $0xFFFF  }
0x8a: {  	_ =	strace $0x90000050  }
0x8b: {  	s0 =	stileid.u32;
	[bflag:$0x2] =	sbarrier.arrive $0xFFFF  }
0x8c: {  	p0 =	sne.s32 s0, $0x0;
	s0 =	rddreg [dreg:$0x2]  }
0x8d: {  	s0 =	sadd.s32 @!p0 $0x100000, s0  }
0x8e: {  	[sflag:s0] =	ssyncadd.tile.s32 @!p0 $0x1;
	_ =	shalt  }
.Lfunc_end2:
_tile_overlayer_lowered:
.L_overlay_start_2:
0x8f: {  	(tag) =	ssettag $0x2  }
0x90: {  	s0 =	rddreg [dreg:$0x0];
	s2 =	stileid.u32  }
0x91: {  	s1 =	rddreg [dreg:$0x1];
	p0 =	sne.s32 s2, $0x0  }
0x92: {  	s3 =	rddreg [dreg:$0x2];
	[bflag:$0x3] =	sbarrier.arrive $0xFFFF;
	s2 =	simm.s32 @!p0 $0x1C0B  }
0x93: {  	[timem:s3], [sflag:s2] =	dma.local @!p0 [hbm:s0], s1  }
0x94: {  	s0 =	simm.s32 @!p0 $0xB  }
0x95: {  	_ =	swait.ge @!p0 [sflag:s0], s1  }
0x96: {  	s1 =	ssub.s32 @!p0 $0x0, s1;
	[sflag:s0] =	ssyncset.done @!p0 $0x0  }
0x97: {  	[sflag:s0] =	ssyncadd.s32 @!p0 s1  }
0x98: {  	[bflag:$0x3] =	sbarrier.arrive $0xFFFF  }
0x99: {  	_ =	shalt  }

</sc_bundles>
